<compile_context>
chip_gen: v7x
topology: tpu7x:2x2x1
jax: 0.10.2.dev20260603
libtpu: 0.0.44.dev20260713+nightly
codegen_flags: <defaults>
</compile_context>

<pallas_src>
import functools

import jax
import jax.numpy as jnp
from jax import lax
from jax.experimental import pallas as pl
from jax.experimental.pallas import tpu as pltpu
from jax.experimental.pallas import tpu_sc as plsc

S = 10
H = 8
D = 128
LN_EPS = 1e-5

NUM_WORKERS = 32
CN = 8


def _oddeven_merge(lo, hi, r):
    step = r * 2
    if step < hi - lo:
        yield from _oddeven_merge(lo, hi, step)
        yield from _oddeven_merge(lo + r, hi, step)
        yield from ((i, i + r) for i in range(lo + r, hi - r, step))
    else:
        yield (lo, lo + r)


def _oddeven_sort(lo, hi):
    if (hi - lo) >= 1:
        mid = lo + ((hi - lo) // 2)
        yield from _oddeven_sort(lo, mid)
        yield from _oddeven_sort(mid + 1, hi)
        yield from _oddeven_merge(lo, hi + 1, 1)


def _network(n):
    p = 1
    while p < n:
        p *= 2
    return [(a, b) for (a, b) in _oddeven_sort(0, p - 1) if b < n]


_NET = _network(S)


def _sortnet_body(x_ref, idx8_ref, diff_ref):
    vals = [x_ref[i] for i in range(S)]
    bn = vals[0].shape[0]
    pws = [jnp.full((bn, D), 9 * (1 << i), jnp.int32) for i in range(S)]
    for (a, b) in _NET:
        va, vb, pa, pb = vals[a], vals[b], pws[a], pws[b]
        keep = (va > vb) | ((va == vb) & (pa < pb))
        vals[a] = jnp.where(keep, va, vb)
        vals[b] = jnp.where(keep, vb, va)
        pws[a] = jnp.where(keep, pa, pb)
        pws[b] = jnp.where(keep, pb, pa)
    c = jnp.zeros((bn, D), jnp.int32)
    for s in range(S):
        c = c + pws[s]
        if s < S - 1:
            idx8_ref[s] = c - 9
        nxt = vals[s + 1] if s + 1 < S else 0.0
        diff_ref[s] = vals[s] - nxt


def _ln_body(y_ref, lnw_ref, lnb_ref, a_ref, o_ref):
    y = y_ref[...]
    mean = jnp.mean(y, axis=(0, 2), keepdims=True)
    var = jnp.mean((y - mean) ** 2, axis=(0, 2), keepdims=True)
    yn = (y - mean) * lax.rsqrt(var + LN_EPS)
    yn = yn * lnw_ref[...][:, None, :] + lnb_ref[...][:, None, :]
    a = a_ref[0]
    o_ref[...] = jnp.transpose(jnp.where(yn >= 0, yn, a * yn), (1, 0, 2))


def _make_sc_gather(n):
    n_per_w = n // NUM_WORKERS
    n_chunks = n_per_w // CN
    nd = n * D
    cnd = CN * D
    chwi = (S - 1) * cnd
    chwd = S * cnd
    ohw = H * CN * D
    out_row = H * D
    mesh = plsc.VectorSubcoreMesh(core_axis_name="c", subcore_axis_name="s")

    @functools.partial(
        pl.kernel,
        mesh=mesh,
        compiler_params=pltpu.CompilerParams(needs_layout_passes=False),
        out_type=jax.ShapeDtypeStruct((n * out_row,), jnp.float32),
        scratch_types=[
            pltpu.VMEM((9216,), jnp.float32),
            pltpu.VMEM((2 * chwi,), jnp.int32),
            pltpu.VMEM((2 * chwd,), jnp.float32),
            pltpu.VMEM((2 * ohw,), jnp.float32),
            pltpu.SemaphoreType.DMA,
            pltpu.SemaphoreType.DMA,
            pltpu.SemaphoreType.DMA,
            pltpu.SemaphoreType.DMA,
        ],
    )
    def sc_gather(idx_hbm, diff_hbm, fm_hbm, out_hbm,
                  fm_v, idx_v, diff_v, out_v,
                  in_sem0, in_sem1, out_sem0, out_sem1):
        wid = lax.axis_index("s") * 2 + lax.axis_index("c")
        n0 = wid * n_per_w
        in_sems = (in_sem0, in_sem1)
        out_sems = (out_sem0, out_sem1)
        pltpu.sync_copy(fm_hbm, fm_v)
        g9 = [plsc.load_gather(fm_v, [jnp.full((16,), 1022 * 9 + h, jnp.int32)])
              for h in range(H)]

        def issue_in(ci, b):
            base = (n0 + ci * CN) * D
            for s in range(S - 1):
                pltpu.async_copy(
                    idx_hbm.at[pl.ds(s * nd + base, cnd)],
                    idx_v.at[pl.ds(b * chwi + s * cnd, cnd)],
                    in_sems[b])
            for s in range(S):
                pltpu.async_copy(
                    diff_hbm.at[pl.ds(s * nd + base, cnd)],
                    diff_v.at[pl.ds(b * chwd + s * cnd, cnd)],
                    in_sems[b])

        issue_in(0, 0)

        def pair_body(pi, carry):
            for b in range(2):
                ci = pi * 2 + b
                @pl.when(ci + 1 < n_chunks)
                def _():
                    issue_in(ci + 1, 1 - b)

                pltpu.make_async_copy(
                    idx_hbm.at[pl.ds(0, chwi)],
                    idx_v.at[pl.ds(b * chwi, chwi)], in_sems[b]).wait()
                pltpu.make_async_copy(
                    diff_hbm.at[pl.ds(0, chwd)],
                    diff_v.at[pl.ds(b * chwd, chwd)], in_sems[b]).wait()

                @pl.when(pi > 0)
                def _():
                    pltpu.make_async_copy(
                        idx_hbm.at[pl.ds(0, ohw)],
                        out_v.at[pl.ds(b * ohw, ohw)], out_sems[b]).wait()

                def g_body(gi, carry2):
                    for u in range(2):
                        col = gi * 32 + u * 16
                        accs = [None] * H
                        for s in range(S - 1):
                            iv = idx_v[pl.ds(b * chwi + s * cnd + col, 16)]
                            dv = diff_v[pl.ds(b * chwd + s * cnd + col, 16)]
                            for h in range(H):
                                g = plsc.load_gather(fm_v, [iv + h])
                                t = dv * g
                                accs[h] = t if s == 0 else accs[h] + t
                        dv9 = diff_v[pl.ds(b * chwd + (S - 1) * cnd + col, 16)]
                        for h in range(H):
                            accs[h] = accs[h] + dv9 * g9[h]
                        for h in range(H):
                            out_v[pl.ds(b * ohw + h * cnd + col, 16)] = accs[h]
                    return carry2

                lax.fori_loop(0, CN * D // 32, g_body, 0)
                base = (n0 + ci * CN) * D
                for h in range(H):
                    pltpu.async_copy(
                        out_v.at[pl.ds(b * ohw + h * cnd, cnd)],
                        out_hbm.at[pl.ds(h * nd + base, cnd)],
                        out_sems[b])
            return carry

        lax.fori_loop(0, n_chunks // 2, pair_body, 0)
        for b in range(2):
            pltpu.make_async_copy(
                idx_hbm.at[pl.ds(0, ohw)],
                out_v.at[pl.ds(b * ohw, ohw)], out_sems[b]).wait()

    return sc_gather


def kernel(x, FM, ln_w, ln_b, prelu_a):
    n = x.shape[0]
    x_t = jnp.transpose(x, (1, 0, 2))
    bn1 = 256
    idx8, diff = pl.pallas_call(
        _sortnet_body,
        grid=(n // bn1,),
        in_specs=[pl.BlockSpec((S, bn1, D), lambda i: (0, i, 0))],
        out_specs=[
            pl.BlockSpec((S - 1, bn1, D), lambda i: (0, i, 0)),
            pl.BlockSpec((S, bn1, D), lambda i: (0, i, 0)),
        ],
        out_shape=[
            jax.ShapeDtypeStruct((S - 1, n, D), jnp.int32),
            jax.ShapeDtypeStruct((S, n, D), jnp.float32),
        ],
    )(x_t)

    fm_pad = jnp.concatenate([FM, jnp.zeros((FM.shape[0], 1), FM.dtype)], axis=1)
    fm_flat = jnp.concatenate([fm_pad.reshape(-1), jnp.zeros((9,), FM.dtype)])
    out = _make_sc_gather(n)(idx8.reshape(-1), diff.reshape(-1), fm_flat)
    out = out.reshape(H, n, D)

    bn3 = 512
    y = pl.pallas_call(
        _ln_body,
        grid=(n // bn3,),
        in_specs=[
            pl.BlockSpec((H, bn3, D), lambda i: (0, i, 0)),
            pl.BlockSpec((H, D), lambda i: (0, 0)),
            pl.BlockSpec((H, D), lambda i: (0, 0)),
            pl.BlockSpec((1,), lambda i: (0,)),
        ],
        out_specs=pl.BlockSpec((bn3, H, D), lambda i: (i, 0, 0)),
        out_shape=jax.ShapeDtypeStruct((n, H, D), jnp.float32),
    )(out, ln_w, ln_b, prelu_a)
    return y

# --- scband reference (transcript-rebuilt; emitter-appended) ---
"""Pipeline reference for scband-choquet-integral-18236431138960 (READ-ONLY COPY).

The authoritative reference and input builder live on the scoring server;
editing this copy changes nothing except your own understanding.
"""

import jax, jax.numpy as jnp
import numpy as np

SRC_NUM = 10
HEADS = 8
HIDDEN = 128
N_BATCH = 4096
VAR_NUM = 2 ** SRC_NUM - 1  # 1023
LN_EPS = 1e-5


def setup_inputs(seed: int = 0) -> dict:
    key = jax.random.key(seed)
    k1, k2 = jax.random.split(key, 2)
    x = jax.random.normal(k1, (N_BATCH, SRC_NUM, HIDDEN), dtype=jnp.float32)
    # FM parameter: init 1/src_num + 0.1*noise (mimics torch init after standardize)
    FM = jnp.clip(
        jnp.full((VAR_NUM, HEADS), 1.0 / SRC_NUM, dtype=jnp.float32)
        + 0.1 * jax.random.normal(k2, (VAR_NUM, HEADS), dtype=jnp.float32),
        0.0, 1.0,
    )
    # LayerNorm([heads, hidden]) affine params
    ln_w = jnp.ones((HEADS, HIDDEN), dtype=jnp.float32)
    ln_b = jnp.zeros((HEADS, HIDDEN), dtype=jnp.float32)
    # PReLU single-parameter weight (torch default init 0.25)
    prelu_a = jnp.full((1,), 0.25, dtype=jnp.float32)
    return {"x": x, "FM": FM, "ln_w": ln_w, "ln_b": ln_b, "prelu_a": prelu_a}


def reference(x, FM, ln_w, ln_b, prelu_a):
    N, S, D = x.shape
    H = FM.shape[1]
    # torch.sort(x, dim=1, descending=True)
    order = jnp.argsort(-x, axis=1)  # int indices, [N, S, D]
    x_sort = jnp.take_along_axis(x, order, axis=1)
    x_pad = jnp.concatenate([x_sort, jnp.zeros((N, 1, D), dtype=x.dtype)], axis=1)
    x_diff = x_pad[:, :-1, :] - x_pad[:, 1:, :]  # [N, S, D]
    # sortIdx = cumsum(2**sortIdx, dim=1) - 1  -> indices into FM rows [0, 2^S-2]
    idx = jnp.cumsum(jnp.power(2, order.astype(jnp.int32)), axis=1) - 1  # [N, S, D]
    # Embedding-style gather from fuzzy-measure table
    FM_ = jnp.take(FM, idx.reshape(-1), axis=0).reshape(N, S, D, H)
    out = jnp.einsum('bsn,bsnh->bhn', x_diff, FM_)  # [N, H, D]  (concat=True)
    # LayerNorm over last two dims [heads, hidden]
    mean = jnp.mean(out, axis=(-2, -1), keepdims=True)
    var = jnp.var(out, axis=(-2, -1), keepdims=True)
    y = (out - mean) / jnp.sqrt(var + LN_EPS) * ln_w + ln_b
    # PReLU (single shared parameter); Dropout(p=0.0) is identity
    y = jnp.where(y >= 0, y, prelu_a[0] * y)
    return y

if __name__ == "__main__":
    import jax
    _d = setup_inputs()
    print(jax.jit(kernel)(*tuple(_d.values())))

</pallas_src>

<mosaic_0001>
#map = affine_map<(d0, d1) -> (0)>
module attributes {stable_mosaic.version = 14 : i64} {
  func.func @sc_gather(%arg0: i32, %arg1: i32, %arg2: memref<4718592xi32, #tpu.memory_space<hbm>>, %arg3: memref<5242880xf32, #tpu.memory_space<hbm>>, %arg4: memref<9216xf32, #tpu.memory_space<hbm>>, %arg5: memref<4194304xf32, #tpu.memory_space<hbm>>, %arg6: memref<9216xf32, #tpu.memory_space<vmem>>, %arg7: memref<18432xi32, #tpu.memory_space<vmem>>, %arg8: memref<20480xf32, #tpu.memory_space<vmem>>, %arg9: memref<16384xf32, #tpu.memory_space<vmem>>, %arg10: memref<!tpu.dma_semaphore, #tpu.memory_space<semaphore_mem>>, %arg11: memref<!tpu.dma_semaphore, #tpu.memory_space<semaphore_mem>>, %arg12: memref<!tpu.dma_semaphore, #tpu.memory_space<semaphore_mem>>, %arg13: memref<!tpu.dma_semaphore, #tpu.memory_space<semaphore_mem>>) attributes {dimension_semantics = [#tpu.dimension_semantics<core_parallel>, #tpu.dimension_semantics<subcore_parallel>], iteration_bounds = array<i64: 2, 16>, scalar_prefetch = 0 : i64, scratch_operands = 8 : i64, tpu.core_type = #tpu.core_type<sc_vector_subcore>, window_params = [{transform_indices = #map}, {transform_indices = #map}, {transform_indices = #map}, {transform_indices = #map}]} {
    %mul3A = arith.constant 2 : i32
    %mul3A_0 = arith.muli %arg1, %mul3A : i32
    %add3A = arith.addi %mul3A_0, %arg0 : i32
    %mul3A_1 = arith.constant 128 : i32
    %mul3A_2 = arith.muli %add3A, %mul3A_1 : i32
    "tpu.region"() ({
      %run_scoped3A = tpu.sem_alloc : memref<!tpu.dma_semaphore, #tpu.memory_space<semaphore_mem>>
      tpu.enqueue_dma source(%arg4 : memref<9216xf32, #tpu.memory_space<hbm>>) target(%arg6 : memref<9216xf32, #tpu.memory_space<vmem>>) target_semaphore(%run_scoped3A : memref<!tpu.dma_semaphore, #tpu.memory_space<semaphore_mem>>)
      tpu.wait_dma2 semaphore(%run_scoped3A : memref<!tpu.dma_semaphore, #tpu.memory_space<semaphore_mem>>) src(%arg4 : memref<9216xf32, #tpu.memory_space<hbm>>) dst(%arg6 : memref<9216xf32, #tpu.memory_space<vmem>>)
      tpu.yield
    }) : () -> ()
    %broadcast_in_dim3A = arith.constant 9198 : i32
    %broadcast_in_dim3A_3 = vector.broadcast %broadcast_in_dim3A : i32 to vector<16xi32>
    %gather3A = tpu.vector_load_idx %arg6[%broadcast_in_dim3A_3] : memref<9216xf32, #tpu.memory_space<vmem>>[vector<16xi32>], vector<16xf32>,
    %broadcast_in_dim3A_4 = arith.constant 9199 : i32
    %broadcast_in_dim3A_5 = vector.broadcast %broadcast_in_dim3A_4 : i32 to vector<16xi32>
    %gather3A_6 = tpu.vector_load_idx %arg6[%broadcast_in_dim3A_5] : memref<9216xf32, #tpu.memory_space<vmem>>[vector<16xi32>], vector<16xf32>,
    %broadcast_in_dim3A_7 = arith.constant 9200 : i32
    %broadcast_in_dim3A_8 = vector.broadcast %broadcast_in_dim3A_7 : i32 to vector<16xi32>
    %gather3A_9 = tpu.vector_load_idx %arg6[%broadcast_in_dim3A_8] : memref<9216xf32, #tpu.memory_space<vmem>>[vector<16xi32>], vector<16xf32>,
    %broadcast_in_dim3A_10 = arith.constant 9201 : i32
    %broadcast_in_dim3A_11 = vector.broadcast %broadcast_in_dim3A_10 : i32 to vector<16xi32>
    %gather3A_12 = tpu.vector_load_idx %arg6[%broadcast_in_dim3A_11] : memref<9216xf32, #tpu.memory_space<vmem>>[vector<16xi32>], vector<16xf32>,
    %broadcast_in_dim3A_13 = arith.constant 9202 : i32
    %broadcast_in_dim3A_14 = vector.broadcast %broadcast_in_dim3A_13 : i32 to vector<16xi32>
    %gather3A_15 = tpu.vector_load_idx %arg6[%broadcast_in_dim3A_14] : memref<9216xf32, #tpu.memory_space<vmem>>[vector<16xi32>], vector<16xf32>,
    %broadcast_in_dim3A_16 = arith.constant 9203 : i32
    %broadcast_in_dim3A_17 = vector.broadcast %broadcast_in_dim3A_16 : i32 to vector<16xi32>
    %gather3A_18 = tpu.vector_load_idx %arg6[%broadcast_in_dim3A_17] : memref<9216xf32, #tpu.memory_space<vmem>>[vector<16xi32>], vector<16xf32>,
    %broadcast_in_dim3A_19 = arith.constant 9204 : i32
    %broadcast_in_dim3A_20 = vector.broadcast %broadcast_in_dim3A_19 : i32 to vector<16xi32>
    %gather3A_21 = tpu.vector_load_idx %arg6[%broadcast_in_dim3A_20] : memref<9216xf32, #tpu.memory_space<vmem>>[vector<16xi32>], vector<16xf32>,
    %broadcast_in_dim3A_22 = arith.constant 9205 : i32
    %broadcast_in_dim3A_23 = vector.broadcast %broadcast_in_dim3A_22 : i32 to vector<16xi32>
    %gather3A_24 = tpu.vector_load_idx %arg6[%broadcast_in_dim3A_23] : memref<9216xf32, #tpu.memory_space<vmem>>[vector<16xi32>], vector<16xf32>,
    %add3A_25 = arith.constant 0 : i32
    %add3A_26 = arith.addi %mul3A_2, %add3A_25 : i32
    %mul3A_27 = arith.constant 128 : i32
    %mul3A_28 = arith.muli %add3A_26, %mul3A_27 : i32
    %add3A_29 = arith.constant 0 : i32
    %add3A_30 = arith.addi %add3A_29, %mul3A_28 : i32
    %dma_start3A = arith.constant 0 : i32
    %dma_start3A_31 = tpu.memref_slice %arg7[%dma_start3A] : memref<18432xi32, #tpu.memory_space<vmem>> -> memref<1024xi32, #tpu.memory_space<vmem>>
    %dma_start3A_32 = tpu.memref_slice %arg2[%add3A_30] : memref<4718592xi32, #tpu.memory_space<hbm>> -> memref<1024xi32, #tpu.memory_space<hbm>>
    %dma_start3A_33 = arith.constant 0 : i32
    %dma_start3A_34 = tpu.memref_slice %arg7[%dma_start3A_33] : memref<18432xi32, #tpu.memory_space<vmem>> -> memref<1024xi32, #tpu.memory_space<vmem>>
    %dma_start3A_35 = tpu.memref_slice %arg2[%add3A_30] : memref<4718592xi32, #tpu.memory_space<hbm>> -> memref<1024xi32, #tpu.memory_space<hbm>>
    tpu.enqueue_dma source(%dma_start3A_35 : memref<1024xi32, #tpu.memory_space<hbm>>) target(%dma_start3A_34 : memref<1024xi32, #tpu.memory_space<vmem>>) target_semaphore(%arg10 : memref<!tpu.dma_semaphore, #tpu.memory_space<semaphore_mem>>)
    %add3A_36 = arith.constant 524288 : i32
    %add3A_37 = arith.addi %add3A_36, %mul3A_28 : i32
    %dma_start3A_38 = arith.constant 1024 : i32
    %dma_start3A_39 = tpu.memref_slice %arg7[%dma_start3A_38] : memref<18432xi32, #tpu.memory_space<vmem>> -> memref<1024xi32, #tpu.memory_space<vmem>>
    %dma_start3A_40 = tpu.memref_slice %arg2[%add3A_37] : memref<4718592xi32, #tpu.memory_space<hbm>> -> memref<1024xi32, #tpu.memory_space<hbm>>
    %dma_start3A_41 = arith.constant 1024 : i32
    %dma_start3A_42 = tpu.memref_slice %arg7[%dma_start3A_41] : memref<18432xi32, #tpu.memory_space<vmem>> -> memref<1024xi32, #tpu.memory_space<vmem>>
    %dma_start3A_43 = tpu.memref_slice %arg2[%add3A_37] : memref<4718592xi32, #tpu.memory_space<hbm>> -> memref<1024xi32, #tpu.memory_space<hbm>>
    tpu.enqueue_dma source(%dma_start3A_43 : memref<1024xi32, #tpu.memory_space<hbm>>) target(%dma_start3A_42 : memref<1024xi32, #tpu.memory_space<vmem>>) target_semaphore(%arg10 : memref<!tpu.dma_semaphore, #tpu.memory_space<semaphore_mem>>)
    %add3A_44 = arith.constant 1048576 : i32
    %add3A_45 = arith.addi %add3A_44, %mul3A_28 : i32
    %dma_start3A_46 = arith.constant 2048 : i32
    %dma_start3A_47 = tpu.memref_slice %arg7[%dma_start3A_46] : memref<18432xi32, #tpu.memory_space<vmem>> -> memref<1024xi32, #tpu.memory_space<vmem>>
    %dma_start3A_48 = tpu.memref_slice %arg2[%add3A_45] : memref<4718592xi32, #tpu.memory_space<hbm>> -> memref<1024xi32, #tpu.memory_space<hbm>>
    %dma_start3A_49 = arith.constant 2048 : i32
    %dma_start3A_50 = tpu.memref_slice %arg7[%dma_start3A_49] : memref<18432xi32, #tpu.memory_space<vmem>> -> memref<1024xi32, #tpu.memory_space<vmem>>
    %dma_start3A_51 = tpu.memref_slice %arg2[%add3A_45] : memref<4718592xi32, #tpu.memory_space<hbm>> -> memref<1024xi32, #tpu.memory_space<hbm>>
    tpu.enqueue_dma source(%dma_start3A_51 : memref<1024xi32, #tpu.memory_space<hbm>>) target(%dma_start3A_50 : memref<1024xi32, #tpu.memory_space<vmem>>) target_semaphore(%arg10 : memref<!tpu.dma_semaphore, #tpu.memory_space<semaphore_mem>>)
    %add3A_52 = arith.constant 1572864 : i32
    %add3A_53 = arith.addi %add3A_52, %mul3A_28 : i32
    %dma_start3A_54 = arith.constant 3072 : i32
    %dma_start3A_55 = tpu.memref_slice %arg7[%dma_start3A_54] : memref<18432xi32, #tpu.memory_space<vmem>> -> memref<1024xi32, #tpu.memory_space<vmem>>
    %dma_start3A_56 = tpu.memref_slice %arg2[%add3A_53] : memref<4718592xi32, #tpu.memory_space<hbm>> -> memref<1024xi32, #tpu.memory_space<hbm>>
    %dma_start3A_57 = arith.constant 3072 : i32
    %dma_start3A_58 = tpu.memref_slice %arg7[%dma_start3A_57] : memref<18432xi32, #tpu.memory_space<vmem>> -> memref<1024xi32, #tpu.memory_space<vmem>>
    %dma_start3A_59 = tpu.memref_slice %arg2[%add3A_53] : memref<4718592xi32, #tpu.memory_space<hbm>> -> memref<1024xi32, #tpu.memory_space<hbm>>
    tpu.enqueue_dma source(%dma_start3A_59 : memref<1024xi32, #tpu.memory_space<hbm>>) target(%dma_start3A_58 : memref<1024xi32, #tpu.memory_space<vmem>>) target_semaphore(%arg10 : memref<!tpu.dma_semaphore, #tpu.memory_space<semaphore_mem>>)
    %add3A_60 = arith.constant 2097152 : i32
    %add3A_61 = arith.addi %add3A_60, %mul3A_28 : i32
    %dma_start3A_62 = arith.constant 4096 : i32
    %dma_start3A_63 = tpu.memref_slice %arg7[%dma_start3A_62] : memref<18432xi32, #tpu.memory_space<vmem>> -> memref<1024xi32, #tpu.memory_space<vmem>>
    %dma_start3A_64 = tpu.memref_slice %arg2[%add3A_61] : memref<4718592xi32, #tpu.memory_space<hbm>> -> memref<1024xi32, #tpu.memory_space<hbm>>
    %dma_start3A_65 = arith.constant 4096 : i32
    %dma_start3A_66 = tpu.memref_slice %arg7[%dma_start3A_65] : memref<18432xi32, #tpu.memory_space<vmem>> -> memref<1024xi32, #tpu.memory_space<vmem>>
    %dma_start3A_67 = tpu.memref_slice %arg2[%add3A_61] : memref<4718592xi32, #tpu.memory_space<hbm>> -> memref<1024xi32, #tpu.memory_space<hbm>>
    tpu.enqueue_dma source(%dma_start3A_67 : memref<1024xi32, #tpu.memory_space<hbm>>) target(%dma_start3A_66 : memref<1024xi32, #tpu.memory_space<vmem>>) target_semaphore(%arg10 : memref<!tpu.dma_semaphore, #tpu.memory_space<semaphore_mem>>)
    %add3A_68 = arith.constant 2621440 : i32
    %add3A_69 = arith.addi %add3A_68, %mul3A_28 : i32
    %dma_start3A_70 = arith.constant 5120 : i32
    %dma_start3A_71 = tpu.memref_slice %arg7[%dma_start3A_70] : memref<18432xi32, #tpu.memory_space<vmem>> -> memref<1024xi32, #tpu.memory_space<vmem>>
    %dma_start3A_72 = tpu.memref_slice %arg2[%add3A_69] : memref<4718592xi32, #tpu.memory_space<hbm>> -> memref<1024xi32, #tpu.memory_space<hbm>>
    %dma_start3A_73 = arith.constant 5120 : i32
    %dma_start3A_74 = tpu.memref_slice %arg7[%dma_start3A_73] : memref<18432xi32, #tpu.memory_space<vmem>> -> memref<1024xi32, #tpu.memory_space<vmem>>
    %dma_start3A_75 = tpu.memref_slice %arg2[%add3A_69] : memref<4718592xi32, #tpu.memory_space<hbm>> -> memref<1024xi32, #tpu.memory_space<hbm>>
    tpu.enqueue_dma source(%dma_start3A_75 : memref<1024xi32, #tpu.memory_space<hbm>>) target(%dma_start3A_74 : memref<1024xi32, #tpu.memory_space<vmem>>) target_semaphore(%arg10 : memref<!tpu.dma_semaphore, #tpu.memory_space<semaphore_mem>>)
    %add3A_76 = arith.constant 3145728 : i32
    %add3A_77 = arith.addi %add3A_76, %mul3A_28 : i32
    %dma_start3A_78 = arith.constant 6144 : i32
    %dma_start3A_79 = tpu.memref_slice %arg7[%dma_start3A_78] : memref<18432xi32, #tpu.memory_space<vmem>> -> memref<1024xi32, #tpu.memory_space<vmem>>
    %dma_start3A_80 = tpu.memref_slice %arg2[%add3A_77] : memref<4718592xi32, #tpu.memory_space<hbm>> -> memref<1024xi32, #tpu.memory_space<hbm>>
    %dma_start3A_81 = arith.constant 6144 : i32
    %dma_start3A_82 = tpu.memref_slice %arg7[%dma_start3A_81] : memref<18432xi32, #tpu.memory_space<vmem>> -> memref<1024xi32, #tpu.memory_space<vmem>>
    %dma_start3A_83 = tpu.memref_slice %arg2[%add3A_77] : memref<4718592xi32, #tpu.memory_space<hbm>> -> memref<1024xi32, #tpu.memory_space<hbm>>
    tpu.enqueue_dma source(%dma_start3A_83 : memref<1024xi32, #tpu.memory_space<hbm>>) target(%dma_start3A_82 : memref<1024xi32, #tpu.memory_space<vmem>>) target_semaphore(%arg10 : memref<!tpu.dma_semaphore, #tpu.memory_space<semaphore_mem>>)
    %add3A_84 = arith.constant 3670016 : i32
    %add3A_85 = arith.addi %add3A_84, %mul3A_28 : i32
    %dma_start3A_86 = arith.constant 7168 : i32
    %dma_start3A_87 = tpu.memref_slice %arg7[%dma_start3A_86] : memref<18432xi32, #tpu.memory_space<vmem>> -> memref<1024xi32, #tpu.memory_space<vmem>>
    %dma_start3A_88 = tpu.memref_slice %arg2[%add3A_85] : memref<4718592xi32, #tpu.memory_space<hbm>> -> memref<1024xi32, #tpu.memory_space<hbm>>
    %dma_start3A_89 = arith.constant 7168 : i32
    %dma_start3A_90 = tpu.memref_slice %arg7[%dma_start3A_89] : memref<18432xi32, #tpu.memory_space<vmem>> -> memref<1024xi32, #tpu.memory_space<vmem>>
    %dma_start3A_91 = tpu.memref_slice %arg2[%add3A_85] : memref<4718592xi32, #tpu.memory_space<hbm>> -> memref<1024xi32, #tpu.memory_space<hbm>>
    tpu.enqueue_dma source(%dma_start3A_91 : memref<1024xi32, #tpu.memory_space<hbm>>) target(%dma_start3A_90 : memref<1024xi32, #tpu.memory_space<vmem>>) target_semaphore(%arg10 : memref<!tpu.dma_semaphore, #tpu.memory_space<semaphore_mem>>)
    %add3A_92 = arith.constant 4194304 : i32
    %add3A_93 = arith.addi %add3A_92, %mul3A_28 : i32
    %dma_start3A_94 = arith.constant 8192 : i32
    %dma_start3A_95 = tpu.memref_slice %arg7[%dma_start3A_94] : memref<18432xi32, #tpu.memory_space<vmem>> -> memref<1024xi32, #tpu.memory_space<vmem>>
    %dma_start3A_96 = tpu.memref_slice %arg2[%add3A_93] : memref<4718592xi32, #tpu.memory_space<hbm>> -> memref<1024xi32, #tpu.memory_space<hbm>>
    %dma_start3A_97 = arith.constant 8192 : i32
    %dma_start3A_98 = tpu.memref_slice %arg7[%dma_start3A_97] : memref<18432xi32, #tpu.memory_space<vmem>> -> memref<1024xi32, #tpu.memory_space<vmem>>
    %dma_start3A_99 = tpu.memref_slice %arg2[%add3A_93] : memref<4718592xi32, #tpu.memory_space<hbm>> -> memref<1024xi32, #tpu.memory_space<hbm>>
    tpu.enqueue_dma source(%dma_start3A_99 : memref<1024xi32, #tpu.memory_space<hbm>>) target(%dma_start3A_98 : memref<1024xi32, #tpu.memory_space<vmem>>) target_semaphore(%arg10 : memref<!tpu.dma_semaphore, #tpu.memory_space<semaphore_mem>>)
    %add3A_100 = arith.constant 0 : i32
    %add3A_101 = arith.addi %add3A_100, %mul3A_28 : i32
    %dma_start3A_102 = arith.constant 0 : i32
    %dma_start3A_103 = tpu.memref_slice %arg8[%dma_start3A_102] : memref<20480xf32, #tpu.memory_space<vmem>> -> memref<1024xf32, #tpu.memory_space<vmem>>
    %dma_start3A_104 = tpu.memref_slice %arg3[%add3A_101] : memref<5242880xf32, #tpu.memory_space<hbm>> -> memref<1024xf32, #tpu.memory_space<hbm>>
    %dma_start3A_105 = arith.constant 0 : i32
    %dma_start3A_106 = tpu.memref_slice %arg8[%dma_start3A_105] : memref<20480xf32, #tpu.memory_space<vmem>> -> memref<1024xf32, #tpu.memory_space<vmem>>
    %dma_start3A_107 = tpu.memref_slice %arg3[%add3A_101] : memref<5242880xf32, #tpu.memory_space<hbm>> -> memref<1024xf32, #tpu.memory_space<hbm>>
    tpu.enqueue_dma source(%dma_start3A_107 : memref<1024xf32, #tpu.memory_space<hbm>>) target(%dma_start3A_106 : memref<1024xf32, #tpu.memory_space<vmem>>) target_semaphore(%arg10 : memref<!tpu.dma_semaphore, #tpu.memory_space<semaphore_mem>>)
    %add3A_108 = arith.constant 524288 : i32
    %add3A_109 = arith.addi %add3A_108, %mul3A_28 : i32
    %dma_start3A_110 = arith.constant 1024 : i32
    %dma_start3A_111 = tpu.memref_slice %arg8[%dma_start3A_110] : memref<20480xf32, #tpu.memory_space<vmem>> -> memref<1024xf32, #tpu.memory_space<vmem>>
    %dma_start3A_112 = tpu.memref_slice %arg3[%add3A_109] : memref<5242880xf32, #tpu.memory_space<hbm>> -> memref<1024xf32, #tpu.memory_space<hbm>>
    %dma_start3A_113 = arith.constant 1024 : i32
    %dma_start3A_114 = tpu.memref_slice %arg8[%dma_start3A_113] : memref<20480xf32, #tpu.memory_space<vmem>> -> memref<1024xf32, #tpu.memory_space<vmem>>
    %dma_start3A_115 = tpu.memref_slice %arg3[%add3A_109] : memref<5242880xf32, #tpu.memory_space<hbm>> -> memref<1024xf32, #tpu.memory_space<hbm>>
    tpu.enqueue_dma source(%dma_start3A_115 : memref<1024xf32, #tpu.memory_space<hbm>>) target(%dma_start3A_114 : memref<1024xf32, #tpu.memory_space<vmem>>) target_semaphore(%arg10 : memref<!tpu.dma_semaphore, #tpu.memory_space<semaphore_mem>>)
    %add3A_116 = arith.constant 1048576 : i32
    %add3A_117 = arith.addi %add3A_116, %mul3A_28 : i32
    %dma_start3A_118 = arith.constant 2048 : i32
    %dma_start3A_119 = tpu.memref_slice %arg8[%dma_start3A_118] : memref<20480xf32, #tpu.memory_space<vmem>> -> memref<1024xf32, #tpu.memory_space<vmem>>
    %dma_start3A_120 = tpu.memref_slice %arg3[%add3A_117] : memref<5242880xf32, #tpu.memory_space<hbm>> -> memref<1024xf32, #tpu.memory_space<hbm>>
    %dma_start3A_121 = arith.constant 2048 : i32
    %dma_start3A_122 = tpu.memref_slice %arg8[%dma_start3A_121] : memref<20480xf32, #tpu.memory_space<vmem>> -> memref<1024xf32, #tpu.memory_space<vmem>>
    %dma_start3A_123 = tpu.memref_slice %arg3[%add3A_117] : memref<5242880xf32, #tpu.memory_space<hbm>> -> memref<1024xf32, #tpu.memory_space<hbm>>
    tpu.enqueue_dma source(%dma_start3A_123 : memref<1024xf32, #tpu.memory_space<hbm>>) target(%dma_start3A_122 : memref<1024xf32, #tpu.memory_space<vmem>>) target_semaphore(%arg10 : memref<!tpu.dma_semaphore, #tpu.memory_space<semaphore_mem>>)
    %add3A_124 = arith.constant 1572864 : i32
    %add3A_125 = arith.addi %add3A_124, %mul3A_28 : i32
    %dma_start3A_126 = arith.constant 3072 : i32
    %dma_start3A_127 = tpu.memref_slice %arg8[%dma_start3A_126] : memref<20480xf32, #tpu.memory_space<vmem>> -> memref<1024xf32, #tpu.memory_space<vmem>>
    %dma_start3A_128 = tpu.memref_slice %arg3[%add3A_125] : memref<5242880xf32, #tpu.memory_space<hbm>> -> memref<1024xf32, #tpu.memory_space<hbm>>
    %dma_start3A_129 = arith.constant 3072 : i32
    %dma_start3A_130 = tpu.memref_slice %arg8[%dma_start3A_129] : memref<20480xf32, #tpu.memory_space<vmem>> -> memref<1024xf32, #tpu.memory_space<vmem>>
    %dma_start3A_131 = tpu.memref_slice %arg3[%add3A_125] : memref<5242880xf32, #tpu.memory_space<hbm>> -> memref<1024xf32, #tpu.memory_space<hbm>>
    tpu.enqueue_dma source(%dma_start3A_131 : memref<1024xf32, #tpu.memory_space<hbm>>) target(%dma_start3A_130 : memref<1024xf32, #tpu.memory_space<vmem>>) target_semaphore(%arg10 : memref<!tpu.dma_semaphore, #tpu.memory_space<semaphore_mem>>)
    %add3A_132 = arith.constant 2097152 : i32
    %add3A_133 = arith.addi %add3A_132, %mul3A_28 : i32
    %dma_start3A_134 = arith.constant 4096 : i32
    %dma_start3A_135 = tpu.memref_slice %arg8[%dma_start3A_134] : memref<20480xf32, #tpu.memory_space<vmem>> -> memref<1024xf32, #tpu.memory_space<vmem>>
    %dma_start3A_136 = tpu.memref_slice %arg3[%add3A_133] : memref<5242880xf32, #tpu.memory_space<hbm>> -> memref<1024xf32, #tpu.memory_space<hbm>>
    %dma_start3A_137 = arith.constant 4096 : i32
    %dma_start3A_138 = tpu.memref_slice %arg8[%dma_start3A_137] : memref<20480xf32, #tpu.memory_space<vmem>> -> memref<1024xf32, #tpu.memory_space<vmem>>
    %dma_start3A_139 = tpu.memref_slice %arg3[%add3A_133] : memref<5242880xf32, #tpu.memory_space<hbm>> -> memref<1024xf32, #tpu.memory_space<hbm>>
    tpu.enqueue_dma source(%dma_start3A_139 : memref<1024xf32, #tpu.memory_space<hbm>>) target(%dma_start3A_138 : memref<1024xf32, #tpu.memory_space<vmem>>) target_semaphore(%arg10 : memref<!tpu.dma_semaphore, #tpu.memory_space<semaphore_mem>>)
    %add3A_140 = arith.constant 2621440 : i32
    %add3A_141 = arith.addi %add3A_140, %mul3A_28 : i32
    %dma_start3A_142 = arith.constant 5120 : i32
    %dma_start3A_143 = tpu.memref_slice %arg8[%dma_start3A_142] : memref<20480xf32, #tpu.memory_space<vmem>> -> memref<1024xf32, #tpu.memory_space<vmem>>
    %dma_start3A_144 = tpu.memref_slice %arg3[%add3A_141] : memref<5242880xf32, #tpu.memory_space<hbm>> -> memref<1024xf32, #tpu.memory_space<hbm>>
    %dma_start3A_145 = arith.constant 5120 : i32
    %dma_start3A_146 = tpu.memref_slice %arg8[%dma_start3A_145] : memref<20480xf32, #tpu.memory_space<vmem>> -> memref<1024xf32, #tpu.memory_space<vmem>>
    %dma_start3A_147 = tpu.memref_slice %arg3[%add3A_141] : memref<5242880xf32, #tpu.memory_space<hbm>> -> memref<1024xf32, #tpu.memory_space<hbm>>
    tpu.enqueue_dma source(%dma_start3A_147 : memref<1024xf32, #tpu.memory_space<hbm>>) target(%dma_start3A_146 : memref<1024xf32, #tpu.memory_space<vmem>>) target_semaphore(%arg10 : memref<!tpu.dma_semaphore, #tpu.memory_space<semaphore_mem>>)
    %add3A_148 = arith.constant 3145728 : i32
    %add3A_149 = arith.addi %add3A_148, %mul3A_28 : i32
    %dma_start3A_150 = arith.constant 6144 : i32
    %dma_start3A_151 = tpu.memref_slice %arg8[%dma_start3A_150] : memref<20480xf32, #tpu.memory_space<vmem>> -> memref<1024xf32, #tpu.memory_space<vmem>>
    %dma_start3A_152 = tpu.memref_slice %arg3[%add3A_149] : memref<5242880xf32, #tpu.memory_space<hbm>> -> memref<1024xf32, #tpu.memory_space<hbm>>
    %dma_start3A_153 = arith.constant 6144 : i32
    %dma_start3A_154 = tpu.memref_slice %arg8[%dma_start3A_153] : memref<20480xf32, #tpu.memory_space<vmem>> -> memref<1024xf32, #tpu.memory_space<vmem>>
    %dma_start3A_155 = tpu.memref_slice %arg3[%add3A_149] : memref<5242880xf32, #tpu.memory_space<hbm>> -> memref<1024xf32, #tpu.memory_space<hbm>>
    tpu.enqueue_dma source(%dma_start3A_155 : memref<1024xf32, #tpu.memory_space<hbm>>) target(%dma_start3A_154 : memref<1024xf32, #tpu.memory_space<vmem>>) target_semaphore(%arg10 : memref<!tpu.dma_semaphore, #tpu.memory_space<semaphore_mem>>)
    %add3A_156 = arith.constant 3670016 : i32
    %add3A_157 = arith.addi %add3A_156, %mul3A_28 : i32
    %dma_start3A_158 = arith.constant 7168 : i32
    %dma_start3A_159 = tpu.memref_slice %arg8[%dma_start3A_158] : memref<20480xf32, #tpu.memory_space<vmem>> -> memref<1024xf32, #tpu.memory_space<vmem>>
    %dma_start3A_160 = tpu.memref_slice %arg3[%add3A_157] : memref<5242880xf32, #tpu.memory_space<hbm>> -> memref<1024xf32, #tpu.memory_space<hbm>>
    %dma_start3A_161 = arith.constant 7168 : i32
    %dma_start3A_162 = tpu.memref_slice %arg8[%dma_start3A_161] : memref<20480xf32, #tpu.memory_space<vmem>> -> memref<1024xf32, #tpu.memory_space<vmem>>
    %dma_start3A_163 = tpu.memref_slice %arg3[%add3A_157] : memref<5242880xf32, #tpu.memory_space<hbm>> -> memref<1024xf32, #tpu.memory_space<hbm>>
    tpu.enqueue_dma source(%dma_start3A_163 : memref<1024xf32, #tpu.memory_space<hbm>>) target(%dma_start3A_162 : memref<1024xf32, #tpu.memory_space<vmem>>) target_semaphore(%arg10 : memref<!tpu.dma_semaphore, #tpu.memory_space<semaphore_mem>>)
    %add3A_164 = arith.constant 4194304 : i32
    %add3A_165 = arith.addi %add3A_164, %mul3A_28 : i32
    %dma_start3A_166 = arith.constant 8192 : i32
    %dma_start3A_167 = tpu.memref_slice %arg8[%dma_start3A_166] : memref<20480xf32, #tpu.memory_space<vmem>> -> memref<1024xf32, #tpu.memory_space<vmem>>
    %dma_start3A_168 = tpu.memref_slice %arg3[%add3A_165] : memref<5242880xf32, #tpu.memory_space<hbm>> -> memref<1024xf32, #tpu.memory_space<hbm>>
    %dma_start3A_169 = arith.constant 8192 : i32
    %dma_start3A_170 = tpu.memref_slice %arg8[%dma_start3A_169] : memref<20480xf32, #tpu.memory_space<vmem>> -> memref<1024xf32, #tpu.memory_space<vmem>>
    %dma_start3A_171 = tpu.memref_slice %arg3[%add3A_165] : memref<5242880xf32, #tpu.memory_space<hbm>> -> memref<1024xf32, #tpu.memory_space<hbm>>
    tpu.enqueue_dma source(%dma_start3A_171 : memref<1024xf32, #tpu.memory_space<hbm>>) target(%dma_start3A_170 : memref<1024xf32, #tpu.memory_space<vmem>>) target_semaphore(%arg10 : memref<!tpu.dma_semaphore, #tpu.memory_space<semaphore_mem>>)
    %add3A_172 = arith.constant 4718592 : i32
    %add3A_173 = arith.addi %add3A_172, %mul3A_28 : i32
    %dma_start3A_174 = arith.constant 9216 : i32
    %dma_start3A_175 = tpu.memref_slice %arg8[%dma_start3A_174] : memref<20480xf32, #tpu.memory_space<vmem>> -> memref<1024xf32, #tpu.memory_space<vmem>>
    %dma_start3A_176 = tpu.memref_slice %arg3[%add3A_173] : memref<5242880xf32, #tpu.memory_space<hbm>> -> memref<1024xf32, #tpu.memory_space<hbm>>
    %dma_start3A_177 = arith.constant 9216 : i32
    %dma_start3A_178 = tpu.memref_slice %arg8[%dma_start3A_177] : memref<20480xf32, #tpu.memory_space<vmem>> -> memref<1024xf32, #tpu.memory_space<vmem>>
    %dma_start3A_179 = tpu.memref_slice %arg3[%add3A_173] : memref<5242880xf32, #tpu.memory_space<hbm>> -> memref<1024xf32, #tpu.memory_space<hbm>>
    tpu.enqueue_dma source(%dma_start3A_179 : memref<1024xf32, #tpu.memory_space<hbm>>) target(%dma_start3A_178 : memref<1024xf32, #tpu.memory_space<vmem>>) target_semaphore(%arg10 : memref<!tpu.dma_semaphore, #tpu.memory_space<semaphore_mem>>)
    %scan3A = arith.constant 0 : i32
    %scan3A_180 = arith.constant 0 : i32
    %scan3A_181 = arith.constant 8 : i32
    %scan3A_182 = arith.addi %scan3A_180, %scan3A_181 : i32
    %scan3A_183 = arith.constant 1 : i32
    scf.for %scan3A_200 = %scan3A_180 to %scan3A_182 step %scan3A_183  : i32 {
      %mul3A_201 = arith.constant 2 : i32
      %mul3A_202 = arith.muli %scan3A_200, %mul3A_201 : i32
      %add3A_203 = arith.constant 0 : i32
      %add3A_204 = arith.addi %mul3A_202, %add3A_203 : i32
      %add3A_205 = arith.constant 1 : i32
      %add3A_206 = arith.addi %add3A_204, %add3A_205 : i32
      %lt3A = arith.constant 16 : i32
      %lt3A_207 = arith.cmpi slt, %add3A_206, %lt3A : i32
      %convert_element_type3A = arith.extui %lt3A_207 : i1 to i32
      %cond3A = arith.constant 0 : i32
      %cond3A_208 = arith.cmpi ne, %convert_element_type3A, %cond3A : i32
      scf.if %cond3A_208 {
        %add3A_411 = arith.constant 1 : i32
        %add3A_412 = arith.addi %add3A_204, %add3A_411 : i32
        %mul3A_413 = arith.constant 8 : i32
        %mul3A_414 = arith.muli %add3A_412, %mul3A_413 : i32
        %add3A_415 = arith.addi %mul3A_2, %mul3A_414 : i32
        %mul3A_416 = arith.constant 128 : i32
        %mul3A_417 = arith.muli %add3A_415, %mul3A_416 : i32
        %add3A_418 = arith.constant 0 : i32
        %add3A_419 = arith.addi %add3A_418, %mul3A_417 : i32
        %dma_start3A_420 = arith.constant 9216 : i32
        %dma_start3A_421 = tpu.memref_slice %arg7[%dma_start3A_420] : memref<18432xi32, #tpu.memory_space<vmem>> -> memref<1024xi32, #tpu.memory_space<vmem>>
        %dma_start3A_422 = tpu.memref_slice %arg2[%add3A_419] : memref<4718592xi32, #tpu.memory_space<hbm>> -> memref<1024xi32, #tpu.memory_space<hbm>>
        %dma_start3A_423 = arith.constant 9216 : i32
        %dma_start3A_424 = tpu.memref_slice %arg7[%dma_start3A_423] : memref<18432xi32, #tpu.memory_space<vmem>> -> memref<1024xi32, #tpu.memory_space<vmem>>
        %dma_start3A_425 = tpu.memref_slice %arg2[%add3A_419] : memref<4718592xi32, #tpu.memory_space<hbm>> -> memref<1024xi32, #tpu.memory_space<hbm>>
        tpu.enqueue_dma source(%dma_start3A_425 : memref<1024xi32, #tpu.memory_space<hbm>>) target(%dma_start3A_424 : memref<1024xi32, #tpu.memory_space<vmem>>) target_semaphore(%arg11 : memref<!tpu.dma_semaphore, #tpu.memory_space<semaphore_mem>>)
        %add3A_426 = arith.constant 524288 : i32
        %add3A_427 = arith.addi %add3A_426, %mul3A_417 : i32
        %dma_start3A_428 = arith.constant 10240 : i32
        %dma_start3A_429 = tpu.memref_slice %arg7[%dma_start3A_428] : memref<18432xi32, #tpu.memory_space<vmem>> -> memref<1024xi32, #tpu.memory_space<vmem>>
        %dma_start3A_430 = tpu.memref_slice %arg2[%add3A_427] : memref<4718592xi32, #tpu.memory_space<hbm>> -> memref<1024xi32, #tpu.memory_space<hbm>>
        %dma_start3A_431 = arith.constant 10240 : i32
        %dma_start3A_432 = tpu.memref_slice %arg7[%dma_start3A_431] : memref<18432xi32, #tpu.memory_space<vmem>> -> memref<1024xi32, #tpu.memory_space<vmem>>
        %dma_start3A_433 = tpu.memref_slice %arg2[%add3A_427] : memref<4718592xi32, #tpu.memory_space<hbm>> -> memref<1024xi32, #tpu.memory_space<hbm>>
        tpu.enqueue_dma source(%dma_start3A_433 : memref<1024xi32, #tpu.memory_space<hbm>>) target(%dma_start3A_432 : memref<1024xi32, #tpu.memory_space<vmem>>) target_semaphore(%arg11 : memref<!tpu.dma_semaphore, #tpu.memory_space<semaphore_mem>>)
        %add3A_434 = arith.constant 1048576 : i32
        %add3A_435 = arith.addi %add3A_434, %mul3A_417 : i32
        %dma_start3A_436 = arith.constant 11264 : i32
        %dma_start3A_437 = tpu.memref_slice %arg7[%dma_start3A_436] : memref<18432xi32, #tpu.memory_space<vmem>> -> memref<1024xi32, #tpu.memory_space<vmem>>
        %dma_start3A_438 = tpu.memref_slice %arg2[%add3A_435] : memref<4718592xi32, #tpu.memory_space<hbm>> -> memref<1024xi32, #tpu.memory_space<hbm>>
        %dma_start3A_439 = arith.constant 11264 : i32
        %dma_start3A_440 = tpu.memref_slice %arg7[%dma_start3A_439] : memref<18432xi32, #tpu.memory_space<vmem>> -> memref<1024xi32, #tpu.memory_space<vmem>>
        %dma_start3A_441 = tpu.memref_slice %arg2[%add3A_435] : memref<4718592xi32, #tpu.memory_space<hbm>> -> memref<1024xi32, #tpu.memory_space<hbm>>
        tpu.enqueue_dma source(%dma_start3A_441 : memref<1024xi32, #tpu.memory_space<hbm>>) target(%dma_start3A_440 : memref<1024xi32, #tpu.memory_space<vmem>>) target_semaphore(%arg11 : memref<!tpu.dma_semaphore, #tpu.memory_space<semaphore_mem>>)
        %add3A_442 = arith.constant 1572864 : i32
        %add3A_443 = arith.addi %add3A_442, %mul3A_417 : i32
        %dma_start3A_444 = arith.constant 12288 : i32
        %dma_start3A_445 = tpu.memref_slice %arg7[%dma_start3A_444] : memref<18432xi32, #tpu.memory_space<vmem>> -> memref<1024xi32, #tpu.memory_space<vmem>>
        %dma_start3A_446 = tpu.memref_slice %arg2[%add3A_443] : memref<4718592xi32, #tpu.memory_space<hbm>> -> memref<1024xi32, #tpu.memory_space<hbm>>
        %dma_start3A_447 = arith.constant 12288 : i32
        %dma_start3A_448 = tpu.memref_slice %arg7[%dma_start3A_447] : memref<18432xi32, #tpu.memory_space<vmem>> -> memref<1024xi32, #tpu.memory_space<vmem>>
        %dma_start3A_449 = tpu.memref_slice %arg2[%add3A_443] : memref<4718592xi32, #tpu.memory_space<hbm>> -> memref<1024xi32, #tpu.memory_space<hbm>>
        tpu.enqueue_dma source(%dma_start3A_449 : memref<1024xi32, #tpu.memory_space<hbm>>) target(%dma_start3A_448 : memref<1024xi32, #tpu.memory_space<vmem>>) target_semaphore(%arg11 : memref<!tpu.dma_semaphore, #tpu.memory_space<semaphore_mem>>)
        %add3A_450 = arith.constant 2097152 : i32
        %add3A_451 = arith.addi %add3A_450, %mul3A_417 : i32
        %dma_start3A_452 = arith.constant 13312 : i32
        %dma_start3A_453 = tpu.memref_slice %arg7[%dma_start3A_452] : memref<18432xi32, #tpu.memory_space<vmem>> -> memref<1024xi32, #tpu.memory_space<vmem>>
        %dma_start3A_454 = tpu.memref_slice %arg2[%add3A_451] : memref<4718592xi32, #tpu.memory_space<hbm>> -> memref<1024xi32, #tpu.memory_space<hbm>>
        %dma_start3A_455 = arith.constant 13312 : i32
        %dma_start3A_456 = tpu.memref_slice %arg7[%dma_start3A_455] : memref<18432xi32, #tpu.memory_space<vmem>> -> memref<1024xi32, #tpu.memory_space<vmem>>
        %dma_start3A_457 = tpu.memref_slice %arg2[%add3A_451] : memref<4718592xi32, #tpu.memory_space<hbm>> -> memref<1024xi32, #tpu.memory_space<hbm>>
        tpu.enqueue_dma source(%dma_start3A_457 : memref<1024xi32, #tpu.memory_space<hbm>>) target(%dma_start3A_456 : memref<1024xi32, #tpu.memory_space<vmem>>) target_semaphore(%arg11 : memref<!tpu.dma_semaphore, #tpu.memory_space<semaphore_mem>>)
        %add3A_458 = arith.constant 2621440 : i32
        %add3A_459 = arith.addi %add3A_458, %mul3A_417 : i32
        %dma_start3A_460 = arith.constant 14336 : i32
        %dma_start3A_461 = tpu.memref_slice %arg7[%dma_start3A_460] : memref<18432xi32, #tpu.memory_space<vmem>> -> memref<1024xi32, #tpu.memory_space<vmem>>
        %dma_start3A_462 = tpu.memref_slice %arg2[%add3A_459] : memref<4718592xi32, #tpu.memory_space<hbm>> -> memref<1024xi32, #tpu.memory_space<hbm>>
        %dma_start3A_463 = arith.constant 14336 : i32
        %dma_start3A_464 = tpu.memref_slice %arg7[%dma_start3A_463] : memref<18432xi32, #tpu.memory_space<vmem>> -> memref<1024xi32, #tpu.memory_space<vmem>>
        %dma_start3A_465 = tpu.memref_slice %arg2[%add3A_459] : memref<4718592xi32, #tpu.memory_space<hbm>> -> memref<1024xi32, #tpu.memory_space<hbm>>
        tpu.enqueue_dma source(%dma_start3A_465 : memref<1024xi32, #tpu.memory_space<hbm>>) target(%dma_start3A_464 : memref<1024xi32, #tpu.memory_space<vmem>>) target_semaphore(%arg11 : memref<!tpu.dma_semaphore, #tpu.memory_space<semaphore_mem>>)
        %add3A_466 = arith.constant 3145728 : i32
        %add3A_467 = arith.addi %add3A_466, %mul3A_417 : i32
        %dma_start3A_468 = arith.constant 15360 : i32
        %dma_start3A_469 = tpu.memref_slice %arg7[%dma_start3A_468] : memref<18432xi32, #tpu.memory_space<vmem>> -> memref<1024xi32, #tpu.memory_space<vmem>>
        %dma_start3A_470 = tpu.memref_slice %arg2[%add3A_467] : memref<4718592xi32, #tpu.memory_space<hbm>> -> memref<1024xi32, #tpu.memory_space<hbm>>
        %dma_start3A_471 = arith.constant 15360 : i32
        %dma_start3A_472 = tpu.memref_slice %arg7[%dma_start3A_471] : memref<18432xi32, #tpu.memory_space<vmem>> -> memref<1024xi32, #tpu.memory_space<vmem>>
        %dma_start3A_473 = tpu.memref_slice %arg2[%add3A_467] : memref<4718592xi32, #tpu.memory_space<hbm>> -> memref<1024xi32, #tpu.memory_space<hbm>>
        tpu.enqueue_dma source(%dma_start3A_473 : memref<1024xi32, #tpu.memory_space<hbm>>) target(%dma_start3A_472 : memref<1024xi32, #tpu.memory_space<vmem>>) target_semaphore(%arg11 : memref<!tpu.dma_semaphore, #tpu.memory_space<semaphore_mem>>)
        %add3A_474 = arith.constant 3670016 : i32
        %add3A_475 = arith.addi %add3A_474, %mul3A_417 : i32
        %dma_start3A_476 = arith.constant 16384 : i32
        %dma_start3A_477 = tpu.memref_slice %arg7[%dma_start3A_476] : memref<18432xi32, #tpu.memory_space<vmem>> -> memref<1024xi32, #tpu.memory_space<vmem>>
        %dma_start3A_478 = tpu.memref_slice %arg2[%add3A_475] : memref<4718592xi32, #tpu.memory_space<hbm>> -> memref<1024xi32, #tpu.memory_space<hbm>>
        %dma_start3A_479 = arith.constant 16384 : i32
        %dma_start3A_480 = tpu.memref_slice %arg7[%dma_start3A_479] : memref<18432xi32, #tpu.memory_space<vmem>> -> memref<1024xi32, #tpu.memory_space<vmem>>
        %dma_start3A_481 = tpu.memref_slice %arg2[%add3A_475] : memref<4718592xi32, #tpu.memory_space<hbm>> -> memref<1024xi32, #tpu.memory_space<hbm>>
        tpu.enqueue_dma source(%dma_start3A_481 : memref<1024xi32, #tpu.memory_space<hbm>>) target(%dma_start3A_480 : memref<1024xi32, #tpu.memory_space<vmem>>) target_semaphore(%arg11 : memref<!tpu.dma_semaphore, #tpu.memory_space<semaphore_mem>>)
        %add3A_482 = arith.constant 4194304 : i32
        %add3A_483 = arith.addi %add3A_482, %mul3A_417 : i32
        %dma_start3A_484 = arith.constant 17408 : i32
        %dma_start3A_485 = tpu.memref_slice %arg7[%dma_start3A_484] : memref<18432xi32, #tpu.memory_space<vmem>> -> memref<1024xi32, #tpu.memory_space<vmem>>
        %dma_start3A_486 = tpu.memref_slice %arg2[%add3A_483] : memref<4718592xi32, #tpu.memory_space<hbm>> -> memref<1024xi32, #tpu.memory_space<hbm>>
        %dma_start3A_487 = arith.constant 17408 : i32
        %dma_start3A_488 = tpu.memref_slice %arg7[%dma_start3A_487] : memref<18432xi32, #tpu.memory_space<vmem>> -> memref<1024xi32, #tpu.memory_space<vmem>>
        %dma_start3A_489 = tpu.memref_slice %arg2[%add3A_483] : memref<4718592xi32, #tpu.memory_space<hbm>> -> memref<1024xi32, #tpu.memory_space<hbm>>
        tpu.enqueue_dma source(%dma_start3A_489 : memref<1024xi32, #tpu.memory_space<hbm>>) target(%dma_start3A_488 : memref<1024xi32, #tpu.memory_space<vmem>>) target_semaphore(%arg11 : memref<!tpu.dma_semaphore, #tpu.memory_space<semaphore_mem>>)
        %add3A_490 = arith.constant 0 : i32
        %add3A_491 = arith.addi %add3A_490, %mul3A_417 : i32
        %dma_start3A_492 = arith.constant 10240 : i32
        %dma_start3A_493 = tpu.memref_slice %arg8[%dma_start3A_492] : memref<20480xf32, #tpu.memory_space<vmem>> -> memref<1024xf32, #tpu.memory_space<vmem>>
        %dma_start3A_494 = tpu.memref_slice %arg3[%add3A_491] : memref<5242880xf32, #tpu.memory_space<hbm>> -> memref<1024xf32, #tpu.memory_space<hbm>>
        %dma_start3A_495 = arith.constant 10240 : i32
        %dma_start3A_496 = tpu.memref_slice %arg8[%dma_start3A_495] : memref<20480xf32, #tpu.memory_space<vmem>> -> memref<1024xf32, #tpu.memory_space<vmem>>
        %dma_start3A_497 = tpu.memref_slice %arg3[%add3A_491] : memref<5242880xf32, #tpu.memory_space<hbm>> -> memref<1024xf32, #tpu.memory_space<hbm>>
        tpu.enqueue_dma source(%dma_start3A_497 : memref<1024xf32, #tpu.memory_space<hbm>>) target(%dma_start3A_496 : memref<1024xf32, #tpu.memory_space<vmem>>) target_semaphore(%arg11 : memref<!tpu.dma_semaphore, #tpu.memory_space<semaphore_mem>>)
        %add3A_498 = arith.constant 524288 : i32
        %add3A_499 = arith.addi %add3A_498, %mul3A_417 : i32
        %dma_start3A_500 = arith.constant 11264 : i32
        %dma_start3A_501 = tpu.memref_slice %arg8[%dma_start3A_500] : memref<20480xf32, #tpu.memory_space<vmem>> -> memref<1024xf32, #tpu.memory_space<vmem>>
        %dma_start3A_502 = tpu.memref_slice %arg3[%add3A_499] : memref<5242880xf32, #tpu.memory_space<hbm>> -> memref<1024xf32, #tpu.memory_space<hbm>>
        %dma_start3A_503 = arith.constant 11264 : i32
        %dma_start3A_504 = tpu.memref_slice %arg8[%dma_start3A_503] : memref<20480xf32, #tpu.memory_space<vmem>> -> memref<1024xf32, #tpu.memory_space<vmem>>
        %dma_start3A_505 = tpu.memref_slice %arg3[%add3A_499] : memref<5242880xf32, #tpu.memory_space<hbm>> -> memref<1024xf32, #tpu.memory_space<hbm>>
        tpu.enqueue_dma source(%dma_start3A_505 : memref<1024xf32, #tpu.memory_space<hbm>>) target(%dma_start3A_504 : memref<1024xf32, #tpu.memory_space<vmem>>) target_semaphore(%arg11 : memref<!tpu.dma_semaphore, #tpu.memory_space<semaphore_mem>>)
        %add3A_506 = arith.constant 1048576 : i32
        %add3A_507 = arith.addi %add3A_506, %mul3A_417 : i32
        %dma_start3A_508 = arith.constant 12288 : i32
        %dma_start3A_509 = tpu.memref_slice %arg8[%dma_start3A_508] : memref<20480xf32, #tpu.memory_space<vmem>> -> memref<1024xf32, #tpu.memory_space<vmem>>
        %dma_start3A_510 = tpu.memref_slice %arg3[%add3A_507] : memref<5242880xf32, #tpu.memory_space<hbm>> -> memref<1024xf32, #tpu.memory_space<hbm>>
        %dma_start3A_511 = arith.constant 12288 : i32
        %dma_start3A_512 = tpu.memref_slice %arg8[%dma_start3A_511] : memref<20480xf32, #tpu.memory_space<vmem>> -> memref<1024xf32, #tpu.memory_space<vmem>>
        %dma_start3A_513 = tpu.memref_slice %arg3[%add3A_507] : memref<5242880xf32, #tpu.memory_space<hbm>> -> memref<1024xf32, #tpu.memory_space<hbm>>
        tpu.enqueue_dma source(%dma_start3A_513 : memref<1024xf32, #tpu.memory_space<hbm>>) target(%dma_start3A_512 : memref<1024xf32, #tpu.memory_space<vmem>>) target_semaphore(%arg11 : memref<!tpu.dma_semaphore, #tpu.memory_space<semaphore_mem>>)
        %add3A_514 = arith.constant 1572864 : i32
        %add3A_515 = arith.addi %add3A_514, %mul3A_417 : i32
        %dma_start3A_516 = arith.constant 13312 : i32
        %dma_start3A_517 = tpu.memref_slice %arg8[%dma_start3A_516] : memref<20480xf32, #tpu.memory_space<vmem>> -> memref<1024xf32, #tpu.memory_space<vmem>>
        %dma_start3A_518 = tpu.memref_slice %arg3[%add3A_515] : memref<5242880xf32, #tpu.memory_space<hbm>> -> memref<1024xf32, #tpu.memory_space<hbm>>
        %dma_start3A_519 = arith.constant 13312 : i32
        %dma_start3A_520 = tpu.memref_slice %arg8[%dma_start3A_519] : memref<20480xf32, #tpu.memory_space<vmem>> -> memref<1024xf32, #tpu.memory_space<vmem>>
        %dma_start3A_521 = tpu.memref_slice %arg3[%add3A_515] : memref<5242880xf32, #tpu.memory_space<hbm>> -> memref<1024xf32, #tpu.memory_space<hbm>>
        tpu.enqueue_dma source(%dma_start3A_521 : memref<1024xf32, #tpu.memory_space<hbm>>) target(%dma_start3A_520 : memref<1024xf32, #tpu.memory_space<vmem>>) target_semaphore(%arg11 : memref<!tpu.dma_semaphore, #tpu.memory_space<semaphore_mem>>)
        %add3A_522 = arith.constant 2097152 : i32
        %add3A_523 = arith.addi %add3A_522, %mul3A_417 : i32
        %dma_start3A_524 = arith.constant 14336 : i32
        %dma_start3A_525 = tpu.memref_slice %arg8[%dma_start3A_524] : memref<20480xf32, #tpu.memory_space<vmem>> -> memref<1024xf32, #tpu.memory_space<vmem>>
        %dma_start3A_526 = tpu.memref_slice %arg3[%add3A_523] : memref<5242880xf32, #tpu.memory_space<hbm>> -> memref<1024xf32, #tpu.memory_space<hbm>>
        %dma_start3A_527 = arith.constant 14336 : i32
        %dma_start3A_528 = tpu.memref_slice %arg8[%dma_start3A_527] : memref<20480xf32, #tpu.memory_space<vmem>> -> memref<1024xf32, #tpu.memory_space<vmem>>
        %dma_start3A_529 = tpu.memref_slice %arg3[%add3A_523] : memref<5242880xf32, #tpu.memory_space<hbm>> -> memref<1024xf32, #tpu.memory_space<hbm>>
        tpu.enqueue_dma source(%dma_start3A_529 : memref<1024xf32, #tpu.memory_space<hbm>>) target(%dma_start3A_528 : memref<1024xf32, #tpu.memory_space<vmem>>) target_semaphore(%arg11 : memref<!tpu.dma_semaphore, #tpu.memory_space<semaphore_mem>>)
        %add3A_530 = arith.constant 2621440 : i32
        %add3A_531 = arith.addi %add3A_530, %mul3A_417 : i32
        %dma_start3A_532 = arith.constant 15360 : i32
        %dma_start3A_533 = tpu.memref_slice %arg8[%dma_start3A_532] : memref<20480xf32, #tpu.memory_space<vmem>> -> memref<1024xf32, #tpu.memory_space<vmem>>
        %dma_start3A_534 = tpu.memref_slice %arg3[%add3A_531] : memref<5242880xf32, #tpu.memory_space<hbm>> -> memref<1024xf32, #tpu.memory_space<hbm>>
        %dma_start3A_535 = arith.constant 15360 : i32
        %dma_start3A_536 = tpu.memref_slice %arg8[%dma_start3A_535] : memref<20480xf32, #tpu.memory_space<vmem>> -> memref<1024xf32, #tpu.memory_space<vmem>>
        %dma_start3A_537 = tpu.memref_slice %arg3[%add3A_531] : memref<5242880xf32, #tpu.memory_space<hbm>> -> memref<1024xf32, #tpu.memory_space<hbm>>
        tpu.enqueue_dma source(%dma_start3A_537 : memref<1024xf32, #tpu.memory_space<hbm>>) target(%dma_start3A_536 : memref<1024xf32, #tpu.memory_space<vmem>>) target_semaphore(%arg11 : memref<!tpu.dma_semaphore, #tpu.memory_space<semaphore_mem>>)
        %add3A_538 = arith.constant 3145728 : i32
        %add3A_539 = arith.addi %add3A_538, %mul3A_417 : i32
        %dma_start3A_540 = arith.constant 16384 : i32
        %dma_start3A_541 = tpu.memref_slice %arg8[%dma_start3A_540] : memref<20480xf32, #tpu.memory_space<vmem>> -> memref<1024xf32, #tpu.memory_space<vmem>>
        %dma_start3A_542 = tpu.memref_slice %arg3[%add3A_539] : memref<5242880xf32, #tpu.memory_space<hbm>> -> memref<1024xf32, #tpu.memory_space<hbm>>
        %dma_start3A_543 = arith.constant 16384 : i32
        %dma_start3A_544 = tpu.memref_slice %arg8[%dma_start3A_543] : memref<20480xf32, #tpu.memory_space<vmem>> -> memref<1024xf32, #tpu.memory_space<vmem>>
        %dma_start3A_545 = tpu.memref_slice %arg3[%add3A_539] : memref<5242880xf32, #tpu.memory_space<hbm>> -> memref<1024xf32, #tpu.memory_space<hbm>>
        tpu.enqueue_dma source(%dma_start3A_545 : memref<1024xf32, #tpu.memory_space<hbm>>) target(%dma_start3A_544 : memref<1024xf32, #tpu.memory_space<vmem>>) target_semaphore(%arg11 : memref<!tpu.dma_semaphore, #tpu.memory_space<semaphore_mem>>)
        %add3A_546 = arith.constant 3670016 : i32
        %add3A_547 = arith.addi %add3A_546, %mul3A_417 : i32
        %dma_start3A_548 = arith.constant 17408 : i32
        %dma_start3A_549 = tpu.memref_slice %arg8[%dma_start3A_548] : memref<20480xf32, #tpu.memory_space<vmem>> -> memref<1024xf32, #tpu.memory_space<vmem>>
        %dma_start3A_550 = tpu.memref_slice %arg3[%add3A_547] : memref<5242880xf32, #tpu.memory_space<hbm>> -> memref<1024xf32, #tpu.memory_space<hbm>>
        %dma_start3A_551 = arith.constant 17408 : i32
        %dma_start3A_552 = tpu.memref_slice %arg8[%dma_start3A_551] : memref<20480xf32, #tpu.memory_space<vmem>> -> memref<1024xf32, #tpu.memory_space<vmem>>
        %dma_start3A_553 = tpu.memref_slice %arg3[%add3A_547] : memref<5242880xf32, #tpu.memory_space<hbm>> -> memref<1024xf32, #tpu.memory_space<hbm>>
        tpu.enqueue_dma source(%dma_start3A_553 : memref<1024xf32, #tpu.memory_space<hbm>>) target(%dma_start3A_552 : memref<1024xf32, #tpu.memory_space<vmem>>) target_semaphore(%arg11 : memref<!tpu.dma_semaphore, #tpu.memory_space<semaphore_mem>>)
        %add3A_554 = arith.constant 4194304 : i32
        %add3A_555 = arith.addi %add3A_554, %mul3A_417 : i32
        %dma_start3A_556 = arith.constant 18432 : i32
        %dma_start3A_557 = tpu.memref_slice %arg8[%dma_start3A_556] : memref<20480xf32, #tpu.memory_space<vmem>> -> memref<1024xf32, #tpu.memory_space<vmem>>
        %dma_start3A_558 = tpu.memref_slice %arg3[%add3A_555] : memref<5242880xf32, #tpu.memory_space<hbm>> -> memref<1024xf32, #tpu.memory_space<hbm>>
        %dma_start3A_559 = arith.constant 18432 : i32
        %dma_start3A_560 = tpu.memref_slice %arg8[%dma_start3A_559] : memref<20480xf32, #tpu.memory_space<vmem>> -> memref<1024xf32, #tpu.memory_space<vmem>>
        %dma_start3A_561 = tpu.memref_slice %arg3[%add3A_555] : memref<5242880xf32, #tpu.memory_space<hbm>> -> memref<1024xf32, #tpu.memory_space<hbm>>
        tpu.enqueue_dma source(%dma_start3A_561 : memref<1024xf32, #tpu.memory_space<hbm>>) target(%dma_start3A_560 : memref<1024xf32, #tpu.memory_space<vmem>>) target_semaphore(%arg11 : memref<!tpu.dma_semaphore, #tpu.memory_space<semaphore_mem>>)
        %add3A_562 = arith.constant 4718592 : i32
        %add3A_563 = arith.addi %add3A_562, %mul3A_417 : i32
        %dma_start3A_564 = arith.constant 19456 : i32
        %dma_start3A_565 = tpu.memref_slice %arg8[%dma_start3A_564] : memref<20480xf32, #tpu.memory_space<vmem>> -> memref<1024xf32, #tpu.memory_space<vmem>>
        %dma_start3A_566 = tpu.memref_slice %arg3[%add3A_563] : memref<5242880xf32, #tpu.memory_space<hbm>> -> memref<1024xf32, #tpu.memory_space<hbm>>
        %dma_start3A_567 = arith.constant 19456 : i32
        %dma_start3A_568 = tpu.memref_slice %arg8[%dma_start3A_567] : memref<20480xf32, #tpu.memory_space<vmem>> -> memref<1024xf32, #tpu.memory_space<vmem>>
        %dma_start3A_569 = tpu.memref_slice %arg3[%add3A_563] : memref<5242880xf32, #tpu.memory_space<hbm>> -> memref<1024xf32, #tpu.memory_space<hbm>>
        tpu.enqueue_dma source(%dma_start3A_569 : memref<1024xf32, #tpu.memory_space<hbm>>) target(%dma_start3A_568 : memref<1024xf32, #tpu.memory_space<vmem>>) target_semaphore(%arg11 : memref<!tpu.dma_semaphore, #tpu.memory_space<semaphore_mem>>)
      } else {
      }
      %dma_wait3A_209 = arith.constant 0 : i32
      %dma_wait3A_210 = tpu.memref_slice %arg7[%dma_wait3A_209] : memref<18432xi32, #tpu.memory_space<vmem>> -> memref<9216xi32, #tpu.memory_space<vmem>>
      %dma_wait3A_211 = arith.constant 0 : i32
      %dma_wait3A_212 = tpu.memref_slice %arg2[%dma_wait3A_211] : memref<4718592xi32, #tpu.memory_space<hbm>> -> memref<9216xi32, #tpu.memory_space<hbm>>
      %dma_wait3A_213 = arith.constant 0 : i32
      %dma_wait3A_214 = tpu.memref_slice %arg7[%dma_wait3A_213] : memref<18432xi32, #tpu.memory_space<vmem>> -> memref<9216xi32, #tpu.memory_space<vmem>>
      %dma_wait3A_215 = arith.constant 0 : i32
      %dma_wait3A_216 = tpu.memref_slice %arg2[%dma_wait3A_215] : memref<4718592xi32, #tpu.memory_space<hbm>> -> memref<9216xi32, #tpu.memory_space<hbm>>
      tpu.wait_dma2 semaphore(%arg10 : memref<!tpu.dma_semaphore, #tpu.memory_space<semaphore_mem>>) src(%dma_wait3A_216 : memref<9216xi32, #tpu.memory_space<hbm>>) dst(%dma_wait3A_214 : memref<9216xi32, #tpu.memory_space<vmem>>)
      %dma_wait3A_217 = arith.constant 0 : i32
      %dma_wait3A_218 = tpu.memref_slice %arg8[%dma_wait3A_217] : memref<20480xf32, #tpu.memory_space<vmem>> -> memref<10240xf32, #tpu.memory_space<vmem>>
      %dma_wait3A_219 = arith.constant 0 : i32
      %dma_wait3A_220 = tpu.memref_slice %arg3[%dma_wait3A_219] : memref<5242880xf32, #tpu.memory_space<hbm>> -> memref<10240xf32, #tpu.memory_space<hbm>>
      %dma_wait3A_221 = arith.constant 0 : i32
      %dma_wait3A_222 = tpu.memref_slice %arg8[%dma_wait3A_221] : memref<20480xf32, #tpu.memory_space<vmem>> -> memref<10240xf32, #tpu.memory_space<vmem>>
      %dma_wait3A_223 = arith.constant 0 : i32
      %dma_wait3A_224 = tpu.memref_slice %arg3[%dma_wait3A_223] : memref<5242880xf32, #tpu.memory_space<hbm>> -> memref<10240xf32, #tpu.memory_space<hbm>>
      tpu.wait_dma2 semaphore(%arg10 : memref<!tpu.dma_semaphore, #tpu.memory_space<semaphore_mem>>) src(%dma_wait3A_224 : memref<10240xf32, #tpu.memory_space<hbm>>) dst(%dma_wait3A_222 : memref<10240xf32, #tpu.memory_space<vmem>>)
      %gt3A = arith.constant 0 : i32
      %gt3A_225 = arith.cmpi sgt, %scan3A_200, %gt3A : i32
      %convert_element_type3A_226 = arith.extui %gt3A_225 : i1 to i32
      %cond3A_227 = arith.constant 0 : i32
      %cond3A_228 = arith.cmpi ne, %convert_element_type3A_226, %cond3A_227 : i32
      scf.if %cond3A_228 {
        %dma_wait3A_411 = arith.constant 0 : i32
        %dma_wait3A_412 = tpu.memref_slice %arg9[%dma_wait3A_411] : memref<16384xf32, #tpu.memory_space<vmem>> -> memref<8192xf32, #tpu.memory_space<vmem>>
        %dma_wait3A_413 = arith.constant 0 : i32
        %dma_wait3A_414 = tpu.memref_slice %arg2[%dma_wait3A_413] : memref<4718592xi32, #tpu.memory_space<hbm>> -> memref<8192xi32, #tpu.memory_space<hbm>>
        %dma_wait3A_415 = arith.constant 0 : i32
        %dma_wait3A_416 = tpu.memref_slice %arg9[%dma_wait3A_415] : memref<16384xf32, #tpu.memory_space<vmem>> -> memref<8192xf32, #tpu.memory_space<vmem>>
        %dma_wait3A_417 = arith.constant 0 : i32
        %dma_wait3A_418 = tpu.memref_slice %arg2[%dma_wait3A_417] : memref<4718592xi32, #tpu.memory_space<hbm>> -> memref<8192xi32, #tpu.memory_space<hbm>>
        tpu.wait_dma2 semaphore(%arg12 : memref<!tpu.dma_semaphore, #tpu.memory_space<semaphore_mem>>) src(%dma_wait3A_418 : memref<8192xi32, #tpu.memory_space<hbm>>) dst(%dma_wait3A_416 : memref<8192xf32, #tpu.memory_space<vmem>>)
      } else {
      }
      %scan3A_229 = arith.constant 0 : i32
      %scan3A_230 = arith.constant 0 : i32
      %scan3A_231 = arith.constant 32 : i32
      %scan3A_232 = arith.addi %scan3A_230, %scan3A_231 : i32
      %scan3A_233 = arith.constant 1 : i32
      scf.for %scan3A_411 = %scan3A_230 to %scan3A_232 step %scan3A_233  : i32 {
        %mul3A_412 = arith.constant 32 : i32
        %mul3A_413 = arith.muli %scan3A_411, %mul3A_412 : i32
        %add3A_414 = arith.constant 0 : i32
        %add3A_415 = arith.addi %mul3A_413, %add3A_414 : i32
        %add3A_416 = arith.constant 0 : i32
        %add3A_417 = arith.addi %add3A_416, %add3A_415 : i32
        %get3A = arith.index_cast %add3A_417 : i32 to index
        %get3A_418 = tpu.vector_load %arg7[%get3A] {strides = array<i32>} : memref<18432xi32, #tpu.memory_space<vmem>>, vector<16xi32>,
        %add3A_419 = arith.constant 0 : i32
        %add3A_420 = arith.addi %add3A_419, %add3A_415 : i32
        %get3A_421 = arith.index_cast %add3A_420 : i32 to index
        %get3A_422 = tpu.vector_load %arg8[%get3A_421] {strides = array<i32>} : memref<20480xf32, #tpu.memory_space<vmem>>, vector<16xf32>,
        %add3A_423 = arith.constant 0 : i32
        %add3A_424 = vector.broadcast %add3A_423 : i32 to vector<16xi32>
        %add3A_425 = arith.addi %get3A_418, %add3A_424 : vector<16xi32>
        %gather3A_426 = tpu.vector_load_idx %arg6[%add3A_425] : memref<9216xf32, #tpu.memory_space<vmem>>[vector<16xi32>], vector<16xf32>,
        %mul3A_427 = arith.mulf %get3A_422, %gather3A_426 : vector<16xf32>
        %add3A_428 = arith.constant 1 : i32
        %add3A_429 = vector.broadcast %add3A_428 : i32 to vector<16xi32>
        %add3A_430 = arith.addi %get3A_418, %add3A_429 : vector<16xi32>
        %gather3A_431 = tpu.vector_load_idx %arg6[%add3A_430] : memref<9216xf32, #tpu.memory_space<vmem>>[vector<16xi32>], vector<16xf32>,
        %mul3A_432 = arith.mulf %get3A_422, %gather3A_431 : vector<16xf32>
        %add3A_433 = arith.constant 2 : i32
        %add3A_434 = vector.broadcast %add3A_433 : i32 to vector<16xi32>
        %add3A_435 = arith.addi %get3A_418, %add3A_434 : vector<16xi32>
        %gather3A_436 = tpu.vector_load_idx %arg6[%add3A_435] : memref<9216xf32, #tpu.memory_space<vmem>>[vector<16xi32>], vector<16xf32>,
        %mul3A_437 = arith.mulf %get3A_422, %gather3A_436 : vector<16xf32>
        %add3A_438 = arith.constant 3 : i32
        %add3A_439 = vector.broadcast %add3A_438 : i32 to vector<16xi32>
        %add3A_440 = arith.addi %get3A_418, %add3A_439 : vector<16xi32>
        %gather3A_441 = tpu.vector_load_idx %arg6[%add3A_440] : memref<9216xf32, #tpu.memory_space<vmem>>[vector<16xi32>], vector<16xf32>,
        %mul3A_442 = arith.mulf %get3A_422, %gather3A_441 : vector<16xf32>
        %add3A_443 = arith.constant 4 : i32
        %add3A_444 = vector.broadcast %add3A_443 : i32 to vector<16xi32>
        %add3A_445 = arith.addi %get3A_418, %add3A_444 : vector<16xi32>
        %gather3A_446 = tpu.vector_load_idx %arg6[%add3A_445] : memref<9216xf32, #tpu.memory_space<vmem>>[vector<16xi32>], vector<16xf32>,
        %mul3A_447 = arith.mulf %get3A_422, %gather3A_446 : vector<16xf32>
        %add3A_448 = arith.constant 5 : i32
        %add3A_449 = vector.broadcast %add3A_448 : i32 to vector<16xi32>
        %add3A_450 = arith.addi %get3A_418, %add3A_449 : vector<16xi32>
        %gather3A_451 = tpu.vector_load_idx %arg6[%add3A_450] : memref<9216xf32, #tpu.memory_space<vmem>>[vector<16xi32>], vector<16xf32>,
        %mul3A_452 = arith.mulf %get3A_422, %gather3A_451 : vector<16xf32>
        %add3A_453 = arith.constant 6 : i32
        %add3A_454 = vector.broadcast %add3A_453 : i32 to vector<16xi32>
        %add3A_455 = arith.addi %get3A_418, %add3A_454 : vector<16xi32>
        %gather3A_456 = tpu.vector_load_idx %arg6[%add3A_455] : memref<9216xf32, #tpu.memory_space<vmem>>[vector<16xi32>], vector<16xf32>,
        %mul3A_457 = arith.mulf %get3A_422, %gather3A_456 : vector<16xf32>
        %add3A_458 = arith.constant 7 : i32
        %add3A_459 = vector.broadcast %add3A_458 : i32 to vector<16xi32>
        %add3A_460 = arith.addi %get3A_418, %add3A_459 : vector<16xi32>
        %gather3A_461 = tpu.vector_load_idx %arg6[%add3A_460] : memref<9216xf32, #tpu.memory_space<vmem>>[vector<16xi32>], vector<16xf32>,
        %mul3A_462 = arith.mulf %get3A_422, %gather3A_461 : vector<16xf32>
        %add3A_463 = arith.constant 1024 : i32
        %add3A_464 = arith.addi %add3A_463, %add3A_415 : i32
        %get3A_465 = arith.index_cast %add3A_464 : i32 to index
        %get3A_466 = tpu.vector_load %arg7[%get3A_465] {strides = array<i32>} : memref<18432xi32, #tpu.memory_space<vmem>>, vector<16xi32>,
        %add3A_467 = arith.constant 1024 : i32
        %add3A_468 = arith.addi %add3A_467, %add3A_415 : i32
        %get3A_469 = arith.index_cast %add3A_468 : i32 to index
        %get3A_470 = tpu.vector_load %arg8[%get3A_469] {strides = array<i32>} : memref<20480xf32, #tpu.memory_space<vmem>>, vector<16xf32>,
        %add3A_471 = arith.constant 0 : i32
        %add3A_472 = vector.broadcast %add3A_471 : i32 to vector<16xi32>
        %add3A_473 = arith.addi %get3A_466, %add3A_472 : vector<16xi32>
        %gather3A_474 = tpu.vector_load_idx %arg6[%add3A_473] : memref<9216xf32, #tpu.memory_space<vmem>>[vector<16xi32>], vector<16xf32>,
        %mul3A_475 = arith.mulf %get3A_470, %gather3A_474 : vector<16xf32>
        %add3A_476 = arith.addf %mul3A_427, %mul3A_475 : vector<16xf32>
        %add3A_477 = arith.constant 1 : i32
        %add3A_478 = vector.broadcast %add3A_477 : i32 to vector<16xi32>
        %add3A_479 = arith.addi %get3A_466, %add3A_478 : vector<16xi32>
        %gather3A_480 = tpu.vector_load_idx %arg6[%add3A_479] : memref<9216xf32, #tpu.memory_space<vmem>>[vector<16xi32>], vector<16xf32>,
        %mul3A_481 = arith.mulf %get3A_470, %gather3A_480 : vector<16xf32>
        %add3A_482 = arith.addf %mul3A_432, %mul3A_481 : vector<16xf32>
        %add3A_483 = arith.constant 2 : i32
        %add3A_484 = vector.broadcast %add3A_483 : i32 to vector<16xi32>
        %add3A_485 = arith.addi %get3A_466, %add3A_484 : vector<16xi32>
        %gather3A_486 = tpu.vector_load_idx %arg6[%add3A_485] : memref<9216xf32, #tpu.memory_space<vmem>>[vector<16xi32>], vector<16xf32>,
        %mul3A_487 = arith.mulf %get3A_470, %gather3A_486 : vector<16xf32>
        %add3A_488 = arith.addf %mul3A_437, %mul3A_487 : vector<16xf32>
        %add3A_489 = arith.constant 3 : i32
        %add3A_490 = vector.broadcast %add3A_489 : i32 to vector<16xi32>
        %add3A_491 = arith.addi %get3A_466, %add3A_490 : vector<16xi32>
        %gather3A_492 = tpu.vector_load_idx %arg6[%add3A_491] : memref<9216xf32, #tpu.memory_space<vmem>>[vector<16xi32>], vector<16xf32>,
        %mul3A_493 = arith.mulf %get3A_470, %gather3A_492 : vector<16xf32>
        %add3A_494 = arith.addf %mul3A_442, %mul3A_493 : vector<16xf32>
        %add3A_495 = arith.constant 4 : i32
        %add3A_496 = vector.broadcast %add3A_495 : i32 to vector<16xi32>
        %add3A_497 = arith.addi %get3A_466, %add3A_496 : vector<16xi32>
        %gather3A_498 = tpu.vector_load_idx %arg6[%add3A_497] : memref<9216xf32, #tpu.memory_space<vmem>>[vector<16xi32>], vector<16xf32>,
        %mul3A_499 = arith.mulf %get3A_470, %gather3A_498 : vector<16xf32>
        %add3A_500 = arith.addf %mul3A_447, %mul3A_499 : vector<16xf32>
        %add3A_501 = arith.constant 5 : i32
        %add3A_502 = vector.broadcast %add3A_501 : i32 to vector<16xi32>
        %add3A_503 = arith.addi %get3A_466, %add3A_502 : vector<16xi32>
        %gather3A_504 = tpu.vector_load_idx %arg6[%add3A_503] : memref<9216xf32, #tpu.memory_space<vmem>>[vector<16xi32>], vector<16xf32>,
        %mul3A_505 = arith.mulf %get3A_470, %gather3A_504 : vector<16xf32>
        %add3A_506 = arith.addf %mul3A_452, %mul3A_505 : vector<16xf32>
        %add3A_507 = arith.constant 6 : i32
        %add3A_508 = vector.broadcast %add3A_507 : i32 to vector<16xi32>
        %add3A_509 = arith.addi %get3A_466, %add3A_508 : vector<16xi32>
        %gather3A_510 = tpu.vector_load_idx %arg6[%add3A_509] : memref<9216xf32, #tpu.memory_space<vmem>>[vector<16xi32>], vector<16xf32>,
        %mul3A_511 = arith.mulf %get3A_470, %gather3A_510 : vector<16xf32>
        %add3A_512 = arith.addf %mul3A_457, %mul3A_511 : vector<16xf32>
        %add3A_513 = arith.constant 7 : i32
        %add3A_514 = vector.broadcast %add3A_513 : i32 to vector<16xi32>
        %add3A_515 = arith.addi %get3A_466, %add3A_514 : vector<16xi32>
        %gather3A_516 = tpu.vector_load_idx %arg6[%add3A_515] : memref<9216xf32, #tpu.memory_space<vmem>>[vector<16xi32>], vector<16xf32>,
        %mul3A_517 = arith.mulf %get3A_470, %gather3A_516 : vector<16xf32>
        %add3A_518 = arith.addf %mul3A_462, %mul3A_517 : vector<16xf32>
        %add3A_519 = arith.constant 2048 : i32
        %add3A_520 = arith.addi %add3A_519, %add3A_415 : i32
        %get3A_521 = arith.index_cast %add3A_520 : i32 to index
        %get3A_522 = tpu.vector_load %arg7[%get3A_521] {strides = array<i32>} : memref<18432xi32, #tpu.memory_space<vmem>>, vector<16xi32>,
        %add3A_523 = arith.constant 2048 : i32
        %add3A_524 = arith.addi %add3A_523, %add3A_415 : i32
        %get3A_525 = arith.index_cast %add3A_524 : i32 to index
        %get3A_526 = tpu.vector_load %arg8[%get3A_525] {strides = array<i32>} : memref<20480xf32, #tpu.memory_space<vmem>>, vector<16xf32>,
        %add3A_527 = arith.constant 0 : i32
        %add3A_528 = vector.broadcast %add3A_527 : i32 to vector<16xi32>
        %add3A_529 = arith.addi %get3A_522, %add3A_528 : vector<16xi32>
        %gather3A_530 = tpu.vector_load_idx %arg6[%add3A_529] : memref<9216xf32, #tpu.memory_space<vmem>>[vector<16xi32>], vector<16xf32>,
        %mul3A_531 = arith.mulf %get3A_526, %gather3A_530 : vector<16xf32>
        %add3A_532 = arith.addf %add3A_476, %mul3A_531 : vector<16xf32>
        %add3A_533 = arith.constant 1 : i32
        %add3A_534 = vector.broadcast %add3A_533 : i32 to vector<16xi32>
        %add3A_535 = arith.addi %get3A_522, %add3A_534 : vector<16xi32>
        %gather3A_536 = tpu.vector_load_idx %arg6[%add3A_535] : memref<9216xf32, #tpu.memory_space<vmem>>[vector<16xi32>], vector<16xf32>,
        %mul3A_537 = arith.mulf %get3A_526, %gather3A_536 : vector<16xf32>
        %add3A_538 = arith.addf %add3A_482, %mul3A_537 : vector<16xf32>
        %add3A_539 = arith.constant 2 : i32
        %add3A_540 = vector.broadcast %add3A_539 : i32 to vector<16xi32>
        %add3A_541 = arith.addi %get3A_522, %add3A_540 : vector<16xi32>
        %gather3A_542 = tpu.vector_load_idx %arg6[%add3A_541] : memref<9216xf32, #tpu.memory_space<vmem>>[vector<16xi32>], vector<16xf32>,
        %mul3A_543 = arith.mulf %get3A_526, %gather3A_542 : vector<16xf32>
        %add3A_544 = arith.addf %add3A_488, %mul3A_543 : vector<16xf32>
        %add3A_545 = arith.constant 3 : i32
        %add3A_546 = vector.broadcast %add3A_545 : i32 to vector<16xi32>
        %add3A_547 = arith.addi %get3A_522, %add3A_546 : vector<16xi32>
        %gather3A_548 = tpu.vector_load_idx %arg6[%add3A_547] : memref<9216xf32, #tpu.memory_space<vmem>>[vector<16xi32>], vector<16xf32>,
        %mul3A_549 = arith.mulf %get3A_526, %gather3A_548 : vector<16xf32>
        %add3A_550 = arith.addf %add3A_494, %mul3A_549 : vector<16xf32>
        %add3A_551 = arith.constant 4 : i32
        %add3A_552 = vector.broadcast %add3A_551 : i32 to vector<16xi32>
        %add3A_553 = arith.addi %get3A_522, %add3A_552 : vector<16xi32>
        %gather3A_554 = tpu.vector_load_idx %arg6[%add3A_553] : memref<9216xf32, #tpu.memory_space<vmem>>[vector<16xi32>], vector<16xf32>,
        %mul3A_555 = arith.mulf %get3A_526, %gather3A_554 : vector<16xf32>
        %add3A_556 = arith.addf %add3A_500, %mul3A_555 : vector<16xf32>
        %add3A_557 = arith.constant 5 : i32
        %add3A_558 = vector.broadcast %add3A_557 : i32 to vector<16xi32>
        %add3A_559 = arith.addi %get3A_522, %add3A_558 : vector<16xi32>
        %gather3A_560 = tpu.vector_load_idx %arg6[%add3A_559] : memref<9216xf32, #tpu.memory_space<vmem>>[vector<16xi32>], vector<16xf32>,
        %mul3A_561 = arith.mulf %get3A_526, %gather3A_560 : vector<16xf32>
        %add3A_562 = arith.addf %add3A_506, %mul3A_561 : vector<16xf32>
        %add3A_563 = arith.constant 6 : i32
        %add3A_564 = vector.broadcast %add3A_563 : i32 to vector<16xi32>
        %add3A_565 = arith.addi %get3A_522, %add3A_564 : vector<16xi32>
        %gather3A_566 = tpu.vector_load_idx %arg6[%add3A_565] : memref<9216xf32, #tpu.memory_space<vmem>>[vector<16xi32>], vector<16xf32>,
        %mul3A_567 = arith.mulf %get3A_526, %gather3A_566 : vector<16xf32>
        %add3A_568 = arith.addf %add3A_512, %mul3A_567 : vector<16xf32>
        %add3A_569 = arith.constant 7 : i32
        %add3A_570 = vector.broadcast %add3A_569 : i32 to vector<16xi32>
        %add3A_571 = arith.addi %get3A_522, %add3A_570 : vector<16xi32>
        %gather3A_572 = tpu.vector_load_idx %arg6[%add3A_571] : memref<9216xf32, #tpu.memory_space<vmem>>[vector<16xi32>], vector<16xf32>,
        %mul3A_573 = arith.mulf %get3A_526, %gather3A_572 : vector<16xf32>
        %add3A_574 = arith.addf %add3A_518, %mul3A_573 : vector<16xf32>
        %add3A_575 = arith.constant 3072 : i32
        %add3A_576 = arith.addi %add3A_575, %add3A_415 : i32
        %get3A_577 = arith.index_cast %add3A_576 : i32 to index
        %get3A_578 = tpu.vector_load %arg7[%get3A_577] {strides = array<i32>} : memref<18432xi32, #tpu.memory_space<vmem>>, vector<16xi32>,
        %add3A_579 = arith.constant 3072 : i32
        %add3A_580 = arith.addi %add3A_579, %add3A_415 : i32
        %get3A_581 = arith.index_cast %add3A_580 : i32 to index
        %get3A_582 = tpu.vector_load %arg8[%get3A_581] {strides = array<i32>} : memref<20480xf32, #tpu.memory_space<vmem>>, vector<16xf32>,
        %add3A_583 = arith.constant 0 : i32
        %add3A_584 = vector.broadcast %add3A_583 : i32 to vector<16xi32>
        %add3A_585 = arith.addi %get3A_578, %add3A_584 : vector<16xi32>
        %gather3A_586 = tpu.vector_load_idx %arg6[%add3A_585] : memref<9216xf32, #tpu.memory_space<vmem>>[vector<16xi32>], vector<16xf32>,
        %mul3A_587 = arith.mulf %get3A_582, %gather3A_586 : vector<16xf32>
        %add3A_588 = arith.addf %add3A_532, %mul3A_587 : vector<16xf32>
        %add3A_589 = arith.constant 1 : i32
        %add3A_590 = vector.broadcast %add3A_589 : i32 to vector<16xi32>
        %add3A_591 = arith.addi %get3A_578, %add3A_590 : vector<16xi32>
        %gather3A_592 = tpu.vector_load_idx %arg6[%add3A_591] : memref<9216xf32, #tpu.memory_space<vmem>>[vector<16xi32>], vector<16xf32>,
        %mul3A_593 = arith.mulf %get3A_582, %gather3A_592 : vector<16xf32>
        %add3A_594 = arith.addf %add3A_538, %mul3A_593 : vector<16xf32>
        %add3A_595 = arith.constant 2 : i32
        %add3A_596 = vector.broadcast %add3A_595 : i32 to vector<16xi32>
        %add3A_597 = arith.addi %get3A_578, %add3A_596 : vector<16xi32>
        %gather3A_598 = tpu.vector_load_idx %arg6[%add3A_597] : memref<9216xf32, #tpu.memory_space<vmem>>[vector<16xi32>], vector<16xf32>,
        %mul3A_599 = arith.mulf %get3A_582, %gather3A_598 : vector<16xf32>
        %add3A_600 = arith.addf %add3A_544, %mul3A_599 : vector<16xf32>
        %add3A_601 = arith.constant 3 : i32
        %add3A_602 = vector.broadcast %add3A_601 : i32 to vector<16xi32>
        %add3A_603 = arith.addi %get3A_578, %add3A_602 : vector<16xi32>
        %gather3A_604 = tpu.vector_load_idx %arg6[%add3A_603] : memref<9216xf32, #tpu.memory_space<vmem>>[vector<16xi32>], vector<16xf32>,
        %mul3A_605 = arith.mulf %get3A_582, %gather3A_604 : vector<16xf32>
        %add3A_606 = arith.addf %add3A_550, %mul3A_605 : vector<16xf32>
        %add3A_607 = arith.constant 4 : i32
        %add3A_608 = vector.broadcast %add3A_607 : i32 to vector<16xi32>
        %add3A_609 = arith.addi %get3A_578, %add3A_608 : vector<16xi32>
        %gather3A_610 = tpu.vector_load_idx %arg6[%add3A_609] : memref<9216xf32, #tpu.memory_space<vmem>>[vector<16xi32>], vector<16xf32>,
        %mul3A_611 = arith.mulf %get3A_582, %gather3A_610 : vector<16xf32>
        %add3A_612 = arith.addf %add3A_556, %mul3A_611 : vector<16xf32>
        %add3A_613 = arith.constant 5 : i32
        %add3A_614 = vector.broadcast %add3A_613 : i32 to vector<16xi32>
        %add3A_615 = arith.addi %get3A_578, %add3A_614 : vector<16xi32>
        %gather3A_616 = tpu.vector_load_idx %arg6[%add3A_615] : memref<9216xf32, #tpu.memory_space<vmem>>[vector<16xi32>], vector<16xf32>,
        %mul3A_617 = arith.mulf %get3A_582, %gather3A_616 : vector<16xf32>
        %add3A_618 = arith.addf %add3A_562, %mul3A_617 : vector<16xf32>
        %add3A_619 = arith.constant 6 : i32
        %add3A_620 = vector.broadcast %add3A_619 : i32 to vector<16xi32>
        %add3A_621 = arith.addi %get3A_578, %add3A_620 : vector<16xi32>
        %gather3A_622 = tpu.vector_load_idx %arg6[%add3A_621] : memref<9216xf32, #tpu.memory_space<vmem>>[vector<16xi32>], vector<16xf32>,
        %mul3A_623 = arith.mulf %get3A_582, %gather3A_622 : vector<16xf32>
        %add3A_624 = arith.addf %add3A_568, %mul3A_623 : vector<16xf32>
        %add3A_625 = arith.constant 7 : i32
        %add3A_626 = vector.broadcast %add3A_625 : i32 to vector<16xi32>
        %add3A_627 = arith.addi %get3A_578, %add3A_626 : vector<16xi32>
        %gather3A_628 = tpu.vector_load_idx %arg6[%add3A_627] : memref<9216xf32, #tpu.memory_space<vmem>>[vector<16xi32>], vector<16xf32>,
        %mul3A_629 = arith.mulf %get3A_582, %gather3A_628 : vector<16xf32>
        %add3A_630 = arith.addf %add3A_574, %mul3A_629 : vector<16xf32>
        %add3A_631 = arith.constant 4096 : i32
        %add3A_632 = arith.addi %add3A_631, %add3A_415 : i32
        %get3A_633 = arith.index_cast %add3A_632 : i32 to index
        %get3A_634 = tpu.vector_load %arg7[%get3A_633] {strides = array<i32>} : memref<18432xi32, #tpu.memory_space<vmem>>, vector<16xi32>,
        %add3A_635 = arith.constant 4096 : i32
        %add3A_636 = arith.addi %add3A_635, %add3A_415 : i32
        %get3A_637 = arith.index_cast %add3A_636 : i32 to index
        %get3A_638 = tpu.vector_load %arg8[%get3A_637] {strides = array<i32>} : memref<20480xf32, #tpu.memory_space<vmem>>, vector<16xf32>,
        %add3A_639 = arith.constant 0 : i32
        %add3A_640 = vector.broadcast %add3A_639 : i32 to vector<16xi32>
        %add3A_641 = arith.addi %get3A_634, %add3A_640 : vector<16xi32>
        %gather3A_642 = tpu.vector_load_idx %arg6[%add3A_641] : memref<9216xf32, #tpu.memory_space<vmem>>[vector<16xi32>], vector<16xf32>,
        %mul3A_643 = arith.mulf %get3A_638, %gather3A_642 : vector<16xf32>
        %add3A_644 = arith.addf %add3A_588, %mul3A_643 : vector<16xf32>
        %add3A_645 = arith.constant 1 : i32
        %add3A_646 = vector.broadcast %add3A_645 : i32 to vector<16xi32>
        %add3A_647 = arith.addi %get3A_634, %add3A_646 : vector<16xi32>
        %gather3A_648 = tpu.vector_load_idx %arg6[%add3A_647] : memref<9216xf32, #tpu.memory_space<vmem>>[vector<16xi32>], vector<16xf32>,
        %mul3A_649 = arith.mulf %get3A_638, %gather3A_648 : vector<16xf32>
        %add3A_650 = arith.addf %add3A_594, %mul3A_649 : vector<16xf32>
        %add3A_651 = arith.constant 2 : i32
        %add3A_652 = vector.broadcast %add3A_651 : i32 to vector<16xi32>
        %add3A_653 = arith.addi %get3A_634, %add3A_652 : vector<16xi32>
        %gather3A_654 = tpu.vector_load_idx %arg6[%add3A_653] : memref<9216xf32, #tpu.memory_space<vmem>>[vector<16xi32>], vector<16xf32>,
        %mul3A_655 = arith.mulf %get3A_638, %gather3A_654 : vector<16xf32>
        %add3A_656 = arith.addf %add3A_600, %mul3A_655 : vector<16xf32>
        %add3A_657 = arith.constant 3 : i32
        %add3A_658 = vector.broadcast %add3A_657 : i32 to vector<16xi32>
        %add3A_659 = arith.addi %get3A_634, %add3A_658 : vector<16xi32>
        %gather3A_660 = tpu.vector_load_idx %arg6[%add3A_659] : memref<9216xf32, #tpu.memory_space<vmem>>[vector<16xi32>], vector<16xf32>,
        %mul3A_661 = arith.mulf %get3A_638, %gather3A_660 : vector<16xf32>
        %add3A_662 = arith.addf %add3A_606, %mul3A_661 : vector<16xf32>
        %add3A_663 = arith.constant 4 : i32
        %add3A_664 = vector.broadcast %add3A_663 : i32 to vector<16xi32>
        %add3A_665 = arith.addi %get3A_634, %add3A_664 : vector<16xi32>
        %gather3A_666 = tpu.vector_load_idx %arg6[%add3A_665] : memref<9216xf32, #tpu.memory_space<vmem>>[vector<16xi32>], vector<16xf32>,
        %mul3A_667 = arith.mulf %get3A_638, %gather3A_666 : vector<16xf32>
        %add3A_668 = arith.addf %add3A_612, %mul3A_667 : vector<16xf32>
        %add3A_669 = arith.constant 5 : i32
        %add3A_670 = vector.broadcast %add3A_669 : i32 to vector<16xi32>
        %add3A_671 = arith.addi %get3A_634, %add3A_670 : vector<16xi32>
        %gather3A_672 = tpu.vector_load_idx %arg6[%add3A_671] : memref<9216xf32, #tpu.memory_space<vmem>>[vector<16xi32>], vector<16xf32>,
        %mul3A_673 = arith.mulf %get3A_638, %gather3A_672 : vector<16xf32>
        %add3A_674 = arith.addf %add3A_618, %mul3A_673 : vector<16xf32>
        %add3A_675 = arith.constant 6 : i32
        %add3A_676 = vector.broadcast %add3A_675 : i32 to vector<16xi32>
        %add3A_677 = arith.addi %get3A_634, %add3A_676 : vector<16xi32>
        %gather3A_678 = tpu.vector_load_idx %arg6[%add3A_677] : memref<9216xf32, #tpu.memory_space<vmem>>[vector<16xi32>], vector<16xf32>,
        %mul3A_679 = arith.mulf %get3A_638, %gather3A_678 : vector<16xf32>
        %add3A_680 = arith.addf %add3A_624, %mul3A_679 : vector<16xf32>
        %add3A_681 = arith.constant 7 : i32
        %add3A_682 = vector.broadcast %add3A_681 : i32 to vector<16xi32>
        %add3A_683 = arith.addi %get3A_634, %add3A_682 : vector<16xi32>
        %gather3A_684 = tpu.vector_load_idx %arg6[%add3A_683] : memref<9216xf32, #tpu.memory_space<vmem>>[vector<16xi32>], vector<16xf32>,
        %mul3A_685 = arith.mulf %get3A_638, %gather3A_684 : vector<16xf32>
        %add3A_686 = arith.addf %add3A_630, %mul3A_685 : vector<16xf32>
        %add3A_687 = arith.constant 5120 : i32
        %add3A_688 = arith.addi %add3A_687, %add3A_415 : i32
        %get3A_689 = arith.index_cast %add3A_688 : i32 to index
        %get3A_690 = tpu.vector_load %arg7[%get3A_689] {strides = array<i32>} : memref<18432xi32, #tpu.memory_space<vmem>>, vector<16xi32>,
        %add3A_691 = arith.constant 5120 : i32
        %add3A_692 = arith.addi %add3A_691, %add3A_415 : i32
        %get3A_693 = arith.index_cast %add3A_692 : i32 to index
        %get3A_694 = tpu.vector_load %arg8[%get3A_693] {strides = array<i32>} : memref<20480xf32, #tpu.memory_space<vmem>>, vector<16xf32>,
        %add3A_695 = arith.constant 0 : i32
        %add3A_696 = vector.broadcast %add3A_695 : i32 to vector<16xi32>
        %add3A_697 = arith.addi %get3A_690, %add3A_696 : vector<16xi32>
        %gather3A_698 = tpu.vector_load_idx %arg6[%add3A_697] : memref<9216xf32, #tpu.memory_space<vmem>>[vector<16xi32>], vector<16xf32>,
        %mul3A_699 = arith.mulf %get3A_694, %gather3A_698 : vector<16xf32>
        %add3A_700 = arith.addf %add3A_644, %mul3A_699 : vector<16xf32>
        %add3A_701 = arith.constant 1 : i32
        %add3A_702 = vector.broadcast %add3A_701 : i32 to vector<16xi32>
        %add3A_703 = arith.addi %get3A_690, %add3A_702 : vector<16xi32>
        %gather3A_704 = tpu.vector_load_idx %arg6[%add3A_703] : memref<9216xf32, #tpu.memory_space<vmem>>[vector<16xi32>], vector<16xf32>,
        %mul3A_705 = arith.mulf %get3A_694, %gather3A_704 : vector<16xf32>
        %add3A_706 = arith.addf %add3A_650, %mul3A_705 : vector<16xf32>
        %add3A_707 = arith.constant 2 : i32
        %add3A_708 = vector.broadcast %add3A_707 : i32 to vector<16xi32>
        %add3A_709 = arith.addi %get3A_690, %add3A_708 : vector<16xi32>
        %gather3A_710 = tpu.vector_load_idx %arg6[%add3A_709] : memref<9216xf32, #tpu.memory_space<vmem>>[vector<16xi32>], vector<16xf32>,
        %mul3A_711 = arith.mulf %get3A_694, %gather3A_710 : vector<16xf32>
        %add3A_712 = arith.addf %add3A_656, %mul3A_711 : vector<16xf32>
        %add3A_713 = arith.constant 3 : i32
        %add3A_714 = vector.broadcast %add3A_713 : i32 to vector<16xi32>
        %add3A_715 = arith.addi %get3A_690, %add3A_714 : vector<16xi32>
        %gather3A_716 = tpu.vector_load_idx %arg6[%add3A_715] : memref<9216xf32, #tpu.memory_space<vmem>>[vector<16xi32>], vector<16xf32>,
        %mul3A_717 = arith.mulf %get3A_694, %gather3A_716 : vector<16xf32>
        %add3A_718 = arith.addf %add3A_662, %mul3A_717 : vector<16xf32>
        %add3A_719 = arith.constant 4 : i32
        %add3A_720 = vector.broadcast %add3A_719 : i32 to vector<16xi32>
        %add3A_721 = arith.addi %get3A_690, %add3A_720 : vector<16xi32>
        %gather3A_722 = tpu.vector_load_idx %arg6[%add3A_721] : memref<9216xf32, #tpu.memory_space<vmem>>[vector<16xi32>], vector<16xf32>,
        %mul3A_723 = arith.mulf %get3A_694, %gather3A_722 : vector<16xf32>
        %add3A_724 = arith.addf %add3A_668, %mul3A_723 : vector<16xf32>
        %add3A_725 = arith.constant 5 : i32
        %add3A_726 = vector.broadcast %add3A_725 : i32 to vector<16xi32>
        %add3A_727 = arith.addi %get3A_690, %add3A_726 : vector<16xi32>
        %gather3A_728 = tpu.vector_load_idx %arg6[%add3A_727] : memref<9216xf32, #tpu.memory_space<vmem>>[vector<16xi32>], vector<16xf32>,
        %mul3A_729 = arith.mulf %get3A_694, %gather3A_728 : vector<16xf32>
        %add3A_730 = arith.addf %add3A_674, %mul3A_729 : vector<16xf32>
        %add3A_731 = arith.constant 6 : i32
        %add3A_732 = vector.broadcast %add3A_731 : i32 to vector<16xi32>
        %add3A_733 = arith.addi %get3A_690, %add3A_732 : vector<16xi32>
        %gather3A_734 = tpu.vector_load_idx %arg6[%add3A_733] : memref<9216xf32, #tpu.memory_space<vmem>>[vector<16xi32>], vector<16xf32>,
        %mul3A_735 = arith.mulf %get3A_694, %gather3A_734 : vector<16xf32>
        %add3A_736 = arith.addf %add3A_680, %mul3A_735 : vector<16xf32>
        %add3A_737 = arith.constant 7 : i32
        %add3A_738 = vector.broadcast %add3A_737 : i32 to vector<16xi32>
        %add3A_739 = arith.addi %get3A_690, %add3A_738 : vector<16xi32>
        %gather3A_740 = tpu.vector_load_idx %arg6[%add3A_739] : memref<9216xf32, #tpu.memory_space<vmem>>[vector<16xi32>], vector<16xf32>,
        %mul3A_741 = arith.mulf %get3A_694, %gather3A_740 : vector<16xf32>
        %add3A_742 = arith.addf %add3A_686, %mul3A_741 : vector<16xf32>
        %add3A_743 = arith.constant 6144 : i32
        %add3A_744 = arith.addi %add3A_743, %add3A_415 : i32
        %get3A_745 = arith.index_cast %add3A_744 : i32 to index
        %get3A_746 = tpu.vector_load %arg7[%get3A_745] {strides = array<i32>} : memref<18432xi32, #tpu.memory_space<vmem>>, vector<16xi32>,
        %add3A_747 = arith.constant 6144 : i32
        %add3A_748 = arith.addi %add3A_747, %add3A_415 : i32
        %get3A_749 = arith.index_cast %add3A_748 : i32 to index
        %get3A_750 = tpu.vector_load %arg8[%get3A_749] {strides = array<i32>} : memref<20480xf32, #tpu.memory_space<vmem>>, vector<16xf32>,
        %add3A_751 = arith.constant 0 : i32
        %add3A_752 = vector.broadcast %add3A_751 : i32 to vector<16xi32>
        %add3A_753 = arith.addi %get3A_746, %add3A_752 : vector<16xi32>
        %gather3A_754 = tpu.vector_load_idx %arg6[%add3A_753] : memref<9216xf32, #tpu.memory_space<vmem>>[vector<16xi32>], vector<16xf32>,
        %mul3A_755 = arith.mulf %get3A_750, %gather3A_754 : vector<16xf32>
        %add3A_756 = arith.addf %add3A_700, %mul3A_755 : vector<16xf32>
        %add3A_757 = arith.constant 1 : i32
        %add3A_758 = vector.broadcast %add3A_757 : i32 to vector<16xi32>
        %add3A_759 = arith.addi %get3A_746, %add3A_758 : vector<16xi32>
        %gather3A_760 = tpu.vector_load_idx %arg6[%add3A_759] : memref<9216xf32, #tpu.memory_space<vmem>>[vector<16xi32>], vector<16xf32>,
        %mul3A_761 = arith.mulf %get3A_750, %gather3A_760 : vector<16xf32>
        %add3A_762 = arith.addf %add3A_706, %mul3A_761 : vector<16xf32>
        %add3A_763 = arith.constant 2 : i32
        %add3A_764 = vector.broadcast %add3A_763 : i32 to vector<16xi32>
        %add3A_765 = arith.addi %get3A_746, %add3A_764 : vector<16xi32>
        %gather3A_766 = tpu.vector_load_idx %arg6[%add3A_765] : memref<9216xf32, #tpu.memory_space<vmem>>[vector<16xi32>], vector<16xf32>,
        %mul3A_767 = arith.mulf %get3A_750, %gather3A_766 : vector<16xf32>
        %add3A_768 = arith.addf %add3A_712, %mul3A_767 : vector<16xf32>
        %add3A_769 = arith.constant 3 : i32
        %add3A_770 = vector.broadcast %add3A_769 : i32 to vector<16xi32>
        %add3A_771 = arith.addi %get3A_746, %add3A_770 : vector<16xi32>
        %gather3A_772 = tpu.vector_load_idx %arg6[%add3A_771] : memref<9216xf32, #tpu.memory_space<vmem>>[vector<16xi32>], vector<16xf32>,
        %mul3A_773 = arith.mulf %get3A_750, %gather3A_772 : vector<16xf32>
        %add3A_774 = arith.addf %add3A_718, %mul3A_773 : vector<16xf32>
        %add3A_775 = arith.constant 4 : i32
        %add3A_776 = vector.broadcast %add3A_775 : i32 to vector<16xi32>
        %add3A_777 = arith.addi %get3A_746, %add3A_776 : vector<16xi32>
        %gather3A_778 = tpu.vector_load_idx %arg6[%add3A_777] : memref<9216xf32, #tpu.memory_space<vmem>>[vector<16xi32>], vector<16xf32>,
        %mul3A_779 = arith.mulf %get3A_750, %gather3A_778 : vector<16xf32>
        %add3A_780 = arith.addf %add3A_724, %mul3A_779 : vector<16xf32>
        %add3A_781 = arith.constant 5 : i32
        %add3A_782 = vector.broadcast %add3A_781 : i32 to vector<16xi32>
        %add3A_783 = arith.addi %get3A_746, %add3A_782 : vector<16xi32>
        %gather3A_784 = tpu.vector_load_idx %arg6[%add3A_783] : memref<9216xf32, #tpu.memory_space<vmem>>[vector<16xi32>], vector<16xf32>,
        %mul3A_785 = arith.mulf %get3A_750, %gather3A_784 : vector<16xf32>
        %add3A_786 = arith.addf %add3A_730, %mul3A_785 : vector<16xf32>
        %add3A_787 = arith.constant 6 : i32
        %add3A_788 = vector.broadcast %add3A_787 : i32 to vector<16xi32>
        %add3A_789 = arith.addi %get3A_746, %add3A_788 : vector<16xi32>
        %gather3A_790 = tpu.vector_load_idx %arg6[%add3A_789] : memref<9216xf32, #tpu.memory_space<vmem>>[vector<16xi32>], vector<16xf32>,
        %mul3A_791 = arith.mulf %get3A_750, %gather3A_790 : vector<16xf32>
        %add3A_792 = arith.addf %add3A_736, %mul3A_791 : vector<16xf32>
        %add3A_793 = arith.constant 7 : i32
        %add3A_794 = vector.broadcast %add3A_793 : i32 to vector<16xi32>
        %add3A_795 = arith.addi %get3A_746, %add3A_794 : vector<16xi32>
        %gather3A_796 = tpu.vector_load_idx %arg6[%add3A_795] : memref<9216xf32, #tpu.memory_space<vmem>>[vector<16xi32>], vector<16xf32>,
        %mul3A_797 = arith.mulf %get3A_750, %gather3A_796 : vector<16xf32>
        %add3A_798 = arith.addf %add3A_742, %mul3A_797 : vector<16xf32>
        %add3A_799 = arith.constant 7168 : i32
        %add3A_800 = arith.addi %add3A_799, %add3A_415 : i32
        %get3A_801 = arith.index_cast %add3A_800 : i32 to index
        %get3A_802 = tpu.vector_load %arg7[%get3A_801] {strides = array<i32>} : memref<18432xi32, #tpu.memory_space<vmem>>, vector<16xi32>,
        %add3A_803 = arith.constant 7168 : i32
        %add3A_804 = arith.addi %add3A_803, %add3A_415 : i32
        %get3A_805 = arith.index_cast %add3A_804 : i32 to index
        %get3A_806 = tpu.vector_load %arg8[%get3A_805] {strides = array<i32>} : memref<20480xf32, #tpu.memory_space<vmem>>, vector<16xf32>,
        %add3A_807 = arith.constant 0 : i32
        %add3A_808 = vector.broadcast %add3A_807 : i32 to vector<16xi32>
        %add3A_809 = arith.addi %get3A_802, %add3A_808 : vector<16xi32>
        %gather3A_810 = tpu.vector_load_idx %arg6[%add3A_809] : memref<9216xf32, #tpu.memory_space<vmem>>[vector<16xi32>], vector<16xf32>,
        %mul3A_811 = arith.mulf %get3A_806, %gather3A_810 : vector<16xf32>
        %add3A_812 = arith.addf %add3A_756, %mul3A_811 : vector<16xf32>
        %add3A_813 = arith.constant 1 : i32
        %add3A_814 = vector.broadcast %add3A_813 : i32 to vector<16xi32>
        %add3A_815 = arith.addi %get3A_802, %add3A_814 : vector<16xi32>
        %gather3A_816 = tpu.vector_load_idx %arg6[%add3A_815] : memref<9216xf32, #tpu.memory_space<vmem>>[vector<16xi32>], vector<16xf32>,
        %mul3A_817 = arith.mulf %get3A_806, %gather3A_816 : vector<16xf32>
        %add3A_818 = arith.addf %add3A_762, %mul3A_817 : vector<16xf32>
        %add3A_819 = arith.constant 2 : i32
        %add3A_820 = vector.broadcast %add3A_819 : i32 to vector<16xi32>
        %add3A_821 = arith.addi %get3A_802, %add3A_820 : vector<16xi32>
        %gather3A_822 = tpu.vector_load_idx %arg6[%add3A_821] : memref<9216xf32, #tpu.memory_space<vmem>>[vector<16xi32>], vector<16xf32>,
        %mul3A_823 = arith.mulf %get3A_806, %gather3A_822 : vector<16xf32>
        %add3A_824 = arith.addf %add3A_768, %mul3A_823 : vector<16xf32>
        %add3A_825 = arith.constant 3 : i32
        %add3A_826 = vector.broadcast %add3A_825 : i32 to vector<16xi32>
        %add3A_827 = arith.addi %get3A_802, %add3A_826 : vector<16xi32>
        %gather3A_828 = tpu.vector_load_idx %arg6[%add3A_827] : memref<9216xf32, #tpu.memory_space<vmem>>[vector<16xi32>], vector<16xf32>,
        %mul3A_829 = arith.mulf %get3A_806, %gather3A_828 : vector<16xf32>
        %add3A_830 = arith.addf %add3A_774, %mul3A_829 : vector<16xf32>
        %add3A_831 = arith.constant 4 : i32
        %add3A_832 = vector.broadcast %add3A_831 : i32 to vector<16xi32>
        %add3A_833 = arith.addi %get3A_802, %add3A_832 : vector<16xi32>
        %gather3A_834 = tpu.vector_load_idx %arg6[%add3A_833] : memref<9216xf32, #tpu.memory_space<vmem>>[vector<16xi32>], vector<16xf32>,
        %mul3A_835 = arith.mulf %get3A_806, %gather3A_834 : vector<16xf32>
        %add3A_836 = arith.addf %add3A_780, %mul3A_835 : vector<16xf32>
        %add3A_837 = arith.constant 5 : i32
        %add3A_838 = vector.broadcast %add3A_837 : i32 to vector<16xi32>
        %add3A_839 = arith.addi %get3A_802, %add3A_838 : vector<16xi32>
        %gather3A_840 = tpu.vector_load_idx %arg6[%add3A_839] : memref<9216xf32, #tpu.memory_space<vmem>>[vector<16xi32>], vector<16xf32>,
        %mul3A_841 = arith.mulf %get3A_806, %gather3A_840 : vector<16xf32>
        %add3A_842 = arith.addf %add3A_786, %mul3A_841 : vector<16xf32>
        %add3A_843 = arith.constant 6 : i32
        %add3A_844 = vector.broadcast %add3A_843 : i32 to vector<16xi32>
        %add3A_845 = arith.addi %get3A_802, %add3A_844 : vector<16xi32>
        %gather3A_846 = tpu.vector_load_idx %arg6[%add3A_845] : memref<9216xf32, #tpu.memory_space<vmem>>[vector<16xi32>], vector<16xf32>,
        %mul3A_847 = arith.mulf %get3A_806, %gather3A_846 : vector<16xf32>
        %add3A_848 = arith.addf %add3A_792, %mul3A_847 : vector<16xf32>
        %add3A_849 = arith.constant 7 : i32
        %add3A_850 = vector.broadcast %add3A_849 : i32 to vector<16xi32>
        %add3A_851 = arith.addi %get3A_802, %add3A_850 : vector<16xi32>
        %gather3A_852 = tpu.vector_load_idx %arg6[%add3A_851] : memref<9216xf32, #tpu.memory_space<vmem>>[vector<16xi32>], vector<16xf32>,
        %mul3A_853 = arith.mulf %get3A_806, %gather3A_852 : vector<16xf32>
        %add3A_854 = arith.addf %add3A_798, %mul3A_853 : vector<16xf32>
        %add3A_855 = arith.constant 8192 : i32
        %add3A_856 = arith.addi %add3A_855, %add3A_415 : i32
        %get3A_857 = arith.index_cast %add3A_856 : i32 to index
        %get3A_858 = tpu.vector_load %arg7[%get3A_857] {strides = array<i32>} : memref<18432xi32, #tpu.memory_space<vmem>>, vector<16xi32>,
        %add3A_859 = arith.constant 8192 : i32
        %add3A_860 = arith.addi %add3A_859, %add3A_415 : i32
        %get3A_861 = arith.index_cast %add3A_860 : i32 to index
        %get3A_862 = tpu.vector_load %arg8[%get3A_861] {strides = array<i32>} : memref<20480xf32, #tpu.memory_space<vmem>>, vector<16xf32>,
        %add3A_863 = arith.constant 0 : i32
        %add3A_864 = vector.broadcast %add3A_863 : i32 to vector<16xi32>
        %add3A_865 = arith.addi %get3A_858, %add3A_864 : vector<16xi32>
        %gather3A_866 = tpu.vector_load_idx %arg6[%add3A_865] : memref<9216xf32, #tpu.memory_space<vmem>>[vector<16xi32>], vector<16xf32>,
        %mul3A_867 = arith.mulf %get3A_862, %gather3A_866 : vector<16xf32>
        %add3A_868 = arith.addf %add3A_812, %mul3A_867 : vector<16xf32>
        %add3A_869 = arith.constant 1 : i32
        %add3A_870 = vector.broadcast %add3A_869 : i32 to vector<16xi32>
        %add3A_871 = arith.addi %get3A_858, %add3A_870 : vector<16xi32>
        %gather3A_872 = tpu.vector_load_idx %arg6[%add3A_871] : memref<9216xf32, #tpu.memory_space<vmem>>[vector<16xi32>], vector<16xf32>,
        %mul3A_873 = arith.mulf %get3A_862, %gather3A_872 : vector<16xf32>
        %add3A_874 = arith.addf %add3A_818, %mul3A_873 : vector<16xf32>
        %add3A_875 = arith.constant 2 : i32
        %add3A_876 = vector.broadcast %add3A_875 : i32 to vector<16xi32>
        %add3A_877 = arith.addi %get3A_858, %add3A_876 : vector<16xi32>
        %gather3A_878 = tpu.vector_load_idx %arg6[%add3A_877] : memref<9216xf32, #tpu.memory_space<vmem>>[vector<16xi32>], vector<16xf32>,
        %mul3A_879 = arith.mulf %get3A_862, %gather3A_878 : vector<16xf32>
        %add3A_880 = arith.addf %add3A_824, %mul3A_879 : vector<16xf32>
        %add3A_881 = arith.constant 3 : i32
        %add3A_882 = vector.broadcast %add3A_881 : i32 to vector<16xi32>
        %add3A_883 = arith.addi %get3A_858, %add3A_882 : vector<16xi32>
        %gather3A_884 = tpu.vector_load_idx %arg6[%add3A_883] : memref<9216xf32, #tpu.memory_space<vmem>>[vector<16xi32>], vector<16xf32>,
        %mul3A_885 = arith.mulf %get3A_862, %gather3A_884 : vector<16xf32>
        %add3A_886 = arith.addf %add3A_830, %mul3A_885 : vector<16xf32>
        %add3A_887 = arith.constant 4 : i32
        %add3A_888 = vector.broadcast %add3A_887 : i32 to vector<16xi32>
        %add3A_889 = arith.addi %get3A_858, %add3A_888 : vector<16xi32>
        %gather3A_890 = tpu.vector_load_idx %arg6[%add3A_889] : memref<9216xf32, #tpu.memory_space<vmem>>[vector<16xi32>], vector<16xf32>,
        %mul3A_891 = arith.mulf %get3A_862, %gather3A_890 : vector<16xf32>
        %add3A_892 = arith.addf %add3A_836, %mul3A_891 : vector<16xf32>
        %add3A_893 = arith.constant 5 : i32
        %add3A_894 = vector.broadcast %add3A_893 : i32 to vector<16xi32>
        %add3A_895 = arith.addi %get3A_858, %add3A_894 : vector<16xi32>
        %gather3A_896 = tpu.vector_load_idx %arg6[%add3A_895] : memref<9216xf32, #tpu.memory_space<vmem>>[vector<16xi32>], vector<16xf32>,
        %mul3A_897 = arith.mulf %get3A_862, %gather3A_896 : vector<16xf32>
        %add3A_898 = arith.addf %add3A_842, %mul3A_897 : vector<16xf32>
        %add3A_899 = arith.constant 6 : i32
        %add3A_900 = vector.broadcast %add3A_899 : i32 to vector<16xi32>
        %add3A_901 = arith.addi %get3A_858, %add3A_900 : vector<16xi32>
        %gather3A_902 = tpu.vector_load_idx %arg6[%add3A_901] : memref<9216xf32, #tpu.memory_space<vmem>>[vector<16xi32>], vector<16xf32>,
        %mul3A_903 = arith.mulf %get3A_862, %gather3A_902 : vector<16xf32>
        %add3A_904 = arith.addf %add3A_848, %mul3A_903 : vector<16xf32>
        %add3A_905 = arith.constant 7 : i32
        %add3A_906 = vector.broadcast %add3A_905 : i32 to vector<16xi32>
        %add3A_907 = arith.addi %get3A_858, %add3A_906 : vector<16xi32>
        %gather3A_908 = tpu.vector_load_idx %arg6[%add3A_907] : memref<9216xf32, #tpu.memory_space<vmem>>[vector<16xi32>], vector<16xf32>,
        %mul3A_909 = arith.mulf %get3A_862, %gather3A_908 : vector<16xf32>
        %add3A_910 = arith.addf %add3A_854, %mul3A_909 : vector<16xf32>
        %add3A_911 = arith.constant 9216 : i32
        %add3A_912 = arith.addi %add3A_911, %add3A_415 : i32
        %get3A_913 = arith.index_cast %add3A_912 : i32 to index
        %get3A_914 = tpu.vector_load %arg8[%get3A_913] {strides = array<i32>} : memref<20480xf32, #tpu.memory_space<vmem>>, vector<16xf32>,
        %mul3A_915 = arith.mulf %get3A_914, %gather3A : vector<16xf32>
        %add3A_916 = arith.addf %add3A_868, %mul3A_915 : vector<16xf32>
        %mul3A_917 = arith.mulf %get3A_914, %gather3A_6 : vector<16xf32>
        %add3A_918 = arith.addf %add3A_874, %mul3A_917 : vector<16xf32>
        %mul3A_919 = arith.mulf %get3A_914, %gather3A_9 : vector<16xf32>
        %add3A_920 = arith.addf %add3A_880, %mul3A_919 : vector<16xf32>
        %mul3A_921 = arith.mulf %get3A_914, %gather3A_12 : vector<16xf32>
        %add3A_922 = arith.addf %add3A_886, %mul3A_921 : vector<16xf32>
        %mul3A_923 = arith.mulf %get3A_914, %gather3A_15 : vector<16xf32>
        %add3A_924 = arith.addf %add3A_892, %mul3A_923 : vector<16xf32>
        %mul3A_925 = arith.mulf %get3A_914, %gather3A_18 : vector<16xf32>
        %add3A_926 = arith.addf %add3A_898, %mul3A_925 : vector<16xf32>
        %mul3A_927 = arith.mulf %get3A_914, %gather3A_21 : vector<16xf32>
        %add3A_928 = arith.addf %add3A_904, %mul3A_927 : vector<16xf32>
        %mul3A_929 = arith.mulf %get3A_914, %gather3A_24 : vector<16xf32>
        %add3A_930 = arith.addf %add3A_910, %mul3A_929 : vector<16xf32>
        %add3A_931 = arith.constant 0 : i32
        %add3A_932 = arith.addi %add3A_931, %add3A_415 : i32
        %swap3A = arith.index_cast %add3A_932 : i32 to index
        %swap3A_933 = tpu.vector_load %arg9[%swap3A] {strides = array<i32>} : memref<16384xf32, #tpu.memory_space<vmem>>, vector<16xf32>,
        tpu.vector_store %arg9[%swap3A], %add3A_916 {strides = array<i32>} : memref<16384xf32, #tpu.memory_space<vmem>>, vector<16xf32>,
        %add3A_934 = arith.constant 1024 : i32
        %add3A_935 = arith.addi %add3A_934, %add3A_415 : i32
        %swap3A_936 = arith.index_cast %add3A_935 : i32 to index
        %swap3A_937 = tpu.vector_load %arg9[%swap3A_936] {strides = array<i32>} : memref<16384xf32, #tpu.memory_space<vmem>>, vector<16xf32>,
        tpu.vector_store %arg9[%swap3A_936], %add3A_918 {strides = array<i32>} : memref<16384xf32, #tpu.memory_space<vmem>>, vector<16xf32>,
        %add3A_938 = arith.constant 2048 : i32
        %add3A_939 = arith.addi %add3A_938, %add3A_415 : i32
        %swap3A_940 = arith.index_cast %add3A_939 : i32 to index
        %swap3A_941 = tpu.vector_load %arg9[%swap3A_940] {strides = array<i32>} : memref<16384xf32, #tpu.memory_space<vmem>>, vector<16xf32>,
        tpu.vector_store %arg9[%swap3A_940], %add3A_920 {strides = array<i32>} : memref<16384xf32, #tpu.memory_space<vmem>>, vector<16xf32>,
        %add3A_942 = arith.constant 3072 : i32
        %add3A_943 = arith.addi %add3A_942, %add3A_415 : i32
        %swap3A_944 = arith.index_cast %add3A_943 : i32 to index
        %swap3A_945 = tpu.vector_load %arg9[%swap3A_944] {strides = array<i32>} : memref<16384xf32, #tpu.memory_space<vmem>>, vector<16xf32>,
        tpu.vector_store %arg9[%swap3A_944], %add3A_922 {strides = array<i32>} : memref<16384xf32, #tpu.memory_space<vmem>>, vector<16xf32>,
        %add3A_946 = arith.constant 4096 : i32
        %add3A_947 = arith.addi %add3A_946, %add3A_415 : i32
        %swap3A_948 = arith.index_cast %add3A_947 : i32 to index
        %swap3A_949 = tpu.vector_load %arg9[%swap3A_948] {strides = array<i32>} : memref<16384xf32, #tpu.memory_space<vmem>>, vector<16xf32>,
        tpu.vector_store %arg9[%swap3A_948], %add3A_924 {strides = array<i32>} : memref<16384xf32, #tpu.memory_space<vmem>>, vector<16xf32>,
        %add3A_950 = arith.constant 5120 : i32
        %add3A_951 = arith.addi %add3A_950, %add3A_415 : i32
        %swap3A_952 = arith.index_cast %add3A_951 : i32 to index
        %swap3A_953 = tpu.vector_load %arg9[%swap3A_952] {strides = array<i32>} : memref<16384xf32, #tpu.memory_space<vmem>>, vector<16xf32>,
        tpu.vector_store %arg9[%swap3A_952], %add3A_926 {strides = array<i32>} : memref<16384xf32, #tpu.memory_space<vmem>>, vector<16xf32>,
        %add3A_954 = arith.constant 6144 : i32
        %add3A_955 = arith.addi %add3A_954, %add3A_415 : i32
        %swap3A_956 = arith.index_cast %add3A_955 : i32 to index
        %swap3A_957 = tpu.vector_load %arg9[%swap3A_956] {strides = array<i32>} : memref<16384xf32, #tpu.memory_space<vmem>>, vector<16xf32>,
        tpu.vector_store %arg9[%swap3A_956], %add3A_928 {strides = array<i32>} : memref<16384xf32, #tpu.memory_space<vmem>>, vector<16xf32>,
        %add3A_958 = arith.constant 7168 : i32
        %add3A_959 = arith.addi %add3A_958, %add3A_415 : i32
        %swap3A_960 = arith.index_cast %add3A_959 : i32 to index
        %swap3A_961 = tpu.vector_load %arg9[%swap3A_960] {strides = array<i32>} : memref<16384xf32, #tpu.memory_space<vmem>>, vector<16xf32>,
        tpu.vector_store %arg9[%swap3A_960], %add3A_930 {strides = array<i32>} : memref<16384xf32, #tpu.memory_space<vmem>>, vector<16xf32>,
        %mul3A_962 = arith.constant 32 : i32
        %mul3A_963 = arith.muli %scan3A_411, %mul3A_962 : i32
        %add3A_964 = arith.constant 16 : i32
        %add3A_965 = arith.addi %mul3A_963, %add3A_964 : i32
        %add3A_966 = arith.constant 0 : i32
        %add3A_967 = arith.addi %add3A_966, %add3A_965 : i32
        %get3A_968 = arith.index_cast %add3A_967 : i32 to index
        %get3A_969 = tpu.vector_load %arg7[%get3A_968] {strides = array<i32>} : memref<18432xi32, #tpu.memory_space<vmem>>, vector<16xi32>,
        %add3A_970 = arith.constant 0 : i32
        %add3A_971 = arith.addi %add3A_970, %add3A_965 : i32
        %get3A_972 = arith.index_cast %add3A_971 : i32 to index
        %get3A_973 = tpu.vector_load %arg8[%get3A_972] {strides = array<i32>} : memref<20480xf32, #tpu.memory_space<vmem>>, vector<16xf32>,
        %add3A_974 = arith.constant 0 : i32
        %add3A_975 = vector.broadcast %add3A_974 : i32 to vector<16xi32>
        %add3A_976 = arith.addi %get3A_969, %add3A_975 : vector<16xi32>
        %gather3A_977 = tpu.vector_load_idx %arg6[%add3A_976] : memref<9216xf32, #tpu.memory_space<vmem>>[vector<16xi32>], vector<16xf32>,
        %mul3A_978 = arith.mulf %get3A_973, %gather3A_977 : vector<16xf32>
        %add3A_979 = arith.constant 1 : i32
        %add3A_980 = vector.broadcast %add3A_979 : i32 to vector<16xi32>
        %add3A_981 = arith.addi %get3A_969, %add3A_980 : vector<16xi32>
        %gather3A_982 = tpu.vector_load_idx %arg6[%add3A_981] : memref<9216xf32, #tpu.memory_space<vmem>>[vector<16xi32>], vector<16xf32>,
        %mul3A_983 = arith.mulf %get3A_973, %gather3A_982 : vector<16xf32>
        %add3A_984 = arith.constant 2 : i32
        %add3A_985 = vector.broadcast %add3A_984 : i32 to vector<16xi32>
        %add3A_986 = arith.addi %get3A_969, %add3A_985 : vector<16xi32>
        %gather3A_987 = tpu.vector_load_idx %arg6[%add3A_986] : memref<9216xf32, #tpu.memory_space<vmem>>[vector<16xi32>], vector<16xf32>,
        %mul3A_988 = arith.mulf %get3A_973, %gather3A_987 : vector<16xf32>
        %add3A_989 = arith.constant 3 : i32
        %add3A_990 = vector.broadcast %add3A_989 : i32 to vector<16xi32>
        %add3A_991 = arith.addi %get3A_969, %add3A_990 : vector<16xi32>
        %gather3A_992 = tpu.vector_load_idx %arg6[%add3A_991] : memref<9216xf32, #tpu.memory_space<vmem>>[vector<16xi32>], vector<16xf32>,
        %mul3A_993 = arith.mulf %get3A_973, %gather3A_992 : vector<16xf32>
        %add3A_994 = arith.constant 4 : i32
        %add3A_995 = vector.broadcast %add3A_994 : i32 to vector<16xi32>
        %add3A_996 = arith.addi %get3A_969, %add3A_995 : vector<16xi32>
        %gather3A_997 = tpu.vector_load_idx %arg6[%add3A_996] : memref<9216xf32, #tpu.memory_space<vmem>>[vector<16xi32>], vector<16xf32>,
        %mul3A_998 = arith.mulf %get3A_973, %gather3A_997 : vector<16xf32>
        %add3A_999 = arith.constant 5 : i32
        %add3A_1000 = vector.broadcast %add3A_999 : i32 to vector<16xi32>
        %add3A_1001 = arith.addi %get3A_969, %add3A_1000 : vector<16xi32>
        %gather3A_1002 = tpu.vector_load_idx %arg6[%add3A_1001] : memref<9216xf32, #tpu.memory_space<vmem>>[vector<16xi32>], vector<16xf32>,
        %mul3A_1003 = arith.mulf %get3A_973, %gather3A_1002 : vector<16xf32>
        %add3A_1004 = arith.constant 6 : i32
        %add3A_1005 = vector.broadcast %add3A_1004 : i32 to vector<16xi32>
        %add3A_1006 = arith.addi %get3A_969, %add3A_1005 : vector<16xi32>
        %gather3A_1007 = tpu.vector_load_idx %arg6[%add3A_1006] : memref<9216xf32, #tpu.memory_space<vmem>>[vector<16xi32>], vector<16xf32>,
        %mul3A_1008 = arith.mulf %get3A_973, %gather3A_1007 : vector<16xf32>
        %add3A_1009 = arith.constant 7 : i32
        %add3A_1010 = vector.broadcast %add3A_1009 : i32 to vector<16xi32>
        %add3A_1011 = arith.addi %get3A_969, %add3A_1010 : vector<16xi32>
        %gather3A_1012 = tpu.vector_load_idx %arg6[%add3A_1011] : memref<9216xf32, #tpu.memory_space<vmem>>[vector<16xi32>], vector<16xf32>,
        %mul3A_1013 = arith.mulf %get3A_973, %gather3A_1012 : vector<16xf32>
        %add3A_1014 = arith.constant 1024 : i32
        %add3A_1015 = arith.addi %add3A_1014, %add3A_965 : i32
        %get3A_1016 = arith.index_cast %add3A_1015 : i32 to index
        %get3A_1017 = tpu.vector_load %arg7[%get3A_1016] {strides = array<i32>} : memref<18432xi32, #tpu.memory_space<vmem>>, vector<16xi32>,
        %add3A_1018 = arith.constant 1024 : i32
        %add3A_1019 = arith.addi %add3A_1018, %add3A_965 : i32
        %get3A_1020 = arith.index_cast %add3A_1019 : i32 to index
        %get3A_1021 = tpu.vector_load %arg8[%get3A_1020] {strides = array<i32>} : memref<20480xf32, #tpu.memory_space<vmem>>, vector<16xf32>,
        %add3A_1022 = arith.constant 0 : i32
        %add3A_1023 = vector.broadcast %add3A_1022 : i32 to vector<16xi32>
        %add3A_1024 = arith.addi %get3A_1017, %add3A_1023 : vector<16xi32>
        %gather3A_1025 = tpu.vector_load_idx %arg6[%add3A_1024] : memref<9216xf32, #tpu.memory_space<vmem>>[vector<16xi32>], vector<16xf32>,
        %mul3A_1026 = arith.mulf %get3A_1021, %gather3A_1025 : vector<16xf32>
        %add3A_1027 = arith.addf %mul3A_978, %mul3A_1026 : vector<16xf32>
        %add3A_1028 = arith.constant 1 : i32
        %add3A_1029 = vector.broadcast %add3A_1028 : i32 to vector<16xi32>
        %add3A_1030 = arith.addi %get3A_1017, %add3A_1029 : vector<16xi32>
        %gather3A_1031 = tpu.vector_load_idx %arg6[%add3A_1030] : memref<9216xf32, #tpu.memory_space<vmem>>[vector<16xi32>], vector<16xf32>,
        %mul3A_1032 = arith.mulf %get3A_1021, %gather3A_1031 : vector<16xf32>
        %add3A_1033 = arith.addf %mul3A_983, %mul3A_1032 : vector<16xf32>
        %add3A_1034 = arith.constant 2 : i32
        %add3A_1035 = vector.broadcast %add3A_1034 : i32 to vector<16xi32>
        %add3A_1036 = arith.addi %get3A_1017, %add3A_1035 : vector<16xi32>
        %gather3A_1037 = tpu.vector_load_idx %arg6[%add3A_1036] : memref<9216xf32, #tpu.memory_space<vmem>>[vector<16xi32>], vector<16xf32>,
        %mul3A_1038 = arith.mulf %get3A_1021, %gather3A_1037 : vector<16xf32>
        %add3A_1039 = arith.addf %mul3A_988, %mul3A_1038 : vector<16xf32>
        %add3A_1040 = arith.constant 3 : i32
        %add3A_1041 = vector.broadcast %add3A_1040 : i32 to vector<16xi32>
        %add3A_1042 = arith.addi %get3A_1017, %add3A_1041 : vector<16xi32>
        %gather3A_1043 = tpu.vector_load_idx %arg6[%add3A_1042] : memref<9216xf32, #tpu.memory_space<vmem>>[vector<16xi32>], vector<16xf32>,
        %mul3A_1044 = arith.mulf %get3A_1021, %gather3A_1043 : vector<16xf32>
        %add3A_1045 = arith.addf %mul3A_993, %mul3A_1044 : vector<16xf32>
        %add3A_1046 = arith.constant 4 : i32
        %add3A_1047 = vector.broadcast %add3A_1046 : i32 to vector<16xi32>
        %add3A_1048 = arith.addi %get3A_1017, %add3A_1047 : vector<16xi32>
        %gather3A_1049 = tpu.vector_load_idx %arg6[%add3A_1048] : memref<9216xf32, #tpu.memory_space<vmem>>[vector<16xi32>], vector<16xf32>,
        %mul3A_1050 = arith.mulf %get3A_1021, %gather3A_1049 : vector<16xf32>
        %add3A_1051 = arith.addf %mul3A_998, %mul3A_1050 : vector<16xf32>
        %add3A_1052 = arith.constant 5 : i32
        %add3A_1053 = vector.broadcast %add3A_1052 : i32 to vector<16xi32>
        %add3A_1054 = arith.addi %get3A_1017, %add3A_1053 : vector<16xi32>
        %gather3A_1055 = tpu.vector_load_idx %arg6[%add3A_1054] : memref<9216xf32, #tpu.memory_space<vmem>>[vector<16xi32>], vector<16xf32>,
        %mul3A_1056 = arith.mulf %get3A_1021, %gather3A_1055 : vector<16xf32>
        %add3A_1057 = arith.addf %mul3A_1003, %mul3A_1056 : vector<16xf32>
        %add3A_1058 = arith.constant 6 : i32
        %add3A_1059 = vector.broadcast %add3A_1058 : i32 to vector<16xi32>
        %add3A_1060 = arith.addi %get3A_1017, %add3A_1059 : vector<16xi32>
        %gather3A_1061 = tpu.vector_load_idx %arg6[%add3A_1060] : memref<9216xf32, #tpu.memory_space<vmem>>[vector<16xi32>], vector<16xf32>,
        %mul3A_1062 = arith.mulf %get3A_1021, %gather3A_1061 : vector<16xf32>
        %add3A_1063 = arith.addf %mul3A_1008, %mul3A_1062 : vector<16xf32>
        %add3A_1064 = arith.constant 7 : i32
        %add3A_1065 = vector.broadcast %add3A_1064 : i32 to vector<16xi32>
        %add3A_1066 = arith.addi %get3A_1017, %add3A_1065 : vector<16xi32>
        %gather3A_1067 = tpu.vector_load_idx %arg6[%add3A_1066] : memref<9216xf32, #tpu.memory_space<vmem>>[vector<16xi32>], vector<16xf32>,
        %mul3A_1068 = arith.mulf %get3A_1021, %gather3A_1067 : vector<16xf32>
        %add3A_1069 = arith.addf %mul3A_1013, %mul3A_1068 : vector<16xf32>
        %add3A_1070 = arith.constant 2048 : i32
        %add3A_1071 = arith.addi %add3A_1070, %add3A_965 : i32
        %get3A_1072 = arith.index_cast %add3A_1071 : i32 to index
        %get3A_1073 = tpu.vector_load %arg7[%get3A_1072] {strides = array<i32>} : memref<18432xi32, #tpu.memory_space<vmem>>, vector<16xi32>,
        %add3A_1074 = arith.constant 2048 : i32
        %add3A_1075 = arith.addi %add3A_1074, %add3A_965 : i32
        %get3A_1076 = arith.index_cast %add3A_1075 : i32 to index
        %get3A_1077 = tpu.vector_load %arg8[%get3A_1076] {strides = array<i32>} : memref<20480xf32, #tpu.memory_space<vmem>>, vector<16xf32>,
        %add3A_1078 = arith.constant 0 : i32
        %add3A_1079 = vector.broadcast %add3A_1078 : i32 to vector<16xi32>
        %add3A_1080 = arith.addi %get3A_1073, %add3A_1079 : vector<16xi32>
        %gather3A_1081 = tpu.vector_load_idx %arg6[%add3A_1080] : memref<9216xf32, #tpu.memory_space<vmem>>[vector<16xi32>], vector<16xf32>,
        %mul3A_1082 = arith.mulf %get3A_1077, %gather3A_1081 : vector<16xf32>
        %add3A_1083 = arith.addf %add3A_1027, %mul3A_1082 : vector<16xf32>
        %add3A_1084 = arith.constant 1 : i32
        %add3A_1085 = vector.broadcast %add3A_1084 : i32 to vector<16xi32>
        %add3A_1086 = arith.addi %get3A_1073, %add3A_1085 : vector<16xi32>
        %gather3A_1087 = tpu.vector_load_idx %arg6[%add3A_1086] : memref<9216xf32, #tpu.memory_space<vmem>>[vector<16xi32>], vector<16xf32>,
        %mul3A_1088 = arith.mulf %get3A_1077, %gather3A_1087 : vector<16xf32>
        %add3A_1089 = arith.addf %add3A_1033, %mul3A_1088 : vector<16xf32>
        %add3A_1090 = arith.constant 2 : i32
        %add3A_1091 = vector.broadcast %add3A_1090 : i32 to vector<16xi32>
        %add3A_1092 = arith.addi %get3A_1073, %add3A_1091 : vector<16xi32>
        %gather3A_1093 = tpu.vector_load_idx %arg6[%add3A_1092] : memref<9216xf32, #tpu.memory_space<vmem>>[vector<16xi32>], vector<16xf32>,
        %mul3A_1094 = arith.mulf %get3A_1077, %gather3A_1093 : vector<16xf32>
        %add3A_1095 = arith.addf %add3A_1039, %mul3A_1094 : vector<16xf32>
        %add3A_1096 = arith.constant 3 : i32
        %add3A_1097 = vector.broadcast %add3A_1096 : i32 to vector<16xi32>
        %add3A_1098 = arith.addi %get3A_1073, %add3A_1097 : vector<16xi32>
        %gather3A_1099 = tpu.vector_load_idx %arg6[%add3A_1098] : memref<9216xf32, #tpu.memory_space<vmem>>[vector<16xi32>], vector<16xf32>,
        %mul3A_1100 = arith.mulf %get3A_1077, %gather3A_1099 : vector<16xf32>
        %add3A_1101 = arith.addf %add3A_1045, %mul3A_1100 : vector<16xf32>
        %add3A_1102 = arith.constant 4 : i32
        %add3A_1103 = vector.broadcast %add3A_1102 : i32 to vector<16xi32>
        %add3A_1104 = arith.addi %get3A_1073, %add3A_1103 : vector<16xi32>
        %gather3A_1105 = tpu.vector_load_idx %arg6[%add3A_1104] : memref<9216xf32, #tpu.memory_space<vmem>>[vector<16xi32>], vector<16xf32>,
        %mul3A_1106 = arith.mulf %get3A_1077, %gather3A_1105 : vector<16xf32>
        %add3A_1107 = arith.addf %add3A_1051, %mul3A_1106 : vector<16xf32>
        %add3A_1108 = arith.constant 5 : i32
        %add3A_1109 = vector.broadcast %add3A_1108 : i32 to vector<16xi32>
        %add3A_1110 = arith.addi %get3A_1073, %add3A_1109 : vector<16xi32>
        %gather3A_1111 = tpu.vector_load_idx %arg6[%add3A_1110] : memref<9216xf32, #tpu.memory_space<vmem>>[vector<16xi32>], vector<16xf32>,
        %mul3A_1112 = arith.mulf %get3A_1077, %gather3A_1111 : vector<16xf32>
        %add3A_1113 = arith.addf %add3A_1057, %mul3A_1112 : vector<16xf32>
        %add3A_1114 = arith.constant 6 : i32
        %add3A_1115 = vector.broadcast %add3A_1114 : i32 to vector<16xi32>
        %add3A_1116 = arith.addi %get3A_1073, %add3A_1115 : vector<16xi32>
        %gather3A_1117 = tpu.vector_load_idx %arg6[%add3A_1116] : memref<9216xf32, #tpu.memory_space<vmem>>[vector<16xi32>], vector<16xf32>,
        %mul3A_1118 = arith.mulf %get3A_1077, %gather3A_1117 : vector<16xf32>
        %add3A_1119 = arith.addf %add3A_1063, %mul3A_1118 : vector<16xf32>
        %add3A_1120 = arith.constant 7 : i32
        %add3A_1121 = vector.broadcast %add3A_1120 : i32 to vector<16xi32>
        %add3A_1122 = arith.addi %get3A_1073, %add3A_1121 : vector<16xi32>
        %gather3A_1123 = tpu.vector_load_idx %arg6[%add3A_1122] : memref<9216xf32, #tpu.memory_space<vmem>>[vector<16xi32>], vector<16xf32>,
        %mul3A_1124 = arith.mulf %get3A_1077, %gather3A_1123 : vector<16xf32>
        %add3A_1125 = arith.addf %add3A_1069, %mul3A_1124 : vector<16xf32>
        %add3A_1126 = arith.constant 3072 : i32
        %add3A_1127 = arith.addi %add3A_1126, %add3A_965 : i32
        %get3A_1128 = arith.index_cast %add3A_1127 : i32 to index
        %get3A_1129 = tpu.vector_load %arg7[%get3A_1128] {strides = array<i32>} : memref<18432xi32, #tpu.memory_space<vmem>>, vector<16xi32>,
        %add3A_1130 = arith.constant 3072 : i32
        %add3A_1131 = arith.addi %add3A_1130, %add3A_965 : i32
        %get3A_1132 = arith.index_cast %add3A_1131 : i32 to index
        %get3A_1133 = tpu.vector_load %arg8[%get3A_1132] {strides = array<i32>} : memref<20480xf32, #tpu.memory_space<vmem>>, vector<16xf32>,
        %add3A_1134 = arith.constant 0 : i32
        %add3A_1135 = vector.broadcast %add3A_1134 : i32 to vector<16xi32>
        %add3A_1136 = arith.addi %get3A_1129, %add3A_1135 : vector<16xi32>
        %gather3A_1137 = tpu.vector_load_idx %arg6[%add3A_1136] : memref<9216xf32, #tpu.memory_space<vmem>>[vector<16xi32>], vector<16xf32>,
        %mul3A_1138 = arith.mulf %get3A_1133, %gather3A_1137 : vector<16xf32>
        %add3A_1139 = arith.addf %add3A_1083, %mul3A_1138 : vector<16xf32>
        %add3A_1140 = arith.constant 1 : i32
        %add3A_1141 = vector.broadcast %add3A_1140 : i32 to vector<16xi32>
        %add3A_1142 = arith.addi %get3A_1129, %add3A_1141 : vector<16xi32>
        %gather3A_1143 = tpu.vector_load_idx %arg6[%add3A_1142] : memref<9216xf32, #tpu.memory_space<vmem>>[vector<16xi32>], vector<16xf32>,
        %mul3A_1144 = arith.mulf %get3A_1133, %gather3A_1143 : vector<16xf32>
        %add3A_1145 = arith.addf %add3A_1089, %mul3A_1144 : vector<16xf32>
        %add3A_1146 = arith.constant 2 : i32
        %add3A_1147 = vector.broadcast %add3A_1146 : i32 to vector<16xi32>
        %add3A_1148 = arith.addi %get3A_1129, %add3A_1147 : vector<16xi32>
        %gather3A_1149 = tpu.vector_load_idx %arg6[%add3A_1148] : memref<9216xf32, #tpu.memory_space<vmem>>[vector<16xi32>], vector<16xf32>,
        %mul3A_1150 = arith.mulf %get3A_1133, %gather3A_1149 : vector<16xf32>
        %add3A_1151 = arith.addf %add3A_1095, %mul3A_1150 : vector<16xf32>
        %add3A_1152 = arith.constant 3 : i32
        %add3A_1153 = vector.broadcast %add3A_1152 : i32 to vector<16xi32>
        %add3A_1154 = arith.addi %get3A_1129, %add3A_1153 : vector<16xi32>
        %gather3A_1155 = tpu.vector_load_idx %arg6[%add3A_1154] : memref<9216xf32, #tpu.memory_space<vmem>>[vector<16xi32>], vector<16xf32>,
        %mul3A_1156 = arith.mulf %get3A_1133, %gather3A_1155 : vector<16xf32>
        %add3A_1157 = arith.addf %add3A_1101, %mul3A_1156 : vector<16xf32>
        %add3A_1158 = arith.constant 4 : i32
        %add3A_1159 = vector.broadcast %add3A_1158 : i32 to vector<16xi32>
        %add3A_1160 = arith.addi %get3A_1129, %add3A_1159 : vector<16xi32>
        %gather3A_1161 = tpu.vector_load_idx %arg6[%add3A_1160] : memref<9216xf32, #tpu.memory_space<vmem>>[vector<16xi32>], vector<16xf32>,
        %mul3A_1162 = arith.mulf %get3A_1133, %gather3A_1161 : vector<16xf32>
        %add3A_1163 = arith.addf %add3A_1107, %mul3A_1162 : vector<16xf32>
        %add3A_1164 = arith.constant 5 : i32
        %add3A_1165 = vector.broadcast %add3A_1164 : i32 to vector<16xi32>
        %add3A_1166 = arith.addi %get3A_1129, %add3A_1165 : vector<16xi32>
        %gather3A_1167 = tpu.vector_load_idx %arg6[%add3A_1166] : memref<9216xf32, #tpu.memory_space<vmem>>[vector<16xi32>], vector<16xf32>,
        %mul3A_1168 = arith.mulf %get3A_1133, %gather3A_1167 : vector<16xf32>
        %add3A_1169 = arith.addf %add3A_1113, %mul3A_1168 : vector<16xf32>
        %add3A_1170 = arith.constant 6 : i32
        %add3A_1171 = vector.broadcast %add3A_1170 : i32 to vector<16xi32>
        %add3A_1172 = arith.addi %get3A_1129, %add3A_1171 : vector<16xi32>
        %gather3A_1173 = tpu.vector_load_idx %arg6[%add3A_1172] : memref<9216xf32, #tpu.memory_space<vmem>>[vector<16xi32>], vector<16xf32>,
        %mul3A_1174 = arith.mulf %get3A_1133, %gather3A_1173 : vector<16xf32>
        %add3A_1175 = arith.addf %add3A_1119, %mul3A_1174 : vector<16xf32>
        %add3A_1176 = arith.constant 7 : i32
        %add3A_1177 = vector.broadcast %add3A_1176 : i32 to vector<16xi32>
        %add3A_1178 = arith.addi %get3A_1129, %add3A_1177 : vector<16xi32>
        %gather3A_1179 = tpu.vector_load_idx %arg6[%add3A_1178] : memref<9216xf32, #tpu.memory_space<vmem>>[vector<16xi32>], vector<16xf32>,
        %mul3A_1180 = arith.mulf %get3A_1133, %gather3A_1179 : vector<16xf32>
        %add3A_1181 = arith.addf %add3A_1125, %mul3A_1180 : vector<16xf32>
        %add3A_1182 = arith.constant 4096 : i32
        %add3A_1183 = arith.addi %add3A_1182, %add3A_965 : i32
        %get3A_1184 = arith.index_cast %add3A_1183 : i32 to index
        %get3A_1185 = tpu.vector_load %arg7[%get3A_1184] {strides = array<i32>} : memref<18432xi32, #tpu.memory_space<vmem>>, vector<16xi32>,
        %add3A_1186 = arith.constant 4096 : i32
        %add3A_1187 = arith.addi %add3A_1186, %add3A_965 : i32
        %get3A_1188 = arith.index_cast %add3A_1187 : i32 to index
        %get3A_1189 = tpu.vector_load %arg8[%get3A_1188] {strides = array<i32>} : memref<20480xf32, #tpu.memory_space<vmem>>, vector<16xf32>,
        %add3A_1190 = arith.constant 0 : i32
        %add3A_1191 = vector.broadcast %add3A_1190 : i32 to vector<16xi32>
        %add3A_1192 = arith.addi %get3A_1185, %add3A_1191 : vector<16xi32>
        %gather3A_1193 = tpu.vector_load_idx %arg6[%add3A_1192] : memref<9216xf32, #tpu.memory_space<vmem>>[vector<16xi32>], vector<16xf32>,
        %mul3A_1194 = arith.mulf %get3A_1189, %gather3A_1193 : vector<16xf32>
        %add3A_1195 = arith.addf %add3A_1139, %mul3A_1194 : vector<16xf32>
        %add3A_1196 = arith.constant 1 : i32
        %add3A_1197 = vector.broadcast %add3A_1196 : i32 to vector<16xi32>
        %add3A_1198 = arith.addi %get3A_1185, %add3A_1197 : vector<16xi32>
        %gather3A_1199 = tpu.vector_load_idx %arg6[%add3A_1198] : memref<9216xf32, #tpu.memory_space<vmem>>[vector<16xi32>], vector<16xf32>,
        %mul3A_1200 = arith.mulf %get3A_1189, %gather3A_1199 : vector<16xf32>
        %add3A_1201 = arith.addf %add3A_1145, %mul3A_1200 : vector<16xf32>
        %add3A_1202 = arith.constant 2 : i32
        %add3A_1203 = vector.broadcast %add3A_1202 : i32 to vector<16xi32>
        %add3A_1204 = arith.addi %get3A_1185, %add3A_1203 : vector<16xi32>
        %gather3A_1205 = tpu.vector_load_idx %arg6[%add3A_1204] : memref<9216xf32, #tpu.memory_space<vmem>>[vector<16xi32>], vector<16xf32>,
        %mul3A_1206 = arith.mulf %get3A_1189, %gather3A_1205 : vector<16xf32>
        %add3A_1207 = arith.addf %add3A_1151, %mul3A_1206 : vector<16xf32>
        %add3A_1208 = arith.constant 3 : i32
        %add3A_1209 = vector.broadcast %add3A_1208 : i32 to vector<16xi32>
        %add3A_1210 = arith.addi %get3A_1185, %add3A_1209 : vector<16xi32>
        %gather3A_1211 = tpu.vector_load_idx %arg6[%add3A_1210] : memref<9216xf32, #tpu.memory_space<vmem>>[vector<16xi32>], vector<16xf32>,
        %mul3A_1212 = arith.mulf %get3A_1189, %gather3A_1211 : vector<16xf32>
        %add3A_1213 = arith.addf %add3A_1157, %mul3A_1212 : vector<16xf32>
        %add3A_1214 = arith.constant 4 : i32
        %add3A_1215 = vector.broadcast %add3A_1214 : i32 to vector<16xi32>
        %add3A_1216 = arith.addi %get3A_1185, %add3A_1215 : vector<16xi32>
        %gather3A_1217 = tpu.vector_load_idx %arg6[%add3A_1216] : memref<9216xf32, #tpu.memory_space<vmem>>[vector<16xi32>], vector<16xf32>,
        %mul3A_1218 = arith.mulf %get3A_1189, %gather3A_1217 : vector<16xf32>
        %add3A_1219 = arith.addf %add3A_1163, %mul3A_1218 : vector<16xf32>
        %add3A_1220 = arith.constant 5 : i32
        %add3A_1221 = vector.broadcast %add3A_1220 : i32 to vector<16xi32>
        %add3A_1222 = arith.addi %get3A_1185, %add3A_1221 : vector<16xi32>
        %gather3A_1223 = tpu.vector_load_idx %arg6[%add3A_1222] : memref<9216xf32, #tpu.memory_space<vmem>>[vector<16xi32>], vector<16xf32>,
        %mul3A_1224 = arith.mulf %get3A_1189, %gather3A_1223 : vector<16xf32>
        %add3A_1225 = arith.addf %add3A_1169, %mul3A_1224 : vector<16xf32>
        %add3A_1226 = arith.constant 6 : i32
        %add3A_1227 = vector.broadcast %add3A_1226 : i32 to vector<16xi32>
        %add3A_1228 = arith.addi %get3A_1185, %add3A_1227 : vector<16xi32>
        %gather3A_1229 = tpu.vector_load_idx %arg6[%add3A_1228] : memref<9216xf32, #tpu.memory_space<vmem>>[vector<16xi32>], vector<16xf32>,
        %mul3A_1230 = arith.mulf %get3A_1189, %gather3A_1229 : vector<16xf32>
        %add3A_1231 = arith.addf %add3A_1175, %mul3A_1230 : vector<16xf32>
        %add3A_1232 = arith.constant 7 : i32
        %add3A_1233 = vector.broadcast %add3A_1232 : i32 to vector<16xi32>
        %add3A_1234 = arith.addi %get3A_1185, %add3A_1233 : vector<16xi32>
        %gather3A_1235 = tpu.vector_load_idx %arg6[%add3A_1234] : memref<9216xf32, #tpu.memory_space<vmem>>[vector<16xi32>], vector<16xf32>,
        %mul3A_1236 = arith.mulf %get3A_1189, %gather3A_1235 : vector<16xf32>
        %add3A_1237 = arith.addf %add3A_1181, %mul3A_1236 : vector<16xf32>
        %add3A_1238 = arith.constant 5120 : i32
        %add3A_1239 = arith.addi %add3A_1238, %add3A_965 : i32
        %get3A_1240 = arith.index_cast %add3A_1239 : i32 to index
        %get3A_1241 = tpu.vector_load %arg7[%get3A_1240] {strides = array<i32>} : memref<18432xi32, #tpu.memory_space<vmem>>, vector<16xi32>,
        %add3A_1242 = arith.constant 5120 : i32
        %add3A_1243 = arith.addi %add3A_1242, %add3A_965 : i32
        %get3A_1244 = arith.index_cast %add3A_1243 : i32 to index
        %get3A_1245 = tpu.vector_load %arg8[%get3A_1244] {strides = array<i32>} : memref<20480xf32, #tpu.memory_space<vmem>>, vector<16xf32>,
        %add3A_1246 = arith.constant 0 : i32
        %add3A_1247 = vector.broadcast %add3A_1246 : i32 to vector<16xi32>
        %add3A_1248 = arith.addi %get3A_1241, %add3A_1247 : vector<16xi32>
        %gather3A_1249 = tpu.vector_load_idx %arg6[%add3A_1248] : memref<9216xf32, #tpu.memory_space<vmem>>[vector<16xi32>], vector<16xf32>,
        %mul3A_1250 = arith.mulf %get3A_1245, %gather3A_1249 : vector<16xf32>
        %add3A_1251 = arith.addf %add3A_1195, %mul3A_1250 : vector<16xf32>
        %add3A_1252 = arith.constant 1 : i32
        %add3A_1253 = vector.broadcast %add3A_1252 : i32 to vector<16xi32>
        %add3A_1254 = arith.addi %get3A_1241, %add3A_1253 : vector<16xi32>
        %gather3A_1255 = tpu.vector_load_idx %arg6[%add3A_1254] : memref<9216xf32, #tpu.memory_space<vmem>>[vector<16xi32>], vector<16xf32>,
        %mul3A_1256 = arith.mulf %get3A_1245, %gather3A_1255 : vector<16xf32>
        %add3A_1257 = arith.addf %add3A_1201, %mul3A_1256 : vector<16xf32>
        %add3A_1258 = arith.constant 2 : i32
        %add3A_1259 = vector.broadcast %add3A_1258 : i32 to vector<16xi32>
        %add3A_1260 = arith.addi %get3A_1241, %add3A_1259 : vector<16xi32>
        %gather3A_1261 = tpu.vector_load_idx %arg6[%add3A_1260] : memref<9216xf32, #tpu.memory_space<vmem>>[vector<16xi32>], vector<16xf32>,
        %mul3A_1262 = arith.mulf %get3A_1245, %gather3A_1261 : vector<16xf32>
        %add3A_1263 = arith.addf %add3A_1207, %mul3A_1262 : vector<16xf32>
        %add3A_1264 = arith.constant 3 : i32
        %add3A_1265 = vector.broadcast %add3A_1264 : i32 to vector<16xi32>
        %add3A_1266 = arith.addi %get3A_1241, %add3A_1265 : vector<16xi32>
        %gather3A_1267 = tpu.vector_load_idx %arg6[%add3A_1266] : memref<9216xf32, #tpu.memory_space<vmem>>[vector<16xi32>], vector<16xf32>,
        %mul3A_1268 = arith.mulf %get3A_1245, %gather3A_1267 : vector<16xf32>
        %add3A_1269 = arith.addf %add3A_1213, %mul3A_1268 : vector<16xf32>
        %add3A_1270 = arith.constant 4 : i32
        %add3A_1271 = vector.broadcast %add3A_1270 : i32 to vector<16xi32>
        %add3A_1272 = arith.addi %get3A_1241, %add3A_1271 : vector<16xi32>
        %gather3A_1273 = tpu.vector_load_idx %arg6[%add3A_1272] : memref<9216xf32, #tpu.memory_space<vmem>>[vector<16xi32>], vector<16xf32>,
        %mul3A_1274 = arith.mulf %get3A_1245, %gather3A_1273 : vector<16xf32>
        %add3A_1275 = arith.addf %add3A_1219, %mul3A_1274 : vector<16xf32>
        %add3A_1276 = arith.constant 5 : i32
        %add3A_1277 = vector.broadcast %add3A_1276 : i32 to vector<16xi32>
        %add3A_1278 = arith.addi %get3A_1241, %add3A_1277 : vector<16xi32>
        %gather3A_1279 = tpu.vector_load_idx %arg6[%add3A_1278] : memref<9216xf32, #tpu.memory_space<vmem>>[vector<16xi32>], vector<16xf32>,
        %mul3A_1280 = arith.mulf %get3A_1245, %gather3A_1279 : vector<16xf32>
        %add3A_1281 = arith.addf %add3A_1225, %mul3A_1280 : vector<16xf32>
        %add3A_1282 = arith.constant 6 : i32
        %add3A_1283 = vector.broadcast %add3A_1282 : i32 to vector<16xi32>
        %add3A_1284 = arith.addi %get3A_1241, %add3A_1283 : vector<16xi32>
        %gather3A_1285 = tpu.vector_load_idx %arg6[%add3A_1284] : memref<9216xf32, #tpu.memory_space<vmem>>[vector<16xi32>], vector<16xf32>,
        %mul3A_1286 = arith.mulf %get3A_1245, %gather3A_1285 : vector<16xf32>
        %add3A_1287 = arith.addf %add3A_1231, %mul3A_1286 : vector<16xf32>
        %add3A_1288 = arith.constant 7 : i32
        %add3A_1289 = vector.broadcast %add3A_1288 : i32 to vector<16xi32>
        %add3A_1290 = arith.addi %get3A_1241, %add3A_1289 : vector<16xi32>
        %gather3A_1291 = tpu.vector_load_idx %arg6[%add3A_1290] : memref<9216xf32, #tpu.memory_space<vmem>>[vector<16xi32>], vector<16xf32>,
        %mul3A_1292 = arith.mulf %get3A_1245, %gather3A_1291 : vector<16xf32>
        %add3A_1293 = arith.addf %add3A_1237, %mul3A_1292 : vector<16xf32>
        %add3A_1294 = arith.constant 6144 : i32
        %add3A_1295 = arith.addi %add3A_1294, %add3A_965 : i32
        %get3A_1296 = arith.index_cast %add3A_1295 : i32 to index
        %get3A_1297 = tpu.vector_load %arg7[%get3A_1296] {strides = array<i32>} : memref<18432xi32, #tpu.memory_space<vmem>>, vector<16xi32>,
        %add3A_1298 = arith.constant 6144 : i32
        %add3A_1299 = arith.addi %add3A_1298, %add3A_965 : i32
        %get3A_1300 = arith.index_cast %add3A_1299 : i32 to index
        %get3A_1301 = tpu.vector_load %arg8[%get3A_1300] {strides = array<i32>} : memref<20480xf32, #tpu.memory_space<vmem>>, vector<16xf32>,
        %add3A_1302 = arith.constant 0 : i32
        %add3A_1303 = vector.broadcast %add3A_1302 : i32 to vector<16xi32>
        %add3A_1304 = arith.addi %get3A_1297, %add3A_1303 : vector<16xi32>
        %gather3A_1305 = tpu.vector_load_idx %arg6[%add3A_1304] : memref<9216xf32, #tpu.memory_space<vmem>>[vector<16xi32>], vector<16xf32>,
        %mul3A_1306 = arith.mulf %get3A_1301, %gather3A_1305 : vector<16xf32>
        %add3A_1307 = arith.addf %add3A_1251, %mul3A_1306 : vector<16xf32>
        %add3A_1308 = arith.constant 1 : i32
        %add3A_1309 = vector.broadcast %add3A_1308 : i32 to vector<16xi32>
        %add3A_1310 = arith.addi %get3A_1297, %add3A_1309 : vector<16xi32>
        %gather3A_1311 = tpu.vector_load_idx %arg6[%add3A_1310] : memref<9216xf32, #tpu.memory_space<vmem>>[vector<16xi32>], vector<16xf32>,
        %mul3A_1312 = arith.mulf %get3A_1301, %gather3A_1311 : vector<16xf32>
        %add3A_1313 = arith.addf %add3A_1257, %mul3A_1312 : vector<16xf32>
        %add3A_1314 = arith.constant 2 : i32
        %add3A_1315 = vector.broadcast %add3A_1314 : i32 to vector<16xi32>
        %add3A_1316 = arith.addi %get3A_1297, %add3A_1315 : vector<16xi32>
        %gather3A_1317 = tpu.vector_load_idx %arg6[%add3A_1316] : memref<9216xf32, #tpu.memory_space<vmem>>[vector<16xi32>], vector<16xf32>,
        %mul3A_1318 = arith.mulf %get3A_1301, %gather3A_1317 : vector<16xf32>
        %add3A_1319 = arith.addf %add3A_1263, %mul3A_1318 : vector<16xf32>
        %add3A_1320 = arith.constant 3 : i32
        %add3A_1321 = vector.broadcast %add3A_1320 : i32 to vector<16xi32>
        %add3A_1322 = arith.addi %get3A_1297, %add3A_1321 : vector<16xi32>
        %gather3A_1323 = tpu.vector_load_idx %arg6[%add3A_1322] : memref<9216xf32, #tpu.memory_space<vmem>>[vector<16xi32>], vector<16xf32>,
        %mul3A_1324 = arith.mulf %get3A_1301, %gather3A_1323 : vector<16xf32>
        %add3A_1325 = arith.addf %add3A_1269, %mul3A_1324 : vector<16xf32>
        %add3A_1326 = arith.constant 4 : i32
        %add3A_1327 = vector.broadcast %add3A_1326 : i32 to vector<16xi32>
        %add3A_1328 = arith.addi %get3A_1297, %add3A_1327 : vector<16xi32>
        %gather3A_1329 = tpu.vector_load_idx %arg6[%add3A_1328] : memref<9216xf32, #tpu.memory_space<vmem>>[vector<16xi32>], vector<16xf32>,
        %mul3A_1330 = arith.mulf %get3A_1301, %gather3A_1329 : vector<16xf32>
        %add3A_1331 = arith.addf %add3A_1275, %mul3A_1330 : vector<16xf32>
        %add3A_1332 = arith.constant 5 : i32
        %add3A_1333 = vector.broadcast %add3A_1332 : i32 to vector<16xi32>
        %add3A_1334 = arith.addi %get3A_1297, %add3A_1333 : vector<16xi32>
        %gather3A_1335 = tpu.vector_load_idx %arg6[%add3A_1334] : memref<9216xf32, #tpu.memory_space<vmem>>[vector<16xi32>], vector<16xf32>,
        %mul3A_1336 = arith.mulf %get3A_1301, %gather3A_1335 : vector<16xf32>
        %add3A_1337 = arith.addf %add3A_1281, %mul3A_1336 : vector<16xf32>
        %add3A_1338 = arith.constant 6 : i32
        %add3A_1339 = vector.broadcast %add3A_1338 : i32 to vector<16xi32>
        %add3A_1340 = arith.addi %get3A_1297, %add3A_1339 : vector<16xi32>
        %gather3A_1341 = tpu.vector_load_idx %arg6[%add3A_1340] : memref<9216xf32, #tpu.memory_space<vmem>>[vector<16xi32>], vector<16xf32>,
        %mul3A_1342 = arith.mulf %get3A_1301, %gather3A_1341 : vector<16xf32>
        %add3A_1343 = arith.addf %add3A_1287, %mul3A_1342 : vector<16xf32>
        %add3A_1344 = arith.constant 7 : i32
        %add3A_1345 = vector.broadcast %add3A_1344 : i32 to vector<16xi32>
        %add3A_1346 = arith.addi %get3A_1297, %add3A_1345 : vector<16xi32>
        %gather3A_1347 = tpu.vector_load_idx %arg6[%add3A_1346] : memref<9216xf32, #tpu.memory_space<vmem>>[vector<16xi32>], vector<16xf32>,
        %mul3A_1348 = arith.mulf %get3A_1301, %gather3A_1347 : vector<16xf32>
        %add3A_1349 = arith.addf %add3A_1293, %mul3A_1348 : vector<16xf32>
        %add3A_1350 = arith.constant 7168 : i32
        %add3A_1351 = arith.addi %add3A_1350, %add3A_965 : i32
        %get3A_1352 = arith.index_cast %add3A_1351 : i32 to index
        %get3A_1353 = tpu.vector_load %arg7[%get3A_1352] {strides = array<i32>} : memref<18432xi32, #tpu.memory_space<vmem>>, vector<16xi32>,
        %add3A_1354 = arith.constant 7168 : i32
        %add3A_1355 = arith.addi %add3A_1354, %add3A_965 : i32
        %get3A_1356 = arith.index_cast %add3A_1355 : i32 to index
        %get3A_1357 = tpu.vector_load %arg8[%get3A_1356] {strides = array<i32>} : memref<20480xf32, #tpu.memory_space<vmem>>, vector<16xf32>,
        %add3A_1358 = arith.constant 0 : i32
        %add3A_1359 = vector.broadcast %add3A_1358 : i32 to vector<16xi32>
        %add3A_1360 = arith.addi %get3A_1353, %add3A_1359 : vector<16xi32>
        %gather3A_1361 = tpu.vector_load_idx %arg6[%add3A_1360] : memref<9216xf32, #tpu.memory_space<vmem>>[vector<16xi32>], vector<16xf32>,
        %mul3A_1362 = arith.mulf %get3A_1357, %gather3A_1361 : vector<16xf32>
        %add3A_1363 = arith.addf %add3A_1307, %mul3A_1362 : vector<16xf32>
        %add3A_1364 = arith.constant 1 : i32
        %add3A_1365 = vector.broadcast %add3A_1364 : i32 to vector<16xi32>
        %add3A_1366 = arith.addi %get3A_1353, %add3A_1365 : vector<16xi32>
        %gather3A_1367 = tpu.vector_load_idx %arg6[%add3A_1366] : memref<9216xf32, #tpu.memory_space<vmem>>[vector<16xi32>], vector<16xf32>,
        %mul3A_1368 = arith.mulf %get3A_1357, %gather3A_1367 : vector<16xf32>
        %add3A_1369 = arith.addf %add3A_1313, %mul3A_1368 : vector<16xf32>
        %add3A_1370 = arith.constant 2 : i32
        %add3A_1371 = vector.broadcast %add3A_1370 : i32 to vector<16xi32>
        %add3A_1372 = arith.addi %get3A_1353, %add3A_1371 : vector<16xi32>
        %gather3A_1373 = tpu.vector_load_idx %arg6[%add3A_1372] : memref<9216xf32, #tpu.memory_space<vmem>>[vector<16xi32>], vector<16xf32>,
        %mul3A_1374 = arith.mulf %get3A_1357, %gather3A_1373 : vector<16xf32>
        %add3A_1375 = arith.addf %add3A_1319, %mul3A_1374 : vector<16xf32>
        %add3A_1376 = arith.constant 3 : i32
        %add3A_1377 = vector.broadcast %add3A_1376 : i32 to vector<16xi32>
        %add3A_1378 = arith.addi %get3A_1353, %add3A_1377 : vector<16xi32>
        %gather3A_1379 = tpu.vector_load_idx %arg6[%add3A_1378] : memref<9216xf32, #tpu.memory_space<vmem>>[vector<16xi32>], vector<16xf32>,
        %mul3A_1380 = arith.mulf %get3A_1357, %gather3A_1379 : vector<16xf32>
        %add3A_1381 = arith.addf %add3A_1325, %mul3A_1380 : vector<16xf32>
        %add3A_1382 = arith.constant 4 : i32
        %add3A_1383 = vector.broadcast %add3A_1382 : i32 to vector<16xi32>
        %add3A_1384 = arith.addi %get3A_1353, %add3A_1383 : vector<16xi32>
        %gather3A_1385 = tpu.vector_load_idx %arg6[%add3A_1384] : memref<9216xf32, #tpu.memory_space<vmem>>[vector<16xi32>], vector<16xf32>,
        %mul3A_1386 = arith.mulf %get3A_1357, %gather3A_1385 : vector<16xf32>
        %add3A_1387 = arith.addf %add3A_1331, %mul3A_1386 : vector<16xf32>
        %add3A_1388 = arith.constant 5 : i32
        %add3A_1389 = vector.broadcast %add3A_1388 : i32 to vector<16xi32>
        %add3A_1390 = arith.addi %get3A_1353, %add3A_1389 : vector<16xi32>
        %gather3A_1391 = tpu.vector_load_idx %arg6[%add3A_1390] : memref<9216xf32, #tpu.memory_space<vmem>>[vector<16xi32>], vector<16xf32>,
        %mul3A_1392 = arith.mulf %get3A_1357, %gather3A_1391 : vector<16xf32>
        %add3A_1393 = arith.addf %add3A_1337, %mul3A_1392 : vector<16xf32>
        %add3A_1394 = arith.constant 6 : i32
        %add3A_1395 = vector.broadcast %add3A_1394 : i32 to vector<16xi32>
        %add3A_1396 = arith.addi %get3A_1353, %add3A_1395 : vector<16xi32>
        %gather3A_1397 = tpu.vector_load_idx %arg6[%add3A_1396] : memref<9216xf32, #tpu.memory_space<vmem>>[vector<16xi32>], vector<16xf32>,
        %mul3A_1398 = arith.mulf %get3A_1357, %gather3A_1397 : vector<16xf32>
        %add3A_1399 = arith.addf %add3A_1343, %mul3A_1398 : vector<16xf32>
        %add3A_1400 = arith.constant 7 : i32
        %add3A_1401 = vector.broadcast %add3A_1400 : i32 to vector<16xi32>
        %add3A_1402 = arith.addi %get3A_1353, %add3A_1401 : vector<16xi32>
        %gather3A_1403 = tpu.vector_load_idx %arg6[%add3A_1402] : memref<9216xf32, #tpu.memory_space<vmem>>[vector<16xi32>], vector<16xf32>,
        %mul3A_1404 = arith.mulf %get3A_1357, %gather3A_1403 : vector<16xf32>
        %add3A_1405 = arith.addf %add3A_1349, %mul3A_1404 : vector<16xf32>
        %add3A_1406 = arith.constant 8192 : i32
        %add3A_1407 = arith.addi %add3A_1406, %add3A_965 : i32
        %get3A_1408 = arith.index_cast %add3A_1407 : i32 to index
        %get3A_1409 = tpu.vector_load %arg7[%get3A_1408] {strides = array<i32>} : memref<18432xi32, #tpu.memory_space<vmem>>, vector<16xi32>,
        %add3A_1410 = arith.constant 8192 : i32
        %add3A_1411 = arith.addi %add3A_1410, %add3A_965 : i32
        %get3A_1412 = arith.index_cast %add3A_1411 : i32 to index
        %get3A_1413 = tpu.vector_load %arg8[%get3A_1412] {strides = array<i32>} : memref<20480xf32, #tpu.memory_space<vmem>>, vector<16xf32>,
        %add3A_1414 = arith.constant 0 : i32
        %add3A_1415 = vector.broadcast %add3A_1414 : i32 to vector<16xi32>
        %add3A_1416 = arith.addi %get3A_1409, %add3A_1415 : vector<16xi32>
        %gather3A_1417 = tpu.vector_load_idx %arg6[%add3A_1416] : memref<9216xf32, #tpu.memory_space<vmem>>[vector<16xi32>], vector<16xf32>,
        %mul3A_1418 = arith.mulf %get3A_1413, %gather3A_1417 : vector<16xf32>
        %add3A_1419 = arith.addf %add3A_1363, %mul3A_1418 : vector<16xf32>
        %add3A_1420 = arith.constant 1 : i32
        %add3A_1421 = vector.broadcast %add3A_1420 : i32 to vector<16xi32>
        %add3A_1422 = arith.addi %get3A_1409, %add3A_1421 : vector<16xi32>
        %gather3A_1423 = tpu.vector_load_idx %arg6[%add3A_1422] : memref<9216xf32, #tpu.memory_space<vmem>>[vector<16xi32>], vector<16xf32>,
        %mul3A_1424 = arith.mulf %get3A_1413, %gather3A_1423 : vector<16xf32>
        %add3A_1425 = arith.addf %add3A_1369, %mul3A_1424 : vector<16xf32>
        %add3A_1426 = arith.constant 2 : i32
        %add3A_1427 = vector.broadcast %add3A_1426 : i32 to vector<16xi32>
        %add3A_1428 = arith.addi %get3A_1409, %add3A_1427 : vector<16xi32>
        %gather3A_1429 = tpu.vector_load_idx %arg6[%add3A_1428] : memref<9216xf32, #tpu.memory_space<vmem>>[vector<16xi32>], vector<16xf32>,
        %mul3A_1430 = arith.mulf %get3A_1413, %gather3A_1429 : vector<16xf32>
        %add3A_1431 = arith.addf %add3A_1375, %mul3A_1430 : vector<16xf32>
        %add3A_1432 = arith.constant 3 : i32
        %add3A_1433 = vector.broadcast %add3A_1432 : i32 to vector<16xi32>
        %add3A_1434 = arith.addi %get3A_1409, %add3A_1433 : vector<16xi32>
        %gather3A_1435 = tpu.vector_load_idx %arg6[%add3A_1434] : memref<9216xf32, #tpu.memory_space<vmem>>[vector<16xi32>], vector<16xf32>,
        %mul3A_1436 = arith.mulf %get3A_1413, %gather3A_1435 : vector<16xf32>
        %add3A_1437 = arith.addf %add3A_1381, %mul3A_1436 : vector<16xf32>
        %add3A_1438 = arith.constant 4 : i32
        %add3A_1439 = vector.broadcast %add3A_1438 : i32 to vector<16xi32>
        %add3A_1440 = arith.addi %get3A_1409, %add3A_1439 : vector<16xi32>
        %gather3A_1441 = tpu.vector_load_idx %arg6[%add3A_1440] : memref<9216xf32, #tpu.memory_space<vmem>>[vector<16xi32>], vector<16xf32>,
        %mul3A_1442 = arith.mulf %get3A_1413, %gather3A_1441 : vector<16xf32>
        %add3A_1443 = arith.addf %add3A_1387, %mul3A_1442 : vector<16xf32>
        %add3A_1444 = arith.constant 5 : i32
        %add3A_1445 = vector.broadcast %add3A_1444 : i32 to vector<16xi32>
        %add3A_1446 = arith.addi %get3A_1409, %add3A_1445 : vector<16xi32>
        %gather3A_1447 = tpu.vector_load_idx %arg6[%add3A_1446] : memref<9216xf32, #tpu.memory_space<vmem>>[vector<16xi32>], vector<16xf32>,
        %mul3A_1448 = arith.mulf %get3A_1413, %gather3A_1447 : vector<16xf32>
        %add3A_1449 = arith.addf %add3A_1393, %mul3A_1448 : vector<16xf32>
        %add3A_1450 = arith.constant 6 : i32
        %add3A_1451 = vector.broadcast %add3A_1450 : i32 to vector<16xi32>
        %add3A_1452 = arith.addi %get3A_1409, %add3A_1451 : vector<16xi32>
        %gather3A_1453 = tpu.vector_load_idx %arg6[%add3A_1452] : memref<9216xf32, #tpu.memory_space<vmem>>[vector<16xi32>], vector<16xf32>,
        %mul3A_1454 = arith.mulf %get3A_1413, %gather3A_1453 : vector<16xf32>
        %add3A_1455 = arith.addf %add3A_1399, %mul3A_1454 : vector<16xf32>
        %add3A_1456 = arith.constant 7 : i32
        %add3A_1457 = vector.broadcast %add3A_1456 : i32 to vector<16xi32>
        %add3A_1458 = arith.addi %get3A_1409, %add3A_1457 : vector<16xi32>
        %gather3A_1459 = tpu.vector_load_idx %arg6[%add3A_1458] : memref<9216xf32, #tpu.memory_space<vmem>>[vector<16xi32>], vector<16xf32>,
        %mul3A_1460 = arith.mulf %get3A_1413, %gather3A_1459 : vector<16xf32>
        %add3A_1461 = arith.addf %add3A_1405, %mul3A_1460 : vector<16xf32>
        %add3A_1462 = arith.constant 9216 : i32
        %add3A_1463 = arith.addi %add3A_1462, %add3A_965 : i32
        %get3A_1464 = arith.index_cast %add3A_1463 : i32 to index
        %get3A_1465 = tpu.vector_load %arg8[%get3A_1464] {strides = array<i32>} : memref<20480xf32, #tpu.memory_space<vmem>>, vector<16xf32>,
        %mul3A_1466 = arith.mulf %get3A_1465, %gather3A : vector<16xf32>
        %add3A_1467 = arith.addf %add3A_1419, %mul3A_1466 : vector<16xf32>
        %mul3A_1468 = arith.mulf %get3A_1465, %gather3A_6 : vector<16xf32>
        %add3A_1469 = arith.addf %add3A_1425, %mul3A_1468 : vector<16xf32>
        %mul3A_1470 = arith.mulf %get3A_1465, %gather3A_9 : vector<16xf32>
        %add3A_1471 = arith.addf %add3A_1431, %mul3A_1470 : vector<16xf32>
        %mul3A_1472 = arith.mulf %get3A_1465, %gather3A_12 : vector<16xf32>
        %add3A_1473 = arith.addf %add3A_1437, %mul3A_1472 : vector<16xf32>
        %mul3A_1474 = arith.mulf %get3A_1465, %gather3A_15 : vector<16xf32>
        %add3A_1475 = arith.addf %add3A_1443, %mul3A_1474 : vector<16xf32>
        %mul3A_1476 = arith.mulf %get3A_1465, %gather3A_18 : vector<16xf32>
        %add3A_1477 = arith.addf %add3A_1449, %mul3A_1476 : vector<16xf32>
        %mul3A_1478 = arith.mulf %get3A_1465, %gather3A_21 : vector<16xf32>
        %add3A_1479 = arith.addf %add3A_1455, %mul3A_1478 : vector<16xf32>
        %mul3A_1480 = arith.mulf %get3A_1465, %gather3A_24 : vector<16xf32>
        %add3A_1481 = arith.addf %add3A_1461, %mul3A_1480 : vector<16xf32>
        %add3A_1482 = arith.constant 0 : i32
        %add3A_1483 = arith.addi %add3A_1482, %add3A_965 : i32
        %swap3A_1484 = arith.index_cast %add3A_1483 : i32 to index
        %swap3A_1485 = tpu.vector_load %arg9[%swap3A_1484] {strides = array<i32>} : memref<16384xf32, #tpu.memory_space<vmem>>, vector<16xf32>,
        tpu.vector_store %arg9[%swap3A_1484], %add3A_1467 {strides = array<i32>} : memref<16384xf32, #tpu.memory_space<vmem>>, vector<16xf32>,
        %add3A_1486 = arith.constant 1024 : i32
        %add3A_1487 = arith.addi %add3A_1486, %add3A_965 : i32
        %swap3A_1488 = arith.index_cast %add3A_1487 : i32 to index
        %swap3A_1489 = tpu.vector_load %arg9[%swap3A_1488] {strides = array<i32>} : memref<16384xf32, #tpu.memory_space<vmem>>, vector<16xf32>,
        tpu.vector_store %arg9[%swap3A_1488], %add3A_1469 {strides = array<i32>} : memref<16384xf32, #tpu.memory_space<vmem>>, vector<16xf32>,
        %add3A_1490 = arith.constant 2048 : i32
        %add3A_1491 = arith.addi %add3A_1490, %add3A_965 : i32
        %swap3A_1492 = arith.index_cast %add3A_1491 : i32 to index
        %swap3A_1493 = tpu.vector_load %arg9[%swap3A_1492] {strides = array<i32>} : memref<16384xf32, #tpu.memory_space<vmem>>, vector<16xf32>,
        tpu.vector_store %arg9[%swap3A_1492], %add3A_1471 {strides = array<i32>} : memref<16384xf32, #tpu.memory_space<vmem>>, vector<16xf32>,
        %add3A_1494 = arith.constant 3072 : i32
        %add3A_1495 = arith.addi %add3A_1494, %add3A_965 : i32
        %swap3A_1496 = arith.index_cast %add3A_1495 : i32 to index
        %swap3A_1497 = tpu.vector_load %arg9[%swap3A_1496] {strides = array<i32>} : memref<16384xf32, #tpu.memory_space<vmem>>, vector<16xf32>,
        tpu.vector_store %arg9[%swap3A_1496], %add3A_1473 {strides = array<i32>} : memref<16384xf32, #tpu.memory_space<vmem>>, vector<16xf32>,
        %add3A_1498 = arith.constant 4096 : i32
        %add3A_1499 = arith.addi %add3A_1498, %add3A_965 : i32
        %swap3A_1500 = arith.index_cast %add3A_1499 : i32 to index
        %swap3A_1501 = tpu.vector_load %arg9[%swap3A_1500] {strides = array<i32>} : memref<16384xf32, #tpu.memory_space<vmem>>, vector<16xf32>,
        tpu.vector_store %arg9[%swap3A_1500], %add3A_1475 {strides = array<i32>} : memref<16384xf32, #tpu.memory_space<vmem>>, vector<16xf32>,
        %add3A_1502 = arith.constant 5120 : i32
        %add3A_1503 = arith.addi %add3A_1502, %add3A_965 : i32
        %swap3A_1504 = arith.index_cast %add3A_1503 : i32 to index
        %swap3A_1505 = tpu.vector_load %arg9[%swap3A_1504] {strides = array<i32>} : memref<16384xf32, #tpu.memory_space<vmem>>, vector<16xf32>,
        tpu.vector_store %arg9[%swap3A_1504], %add3A_1477 {strides = array<i32>} : memref<16384xf32, #tpu.memory_space<vmem>>, vector<16xf32>,
        %add3A_1506 = arith.constant 6144 : i32
        %add3A_1507 = arith.addi %add3A_1506, %add3A_965 : i32
        %swap3A_1508 = arith.index_cast %add3A_1507 : i32 to index
        %swap3A_1509 = tpu.vector_load %arg9[%swap3A_1508] {strides = array<i32>} : memref<16384xf32, #tpu.memory_space<vmem>>, vector<16xf32>,
        tpu.vector_store %arg9[%swap3A_1508], %add3A_1479 {strides = array<i32>} : memref<16384xf32, #tpu.memory_space<vmem>>, vector<16xf32>,
        %add3A_1510 = arith.constant 7168 : i32
        %add3A_1511 = arith.addi %add3A_1510, %add3A_965 : i32
        %swap3A_1512 = arith.index_cast %add3A_1511 : i32 to index
        %swap3A_1513 = tpu.vector_load %arg9[%swap3A_1512] {strides = array<i32>} : memref<16384xf32, #tpu.memory_space<vmem>>, vector<16xf32>,
        tpu.vector_store %arg9[%swap3A_1512], %add3A_1481 {strides = array<i32>} : memref<16384xf32, #tpu.memory_space<vmem>>, vector<16xf32>,
      }
      %scan3A_234 = arith.constant 32 : i32
      %mul3A_235 = arith.constant 8 : i32
      %mul3A_236 = arith.muli %add3A_204, %mul3A_235 : i32
      %add3A_237 = arith.addi %mul3A_2, %mul3A_236 : i32
      %mul3A_238 = arith.constant 128 : i32
      %mul3A_239 = arith.muli %add3A_237, %mul3A_238 : i32
      %add3A_240 = arith.constant 0 : i32
      %add3A_241 = arith.addi %add3A_240, %mul3A_239 : i32
      %dma_start3A_242 = arith.constant 0 : i32
      %dma_start3A_243 = tpu.memref_slice %arg9[%dma_start3A_242] : memref<16384xf32, #tpu.memory_space<vmem>> -> memref<1024xf32, #tpu.memory_space<vmem>>
      %dma_start3A_244 = tpu.memref_slice %arg5[%add3A_241] : memref<4194304xf32, #tpu.memory_space<hbm>> -> memref<1024xf32, #tpu.memory_space<hbm>>
      %dma_start3A_245 = tpu.memref_slice %arg5[%add3A_241] : memref<4194304xf32, #tpu.memory_space<hbm>> -> memref<1024xf32, #tpu.memory_space<hbm>>
      %dma_start3A_246 = arith.constant 0 : i32
      %dma_start3A_247 = tpu.memref_slice %arg9[%dma_start3A_246] : memref<16384xf32, #tpu.memory_space<vmem>> -> memref<1024xf32, #tpu.memory_space<vmem>>
      tpu.enqueue_dma source(%dma_start3A_247 : memref<1024xf32, #tpu.memory_space<vmem>>) target(%dma_start3A_245 : memref<1024xf32, #tpu.memory_space<hbm>>) target_semaphore(%arg12 : memref<!tpu.dma_semaphore, #tpu.memory_space<semaphore_mem>>)
      %add3A_248 = arith.constant 524288 : i32
      %add3A_249 = arith.addi %add3A_248, %mul3A_239 : i32
      %dma_start3A_250 = arith.constant 1024 : i32
      %dma_start3A_251 = tpu.memref_slice %arg9[%dma_start3A_250] : memref<16384xf32, #tpu.memory_space<vmem>> -> memref<1024xf32, #tpu.memory_space<vmem>>
      %dma_start3A_252 = tpu.memref_slice %arg5[%add3A_249] : memref<4194304xf32, #tpu.memory_space<hbm>> -> memref<1024xf32, #tpu.memory_space<hbm>>
      %dma_start3A_253 = tpu.memref_slice %arg5[%add3A_249] : memref<4194304xf32, #tpu.memory_space<hbm>> -> memref<1024xf32, #tpu.memory_space<hbm>>
      %dma_start3A_254 = arith.constant 1024 : i32
      %dma_start3A_255 = tpu.memref_slice %arg9[%dma_start3A_254] : memref<16384xf32, #tpu.memory_space<vmem>> -> memref<1024xf32, #tpu.memory_space<vmem>>
      tpu.enqueue_dma source(%dma_start3A_255 : memref<1024xf32, #tpu.memory_space<vmem>>) target(%dma_start3A_253 : memref<1024xf32, #tpu.memory_space<hbm>>) target_semaphore(%arg12 : memref<!tpu.dma_semaphore, #tpu.memory_space<semaphore_mem>>)
      %add3A_256 = arith.constant 1048576 : i32
      %add3A_257 = arith.addi %add3A_256, %mul3A_239 : i32
      %dma_start3A_258 = arith.constant 2048 : i32
      %dma_start3A_259 = tpu.memref_slice %arg9[%dma_start3A_258] : memref<16384xf32, #tpu.memory_space<vmem>> -> memref<1024xf32, #tpu.memory_space<vmem>>
      %dma_start3A_260 = tpu.memref_slice %arg5[%add3A_257] : memref<4194304xf32, #tpu.memory_space<hbm>> -> memref<1024xf32, #tpu.memory_space<hbm>>
      %dma_start3A_261 = tpu.memref_slice %arg5[%add3A_257] : memref<4194304xf32, #tpu.memory_space<hbm>> -> memref<1024xf32, #tpu.memory_space<hbm>>
      %dma_start3A_262 = arith.constant 2048 : i32
      %dma_start3A_263 = tpu.memref_slice %arg9[%dma_start3A_262] : memref<16384xf32, #tpu.memory_space<vmem>> -> memref<1024xf32, #tpu.memory_space<vmem>>
      tpu.enqueue_dma source(%dma_start3A_263 : memref<1024xf32, #tpu.memory_space<vmem>>) target(%dma_start3A_261 : memref<1024xf32, #tpu.memory_space<hbm>>) target_semaphore(%arg12 : memref<!tpu.dma_semaphore, #tpu.memory_space<semaphore_mem>>)
      %add3A_264 = arith.constant 1572864 : i32
      %add3A_265 = arith.addi %add3A_264, %mul3A_239 : i32
      %dma_start3A_266 = arith.constant 3072 : i32
      %dma_start3A_267 = tpu.memref_slice %arg9[%dma_start3A_266] : memref<16384xf32, #tpu.memory_space<vmem>> -> memref<1024xf32, #tpu.memory_space<vmem>>
      %dma_start3A_268 = tpu.memref_slice %arg5[%add3A_265] : memref<4194304xf32, #tpu.memory_space<hbm>> -> memref<1024xf32, #tpu.memory_space<hbm>>
      %dma_start3A_269 = tpu.memref_slice %arg5[%add3A_265] : memref<4194304xf32, #tpu.memory_space<hbm>> -> memref<1024xf32, #tpu.memory_space<hbm>>
      %dma_start3A_270 = arith.constant 3072 : i32
      %dma_start3A_271 = tpu.memref_slice %arg9[%dma_start3A_270] : memref<16384xf32, #tpu.memory_space<vmem>> -> memref<1024xf32, #tpu.memory_space<vmem>>
      tpu.enqueue_dma source(%dma_start3A_271 : memref<1024xf32, #tpu.memory_space<vmem>>) target(%dma_start3A_269 : memref<1024xf32, #tpu.memory_space<hbm>>) target_semaphore(%arg12 : memref<!tpu.dma_semaphore, #tpu.memory_space<semaphore_mem>>)
      %add3A_272 = arith.constant 2097152 : i32
      %add3A_273 = arith.addi %add3A_272, %mul3A_239 : i32
      %dma_start3A_274 = arith.constant 4096 : i32
      %dma_start3A_275 = tpu.memref_slice %arg9[%dma_start3A_274] : memref<16384xf32, #tpu.memory_space<vmem>> -> memref<1024xf32, #tpu.memory_space<vmem>>
      %dma_start3A_276 = tpu.memref_slice %arg5[%add3A_273] : memref<4194304xf32, #tpu.memory_space<hbm>> -> memref<1024xf32, #tpu.memory_space<hbm>>
      %dma_start3A_277 = tpu.memref_slice %arg5[%add3A_273] : memref<4194304xf32, #tpu.memory_space<hbm>> -> memref<1024xf32, #tpu.memory_space<hbm>>
      %dma_start3A_278 = arith.constant 4096 : i32
      %dma_start3A_279 = tpu.memref_slice %arg9[%dma_start3A_278] : memref<16384xf32, #tpu.memory_space<vmem>> -> memref<1024xf32, #tpu.memory_space<vmem>>
      tpu.enqueue_dma source(%dma_start3A_279 : memref<1024xf32, #tpu.memory_space<vmem>>) target(%dma_start3A_277 : memref<1024xf32, #tpu.memory_space<hbm>>) target_semaphore(%arg12 : memref<!tpu.dma_semaphore, #tpu.memory_space<semaphore_mem>>)
      %add3A_280 = arith.constant 2621440 : i32
      %add3A_281 = arith.addi %add3A_280, %mul3A_239 : i32
      %dma_start3A_282 = arith.constant 5120 : i32
      %dma_start3A_283 = tpu.memref_slice %arg9[%dma_start3A_282] : memref<16384xf32, #tpu.memory_space<vmem>> -> memref<1024xf32, #tpu.memory_space<vmem>>
      %dma_start3A_284 = tpu.memref_slice %arg5[%add3A_281] : memref<4194304xf32, #tpu.memory_space<hbm>> -> memref<1024xf32, #tpu.memory_space<hbm>>
      %dma_start3A_285 = tpu.memref_slice %arg5[%add3A_281] : memref<4194304xf32, #tpu.memory_space<hbm>> -> memref<1024xf32, #tpu.memory_space<hbm>>
      %dma_start3A_286 = arith.constant 5120 : i32
      %dma_start3A_287 = tpu.memref_slice %arg9[%dma_start3A_286] : memref<16384xf32, #tpu.memory_space<vmem>> -> memref<1024xf32, #tpu.memory_space<vmem>>
      tpu.enqueue_dma source(%dma_start3A_287 : memref<1024xf32, #tpu.memory_space<vmem>>) target(%dma_start3A_285 : memref<1024xf32, #tpu.memory_space<hbm>>) target_semaphore(%arg12 : memref<!tpu.dma_semaphore, #tpu.memory_space<semaphore_mem>>)
      %add3A_288 = arith.constant 3145728 : i32
      %add3A_289 = arith.addi %add3A_288, %mul3A_239 : i32
      %dma_start3A_290 = arith.constant 6144 : i32
      %dma_start3A_291 = tpu.memref_slice %arg9[%dma_start3A_290] : memref<16384xf32, #tpu.memory_space<vmem>> -> memref<1024xf32, #tpu.memory_space<vmem>>
      %dma_start3A_292 = tpu.memref_slice %arg5[%add3A_289] : memref<4194304xf32, #tpu.memory_space<hbm>> -> memref<1024xf32, #tpu.memory_space<hbm>>
      %dma_start3A_293 = tpu.memref_slice %arg5[%add3A_289] : memref<4194304xf32, #tpu.memory_space<hbm>> -> memref<1024xf32, #tpu.memory_space<hbm>>
      %dma_start3A_294 = arith.constant 6144 : i32
      %dma_start3A_295 = tpu.memref_slice %arg9[%dma_start3A_294] : memref<16384xf32, #tpu.memory_space<vmem>> -> memref<1024xf32, #tpu.memory_space<vmem>>
      tpu.enqueue_dma source(%dma_start3A_295 : memref<1024xf32, #tpu.memory_space<vmem>>) target(%dma_start3A_293 : memref<1024xf32, #tpu.memory_space<hbm>>) target_semaphore(%arg12 : memref<!tpu.dma_semaphore, #tpu.memory_space<semaphore_mem>>)
      %add3A_296 = arith.constant 3670016 : i32
      %add3A_297 = arith.addi %add3A_296, %mul3A_239 : i32
      %dma_start3A_298 = arith.constant 7168 : i32
      %dma_start3A_299 = tpu.memref_slice %arg9[%dma_start3A_298] : memref<16384xf32, #tpu.memory_space<vmem>> -> memref<1024xf32, #tpu.memory_space<vmem>>
      %dma_start3A_300 = tpu.memref_slice %arg5[%add3A_297] : memref<4194304xf32, #tpu.memory_space<hbm>> -> memref<1024xf32, #tpu.memory_space<hbm>>
      %dma_start3A_301 = tpu.memref_slice %arg5[%add3A_297] : memref<4194304xf32, #tpu.memory_space<hbm>> -> memref<1024xf32, #tpu.memory_space<hbm>>
      %dma_start3A_302 = arith.constant 7168 : i32
      %dma_start3A_303 = tpu.memref_slice %arg9[%dma_start3A_302] : memref<16384xf32, #tpu.memory_space<vmem>> -> memref<1024xf32, #tpu.memory_space<vmem>>
      tpu.enqueue_dma source(%dma_start3A_303 : memref<1024xf32, #tpu.memory_space<vmem>>) target(%dma_start3A_301 : memref<1024xf32, #tpu.memory_space<hbm>>) target_semaphore(%arg12 : memref<!tpu.dma_semaphore, #tpu.memory_space<semaphore_mem>>)
      %mul3A_304 = arith.constant 2 : i32
      %mul3A_305 = arith.muli %scan3A_200, %mul3A_304 : i32
      %add3A_306 = arith.constant 1 : i32
      %add3A_307 = arith.addi %mul3A_305, %add3A_306 : i32
      %add3A_308 = arith.constant 1 : i32
      %add3A_309 = arith.addi %add3A_307, %add3A_308 : i32
      %lt3A_310 = arith.constant 16 : i32
      %lt3A_311 = arith.cmpi slt, %add3A_309, %lt3A_310 : i32
      %convert_element_type3A_312 = arith.extui %lt3A_311 : i1 to i32
      %cond3A_313 = arith.constant 0 : i32
      %cond3A_314 = arith.cmpi ne, %convert_element_type3A_312, %cond3A_313 : i32
      scf.if %cond3A_314 {
        %add3A_411 = arith.constant 1 : i32
        %add3A_412 = arith.addi %add3A_307, %add3A_411 : i32
        %mul3A_413 = arith.constant 8 : i32
        %mul3A_414 = arith.muli %add3A_412, %mul3A_413 : i32
        %add3A_415 = arith.addi %mul3A_2, %mul3A_414 : i32
        %mul3A_416 = arith.constant 128 : i32
        %mul3A_417 = arith.muli %add3A_415, %mul3A_416 : i32
        %add3A_418 = arith.constant 0 : i32
        %add3A_419 = arith.addi %add3A_418, %mul3A_417 : i32
        %dma_start3A_420 = arith.constant 0 : i32
        %dma_start3A_421 = tpu.memref_slice %arg7[%dma_start3A_420] : memref<18432xi32, #tpu.memory_space<vmem>> -> memref<1024xi32, #tpu.memory_space<vmem>>
        %dma_start3A_422 = tpu.memref_slice %arg2[%add3A_419] : memref<4718592xi32, #tpu.memory_space<hbm>> -> memref<1024xi32, #tpu.memory_space<hbm>>
        %dma_start3A_423 = arith.constant 0 : i32
        %dma_start3A_424 = tpu.memref_slice %arg7[%dma_start3A_423] : memref<18432xi32, #tpu.memory_space<vmem>> -> memref<1024xi32, #tpu.memory_space<vmem>>
        %dma_start3A_425 = tpu.memref_slice %arg2[%add3A_419] : memref<4718592xi32, #tpu.memory_space<hbm>> -> memref<1024xi32, #tpu.memory_space<hbm>>
        tpu.enqueue_dma source(%dma_start3A_425 : memref<1024xi32, #tpu.memory_space<hbm>>) target(%dma_start3A_424 : memref<1024xi32, #tpu.memory_space<vmem>>) target_semaphore(%arg10 : memref<!tpu.dma_semaphore, #tpu.memory_space<semaphore_mem>>)
        %add3A_426 = arith.constant 524288 : i32
        %add3A_427 = arith.addi %add3A_426, %mul3A_417 : i32
        %dma_start3A_428 = arith.constant 1024 : i32
        %dma_start3A_429 = tpu.memref_slice %arg7[%dma_start3A_428] : memref<18432xi32, #tpu.memory_space<vmem>> -> memref<1024xi32, #tpu.memory_space<vmem>>
        %dma_start3A_430 = tpu.memref_slice %arg2[%add3A_427] : memref<4718592xi32, #tpu.memory_space<hbm>> -> memref<1024xi32, #tpu.memory_space<hbm>>
        %dma_start3A_431 = arith.constant 1024 : i32
        %dma_start3A_432 = tpu.memref_slice %arg7[%dma_start3A_431] : memref<18432xi32, #tpu.memory_space<vmem>> -> memref<1024xi32, #tpu.memory_space<vmem>>
        %dma_start3A_433 = tpu.memref_slice %arg2[%add3A_427] : memref<4718592xi32, #tpu.memory_space<hbm>> -> memref<1024xi32, #tpu.memory_space<hbm>>
        tpu.enqueue_dma source(%dma_start3A_433 : memref<1024xi32, #tpu.memory_space<hbm>>) target(%dma_start3A_432 : memref<1024xi32, #tpu.memory_space<vmem>>) target_semaphore(%arg10 : memref<!tpu.dma_semaphore, #tpu.memory_space<semaphore_mem>>)
        %add3A_434 = arith.constant 1048576 : i32
        %add3A_435 = arith.addi %add3A_434, %mul3A_417 : i32
        %dma_start3A_436 = arith.constant 2048 : i32
        %dma_start3A_437 = tpu.memref_slice %arg7[%dma_start3A_436] : memref<18432xi32, #tpu.memory_space<vmem>> -> memref<1024xi32, #tpu.memory_space<vmem>>
        %dma_start3A_438 = tpu.memref_slice %arg2[%add3A_435] : memref<4718592xi32, #tpu.memory_space<hbm>> -> memref<1024xi32, #tpu.memory_space<hbm>>
        %dma_start3A_439 = arith.constant 2048 : i32
        %dma_start3A_440 = tpu.memref_slice %arg7[%dma_start3A_439] : memref<18432xi32, #tpu.memory_space<vmem>> -> memref<1024xi32, #tpu.memory_space<vmem>>
        %dma_start3A_441 = tpu.memref_slice %arg2[%add3A_435] : memref<4718592xi32, #tpu.memory_space<hbm>> -> memref<1024xi32, #tpu.memory_space<hbm>>
        tpu.enqueue_dma source(%dma_start3A_441 : memref<1024xi32, #tpu.memory_space<hbm>>) target(%dma_start3A_440 : memref<1024xi32, #tpu.memory_space<vmem>>) target_semaphore(%arg10 : memref<!tpu.dma_semaphore, #tpu.memory_space<semaphore_mem>>)
        %add3A_442 = arith.constant 1572864 : i32
        %add3A_443 = arith.addi %add3A_442, %mul3A_417 : i32
        %dma_start3A_444 = arith.constant 3072 : i32
        %dma_start3A_445 = tpu.memref_slice %arg7[%dma_start3A_444] : memref<18432xi32, #tpu.memory_space<vmem>> -> memref<1024xi32, #tpu.memory_space<vmem>>
        %dma_start3A_446 = tpu.memref_slice %arg2[%add3A_443] : memref<4718592xi32, #tpu.memory_space<hbm>> -> memref<1024xi32, #tpu.memory_space<hbm>>
        %dma_start3A_447 = arith.constant 3072 : i32
        %dma_start3A_448 = tpu.memref_slice %arg7[%dma_start3A_447] : memref<18432xi32, #tpu.memory_space<vmem>> -> memref<1024xi32, #tpu.memory_space<vmem>>
        %dma_start3A_449 = tpu.memref_slice %arg2[%add3A_443] : memref<4718592xi32, #tpu.memory_space<hbm>> -> memref<1024xi32, #tpu.memory_space<hbm>>
        tpu.enqueue_dma source(%dma_start3A_449 : memref<1024xi32, #tpu.memory_space<hbm>>) target(%dma_start3A_448 : memref<1024xi32, #tpu.memory_space<vmem>>) target_semaphore(%arg10 : memref<!tpu.dma_semaphore, #tpu.memory_space<semaphore_mem>>)
        %add3A_450 = arith.constant 2097152 : i32
        %add3A_451 = arith.addi %add3A_450, %mul3A_417 : i32
        %dma_start3A_452 = arith.constant 4096 : i32
        %dma_start3A_453 = tpu.memref_slice %arg7[%dma_start3A_452] : memref<18432xi32, #tpu.memory_space<vmem>> -> memref<1024xi32, #tpu.memory_space<vmem>>
        %dma_start3A_454 = tpu.memref_slice %arg2[%add3A_451] : memref<4718592xi32, #tpu.memory_space<hbm>> -> memref<1024xi32, #tpu.memory_space<hbm>>
        %dma_start3A_455 = arith.constant 4096 : i32
        %dma_start3A_456 = tpu.memref_slice %arg7[%dma_start3A_455] : memref<18432xi32, #tpu.memory_space<vmem>> -> memref<1024xi32, #tpu.memory_space<vmem>>
        %dma_start3A_457 = tpu.memref_slice %arg2[%add3A_451] : memref<4718592xi32, #tpu.memory_space<hbm>> -> memref<1024xi32, #tpu.memory_space<hbm>>
        tpu.enqueue_dma source(%dma_start3A_457 : memref<1024xi32, #tpu.memory_space<hbm>>) target(%dma_start3A_456 : memref<1024xi32, #tpu.memory_space<vmem>>) target_semaphore(%arg10 : memref<!tpu.dma_semaphore, #tpu.memory_space<semaphore_mem>>)
        %add3A_458 = arith.constant 2621440 : i32
        %add3A_459 = arith.addi %add3A_458, %mul3A_417 : i32
        %dma_start3A_460 = arith.constant 5120 : i32
        %dma_start3A_461 = tpu.memref_slice %arg7[%dma_start3A_460] : memref<18432xi32, #tpu.memory_space<vmem>> -> memref<1024xi32, #tpu.memory_space<vmem>>
        %dma_start3A_462 = tpu.memref_slice %arg2[%add3A_459] : memref<4718592xi32, #tpu.memory_space<hbm>> -> memref<1024xi32, #tpu.memory_space<hbm>>
        %dma_start3A_463 = arith.constant 5120 : i32
        %dma_start3A_464 = tpu.memref_slice %arg7[%dma_start3A_463] : memref<18432xi32, #tpu.memory_space<vmem>> -> memref<1024xi32, #tpu.memory_space<vmem>>
        %dma_start3A_465 = tpu.memref_slice %arg2[%add3A_459] : memref<4718592xi32, #tpu.memory_space<hbm>> -> memref<1024xi32, #tpu.memory_space<hbm>>
        tpu.enqueue_dma source(%dma_start3A_465 : memref<1024xi32, #tpu.memory_space<hbm>>) target(%dma_start3A_464 : memref<1024xi32, #tpu.memory_space<vmem>>) target_semaphore(%arg10 : memref<!tpu.dma_semaphore, #tpu.memory_space<semaphore_mem>>)
        %add3A_466 = arith.constant 3145728 : i32
        %add3A_467 = arith.addi %add3A_466, %mul3A_417 : i32
        %dma_start3A_468 = arith.constant 6144 : i32
        %dma_start3A_469 = tpu.memref_slice %arg7[%dma_start3A_468] : memref<18432xi32, #tpu.memory_space<vmem>> -> memref<1024xi32, #tpu.memory_space<vmem>>
        %dma_start3A_470 = tpu.memref_slice %arg2[%add3A_467] : memref<4718592xi32, #tpu.memory_space<hbm>> -> memref<1024xi32, #tpu.memory_space<hbm>>
        %dma_start3A_471 = arith.constant 6144 : i32
        %dma_start3A_472 = tpu.memref_slice %arg7[%dma_start3A_471] : memref<18432xi32, #tpu.memory_space<vmem>> -> memref<1024xi32, #tpu.memory_space<vmem>>
        %dma_start3A_473 = tpu.memref_slice %arg2[%add3A_467] : memref<4718592xi32, #tpu.memory_space<hbm>> -> memref<1024xi32, #tpu.memory_space<hbm>>
        tpu.enqueue_dma source(%dma_start3A_473 : memref<1024xi32, #tpu.memory_space<hbm>>) target(%dma_start3A_472 : memref<1024xi32, #tpu.memory_space<vmem>>) target_semaphore(%arg10 : memref<!tpu.dma_semaphore, #tpu.memory_space<semaphore_mem>>)
        %add3A_474 = arith.constant 3670016 : i32
        %add3A_475 = arith.addi %add3A_474, %mul3A_417 : i32
        %dma_start3A_476 = arith.constant 7168 : i32
        %dma_start3A_477 = tpu.memref_slice %arg7[%dma_start3A_476] : memref<18432xi32, #tpu.memory_space<vmem>> -> memref<1024xi32, #tpu.memory_space<vmem>>
        %dma_start3A_478 = tpu.memref_slice %arg2[%add3A_475] : memref<4718592xi32, #tpu.memory_space<hbm>> -> memref<1024xi32, #tpu.memory_space<hbm>>
        %dma_start3A_479 = arith.constant 7168 : i32
        %dma_start3A_480 = tpu.memref_slice %arg7[%dma_start3A_479] : memref<18432xi32, #tpu.memory_space<vmem>> -> memref<1024xi32, #tpu.memory_space<vmem>>
        %dma_start3A_481 = tpu.memref_slice %arg2[%add3A_475] : memref<4718592xi32, #tpu.memory_space<hbm>> -> memref<1024xi32, #tpu.memory_space<hbm>>
        tpu.enqueue_dma source(%dma_start3A_481 : memref<1024xi32, #tpu.memory_space<hbm>>) target(%dma_start3A_480 : memref<1024xi32, #tpu.memory_space<vmem>>) target_semaphore(%arg10 : memref<!tpu.dma_semaphore, #tpu.memory_space<semaphore_mem>>)
        %add3A_482 = arith.constant 4194304 : i32
        %add3A_483 = arith.addi %add3A_482, %mul3A_417 : i32
        %dma_start3A_484 = arith.constant 8192 : i32
        %dma_start3A_485 = tpu.memref_slice %arg7[%dma_start3A_484] : memref<18432xi32, #tpu.memory_space<vmem>> -> memref<1024xi32, #tpu.memory_space<vmem>>
        %dma_start3A_486 = tpu.memref_slice %arg2[%add3A_483] : memref<4718592xi32, #tpu.memory_space<hbm>> -> memref<1024xi32, #tpu.memory_space<hbm>>
        %dma_start3A_487 = arith.constant 8192 : i32
        %dma_start3A_488 = tpu.memref_slice %arg7[%dma_start3A_487] : memref<18432xi32, #tpu.memory_space<vmem>> -> memref<1024xi32, #tpu.memory_space<vmem>>
        %dma_start3A_489 = tpu.memref_slice %arg2[%add3A_483] : memref<4718592xi32, #tpu.memory_space<hbm>> -> memref<1024xi32, #tpu.memory_space<hbm>>
        tpu.enqueue_dma source(%dma_start3A_489 : memref<1024xi32, #tpu.memory_space<hbm>>) target(%dma_start3A_488 : memref<1024xi32, #tpu.memory_space<vmem>>) target_semaphore(%arg10 : memref<!tpu.dma_semaphore, #tpu.memory_space<semaphore_mem>>)
        %add3A_490 = arith.constant 0 : i32
        %add3A_491 = arith.addi %add3A_490, %mul3A_417 : i32
        %dma_start3A_492 = arith.constant 0 : i32
        %dma_start3A_493 = tpu.memref_slice %arg8[%dma_start3A_492] : memref<20480xf32, #tpu.memory_space<vmem>> -> memref<1024xf32, #tpu.memory_space<vmem>>
        %dma_start3A_494 = tpu.memref_slice %arg3[%add3A_491] : memref<5242880xf32, #tpu.memory_space<hbm>> -> memref<1024xf32, #tpu.memory_space<hbm>>
        %dma_start3A_495 = arith.constant 0 : i32
        %dma_start3A_496 = tpu.memref_slice %arg8[%dma_start3A_495] : memref<20480xf32, #tpu.memory_space<vmem>> -> memref<1024xf32, #tpu.memory_space<vmem>>
        %dma_start3A_497 = tpu.memref_slice %arg3[%add3A_491] : memref<5242880xf32, #tpu.memory_space<hbm>> -> memref<1024xf32, #tpu.memory_space<hbm>>
        tpu.enqueue_dma source(%dma_start3A_497 : memref<1024xf32, #tpu.memory_space<hbm>>) target(%dma_start3A_496 : memref<1024xf32, #tpu.memory_space<vmem>>) target_semaphore(%arg10 : memref<!tpu.dma_semaphore, #tpu.memory_space<semaphore_mem>>)
        %add3A_498 = arith.constant 524288 : i32
        %add3A_499 = arith.addi %add3A_498, %mul3A_417 : i32
        %dma_start3A_500 = arith.constant 1024 : i32
        %dma_start3A_501 = tpu.memref_slice %arg8[%dma_start3A_500] : memref<20480xf32, #tpu.memory_space<vmem>> -> memref<1024xf32, #tpu.memory_space<vmem>>
        %dma_start3A_502 = tpu.memref_slice %arg3[%add3A_499] : memref<5242880xf32, #tpu.memory_space<hbm>> -> memref<1024xf32, #tpu.memory_space<hbm>>
        %dma_start3A_503 = arith.constant 1024 : i32
        %dma_start3A_504 = tpu.memref_slice %arg8[%dma_start3A_503] : memref<20480xf32, #tpu.memory_space<vmem>> -> memref<1024xf32, #tpu.memory_space<vmem>>
        %dma_start3A_505 = tpu.memref_slice %arg3[%add3A_499] : memref<5242880xf32, #tpu.memory_space<hbm>> -> memref<1024xf32, #tpu.memory_space<hbm>>
        tpu.enqueue_dma source(%dma_start3A_505 : memref<1024xf32, #tpu.memory_space<hbm>>) target(%dma_start3A_504 : memref<1024xf32, #tpu.memory_space<vmem>>) target_semaphore(%arg10 : memref<!tpu.dma_semaphore, #tpu.memory_space<semaphore_mem>>)
        %add3A_506 = arith.constant 1048576 : i32
        %add3A_507 = arith.addi %add3A_506, %mul3A_417 : i32
        %dma_start3A_508 = arith.constant 2048 : i32
        %dma_start3A_509 = tpu.memref_slice %arg8[%dma_start3A_508] : memref<20480xf32, #tpu.memory_space<vmem>> -> memref<1024xf32, #tpu.memory_space<vmem>>
        %dma_start3A_510 = tpu.memref_slice %arg3[%add3A_507] : memref<5242880xf32, #tpu.memory_space<hbm>> -> memref<1024xf32, #tpu.memory_space<hbm>>
        %dma_start3A_511 = arith.constant 2048 : i32
        %dma_start3A_512 = tpu.memref_slice %arg8[%dma_start3A_511] : memref<20480xf32, #tpu.memory_space<vmem>> -> memref<1024xf32, #tpu.memory_space<vmem>>
        %dma_start3A_513 = tpu.memref_slice %arg3[%add3A_507] : memref<5242880xf32, #tpu.memory_space<hbm>> -> memref<1024xf32, #tpu.memory_space<hbm>>
        tpu.enqueue_dma source(%dma_start3A_513 : memref<1024xf32, #tpu.memory_space<hbm>>) target(%dma_start3A_512 : memref<1024xf32, #tpu.memory_space<vmem>>) target_semaphore(%arg10 : memref<!tpu.dma_semaphore, #tpu.memory_space<semaphore_mem>>)
        %add3A_514 = arith.constant 1572864 : i32
        %add3A_515 = arith.addi %add3A_514, %mul3A_417 : i32
        %dma_start3A_516 = arith.constant 3072 : i32
        %dma_start3A_517 = tpu.memref_slice %arg8[%dma_start3A_516] : memref<20480xf32, #tpu.memory_space<vmem>> -> memref<1024xf32, #tpu.memory_space<vmem>>
        %dma_start3A_518 = tpu.memref_slice %arg3[%add3A_515] : memref<5242880xf32, #tpu.memory_space<hbm>> -> memref<1024xf32, #tpu.memory_space<hbm>>
        %dma_start3A_519 = arith.constant 3072 : i32
        %dma_start3A_520 = tpu.memref_slice %arg8[%dma_start3A_519] : memref<20480xf32, #tpu.memory_space<vmem>> -> memref<1024xf32, #tpu.memory_space<vmem>>
        %dma_start3A_521 = tpu.memref_slice %arg3[%add3A_515] : memref<5242880xf32, #tpu.memory_space<hbm>> -> memref<1024xf32, #tpu.memory_space<hbm>>
        tpu.enqueue_dma source(%dma_start3A_521 : memref<1024xf32, #tpu.memory_space<hbm>>) target(%dma_start3A_520 : memref<1024xf32, #tpu.memory_space<vmem>>) target_semaphore(%arg10 : memref<!tpu.dma_semaphore, #tpu.memory_space<semaphore_mem>>)
        %add3A_522 = arith.constant 2097152 : i32
        %add3A_523 = arith.addi %add3A_522, %mul3A_417 : i32
        %dma_start3A_524 = arith.constant 4096 : i32
        %dma_start3A_525 = tpu.memref_slice %arg8[%dma_start3A_524] : memref<20480xf32, #tpu.memory_space<vmem>> -> memref<1024xf32, #tpu.memory_space<vmem>>
        %dma_start3A_526 = tpu.memref_slice %arg3[%add3A_523] : memref<5242880xf32, #tpu.memory_space<hbm>> -> memref<1024xf32, #tpu.memory_space<hbm>>
        %dma_start3A_527 = arith.constant 4096 : i32
        %dma_start3A_528 = tpu.memref_slice %arg8[%dma_start3A_527] : memref<20480xf32, #tpu.memory_space<vmem>> -> memref<1024xf32, #tpu.memory_space<vmem>>
        %dma_start3A_529 = tpu.memref_slice %arg3[%add3A_523] : memref<5242880xf32, #tpu.memory_space<hbm>> -> memref<1024xf32, #tpu.memory_space<hbm>>
        tpu.enqueue_dma source(%dma_start3A_529 : memref<1024xf32, #tpu.memory_space<hbm>>) target(%dma_start3A_528 : memref<1024xf32, #tpu.memory_space<vmem>>) target_semaphore(%arg10 : memref<!tpu.dma_semaphore, #tpu.memory_space<semaphore_mem>>)
        %add3A_530 = arith.constant 2621440 : i32
        %add3A_531 = arith.addi %add3A_530, %mul3A_417 : i32
        %dma_start3A_532 = arith.constant 5120 : i32
        %dma_start3A_533 = tpu.memref_slice %arg8[%dma_start3A_532] : memref<20480xf32, #tpu.memory_space<vmem>> -> memref<1024xf32, #tpu.memory_space<vmem>>
        %dma_start3A_534 = tpu.memref_slice %arg3[%add3A_531] : memref<5242880xf32, #tpu.memory_space<hbm>> -> memref<1024xf32, #tpu.memory_space<hbm>>
        %dma_start3A_535 = arith.constant 5120 : i32
        %dma_start3A_536 = tpu.memref_slice %arg8[%dma_start3A_535] : memref<20480xf32, #tpu.memory_space<vmem>> -> memref<1024xf32, #tpu.memory_space<vmem>>
        %dma_start3A_537 = tpu.memref_slice %arg3[%add3A_531] : memref<5242880xf32, #tpu.memory_space<hbm>> -> memref<1024xf32, #tpu.memory_space<hbm>>
        tpu.enqueue_dma source(%dma_start3A_537 : memref<1024xf32, #tpu.memory_space<hbm>>) target(%dma_start3A_536 : memref<1024xf32, #tpu.memory_space<vmem>>) target_semaphore(%arg10 : memref<!tpu.dma_semaphore, #tpu.memory_space<semaphore_mem>>)
        %add3A_538 = arith.constant 3145728 : i32
        %add3A_539 = arith.addi %add3A_538, %mul3A_417 : i32
        %dma_start3A_540 = arith.constant 6144 : i32
        %dma_start3A_541 = tpu.memref_slice %arg8[%dma_start3A_540] : memref<20480xf32, #tpu.memory_space<vmem>> -> memref<1024xf32, #tpu.memory_space<vmem>>
        %dma_start3A_542 = tpu.memref_slice %arg3[%add3A_539] : memref<5242880xf32, #tpu.memory_space<hbm>> -> memref<1024xf32, #tpu.memory_space<hbm>>
        %dma_start3A_543 = arith.constant 6144 : i32
        %dma_start3A_544 = tpu.memref_slice %arg8[%dma_start3A_543] : memref<20480xf32, #tpu.memory_space<vmem>> -> memref<1024xf32, #tpu.memory_space<vmem>>
        %dma_start3A_545 = tpu.memref_slice %arg3[%add3A_539] : memref<5242880xf32, #tpu.memory_space<hbm>> -> memref<1024xf32, #tpu.memory_space<hbm>>
        tpu.enqueue_dma source(%dma_start3A_545 : memref<1024xf32, #tpu.memory_space<hbm>>) target(%dma_start3A_544 : memref<1024xf32, #tpu.memory_space<vmem>>) target_semaphore(%arg10 : memref<!tpu.dma_semaphore, #tpu.memory_space<semaphore_mem>>)
        %add3A_546 = arith.constant 3670016 : i32
        %add3A_547 = arith.addi %add3A_546, %mul3A_417 : i32
        %dma_start3A_548 = arith.constant 7168 : i32
        %dma_start3A_549 = tpu.memref_slice %arg8[%dma_start3A_548] : memref<20480xf32, #tpu.memory_space<vmem>> -> memref<1024xf32, #tpu.memory_space<vmem>>
        %dma_start3A_550 = tpu.memref_slice %arg3[%add3A_547] : memref<5242880xf32, #tpu.memory_space<hbm>> -> memref<1024xf32, #tpu.memory_space<hbm>>
        %dma_start3A_551 = arith.constant 7168 : i32
        %dma_start3A_552 = tpu.memref_slice %arg8[%dma_start3A_551] : memref<20480xf32, #tpu.memory_space<vmem>> -> memref<1024xf32, #tpu.memory_space<vmem>>
        %dma_start3A_553 = tpu.memref_slice %arg3[%add3A_547] : memref<5242880xf32, #tpu.memory_space<hbm>> -> memref<1024xf32, #tpu.memory_space<hbm>>
        tpu.enqueue_dma source(%dma_start3A_553 : memref<1024xf32, #tpu.memory_space<hbm>>) target(%dma_start3A_552 : memref<1024xf32, #tpu.memory_space<vmem>>) target_semaphore(%arg10 : memref<!tpu.dma_semaphore, #tpu.memory_space<semaphore_mem>>)
        %add3A_554 = arith.constant 4194304 : i32
        %add3A_555 = arith.addi %add3A_554, %mul3A_417 : i32
        %dma_start3A_556 = arith.constant 8192 : i32
        %dma_start3A_557 = tpu.memref_slice %arg8[%dma_start3A_556] : memref<20480xf32, #tpu.memory_space<vmem>> -> memref<1024xf32, #tpu.memory_space<vmem>>
        %dma_start3A_558 = tpu.memref_slice %arg3[%add3A_555] : memref<5242880xf32, #tpu.memory_space<hbm>> -> memref<1024xf32, #tpu.memory_space<hbm>>
        %dma_start3A_559 = arith.constant 8192 : i32
        %dma_start3A_560 = tpu.memref_slice %arg8[%dma_start3A_559] : memref<20480xf32, #tpu.memory_space<vmem>> -> memref<1024xf32, #tpu.memory_space<vmem>>
        %dma_start3A_561 = tpu.memref_slice %arg3[%add3A_555] : memref<5242880xf32, #tpu.memory_space<hbm>> -> memref<1024xf32, #tpu.memory_space<hbm>>
        tpu.enqueue_dma source(%dma_start3A_561 : memref<1024xf32, #tpu.memory_space<hbm>>) target(%dma_start3A_560 : memref<1024xf32, #tpu.memory_space<vmem>>) target_semaphore(%arg10 : memref<!tpu.dma_semaphore, #tpu.memory_space<semaphore_mem>>)
        %add3A_562 = arith.constant 4718592 : i32
        %add3A_563 = arith.addi %add3A_562, %mul3A_417 : i32
        %dma_start3A_564 = arith.constant 9216 : i32
        %dma_start3A_565 = tpu.memref_slice %arg8[%dma_start3A_564] : memref<20480xf32, #tpu.memory_space<vmem>> -> memref<1024xf32, #tpu.memory_space<vmem>>
        %dma_start3A_566 = tpu.memref_slice %arg3[%add3A_563] : memref<5242880xf32, #tpu.memory_space<hbm>> -> memref<1024xf32, #tpu.memory_space<hbm>>
        %dma_start3A_567 = arith.constant 9216 : i32
        %dma_start3A_568 = tpu.memref_slice %arg8[%dma_start3A_567] : memref<20480xf32, #tpu.memory_space<vmem>> -> memref<1024xf32, #tpu.memory_space<vmem>>
        %dma_start3A_569 = tpu.memref_slice %arg3[%add3A_563] : memref<5242880xf32, #tpu.memory_space<hbm>> -> memref<1024xf32, #tpu.memory_space<hbm>>
        tpu.enqueue_dma source(%dma_start3A_569 : memref<1024xf32, #tpu.memory_space<hbm>>) target(%dma_start3A_568 : memref<1024xf32, #tpu.memory_space<vmem>>) target_semaphore(%arg10 : memref<!tpu.dma_semaphore, #tpu.memory_space<semaphore_mem>>)
      } else {
      }
      %dma_wait3A_315 = arith.constant 9216 : i32
      %dma_wait3A_316 = tpu.memref_slice %arg7[%dma_wait3A_315] : memref<18432xi32, #tpu.memory_space<vmem>> -> memref<9216xi32, #tpu.memory_space<vmem>>
      %dma_wait3A_317 = arith.constant 0 : i32
      %dma_wait3A_318 = tpu.memref_slice %arg2[%dma_wait3A_317] : memref<4718592xi32, #tpu.memory_space<hbm>> -> memref<9216xi32, #tpu.memory_space<hbm>>
      %dma_wait3A_319 = arith.constant 9216 : i32
      %dma_wait3A_320 = tpu.memref_slice %arg7[%dma_wait3A_319] : memref<18432xi32, #tpu.memory_space<vmem>> -> memref<9216xi32, #tpu.memory_space<vmem>>
      %dma_wait3A_321 = arith.constant 0 : i32
      %dma_wait3A_322 = tpu.memref_slice %arg2[%dma_wait3A_321] : memref<4718592xi32, #tpu.memory_space<hbm>> -> memref<9216xi32, #tpu.memory_space<hbm>>
      tpu.wait_dma2 semaphore(%arg11 : memref<!tpu.dma_semaphore, #tpu.memory_space<semaphore_mem>>) src(%dma_wait3A_322 : memref<9216xi32, #tpu.memory_space<hbm>>) dst(%dma_wait3A_320 : memref<9216xi32, #tpu.memory_space<vmem>>)
      %dma_wait3A_323 = arith.constant 10240 : i32
      %dma_wait3A_324 = tpu.memref_slice %arg8[%dma_wait3A_323] : memref<20480xf32, #tpu.memory_space<vmem>> -> memref<10240xf32, #tpu.memory_space<vmem>>
      %dma_wait3A_325 = arith.constant 0 : i32
      %dma_wait3A_326 = tpu.memref_slice %arg3[%dma_wait3A_325] : memref<5242880xf32, #tpu.memory_space<hbm>> -> memref<10240xf32, #tpu.memory_space<hbm>>
      %dma_wait3A_327 = arith.constant 10240 : i32
      %dma_wait3A_328 = tpu.memref_slice %arg8[%dma_wait3A_327] : memref<20480xf32, #tpu.memory_space<vmem>> -> memref<10240xf32, #tpu.memory_space<vmem>>
      %dma_wait3A_329 = arith.constant 0 : i32
      %dma_wait3A_330 = tpu.memref_slice %arg3[%dma_wait3A_329] : memref<5242880xf32, #tpu.memory_space<hbm>> -> memref<10240xf32, #tpu.memory_space<hbm>>
      tpu.wait_dma2 semaphore(%arg11 : memref<!tpu.dma_semaphore, #tpu.memory_space<semaphore_mem>>) src(%dma_wait3A_330 : memref<10240xf32, #tpu.memory_space<hbm>>) dst(%dma_wait3A_328 : memref<10240xf32, #tpu.memory_space<vmem>>)
      %gt3A_331 = arith.constant 0 : i32
      %gt3A_332 = arith.cmpi sgt, %scan3A_200, %gt3A_331 : i32
      %convert_element_type3A_333 = arith.extui %gt3A_332 : i1 to i32
      %cond3A_334 = arith.constant 0 : i32
      %cond3A_335 = arith.cmpi ne, %convert_element_type3A_333, %cond3A_334 : i32
      scf.if %cond3A_335 {
        %dma_wait3A_411 = arith.constant 8192 : i32
        %dma_wait3A_412 = tpu.memref_slice %arg9[%dma_wait3A_411] : memref<16384xf32, #tpu.memory_space<vmem>> -> memref<8192xf32, #tpu.memory_space<vmem>>
        %dma_wait3A_413 = arith.constant 0 : i32
        %dma_wait3A_414 = tpu.memref_slice %arg2[%dma_wait3A_413] : memref<4718592xi32, #tpu.memory_space<hbm>> -> memref<8192xi32, #tpu.memory_space<hbm>>
        %dma_wait3A_415 = arith.constant 8192 : i32
        %dma_wait3A_416 = tpu.memref_slice %arg9[%dma_wait3A_415] : memref<16384xf32, #tpu.memory_space<vmem>> -> memref<8192xf32, #tpu.memory_space<vmem>>
        %dma_wait3A_417 = arith.constant 0 : i32
        %dma_wait3A_418 = tpu.memref_slice %arg2[%dma_wait3A_417] : memref<4718592xi32, #tpu.memory_space<hbm>> -> memref<8192xi32, #tpu.memory_space<hbm>>
        tpu.wait_dma2 semaphore(%arg13 : memref<!tpu.dma_semaphore, #tpu.memory_space<semaphore_mem>>) src(%dma_wait3A_418 : memref<8192xi32, #tpu.memory_space<hbm>>) dst(%dma_wait3A_416 : memref<8192xf32, #tpu.memory_space<vmem>>)
      } else {
      }
      %scan3A_336 = arith.constant 0 : i32
      %scan3A_337 = arith.constant 0 : i32
      %scan3A_338 = arith.constant 32 : i32
      %scan3A_339 = arith.addi %scan3A_337, %scan3A_338 : i32
      %scan3A_340 = arith.constant 1 : i32
      scf.for %scan3A_411 = %scan3A_337 to %scan3A_339 step %scan3A_340  : i32 {
        %mul3A_412 = arith.constant 32 : i32
        %mul3A_413 = arith.muli %scan3A_411, %mul3A_412 : i32
        %add3A_414 = arith.constant 0 : i32
        %add3A_415 = arith.addi %mul3A_413, %add3A_414 : i32
        %add3A_416 = arith.constant 9216 : i32
        %add3A_417 = arith.addi %add3A_416, %add3A_415 : i32
        %get3A = arith.index_cast %add3A_417 : i32 to index
        %get3A_418 = tpu.vector_load %arg7[%get3A] {strides = array<i32>} : memref<18432xi32, #tpu.memory_space<vmem>>, vector<16xi32>,
        %add3A_419 = arith.constant 10240 : i32
        %add3A_420 = arith.addi %add3A_419, %add3A_415 : i32
        %get3A_421 = arith.index_cast %add3A_420 : i32 to index
        %get3A_422 = tpu.vector_load %arg8[%get3A_421] {strides = array<i32>} : memref<20480xf32, #tpu.memory_space<vmem>>, vector<16xf32>,
        %add3A_423 = arith.constant 0 : i32
        %add3A_424 = vector.broadcast %add3A_423 : i32 to vector<16xi32>
        %add3A_425 = arith.addi %get3A_418, %add3A_424 : vector<16xi32>
        %gather3A_426 = tpu.vector_load_idx %arg6[%add3A_425] : memref<9216xf32, #tpu.memory_space<vmem>>[vector<16xi32>], vector<16xf32>,
        %mul3A_427 = arith.mulf %get3A_422, %gather3A_426 : vector<16xf32>
        %add3A_428 = arith.constant 1 : i32
        %add3A_429 = vector.broadcast %add3A_428 : i32 to vector<16xi32>
        %add3A_430 = arith.addi %get3A_418, %add3A_429 : vector<16xi32>
        %gather3A_431 = tpu.vector_load_idx %arg6[%add3A_430] : memref<9216xf32, #tpu.memory_space<vmem>>[vector<16xi32>], vector<16xf32>,
        %mul3A_432 = arith.mulf %get3A_422, %gather3A_431 : vector<16xf32>
        %add3A_433 = arith.constant 2 : i32
        %add3A_434 = vector.broadcast %add3A_433 : i32 to vector<16xi32>
        %add3A_435 = arith.addi %get3A_418, %add3A_434 : vector<16xi32>
        %gather3A_436 = tpu.vector_load_idx %arg6[%add3A_435] : memref<9216xf32, #tpu.memory_space<vmem>>[vector<16xi32>], vector<16xf32>,
        %mul3A_437 = arith.mulf %get3A_422, %gather3A_436 : vector<16xf32>
        %add3A_438 = arith.constant 3 : i32
        %add3A_439 = vector.broadcast %add3A_438 : i32 to vector<16xi32>
        %add3A_440 = arith.addi %get3A_418, %add3A_439 : vector<16xi32>
        %gather3A_441 = tpu.vector_load_idx %arg6[%add3A_440] : memref<9216xf32, #tpu.memory_space<vmem>>[vector<16xi32>], vector<16xf32>,
        %mul3A_442 = arith.mulf %get3A_422, %gather3A_441 : vector<16xf32>
        %add3A_443 = arith.constant 4 : i32
        %add3A_444 = vector.broadcast %add3A_443 : i32 to vector<16xi32>
        %add3A_445 = arith.addi %get3A_418, %add3A_444 : vector<16xi32>
        %gather3A_446 = tpu.vector_load_idx %arg6[%add3A_445] : memref<9216xf32, #tpu.memory_space<vmem>>[vector<16xi32>], vector<16xf32>,
        %mul3A_447 = arith.mulf %get3A_422, %gather3A_446 : vector<16xf32>
        %add3A_448 = arith.constant 5 : i32
        %add3A_449 = vector.broadcast %add3A_448 : i32 to vector<16xi32>
        %add3A_450 = arith.addi %get3A_418, %add3A_449 : vector<16xi32>
        %gather3A_451 = tpu.vector_load_idx %arg6[%add3A_450] : memref<9216xf32, #tpu.memory_space<vmem>>[vector<16xi32>], vector<16xf32>,
        %mul3A_452 = arith.mulf %get3A_422, %gather3A_451 : vector<16xf32>
        %add3A_453 = arith.constant 6 : i32
        %add3A_454 = vector.broadcast %add3A_453 : i32 to vector<16xi32>
        %add3A_455 = arith.addi %get3A_418, %add3A_454 : vector<16xi32>
        %gather3A_456 = tpu.vector_load_idx %arg6[%add3A_455] : memref<9216xf32, #tpu.memory_space<vmem>>[vector<16xi32>], vector<16xf32>,
        %mul3A_457 = arith.mulf %get3A_422, %gather3A_456 : vector<16xf32>
        %add3A_458 = arith.constant 7 : i32
        %add3A_459 = vector.broadcast %add3A_458 : i32 to vector<16xi32>
        %add3A_460 = arith.addi %get3A_418, %add3A_459 : vector<16xi32>
        %gather3A_461 = tpu.vector_load_idx %arg6[%add3A_460] : memref<9216xf32, #tpu.memory_space<vmem>>[vector<16xi32>], vector<16xf32>,
        %mul3A_462 = arith.mulf %get3A_422, %gather3A_461 : vector<16xf32>
        %add3A_463 = arith.constant 10240 : i32
        %add3A_464 = arith.addi %add3A_463, %add3A_415 : i32
        %get3A_465 = arith.index_cast %add3A_464 : i32 to index
        %get3A_466 = tpu.vector_load %arg7[%get3A_465] {strides = array<i32>} : memref<18432xi32, #tpu.memory_space<vmem>>, vector<16xi32>,
        %add3A_467 = arith.constant 11264 : i32
        %add3A_468 = arith.addi %add3A_467, %add3A_415 : i32
        %get3A_469 = arith.index_cast %add3A_468 : i32 to index
        %get3A_470 = tpu.vector_load %arg8[%get3A_469] {strides = array<i32>} : memref<20480xf32, #tpu.memory_space<vmem>>, vector<16xf32>,
        %add3A_471 = arith.constant 0 : i32
        %add3A_472 = vector.broadcast %add3A_471 : i32 to vector<16xi32>
        %add3A_473 = arith.addi %get3A_466, %add3A_472 : vector<16xi32>
        %gather3A_474 = tpu.vector_load_idx %arg6[%add3A_473] : memref<9216xf32, #tpu.memory_space<vmem>>[vector<16xi32>], vector<16xf32>,
        %mul3A_475 = arith.mulf %get3A_470, %gather3A_474 : vector<16xf32>
        %add3A_476 = arith.addf %mul3A_427, %mul3A_475 : vector<16xf32>
        %add3A_477 = arith.constant 1 : i32
        %add3A_478 = vector.broadcast %add3A_477 : i32 to vector<16xi32>
        %add3A_479 = arith.addi %get3A_466, %add3A_478 : vector<16xi32>
        %gather3A_480 = tpu.vector_load_idx %arg6[%add3A_479] : memref<9216xf32, #tpu.memory_space<vmem>>[vector<16xi32>], vector<16xf32>,
        %mul3A_481 = arith.mulf %get3A_470, %gather3A_480 : vector<16xf32>
        %add3A_482 = arith.addf %mul3A_432, %mul3A_481 : vector<16xf32>
        %add3A_483 = arith.constant 2 : i32
        %add3A_484 = vector.broadcast %add3A_483 : i32 to vector<16xi32>
        %add3A_485 = arith.addi %get3A_466, %add3A_484 : vector<16xi32>
        %gather3A_486 = tpu.vector_load_idx %arg6[%add3A_485] : memref<9216xf32, #tpu.memory_space<vmem>>[vector<16xi32>], vector<16xf32>,
        %mul3A_487 = arith.mulf %get3A_470, %gather3A_486 : vector<16xf32>
        %add3A_488 = arith.addf %mul3A_437, %mul3A_487 : vector<16xf32>
        %add3A_489 = arith.constant 3 : i32
        %add3A_490 = vector.broadcast %add3A_489 : i32 to vector<16xi32>
        %add3A_491 = arith.addi %get3A_466, %add3A_490 : vector<16xi32>
        %gather3A_492 = tpu.vector_load_idx %arg6[%add3A_491] : memref<9216xf32, #tpu.memory_space<vmem>>[vector<16xi32>], vector<16xf32>,
        %mul3A_493 = arith.mulf %get3A_470, %gather3A_492 : vector<16xf32>
        %add3A_494 = arith.addf %mul3A_442, %mul3A_493 : vector<16xf32>
        %add3A_495 = arith.constant 4 : i32
        %add3A_496 = vector.broadcast %add3A_495 : i32 to vector<16xi32>
        %add3A_497 = arith.addi %get3A_466, %add3A_496 : vector<16xi32>
        %gather3A_498 = tpu.vector_load_idx %arg6[%add3A_497] : memref<9216xf32, #tpu.memory_space<vmem>>[vector<16xi32>], vector<16xf32>,
        %mul3A_499 = arith.mulf %get3A_470, %gather3A_498 : vector<16xf32>
        %add3A_500 = arith.addf %mul3A_447, %mul3A_499 : vector<16xf32>
        %add3A_501 = arith.constant 5 : i32
        %add3A_502 = vector.broadcast %add3A_501 : i32 to vector<16xi32>
        %add3A_503 = arith.addi %get3A_466, %add3A_502 : vector<16xi32>
        %gather3A_504 = tpu.vector_load_idx %arg6[%add3A_503] : memref<9216xf32, #tpu.memory_space<vmem>>[vector<16xi32>], vector<16xf32>,
        %mul3A_505 = arith.mulf %get3A_470, %gather3A_504 : vector<16xf32>
        %add3A_506 = arith.addf %mul3A_452, %mul3A_505 : vector<16xf32>
        %add3A_507 = arith.constant 6 : i32
        %add3A_508 = vector.broadcast %add3A_507 : i32 to vector<16xi32>
        %add3A_509 = arith.addi %get3A_466, %add3A_508 : vector<16xi32>
        %gather3A_510 = tpu.vector_load_idx %arg6[%add3A_509] : memref<9216xf32, #tpu.memory_space<vmem>>[vector<16xi32>], vector<16xf32>,
        %mul3A_511 = arith.mulf %get3A_470, %gather3A_510 : vector<16xf32>
        %add3A_512 = arith.addf %mul3A_457, %mul3A_511 : vector<16xf32>
        %add3A_513 = arith.constant 7 : i32
        %add3A_514 = vector.broadcast %add3A_513 : i32 to vector<16xi32>
        %add3A_515 = arith.addi %get3A_466, %add3A_514 : vector<16xi32>
        %gather3A_516 = tpu.vector_load_idx %arg6[%add3A_515] : memref<9216xf32, #tpu.memory_space<vmem>>[vector<16xi32>], vector<16xf32>,
        %mul3A_517 = arith.mulf %get3A_470, %gather3A_516 : vector<16xf32>
        %add3A_518 = arith.addf %mul3A_462, %mul3A_517 : vector<16xf32>
        %add3A_519 = arith.constant 11264 : i32
        %add3A_520 = arith.addi %add3A_519, %add3A_415 : i32
        %get3A_521 = arith.index_cast %add3A_520 : i32 to index
        %get3A_522 = tpu.vector_load %arg7[%get3A_521] {strides = array<i32>} : memref<18432xi32, #tpu.memory_space<vmem>>, vector<16xi32>,
        %add3A_523 = arith.constant 12288 : i32
        %add3A_524 = arith.addi %add3A_523, %add3A_415 : i32
        %get3A_525 = arith.index_cast %add3A_524 : i32 to index
        %get3A_526 = tpu.vector_load %arg8[%get3A_525] {strides = array<i32>} : memref<20480xf32, #tpu.memory_space<vmem>>, vector<16xf32>,
        %add3A_527 = arith.constant 0 : i32
        %add3A_528 = vector.broadcast %add3A_527 : i32 to vector<16xi32>
        %add3A_529 = arith.addi %get3A_522, %add3A_528 : vector<16xi32>
        %gather3A_530 = tpu.vector_load_idx %arg6[%add3A_529] : memref<9216xf32, #tpu.memory_space<vmem>>[vector<16xi32>], vector<16xf32>,
        %mul3A_531 = arith.mulf %get3A_526, %gather3A_530 : vector<16xf32>
        %add3A_532 = arith.addf %add3A_476, %mul3A_531 : vector<16xf32>
        %add3A_533 = arith.constant 1 : i32
        %add3A_534 = vector.broadcast %add3A_533 : i32 to vector<16xi32>
        %add3A_535 = arith.addi %get3A_522, %add3A_534 : vector<16xi32>
        %gather3A_536 = tpu.vector_load_idx %arg6[%add3A_535] : memref<9216xf32, #tpu.memory_space<vmem>>[vector<16xi32>], vector<16xf32>,
        %mul3A_537 = arith.mulf %get3A_526, %gather3A_536 : vector<16xf32>
        %add3A_538 = arith.addf %add3A_482, %mul3A_537 : vector<16xf32>
        %add3A_539 = arith.constant 2 : i32
        %add3A_540 = vector.broadcast %add3A_539 : i32 to vector<16xi32>
        %add3A_541 = arith.addi %get3A_522, %add3A_540 : vector<16xi32>
        %gather3A_542 = tpu.vector_load_idx %arg6[%add3A_541] : memref<9216xf32, #tpu.memory_space<vmem>>[vector<16xi32>], vector<16xf32>,
        %mul3A_543 = arith.mulf %get3A_526, %gather3A_542 : vector<16xf32>
        %add3A_544 = arith.addf %add3A_488, %mul3A_543 : vector<16xf32>
        %add3A_545 = arith.constant 3 : i32
        %add3A_546 = vector.broadcast %add3A_545 : i32 to vector<16xi32>
        %add3A_547 = arith.addi %get3A_522, %add3A_546 : vector<16xi32>
        %gather3A_548 = tpu.vector_load_idx %arg6[%add3A_547] : memref<9216xf32, #tpu.memory_space<vmem>>[vector<16xi32>], vector<16xf32>,
        %mul3A_549 = arith.mulf %get3A_526, %gather3A_548 : vector<16xf32>
        %add3A_550 = arith.addf %add3A_494, %mul3A_549 : vector<16xf32>
        %add3A_551 = arith.constant 4 : i32
        %add3A_552 = vector.broadcast %add3A_551 : i32 to vector<16xi32>
        %add3A_553 = arith.addi %get3A_522, %add3A_552 : vector<16xi32>
        %gather3A_554 = tpu.vector_load_idx %arg6[%add3A_553] : memref<9216xf32, #tpu.memory_space<vmem>>[vector<16xi32>], vector<16xf32>,
        %mul3A_555 = arith.mulf %get3A_526, %gather3A_554 : vector<16xf32>
        %add3A_556 = arith.addf %add3A_500, %mul3A_555 : vector<16xf32>
        %add3A_557 = arith.constant 5 : i32
        %add3A_558 = vector.broadcast %add3A_557 : i32 to vector<16xi32>
        %add3A_559 = arith.addi %get3A_522, %add3A_558 : vector<16xi32>
        %gather3A_560 = tpu.vector_load_idx %arg6[%add3A_559] : memref<9216xf32, #tpu.memory_space<vmem>>[vector<16xi32>], vector<16xf32>,
        %mul3A_561 = arith.mulf %get3A_526, %gather3A_560 : vector<16xf32>
        %add3A_562 = arith.addf %add3A_506, %mul3A_561 : vector<16xf32>
        %add3A_563 = arith.constant 6 : i32
        %add3A_564 = vector.broadcast %add3A_563 : i32 to vector<16xi32>
        %add3A_565 = arith.addi %get3A_522, %add3A_564 : vector<16xi32>
        %gather3A_566 = tpu.vector_load_idx %arg6[%add3A_565] : memref<9216xf32, #tpu.memory_space<vmem>>[vector<16xi32>], vector<16xf32>,
        %mul3A_567 = arith.mulf %get3A_526, %gather3A_566 : vector<16xf32>
        %add3A_568 = arith.addf %add3A_512, %mul3A_567 : vector<16xf32>
        %add3A_569 = arith.constant 7 : i32
        %add3A_570 = vector.broadcast %add3A_569 : i32 to vector<16xi32>
        %add3A_571 = arith.addi %get3A_522, %add3A_570 : vector<16xi32>
        %gather3A_572 = tpu.vector_load_idx %arg6[%add3A_571] : memref<9216xf32, #tpu.memory_space<vmem>>[vector<16xi32>], vector<16xf32>,
        %mul3A_573 = arith.mulf %get3A_526, %gather3A_572 : vector<16xf32>
        %add3A_574 = arith.addf %add3A_518, %mul3A_573 : vector<16xf32>
        %add3A_575 = arith.constant 12288 : i32
        %add3A_576 = arith.addi %add3A_575, %add3A_415 : i32
        %get3A_577 = arith.index_cast %add3A_576 : i32 to index
        %get3A_578 = tpu.vector_load %arg7[%get3A_577] {strides = array<i32>} : memref<18432xi32, #tpu.memory_space<vmem>>, vector<16xi32>,
        %add3A_579 = arith.constant 13312 : i32
        %add3A_580 = arith.addi %add3A_579, %add3A_415 : i32
        %get3A_581 = arith.index_cast %add3A_580 : i32 to index
        %get3A_582 = tpu.vector_load %arg8[%get3A_581] {strides = array<i32>} : memref<20480xf32, #tpu.memory_space<vmem>>, vector<16xf32>,
        %add3A_583 = arith.constant 0 : i32
        %add3A_584 = vector.broadcast %add3A_583 : i32 to vector<16xi32>
        %add3A_585 = arith.addi %get3A_578, %add3A_584 : vector<16xi32>
        %gather3A_586 = tpu.vector_load_idx %arg6[%add3A_585] : memref<9216xf32, #tpu.memory_space<vmem>>[vector<16xi32>], vector<16xf32>,
        %mul3A_587 = arith.mulf %get3A_582, %gather3A_586 : vector<16xf32>
        %add3A_588 = arith.addf %add3A_532, %mul3A_587 : vector<16xf32>
        %add3A_589 = arith.constant 1 : i32
        %add3A_590 = vector.broadcast %add3A_589 : i32 to vector<16xi32>
        %add3A_591 = arith.addi %get3A_578, %add3A_590 : vector<16xi32>
        %gather3A_592 = tpu.vector_load_idx %arg6[%add3A_591] : memref<9216xf32, #tpu.memory_space<vmem>>[vector<16xi32>], vector<16xf32>,
        %mul3A_593 = arith.mulf %get3A_582, %gather3A_592 : vector<16xf32>
        %add3A_594 = arith.addf %add3A_538, %mul3A_593 : vector<16xf32>
        %add3A_595 = arith.constant 2 : i32
        %add3A_596 = vector.broadcast %add3A_595 : i32 to vector<16xi32>
        %add3A_597 = arith.addi %get3A_578, %add3A_596 : vector<16xi32>
        %gather3A_598 = tpu.vector_load_idx %arg6[%add3A_597] : memref<9216xf32, #tpu.memory_space<vmem>>[vector<16xi32>], vector<16xf32>,
        %mul3A_599 = arith.mulf %get3A_582, %gather3A_598 : vector<16xf32>
        %add3A_600 = arith.addf %add3A_544, %mul3A_599 : vector<16xf32>
        %add3A_601 = arith.constant 3 : i32
        %add3A_602 = vector.broadcast %add3A_601 : i32 to vector<16xi32>
        %add3A_603 = arith.addi %get3A_578, %add3A_602 : vector<16xi32>
        %gather3A_604 = tpu.vector_load_idx %arg6[%add3A_603] : memref<9216xf32, #tpu.memory_space<vmem>>[vector<16xi32>], vector<16xf32>,
        %mul3A_605 = arith.mulf %get3A_582, %gather3A_604 : vector<16xf32>
        %add3A_606 = arith.addf %add3A_550, %mul3A_605 : vector<16xf32>
        %add3A_607 = arith.constant 4 : i32
        %add3A_608 = vector.broadcast %add3A_607 : i32 to vector<16xi32>
        %add3A_609 = arith.addi %get3A_578, %add3A_608 : vector<16xi32>
        %gather3A_610 = tpu.vector_load_idx %arg6[%add3A_609] : memref<9216xf32, #tpu.memory_space<vmem>>[vector<16xi32>], vector<16xf32>,
        %mul3A_611 = arith.mulf %get3A_582, %gather3A_610 : vector<16xf32>
        %add3A_612 = arith.addf %add3A_556, %mul3A_611 : vector<16xf32>
        %add3A_613 = arith.constant 5 : i32
        %add3A_614 = vector.broadcast %add3A_613 : i32 to vector<16xi32>
        %add3A_615 = arith.addi %get3A_578, %add3A_614 : vector<16xi32>
        %gather3A_616 = tpu.vector_load_idx %arg6[%add3A_615] : memref<9216xf32, #tpu.memory_space<vmem>>[vector<16xi32>], vector<16xf32>,
        %mul3A_617 = arith.mulf %get3A_582, %gather3A_616 : vector<16xf32>
        %add3A_618 = arith.addf %add3A_562, %mul3A_617 : vector<16xf32>
        %add3A_619 = arith.constant 6 : i32
        %add3A_620 = vector.broadcast %add3A_619 : i32 to vector<16xi32>
        %add3A_621 = arith.addi %get3A_578, %add3A_620 : vector<16xi32>
        %gather3A_622 = tpu.vector_load_idx %arg6[%add3A_621] : memref<9216xf32, #tpu.memory_space<vmem>>[vector<16xi32>], vector<16xf32>,
        %mul3A_623 = arith.mulf %get3A_582, %gather3A_622 : vector<16xf32>
        %add3A_624 = arith.addf %add3A_568, %mul3A_623 : vector<16xf32>
        %add3A_625 = arith.constant 7 : i32
        %add3A_626 = vector.broadcast %add3A_625 : i32 to vector<16xi32>
        %add3A_627 = arith.addi %get3A_578, %add3A_626 : vector<16xi32>
        %gather3A_628 = tpu.vector_load_idx %arg6[%add3A_627] : memref<9216xf32, #tpu.memory_space<vmem>>[vector<16xi32>], vector<16xf32>,
        %mul3A_629 = arith.mulf %get3A_582, %gather3A_628 : vector<16xf32>
        %add3A_630 = arith.addf %add3A_574, %mul3A_629 : vector<16xf32>
        %add3A_631 = arith.constant 13312 : i32
        %add3A_632 = arith.addi %add3A_631, %add3A_415 : i32
        %get3A_633 = arith.index_cast %add3A_632 : i32 to index
        %get3A_634 = tpu.vector_load %arg7[%get3A_633] {strides = array<i32>} : memref<18432xi32, #tpu.memory_space<vmem>>, vector<16xi32>,
        %add3A_635 = arith.constant 14336 : i32
        %add3A_636 = arith.addi %add3A_635, %add3A_415 : i32
        %get3A_637 = arith.index_cast %add3A_636 : i32 to index
        %get3A_638 = tpu.vector_load %arg8[%get3A_637] {strides = array<i32>} : memref<20480xf32, #tpu.memory_space<vmem>>, vector<16xf32>,
        %add3A_639 = arith.constant 0 : i32
        %add3A_640 = vector.broadcast %add3A_639 : i32 to vector<16xi32>
        %add3A_641 = arith.addi %get3A_634, %add3A_640 : vector<16xi32>
        %gather3A_642 = tpu.vector_load_idx %arg6[%add3A_641] : memref<9216xf32, #tpu.memory_space<vmem>>[vector<16xi32>], vector<16xf32>,
        %mul3A_643 = arith.mulf %get3A_638, %gather3A_642 : vector<16xf32>
        %add3A_644 = arith.addf %add3A_588, %mul3A_643 : vector<16xf32>
        %add3A_645 = arith.constant 1 : i32
        %add3A_646 = vector.broadcast %add3A_645 : i32 to vector<16xi32>
        %add3A_647 = arith.addi %get3A_634, %add3A_646 : vector<16xi32>
        %gather3A_648 = tpu.vector_load_idx %arg6[%add3A_647] : memref<9216xf32, #tpu.memory_space<vmem>>[vector<16xi32>], vector<16xf32>,
        %mul3A_649 = arith.mulf %get3A_638, %gather3A_648 : vector<16xf32>
        %add3A_650 = arith.addf %add3A_594, %mul3A_649 : vector<16xf32>
        %add3A_651 = arith.constant 2 : i32
        %add3A_652 = vector.broadcast %add3A_651 : i32 to vector<16xi32>
        %add3A_653 = arith.addi %get3A_634, %add3A_652 : vector<16xi32>
        %gather3A_654 = tpu.vector_load_idx %arg6[%add3A_653] : memref<9216xf32, #tpu.memory_space<vmem>>[vector<16xi32>], vector<16xf32>,
        %mul3A_655 = arith.mulf %get3A_638, %gather3A_654 : vector<16xf32>
        %add3A_656 = arith.addf %add3A_600, %mul3A_655 : vector<16xf32>
        %add3A_657 = arith.constant 3 : i32
        %add3A_658 = vector.broadcast %add3A_657 : i32 to vector<16xi32>
        %add3A_659 = arith.addi %get3A_634, %add3A_658 : vector<16xi32>
        %gather3A_660 = tpu.vector_load_idx %arg6[%add3A_659] : memref<9216xf32, #tpu.memory_space<vmem>>[vector<16xi32>], vector<16xf32>,
        %mul3A_661 = arith.mulf %get3A_638, %gather3A_660 : vector<16xf32>
        %add3A_662 = arith.addf %add3A_606, %mul3A_661 : vector<16xf32>
        %add3A_663 = arith.constant 4 : i32
        %add3A_664 = vector.broadcast %add3A_663 : i32 to vector<16xi32>
        %add3A_665 = arith.addi %get3A_634, %add3A_664 : vector<16xi32>
        %gather3A_666 = tpu.vector_load_idx %arg6[%add3A_665] : memref<9216xf32, #tpu.memory_space<vmem>>[vector<16xi32>], vector<16xf32>,
        %mul3A_667 = arith.mulf %get3A_638, %gather3A_666 : vector<16xf32>
        %add3A_668 = arith.addf %add3A_612, %mul3A_667 : vector<16xf32>
        %add3A_669 = arith.constant 5 : i32
        %add3A_670 = vector.broadcast %add3A_669 : i32 to vector<16xi32>
        %add3A_671 = arith.addi %get3A_634, %add3A_670 : vector<16xi32>
        %gather3A_672 = tpu.vector_load_idx %arg6[%add3A_671] : memref<9216xf32, #tpu.memory_space<vmem>>[vector<16xi32>], vector<16xf32>,
        %mul3A_673 = arith.mulf %get3A_638, %gather3A_672 : vector<16xf32>
        %add3A_674 = arith.addf %add3A_618, %mul3A_673 : vector<16xf32>
        %add3A_675 = arith.constant 6 : i32
        %add3A_676 = vector.broadcast %add3A_675 : i32 to vector<16xi32>
        %add3A_677 = arith.addi %get3A_634, %add3A_676 : vector<16xi32>
        %gather3A_678 = tpu.vector_load_idx %arg6[%add3A_677] : memref<9216xf32, #tpu.memory_space<vmem>>[vector<16xi32>], vector<16xf32>,
        %mul3A_679 = arith.mulf %get3A_638, %gather3A_678 : vector<16xf32>
        %add3A_680 = arith.addf %add3A_624, %mul3A_679 : vector<16xf32>
        %add3A_681 = arith.constant 7 : i32
        %add3A_682 = vector.broadcast %add3A_681 : i32 to vector<16xi32>
        %add3A_683 = arith.addi %get3A_634, %add3A_682 : vector<16xi32>
        %gather3A_684 = tpu.vector_load_idx %arg6[%add3A_683] : memref<9216xf32, #tpu.memory_space<vmem>>[vector<16xi32>], vector<16xf32>,
        %mul3A_685 = arith.mulf %get3A_638, %gather3A_684 : vector<16xf32>
        %add3A_686 = arith.addf %add3A_630, %mul3A_685 : vector<16xf32>
        %add3A_687 = arith.constant 14336 : i32
        %add3A_688 = arith.addi %add3A_687, %add3A_415 : i32
        %get3A_689 = arith.index_cast %add3A_688 : i32 to index
        %get3A_690 = tpu.vector_load %arg7[%get3A_689] {strides = array<i32>} : memref<18432xi32, #tpu.memory_space<vmem>>, vector<16xi32>,
        %add3A_691 = arith.constant 15360 : i32
        %add3A_692 = arith.addi %add3A_691, %add3A_415 : i32
        %get3A_693 = arith.index_cast %add3A_692 : i32 to index
        %get3A_694 = tpu.vector_load %arg8[%get3A_693] {strides = array<i32>} : memref<20480xf32, #tpu.memory_space<vmem>>, vector<16xf32>,
        %add3A_695 = arith.constant 0 : i32
        %add3A_696 = vector.broadcast %add3A_695 : i32 to vector<16xi32>
        %add3A_697 = arith.addi %get3A_690, %add3A_696 : vector<16xi32>
        %gather3A_698 = tpu.vector_load_idx %arg6[%add3A_697] : memref<9216xf32, #tpu.memory_space<vmem>>[vector<16xi32>], vector<16xf32>,
        %mul3A_699 = arith.mulf %get3A_694, %gather3A_698 : vector<16xf32>
        %add3A_700 = arith.addf %add3A_644, %mul3A_699 : vector<16xf32>
        %add3A_701 = arith.constant 1 : i32
        %add3A_702 = vector.broadcast %add3A_701 : i32 to vector<16xi32>
        %add3A_703 = arith.addi %get3A_690, %add3A_702 : vector<16xi32>
        %gather3A_704 = tpu.vector_load_idx %arg6[%add3A_703] : memref<9216xf32, #tpu.memory_space<vmem>>[vector<16xi32>], vector<16xf32>,
        %mul3A_705 = arith.mulf %get3A_694, %gather3A_704 : vector<16xf32>
        %add3A_706 = arith.addf %add3A_650, %mul3A_705 : vector<16xf32>
        %add3A_707 = arith.constant 2 : i32
        %add3A_708 = vector.broadcast %add3A_707 : i32 to vector<16xi32>
        %add3A_709 = arith.addi %get3A_690, %add3A_708 : vector<16xi32>
        %gather3A_710 = tpu.vector_load_idx %arg6[%add3A_709] : memref<9216xf32, #tpu.memory_space<vmem>>[vector<16xi32>], vector<16xf32>,
        %mul3A_711 = arith.mulf %get3A_694, %gather3A_710 : vector<16xf32>
        %add3A_712 = arith.addf %add3A_656, %mul3A_711 : vector<16xf32>
        %add3A_713 = arith.constant 3 : i32
        %add3A_714 = vector.broadcast %add3A_713 : i32 to vector<16xi32>
        %add3A_715 = arith.addi %get3A_690, %add3A_714 : vector<16xi32>
        %gather3A_716 = tpu.vector_load_idx %arg6[%add3A_715] : memref<9216xf32, #tpu.memory_space<vmem>>[vector<16xi32>], vector<16xf32>,
        %mul3A_717 = arith.mulf %get3A_694, %gather3A_716 : vector<16xf32>
        %add3A_718 = arith.addf %add3A_662, %mul3A_717 : vector<16xf32>
        %add3A_719 = arith.constant 4 : i32
        %add3A_720 = vector.broadcast %add3A_719 : i32 to vector<16xi32>
        %add3A_721 = arith.addi %get3A_690, %add3A_720 : vector<16xi32>
        %gather3A_722 = tpu.vector_load_idx %arg6[%add3A_721] : memref<9216xf32, #tpu.memory_space<vmem>>[vector<16xi32>], vector<16xf32>,
        %mul3A_723 = arith.mulf %get3A_694, %gather3A_722 : vector<16xf32>
        %add3A_724 = arith.addf %add3A_668, %mul3A_723 : vector<16xf32>
        %add3A_725 = arith.constant 5 : i32
        %add3A_726 = vector.broadcast %add3A_725 : i32 to vector<16xi32>
        %add3A_727 = arith.addi %get3A_690, %add3A_726 : vector<16xi32>
        %gather3A_728 = tpu.vector_load_idx %arg6[%add3A_727] : memref<9216xf32, #tpu.memory_space<vmem>>[vector<16xi32>], vector<16xf32>,
        %mul3A_729 = arith.mulf %get3A_694, %gather3A_728 : vector<16xf32>
        %add3A_730 = arith.addf %add3A_674, %mul3A_729 : vector<16xf32>
        %add3A_731 = arith.constant 6 : i32
        %add3A_732 = vector.broadcast %add3A_731 : i32 to vector<16xi32>
        %add3A_733 = arith.addi %get3A_690, %add3A_732 : vector<16xi32>
        %gather3A_734 = tpu.vector_load_idx %arg6[%add3A_733] : memref<9216xf32, #tpu.memory_space<vmem>>[vector<16xi32>], vector<16xf32>,
        %mul3A_735 = arith.mulf %get3A_694, %gather3A_734 : vector<16xf32>
        %add3A_736 = arith.addf %add3A_680, %mul3A_735 : vector<16xf32>
        %add3A_737 = arith.constant 7 : i32
        %add3A_738 = vector.broadcast %add3A_737 : i32 to vector<16xi32>
        %add3A_739 = arith.addi %get3A_690, %add3A_738 : vector<16xi32>
        %gather3A_740 = tpu.vector_load_idx %arg6[%add3A_739] : memref<9216xf32, #tpu.memory_space<vmem>>[vector<16xi32>], vector<16xf32>,
        %mul3A_741 = arith.mulf %get3A_694, %gather3A_740 : vector<16xf32>
        %add3A_742 = arith.addf %add3A_686, %mul3A_741 : vector<16xf32>
        %add3A_743 = arith.constant 15360 : i32
        %add3A_744 = arith.addi %add3A_743, %add3A_415 : i32
        %get3A_745 = arith.index_cast %add3A_744 : i32 to index
        %get3A_746 = tpu.vector_load %arg7[%get3A_745] {strides = array<i32>} : memref<18432xi32, #tpu.memory_space<vmem>>, vector<16xi32>,
        %add3A_747 = arith.constant 16384 : i32
        %add3A_748 = arith.addi %add3A_747, %add3A_415 : i32
        %get3A_749 = arith.index_cast %add3A_748 : i32 to index
        %get3A_750 = tpu.vector_load %arg8[%get3A_749] {strides = array<i32>} : memref<20480xf32, #tpu.memory_space<vmem>>, vector<16xf32>,
        %add3A_751 = arith.constant 0 : i32
        %add3A_752 = vector.broadcast %add3A_751 : i32 to vector<16xi32>
        %add3A_753 = arith.addi %get3A_746, %add3A_752 : vector<16xi32>
        %gather3A_754 = tpu.vector_load_idx %arg6[%add3A_753] : memref<9216xf32, #tpu.memory_space<vmem>>[vector<16xi32>], vector<16xf32>,
        %mul3A_755 = arith.mulf %get3A_750, %gather3A_754 : vector<16xf32>
        %add3A_756 = arith.addf %add3A_700, %mul3A_755 : vector<16xf32>
        %add3A_757 = arith.constant 1 : i32
        %add3A_758 = vector.broadcast %add3A_757 : i32 to vector<16xi32>
        %add3A_759 = arith.addi %get3A_746, %add3A_758 : vector<16xi32>
        %gather3A_760 = tpu.vector_load_idx %arg6[%add3A_759] : memref<9216xf32, #tpu.memory_space<vmem>>[vector<16xi32>], vector<16xf32>,
        %mul3A_761 = arith.mulf %get3A_750, %gather3A_760 : vector<16xf32>
        %add3A_762 = arith.addf %add3A_706, %mul3A_761 : vector<16xf32>
        %add3A_763 = arith.constant 2 : i32
        %add3A_764 = vector.broadcast %add3A_763 : i32 to vector<16xi32>
        %add3A_765 = arith.addi %get3A_746, %add3A_764 : vector<16xi32>
        %gather3A_766 = tpu.vector_load_idx %arg6[%add3A_765] : memref<9216xf32, #tpu.memory_space<vmem>>[vector<16xi32>], vector<16xf32>,
        %mul3A_767 = arith.mulf %get3A_750, %gather3A_766 : vector<16xf32>
        %add3A_768 = arith.addf %add3A_712, %mul3A_767 : vector<16xf32>
        %add3A_769 = arith.constant 3 : i32
        %add3A_770 = vector.broadcast %add3A_769 : i32 to vector<16xi32>
        %add3A_771 = arith.addi %get3A_746, %add3A_770 : vector<16xi32>
        %gather3A_772 = tpu.vector_load_idx %arg6[%add3A_771] : memref<9216xf32, #tpu.memory_space<vmem>>[vector<16xi32>], vector<16xf32>,
        %mul3A_773 = arith.mulf %get3A_750, %gather3A_772 : vector<16xf32>
        %add3A_774 = arith.addf %add3A_718, %mul3A_773 : vector<16xf32>
        %add3A_775 = arith.constant 4 : i32
        %add3A_776 = vector.broadcast %add3A_775 : i32 to vector<16xi32>
        %add3A_777 = arith.addi %get3A_746, %add3A_776 : vector<16xi32>
        %gather3A_778 = tpu.vector_load_idx %arg6[%add3A_777] : memref<9216xf32, #tpu.memory_space<vmem>>[vector<16xi32>], vector<16xf32>,
        %mul3A_779 = arith.mulf %get3A_750, %gather3A_778 : vector<16xf32>
        %add3A_780 = arith.addf %add3A_724, %mul3A_779 : vector<16xf32>
        %add3A_781 = arith.constant 5 : i32
        %add3A_782 = vector.broadcast %add3A_781 : i32 to vector<16xi32>
        %add3A_783 = arith.addi %get3A_746, %add3A_782 : vector<16xi32>
        %gather3A_784 = tpu.vector_load_idx %arg6[%add3A_783] : memref<9216xf32, #tpu.memory_space<vmem>>[vector<16xi32>], vector<16xf32>,
        %mul3A_785 = arith.mulf %get3A_750, %gather3A_784 : vector<16xf32>
        %add3A_786 = arith.addf %add3A_730, %mul3A_785 : vector<16xf32>
        %add3A_787 = arith.constant 6 : i32
        %add3A_788 = vector.broadcast %add3A_787 : i32 to vector<16xi32>
        %add3A_789 = arith.addi %get3A_746, %add3A_788 : vector<16xi32>
        %gather3A_790 = tpu.vector_load_idx %arg6[%add3A_789] : memref<9216xf32, #tpu.memory_space<vmem>>[vector<16xi32>], vector<16xf32>,
        %mul3A_791 = arith.mulf %get3A_750, %gather3A_790 : vector<16xf32>
        %add3A_792 = arith.addf %add3A_736, %mul3A_791 : vector<16xf32>
        %add3A_793 = arith.constant 7 : i32
        %add3A_794 = vector.broadcast %add3A_793 : i32 to vector<16xi32>
        %add3A_795 = arith.addi %get3A_746, %add3A_794 : vector<16xi32>
        %gather3A_796 = tpu.vector_load_idx %arg6[%add3A_795] : memref<9216xf32, #tpu.memory_space<vmem>>[vector<16xi32>], vector<16xf32>,
        %mul3A_797 = arith.mulf %get3A_750, %gather3A_796 : vector<16xf32>
        %add3A_798 = arith.addf %add3A_742, %mul3A_797 : vector<16xf32>
        %add3A_799 = arith.constant 16384 : i32
        %add3A_800 = arith.addi %add3A_799, %add3A_415 : i32
        %get3A_801 = arith.index_cast %add3A_800 : i32 to index
        %get3A_802 = tpu.vector_load %arg7[%get3A_801] {strides = array<i32>} : memref<18432xi32, #tpu.memory_space<vmem>>, vector<16xi32>,
        %add3A_803 = arith.constant 17408 : i32
        %add3A_804 = arith.addi %add3A_803, %add3A_415 : i32
        %get3A_805 = arith.index_cast %add3A_804 : i32 to index
        %get3A_806 = tpu.vector_load %arg8[%get3A_805] {strides = array<i32>} : memref<20480xf32, #tpu.memory_space<vmem>>, vector<16xf32>,
        %add3A_807 = arith.constant 0 : i32
        %add3A_808 = vector.broadcast %add3A_807 : i32 to vector<16xi32>
        %add3A_809 = arith.addi %get3A_802, %add3A_808 : vector<16xi32>
        %gather3A_810 = tpu.vector_load_idx %arg6[%add3A_809] : memref<9216xf32, #tpu.memory_space<vmem>>[vector<16xi32>], vector<16xf32>,
        %mul3A_811 = arith.mulf %get3A_806, %gather3A_810 : vector<16xf32>
        %add3A_812 = arith.addf %add3A_756, %mul3A_811 : vector<16xf32>
        %add3A_813 = arith.constant 1 : i32
        %add3A_814 = vector.broadcast %add3A_813 : i32 to vector<16xi32>
        %add3A_815 = arith.addi %get3A_802, %add3A_814 : vector<16xi32>
        %gather3A_816 = tpu.vector_load_idx %arg6[%add3A_815] : memref<9216xf32, #tpu.memory_space<vmem>>[vector<16xi32>], vector<16xf32>,
        %mul3A_817 = arith.mulf %get3A_806, %gather3A_816 : vector<16xf32>
        %add3A_818 = arith.addf %add3A_762, %mul3A_817 : vector<16xf32>
        %add3A_819 = arith.constant 2 : i32
        %add3A_820 = vector.broadcast %add3A_819 : i32 to vector<16xi32>
        %add3A_821 = arith.addi %get3A_802, %add3A_820 : vector<16xi32>
        %gather3A_822 = tpu.vector_load_idx %arg6[%add3A_821] : memref<9216xf32, #tpu.memory_space<vmem>>[vector<16xi32>], vector<16xf32>,
        %mul3A_823 = arith.mulf %get3A_806, %gather3A_822 : vector<16xf32>
        %add3A_824 = arith.addf %add3A_768, %mul3A_823 : vector<16xf32>
        %add3A_825 = arith.constant 3 : i32
        %add3A_826 = vector.broadcast %add3A_825 : i32 to vector<16xi32>
        %add3A_827 = arith.addi %get3A_802, %add3A_826 : vector<16xi32>
        %gather3A_828 = tpu.vector_load_idx %arg6[%add3A_827] : memref<9216xf32, #tpu.memory_space<vmem>>[vector<16xi32>], vector<16xf32>,
        %mul3A_829 = arith.mulf %get3A_806, %gather3A_828 : vector<16xf32>
        %add3A_830 = arith.addf %add3A_774, %mul3A_829 : vector<16xf32>
        %add3A_831 = arith.constant 4 : i32
        %add3A_832 = vector.broadcast %add3A_831 : i32 to vector<16xi32>
        %add3A_833 = arith.addi %get3A_802, %add3A_832 : vector<16xi32>
        %gather3A_834 = tpu.vector_load_idx %arg6[%add3A_833] : memref<9216xf32, #tpu.memory_space<vmem>>[vector<16xi32>], vector<16xf32>,
        %mul3A_835 = arith.mulf %get3A_806, %gather3A_834 : vector<16xf32>
        %add3A_836 = arith.addf %add3A_780, %mul3A_835 : vector<16xf32>
        %add3A_837 = arith.constant 5 : i32
        %add3A_838 = vector.broadcast %add3A_837 : i32 to vector<16xi32>
        %add3A_839 = arith.addi %get3A_802, %add3A_838 : vector<16xi32>
        %gather3A_840 = tpu.vector_load_idx %arg6[%add3A_839] : memref<9216xf32, #tpu.memory_space<vmem>>[vector<16xi32>], vector<16xf32>,
        %mul3A_841 = arith.mulf %get3A_806, %gather3A_840 : vector<16xf32>
        %add3A_842 = arith.addf %add3A_786, %mul3A_841 : vector<16xf32>
        %add3A_843 = arith.constant 6 : i32
        %add3A_844 = vector.broadcast %add3A_843 : i32 to vector<16xi32>
        %add3A_845 = arith.addi %get3A_802, %add3A_844 : vector<16xi32>
        %gather3A_846 = tpu.vector_load_idx %arg6[%add3A_845] : memref<9216xf32, #tpu.memory_space<vmem>>[vector<16xi32>], vector<16xf32>,
        %mul3A_847 = arith.mulf %get3A_806, %gather3A_846 : vector<16xf32>
        %add3A_848 = arith.addf %add3A_792, %mul3A_847 : vector<16xf32>
        %add3A_849 = arith.constant 7 : i32
        %add3A_850 = vector.broadcast %add3A_849 : i32 to vector<16xi32>
        %add3A_851 = arith.addi %get3A_802, %add3A_850 : vector<16xi32>
        %gather3A_852 = tpu.vector_load_idx %arg6[%add3A_851] : memref<9216xf32, #tpu.memory_space<vmem>>[vector<16xi32>], vector<16xf32>,
        %mul3A_853 = arith.mulf %get3A_806, %gather3A_852 : vector<16xf32>
        %add3A_854 = arith.addf %add3A_798, %mul3A_853 : vector<16xf32>
        %add3A_855 = arith.constant 17408 : i32
        %add3A_856 = arith.addi %add3A_855, %add3A_415 : i32
        %get3A_857 = arith.index_cast %add3A_856 : i32 to index
        %get3A_858 = tpu.vector_load %arg7[%get3A_857] {strides = array<i32>} : memref<18432xi32, #tpu.memory_space<vmem>>, vector<16xi32>,
        %add3A_859 = arith.constant 18432 : i32
        %add3A_860 = arith.addi %add3A_859, %add3A_415 : i32
        %get3A_861 = arith.index_cast %add3A_860 : i32 to index
        %get3A_862 = tpu.vector_load %arg8[%get3A_861] {strides = array<i32>} : memref<20480xf32, #tpu.memory_space<vmem>>, vector<16xf32>,
        %add3A_863 = arith.constant 0 : i32
        %add3A_864 = vector.broadcast %add3A_863 : i32 to vector<16xi32>
        %add3A_865 = arith.addi %get3A_858, %add3A_864 : vector<16xi32>
        %gather3A_866 = tpu.vector_load_idx %arg6[%add3A_865] : memref<9216xf32, #tpu.memory_space<vmem>>[vector<16xi32>], vector<16xf32>,
        %mul3A_867 = arith.mulf %get3A_862, %gather3A_866 : vector<16xf32>
        %add3A_868 = arith.addf %add3A_812, %mul3A_867 : vector<16xf32>
        %add3A_869 = arith.constant 1 : i32
        %add3A_870 = vector.broadcast %add3A_869 : i32 to vector<16xi32>
        %add3A_871 = arith.addi %get3A_858, %add3A_870 : vector<16xi32>
        %gather3A_872 = tpu.vector_load_idx %arg6[%add3A_871] : memref<9216xf32, #tpu.memory_space<vmem>>[vector<16xi32>], vector<16xf32>,
        %mul3A_873 = arith.mulf %get3A_862, %gather3A_872 : vector<16xf32>
        %add3A_874 = arith.addf %add3A_818, %mul3A_873 : vector<16xf32>
        %add3A_875 = arith.constant 2 : i32
        %add3A_876 = vector.broadcast %add3A_875 : i32 to vector<16xi32>
        %add3A_877 = arith.addi %get3A_858, %add3A_876 : vector<16xi32>
        %gather3A_878 = tpu.vector_load_idx %arg6[%add3A_877] : memref<9216xf32, #tpu.memory_space<vmem>>[vector<16xi32>], vector<16xf32>,
        %mul3A_879 = arith.mulf %get3A_862, %gather3A_878 : vector<16xf32>
        %add3A_880 = arith.addf %add3A_824, %mul3A_879 : vector<16xf32>
        %add3A_881 = arith.constant 3 : i32
        %add3A_882 = vector.broadcast %add3A_881 : i32 to vector<16xi32>
        %add3A_883 = arith.addi %get3A_858, %add3A_882 : vector<16xi32>
        %gather3A_884 = tpu.vector_load_idx %arg6[%add3A_883] : memref<9216xf32, #tpu.memory_space<vmem>>[vector<16xi32>], vector<16xf32>,
        %mul3A_885 = arith.mulf %get3A_862, %gather3A_884 : vector<16xf32>
        %add3A_886 = arith.addf %add3A_830, %mul3A_885 : vector<16xf32>
        %add3A_887 = arith.constant 4 : i32
        %add3A_888 = vector.broadcast %add3A_887 : i32 to vector<16xi32>
        %add3A_889 = arith.addi %get3A_858, %add3A_888 : vector<16xi32>
        %gather3A_890 = tpu.vector_load_idx %arg6[%add3A_889] : memref<9216xf32, #tpu.memory_space<vmem>>[vector<16xi32>], vector<16xf32>,
        %mul3A_891 = arith.mulf %get3A_862, %gather3A_890 : vector<16xf32>
        %add3A_892 = arith.addf %add3A_836, %mul3A_891 : vector<16xf32>
        %add3A_893 = arith.constant 5 : i32
        %add3A_894 = vector.broadcast %add3A_893 : i32 to vector<16xi32>
        %add3A_895 = arith.addi %get3A_858, %add3A_894 : vector<16xi32>
        %gather3A_896 = tpu.vector_load_idx %arg6[%add3A_895] : memref<9216xf32, #tpu.memory_space<vmem>>[vector<16xi32>], vector<16xf32>,
        %mul3A_897 = arith.mulf %get3A_862, %gather3A_896 : vector<16xf32>
        %add3A_898 = arith.addf %add3A_842, %mul3A_897 : vector<16xf32>
        %add3A_899 = arith.constant 6 : i32
        %add3A_900 = vector.broadcast %add3A_899 : i32 to vector<16xi32>
        %add3A_901 = arith.addi %get3A_858, %add3A_900 : vector<16xi32>
        %gather3A_902 = tpu.vector_load_idx %arg6[%add3A_901] : memref<9216xf32, #tpu.memory_space<vmem>>[vector<16xi32>], vector<16xf32>,
        %mul3A_903 = arith.mulf %get3A_862, %gather3A_902 : vector<16xf32>
        %add3A_904 = arith.addf %add3A_848, %mul3A_903 : vector<16xf32>
        %add3A_905 = arith.constant 7 : i32
        %add3A_906 = vector.broadcast %add3A_905 : i32 to vector<16xi32>
        %add3A_907 = arith.addi %get3A_858, %add3A_906 : vector<16xi32>
        %gather3A_908 = tpu.vector_load_idx %arg6[%add3A_907] : memref<9216xf32, #tpu.memory_space<vmem>>[vector<16xi32>], vector<16xf32>,
        %mul3A_909 = arith.mulf %get3A_862, %gather3A_908 : vector<16xf32>
        %add3A_910 = arith.addf %add3A_854, %mul3A_909 : vector<16xf32>
        %add3A_911 = arith.constant 19456 : i32
        %add3A_912 = arith.addi %add3A_911, %add3A_415 : i32
        %get3A_913 = arith.index_cast %add3A_912 : i32 to index
        %get3A_914 = tpu.vector_load %arg8[%get3A_913] {strides = array<i32>} : memref<20480xf32, #tpu.memory_space<vmem>>, vector<16xf32>,
        %mul3A_915 = arith.mulf %get3A_914, %gather3A : vector<16xf32>
        %add3A_916 = arith.addf %add3A_868, %mul3A_915 : vector<16xf32>
        %mul3A_917 = arith.mulf %get3A_914, %gather3A_6 : vector<16xf32>
        %add3A_918 = arith.addf %add3A_874, %mul3A_917 : vector<16xf32>
        %mul3A_919 = arith.mulf %get3A_914, %gather3A_9 : vector<16xf32>
        %add3A_920 = arith.addf %add3A_880, %mul3A_919 : vector<16xf32>
        %mul3A_921 = arith.mulf %get3A_914, %gather3A_12 : vector<16xf32>
        %add3A_922 = arith.addf %add3A_886, %mul3A_921 : vector<16xf32>
        %mul3A_923 = arith.mulf %get3A_914, %gather3A_15 : vector<16xf32>
        %add3A_924 = arith.addf %add3A_892, %mul3A_923 : vector<16xf32>
        %mul3A_925 = arith.mulf %get3A_914, %gather3A_18 : vector<16xf32>
        %add3A_926 = arith.addf %add3A_898, %mul3A_925 : vector<16xf32>
        %mul3A_927 = arith.mulf %get3A_914, %gather3A_21 : vector<16xf32>
        %add3A_928 = arith.addf %add3A_904, %mul3A_927 : vector<16xf32>
        %mul3A_929 = arith.mulf %get3A_914, %gather3A_24 : vector<16xf32>
        %add3A_930 = arith.addf %add3A_910, %mul3A_929 : vector<16xf32>
        %add3A_931 = arith.constant 8192 : i32
        %add3A_932 = arith.addi %add3A_931, %add3A_415 : i32
        %swap3A = arith.index_cast %add3A_932 : i32 to index
        %swap3A_933 = tpu.vector_load %arg9[%swap3A] {strides = array<i32>} : memref<16384xf32, #tpu.memory_space<vmem>>, vector<16xf32>,
        tpu.vector_store %arg9[%swap3A], %add3A_916 {strides = array<i32>} : memref<16384xf32, #tpu.memory_space<vmem>>, vector<16xf32>,
        %add3A_934 = arith.constant 9216 : i32
        %add3A_935 = arith.addi %add3A_934, %add3A_415 : i32
        %swap3A_936 = arith.index_cast %add3A_935 : i32 to index
        %swap3A_937 = tpu.vector_load %arg9[%swap3A_936] {strides = array<i32>} : memref<16384xf32, #tpu.memory_space<vmem>>, vector<16xf32>,
        tpu.vector_store %arg9[%swap3A_936], %add3A_918 {strides = array<i32>} : memref<16384xf32, #tpu.memory_space<vmem>>, vector<16xf32>,
        %add3A_938 = arith.constant 10240 : i32
        %add3A_939 = arith.addi %add3A_938, %add3A_415 : i32
        %swap3A_940 = arith.index_cast %add3A_939 : i32 to index
        %swap3A_941 = tpu.vector_load %arg9[%swap3A_940] {strides = array<i32>} : memref<16384xf32, #tpu.memory_space<vmem>>, vector<16xf32>,
        tpu.vector_store %arg9[%swap3A_940], %add3A_920 {strides = array<i32>} : memref<16384xf32, #tpu.memory_space<vmem>>, vector<16xf32>,
        %add3A_942 = arith.constant 11264 : i32
        %add3A_943 = arith.addi %add3A_942, %add3A_415 : i32
        %swap3A_944 = arith.index_cast %add3A_943 : i32 to index
        %swap3A_945 = tpu.vector_load %arg9[%swap3A_944] {strides = array<i32>} : memref<16384xf32, #tpu.memory_space<vmem>>, vector<16xf32>,
        tpu.vector_store %arg9[%swap3A_944], %add3A_922 {strides = array<i32>} : memref<16384xf32, #tpu.memory_space<vmem>>, vector<16xf32>,
        %add3A_946 = arith.constant 12288 : i32
        %add3A_947 = arith.addi %add3A_946, %add3A_415 : i32
        %swap3A_948 = arith.index_cast %add3A_947 : i32 to index
        %swap3A_949 = tpu.vector_load %arg9[%swap3A_948] {strides = array<i32>} : memref<16384xf32, #tpu.memory_space<vmem>>, vector<16xf32>,
        tpu.vector_store %arg9[%swap3A_948], %add3A_924 {strides = array<i32>} : memref<16384xf32, #tpu.memory_space<vmem>>, vector<16xf32>,
        %add3A_950 = arith.constant 13312 : i32
        %add3A_951 = arith.addi %add3A_950, %add3A_415 : i32
        %swap3A_952 = arith.index_cast %add3A_951 : i32 to index
        %swap3A_953 = tpu.vector_load %arg9[%swap3A_952] {strides = array<i32>} : memref<16384xf32, #tpu.memory_space<vmem>>, vector<16xf32>,
        tpu.vector_store %arg9[%swap3A_952], %add3A_926 {strides = array<i32>} : memref<16384xf32, #tpu.memory_space<vmem>>, vector<16xf32>,
        %add3A_954 = arith.constant 14336 : i32
        %add3A_955 = arith.addi %add3A_954, %add3A_415 : i32
        %swap3A_956 = arith.index_cast %add3A_955 : i32 to index
        %swap3A_957 = tpu.vector_load %arg9[%swap3A_956] {strides = array<i32>} : memref<16384xf32, #tpu.memory_space<vmem>>, vector<16xf32>,
        tpu.vector_store %arg9[%swap3A_956], %add3A_928 {strides = array<i32>} : memref<16384xf32, #tpu.memory_space<vmem>>, vector<16xf32>,
        %add3A_958 = arith.constant 15360 : i32
        %add3A_959 = arith.addi %add3A_958, %add3A_415 : i32
        %swap3A_960 = arith.index_cast %add3A_959 : i32 to index
        %swap3A_961 = tpu.vector_load %arg9[%swap3A_960] {strides = array<i32>} : memref<16384xf32, #tpu.memory_space<vmem>>, vector<16xf32>,
        tpu.vector_store %arg9[%swap3A_960], %add3A_930 {strides = array<i32>} : memref<16384xf32, #tpu.memory_space<vmem>>, vector<16xf32>,
        %mul3A_962 = arith.constant 32 : i32
        %mul3A_963 = arith.muli %scan3A_411, %mul3A_962 : i32
        %add3A_964 = arith.constant 16 : i32
        %add3A_965 = arith.addi %mul3A_963, %add3A_964 : i32
        %add3A_966 = arith.constant 9216 : i32
        %add3A_967 = arith.addi %add3A_966, %add3A_965 : i32
        %get3A_968 = arith.index_cast %add3A_967 : i32 to index
        %get3A_969 = tpu.vector_load %arg7[%get3A_968] {strides = array<i32>} : memref<18432xi32, #tpu.memory_space<vmem>>, vector<16xi32>,
        %add3A_970 = arith.constant 10240 : i32
        %add3A_971 = arith.addi %add3A_970, %add3A_965 : i32
        %get3A_972 = arith.index_cast %add3A_971 : i32 to index
        %get3A_973 = tpu.vector_load %arg8[%get3A_972] {strides = array<i32>} : memref<20480xf32, #tpu.memory_space<vmem>>, vector<16xf32>,
        %add3A_974 = arith.constant 0 : i32
        %add3A_975 = vector.broadcast %add3A_974 : i32 to vector<16xi32>
        %add3A_976 = arith.addi %get3A_969, %add3A_975 : vector<16xi32>
        %gather3A_977 = tpu.vector_load_idx %arg6[%add3A_976] : memref<9216xf32, #tpu.memory_space<vmem>>[vector<16xi32>], vector<16xf32>,
        %mul3A_978 = arith.mulf %get3A_973, %gather3A_977 : vector<16xf32>
        %add3A_979 = arith.constant 1 : i32
        %add3A_980 = vector.broadcast %add3A_979 : i32 to vector<16xi32>
        %add3A_981 = arith.addi %get3A_969, %add3A_980 : vector<16xi32>
        %gather3A_982 = tpu.vector_load_idx %arg6[%add3A_981] : memref<9216xf32, #tpu.memory_space<vmem>>[vector<16xi32>], vector<16xf32>,
        %mul3A_983 = arith.mulf %get3A_973, %gather3A_982 : vector<16xf32>
        %add3A_984 = arith.constant 2 : i32
        %add3A_985 = vector.broadcast %add3A_984 : i32 to vector<16xi32>
        %add3A_986 = arith.addi %get3A_969, %add3A_985 : vector<16xi32>
        %gather3A_987 = tpu.vector_load_idx %arg6[%add3A_986] : memref<9216xf32, #tpu.memory_space<vmem>>[vector<16xi32>], vector<16xf32>,
        %mul3A_988 = arith.mulf %get3A_973, %gather3A_987 : vector<16xf32>
        %add3A_989 = arith.constant 3 : i32
        %add3A_990 = vector.broadcast %add3A_989 : i32 to vector<16xi32>
        %add3A_991 = arith.addi %get3A_969, %add3A_990 : vector<16xi32>
        %gather3A_992 = tpu.vector_load_idx %arg6[%add3A_991] : memref<9216xf32, #tpu.memory_space<vmem>>[vector<16xi32>], vector<16xf32>,
        %mul3A_993 = arith.mulf %get3A_973, %gather3A_992 : vector<16xf32>
        %add3A_994 = arith.constant 4 : i32
        %add3A_995 = vector.broadcast %add3A_994 : i32 to vector<16xi32>
        %add3A_996 = arith.addi %get3A_969, %add3A_995 : vector<16xi32>
        %gather3A_997 = tpu.vector_load_idx %arg6[%add3A_996] : memref<9216xf32, #tpu.memory_space<vmem>>[vector<16xi32>], vector<16xf32>,
        %mul3A_998 = arith.mulf %get3A_973, %gather3A_997 : vector<16xf32>
        %add3A_999 = arith.constant 5 : i32
        %add3A_1000 = vector.broadcast %add3A_999 : i32 to vector<16xi32>
        %add3A_1001 = arith.addi %get3A_969, %add3A_1000 : vector<16xi32>
        %gather3A_1002 = tpu.vector_load_idx %arg6[%add3A_1001] : memref<9216xf32, #tpu.memory_space<vmem>>[vector<16xi32>], vector<16xf32>,
        %mul3A_1003 = arith.mulf %get3A_973, %gather3A_1002 : vector<16xf32>
        %add3A_1004 = arith.constant 6 : i32
        %add3A_1005 = vector.broadcast %add3A_1004 : i32 to vector<16xi32>
        %add3A_1006 = arith.addi %get3A_969, %add3A_1005 : vector<16xi32>
        %gather3A_1007 = tpu.vector_load_idx %arg6[%add3A_1006] : memref<9216xf32, #tpu.memory_space<vmem>>[vector<16xi32>], vector<16xf32>,
        %mul3A_1008 = arith.mulf %get3A_973, %gather3A_1007 : vector<16xf32>
        %add3A_1009 = arith.constant 7 : i32
        %add3A_1010 = vector.broadcast %add3A_1009 : i32 to vector<16xi32>
        %add3A_1011 = arith.addi %get3A_969, %add3A_1010 : vector<16xi32>
        %gather3A_1012 = tpu.vector_load_idx %arg6[%add3A_1011] : memref<9216xf32, #tpu.memory_space<vmem>>[vector<16xi32>], vector<16xf32>,
        %mul3A_1013 = arith.mulf %get3A_973, %gather3A_1012 : vector<16xf32>
        %add3A_1014 = arith.constant 10240 : i32
        %add3A_1015 = arith.addi %add3A_1014, %add3A_965 : i32
        %get3A_1016 = arith.index_cast %add3A_1015 : i32 to index
        %get3A_1017 = tpu.vector_load %arg7[%get3A_1016] {strides = array<i32>} : memref<18432xi32, #tpu.memory_space<vmem>>, vector<16xi32>,
        %add3A_1018 = arith.constant 11264 : i32
        %add3A_1019 = arith.addi %add3A_1018, %add3A_965 : i32
        %get3A_1020 = arith.index_cast %add3A_1019 : i32 to index
        %get3A_1021 = tpu.vector_load %arg8[%get3A_1020] {strides = array<i32>} : memref<20480xf32, #tpu.memory_space<vmem>>, vector<16xf32>,
        %add3A_1022 = arith.constant 0 : i32
        %add3A_1023 = vector.broadcast %add3A_1022 : i32 to vector<16xi32>
        %add3A_1024 = arith.addi %get3A_1017, %add3A_1023 : vector<16xi32>
        %gather3A_1025 = tpu.vector_load_idx %arg6[%add3A_1024] : memref<9216xf32, #tpu.memory_space<vmem>>[vector<16xi32>], vector<16xf32>,
        %mul3A_1026 = arith.mulf %get3A_1021, %gather3A_1025 : vector<16xf32>
        %add3A_1027 = arith.addf %mul3A_978, %mul3A_1026 : vector<16xf32>
        %add3A_1028 = arith.constant 1 : i32
        %add3A_1029 = vector.broadcast %add3A_1028 : i32 to vector<16xi32>
        %add3A_1030 = arith.addi %get3A_1017, %add3A_1029 : vector<16xi32>
        %gather3A_1031 = tpu.vector_load_idx %arg6[%add3A_1030] : memref<9216xf32, #tpu.memory_space<vmem>>[vector<16xi32>], vector<16xf32>,
        %mul3A_1032 = arith.mulf %get3A_1021, %gather3A_1031 : vector<16xf32>
        %add3A_1033 = arith.addf %mul3A_983, %mul3A_1032 : vector<16xf32>
        %add3A_1034 = arith.constant 2 : i32
        %add3A_1035 = vector.broadcast %add3A_1034 : i32 to vector<16xi32>
        %add3A_1036 = arith.addi %get3A_1017, %add3A_1035 : vector<16xi32>
        %gather3A_1037 = tpu.vector_load_idx %arg6[%add3A_1036] : memref<9216xf32, #tpu.memory_space<vmem>>[vector<16xi32>], vector<16xf32>,
        %mul3A_1038 = arith.mulf %get3A_1021, %gather3A_1037 : vector<16xf32>
        %add3A_1039 = arith.addf %mul3A_988, %mul3A_1038 : vector<16xf32>
        %add3A_1040 = arith.constant 3 : i32
        %add3A_1041 = vector.broadcast %add3A_1040 : i32 to vector<16xi32>
        %add3A_1042 = arith.addi %get3A_1017, %add3A_1041 : vector<16xi32>
        %gather3A_1043 = tpu.vector_load_idx %arg6[%add3A_1042] : memref<9216xf32, #tpu.memory_space<vmem>>[vector<16xi32>], vector<16xf32>,
        %mul3A_1044 = arith.mulf %get3A_1021, %gather3A_1043 : vector<16xf32>
        %add3A_1045 = arith.addf %mul3A_993, %mul3A_1044 : vector<16xf32>
        %add3A_1046 = arith.constant 4 : i32
        %add3A_1047 = vector.broadcast %add3A_1046 : i32 to vector<16xi32>
        %add3A_1048 = arith.addi %get3A_1017, %add3A_1047 : vector<16xi32>
        %gather3A_1049 = tpu.vector_load_idx %arg6[%add3A_1048] : memref<9216xf32, #tpu.memory_space<vmem>>[vector<16xi32>], vector<16xf32>,
        %mul3A_1050 = arith.mulf %get3A_1021, %gather3A_1049 : vector<16xf32>
        %add3A_1051 = arith.addf %mul3A_998, %mul3A_1050 : vector<16xf32>
        %add3A_1052 = arith.constant 5 : i32
        %add3A_1053 = vector.broadcast %add3A_1052 : i32 to vector<16xi32>
        %add3A_1054 = arith.addi %get3A_1017, %add3A_1053 : vector<16xi32>
        %gather3A_1055 = tpu.vector_load_idx %arg6[%add3A_1054] : memref<9216xf32, #tpu.memory_space<vmem>>[vector<16xi32>], vector<16xf32>,
        %mul3A_1056 = arith.mulf %get3A_1021, %gather3A_1055 : vector<16xf32>
        %add3A_1057 = arith.addf %mul3A_1003, %mul3A_1056 : vector<16xf32>
        %add3A_1058 = arith.constant 6 : i32
        %add3A_1059 = vector.broadcast %add3A_1058 : i32 to vector<16xi32>
        %add3A_1060 = arith.addi %get3A_1017, %add3A_1059 : vector<16xi32>
        %gather3A_1061 = tpu.vector_load_idx %arg6[%add3A_1060] : memref<9216xf32, #tpu.memory_space<vmem>>[vector<16xi32>], vector<16xf32>,
        %mul3A_1062 = arith.mulf %get3A_1021, %gather3A_1061 : vector<16xf32>
        %add3A_1063 = arith.addf %mul3A_1008, %mul3A_1062 : vector<16xf32>
        %add3A_1064 = arith.constant 7 : i32
        %add3A_1065 = vector.broadcast %add3A_1064 : i32 to vector<16xi32>
        %add3A_1066 = arith.addi %get3A_1017, %add3A_1065 : vector<16xi32>
        %gather3A_1067 = tpu.vector_load_idx %arg6[%add3A_1066] : memref<9216xf32, #tpu.memory_space<vmem>>[vector<16xi32>], vector<16xf32>,
        %mul3A_1068 = arith.mulf %get3A_1021, %gather3A_1067 : vector<16xf32>
        %add3A_1069 = arith.addf %mul3A_1013, %mul3A_1068 : vector<16xf32>
        %add3A_1070 = arith.constant 11264 : i32
        %add3A_1071 = arith.addi %add3A_1070, %add3A_965 : i32
        %get3A_1072 = arith.index_cast %add3A_1071 : i32 to index
        %get3A_1073 = tpu.vector_load %arg7[%get3A_1072] {strides = array<i32>} : memref<18432xi32, #tpu.memory_space<vmem>>, vector<16xi32>,
        %add3A_1074 = arith.constant 12288 : i32
        %add3A_1075 = arith.addi %add3A_1074, %add3A_965 : i32
        %get3A_1076 = arith.index_cast %add3A_1075 : i32 to index
        %get3A_1077 = tpu.vector_load %arg8[%get3A_1076] {strides = array<i32>} : memref<20480xf32, #tpu.memory_space<vmem>>, vector<16xf32>,
        %add3A_1078 = arith.constant 0 : i32
        %add3A_1079 = vector.broadcast %add3A_1078 : i32 to vector<16xi32>
        %add3A_1080 = arith.addi %get3A_1073, %add3A_1079 : vector<16xi32>
        %gather3A_1081 = tpu.vector_load_idx %arg6[%add3A_1080] : memref<9216xf32, #tpu.memory_space<vmem>>[vector<16xi32>], vector<16xf32>,
        %mul3A_1082 = arith.mulf %get3A_1077, %gather3A_1081 : vector<16xf32>
        %add3A_1083 = arith.addf %add3A_1027, %mul3A_1082 : vector<16xf32>
        %add3A_1084 = arith.constant 1 : i32
        %add3A_1085 = vector.broadcast %add3A_1084 : i32 to vector<16xi32>
        %add3A_1086 = arith.addi %get3A_1073, %add3A_1085 : vector<16xi32>
        %gather3A_1087 = tpu.vector_load_idx %arg6[%add3A_1086] : memref<9216xf32, #tpu.memory_space<vmem>>[vector<16xi32>], vector<16xf32>,
        %mul3A_1088 = arith.mulf %get3A_1077, %gather3A_1087 : vector<16xf32>
        %add3A_1089 = arith.addf %add3A_1033, %mul3A_1088 : vector<16xf32>
        %add3A_1090 = arith.constant 2 : i32
        %add3A_1091 = vector.broadcast %add3A_1090 : i32 to vector<16xi32>
        %add3A_1092 = arith.addi %get3A_1073, %add3A_1091 : vector<16xi32>
        %gather3A_1093 = tpu.vector_load_idx %arg6[%add3A_1092] : memref<9216xf32, #tpu.memory_space<vmem>>[vector<16xi32>], vector<16xf32>,
        %mul3A_1094 = arith.mulf %get3A_1077, %gather3A_1093 : vector<16xf32>
        %add3A_1095 = arith.addf %add3A_1039, %mul3A_1094 : vector<16xf32>
        %add3A_1096 = arith.constant 3 : i32
        %add3A_1097 = vector.broadcast %add3A_1096 : i32 to vector<16xi32>
        %add3A_1098 = arith.addi %get3A_1073, %add3A_1097 : vector<16xi32>
        %gather3A_1099 = tpu.vector_load_idx %arg6[%add3A_1098] : memref<9216xf32, #tpu.memory_space<vmem>>[vector<16xi32>], vector<16xf32>,
        %mul3A_1100 = arith.mulf %get3A_1077, %gather3A_1099 : vector<16xf32>
        %add3A_1101 = arith.addf %add3A_1045, %mul3A_1100 : vector<16xf32>
        %add3A_1102 = arith.constant 4 : i32
        %add3A_1103 = vector.broadcast %add3A_1102 : i32 to vector<16xi32>
        %add3A_1104 = arith.addi %get3A_1073, %add3A_1103 : vector<16xi32>
        %gather3A_1105 = tpu.vector_load_idx %arg6[%add3A_1104] : memref<9216xf32, #tpu.memory_space<vmem>>[vector<16xi32>], vector<16xf32>,
        %mul3A_1106 = arith.mulf %get3A_1077, %gather3A_1105 : vector<16xf32>
        %add3A_1107 = arith.addf %add3A_1051, %mul3A_1106 : vector<16xf32>
        %add3A_1108 = arith.constant 5 : i32
        %add3A_1109 = vector.broadcast %add3A_1108 : i32 to vector<16xi32>
        %add3A_1110 = arith.addi %get3A_1073, %add3A_1109 : vector<16xi32>
        %gather3A_1111 = tpu.vector_load_idx %arg6[%add3A_1110] : memref<9216xf32, #tpu.memory_space<vmem>>[vector<16xi32>], vector<16xf32>,
        %mul3A_1112 = arith.mulf %get3A_1077, %gather3A_1111 : vector<16xf32>
        %add3A_1113 = arith.addf %add3A_1057, %mul3A_1112 : vector<16xf32>
        %add3A_1114 = arith.constant 6 : i32
        %add3A_1115 = vector.broadcast %add3A_1114 : i32 to vector<16xi32>
        %add3A_1116 = arith.addi %get3A_1073, %add3A_1115 : vector<16xi32>
        %gather3A_1117 = tpu.vector_load_idx %arg6[%add3A_1116] : memref<9216xf32, #tpu.memory_space<vmem>>[vector<16xi32>], vector<16xf32>,
        %mul3A_1118 = arith.mulf %get3A_1077, %gather3A_1117 : vector<16xf32>
        %add3A_1119 = arith.addf %add3A_1063, %mul3A_1118 : vector<16xf32>
        %add3A_1120 = arith.constant 7 : i32
        %add3A_1121 = vector.broadcast %add3A_1120 : i32 to vector<16xi32>
        %add3A_1122 = arith.addi %get3A_1073, %add3A_1121 : vector<16xi32>
        %gather3A_1123 = tpu.vector_load_idx %arg6[%add3A_1122] : memref<9216xf32, #tpu.memory_space<vmem>>[vector<16xi32>], vector<16xf32>,
        %mul3A_1124 = arith.mulf %get3A_1077, %gather3A_1123 : vector<16xf32>
        %add3A_1125 = arith.addf %add3A_1069, %mul3A_1124 : vector<16xf32>
        %add3A_1126 = arith.constant 12288 : i32
        %add3A_1127 = arith.addi %add3A_1126, %add3A_965 : i32
        %get3A_1128 = arith.index_cast %add3A_1127 : i32 to index
        %get3A_1129 = tpu.vector_load %arg7[%get3A_1128] {strides = array<i32>} : memref<18432xi32, #tpu.memory_space<vmem>>, vector<16xi32>,
        %add3A_1130 = arith.constant 13312 : i32
        %add3A_1131 = arith.addi %add3A_1130, %add3A_965 : i32
        %get3A_1132 = arith.index_cast %add3A_1131 : i32 to index
        %get3A_1133 = tpu.vector_load %arg8[%get3A_1132] {strides = array<i32>} : memref<20480xf32, #tpu.memory_space<vmem>>, vector<16xf32>,
        %add3A_1134 = arith.constant 0 : i32
        %add3A_1135 = vector.broadcast %add3A_1134 : i32 to vector<16xi32>
        %add3A_1136 = arith.addi %get3A_1129, %add3A_1135 : vector<16xi32>
        %gather3A_1137 = tpu.vector_load_idx %arg6[%add3A_1136] : memref<9216xf32, #tpu.memory_space<vmem>>[vector<16xi32>], vector<16xf32>,
        %mul3A_1138 = arith.mulf %get3A_1133, %gather3A_1137 : vector<16xf32>
        %add3A_1139 = arith.addf %add3A_1083, %mul3A_1138 : vector<16xf32>
        %add3A_1140 = arith.constant 1 : i32
        %add3A_1141 = vector.broadcast %add3A_1140 : i32 to vector<16xi32>
        %add3A_1142 = arith.addi %get3A_1129, %add3A_1141 : vector<16xi32>
        %gather3A_1143 = tpu.vector_load_idx %arg6[%add3A_1142] : memref<9216xf32, #tpu.memory_space<vmem>>[vector<16xi32>], vector<16xf32>,
        %mul3A_1144 = arith.mulf %get3A_1133, %gather3A_1143 : vector<16xf32>
        %add3A_1145 = arith.addf %add3A_1089, %mul3A_1144 : vector<16xf32>
        %add3A_1146 = arith.constant 2 : i32
        %add3A_1147 = vector.broadcast %add3A_1146 : i32 to vector<16xi32>
        %add3A_1148 = arith.addi %get3A_1129, %add3A_1147 : vector<16xi32>
        %gather3A_1149 = tpu.vector_load_idx %arg6[%add3A_1148] : memref<9216xf32, #tpu.memory_space<vmem>>[vector<16xi32>], vector<16xf32>,
        %mul3A_1150 = arith.mulf %get3A_1133, %gather3A_1149 : vector<16xf32>
        %add3A_1151 = arith.addf %add3A_1095, %mul3A_1150 : vector<16xf32>
        %add3A_1152 = arith.constant 3 : i32
        %add3A_1153 = vector.broadcast %add3A_1152 : i32 to vector<16xi32>
        %add3A_1154 = arith.addi %get3A_1129, %add3A_1153 : vector<16xi32>
        %gather3A_1155 = tpu.vector_load_idx %arg6[%add3A_1154] : memref<9216xf32, #tpu.memory_space<vmem>>[vector<16xi32>], vector<16xf32>,
        %mul3A_1156 = arith.mulf %get3A_1133, %gather3A_1155 : vector<16xf32>
        %add3A_1157 = arith.addf %add3A_1101, %mul3A_1156 : vector<16xf32>
        %add3A_1158 = arith.constant 4 : i32
        %add3A_1159 = vector.broadcast %add3A_1158 : i32 to vector<16xi32>
        %add3A_1160 = arith.addi %get3A_1129, %add3A_1159 : vector<16xi32>
        %gather3A_1161 = tpu.vector_load_idx %arg6[%add3A_1160] : memref<9216xf32, #tpu.memory_space<vmem>>[vector<16xi32>], vector<16xf32>,
        %mul3A_1162 = arith.mulf %get3A_1133, %gather3A_1161 : vector<16xf32>
        %add3A_1163 = arith.addf %add3A_1107, %mul3A_1162 : vector<16xf32>
        %add3A_1164 = arith.constant 5 : i32
        %add3A_1165 = vector.broadcast %add3A_1164 : i32 to vector<16xi32>
        %add3A_1166 = arith.addi %get3A_1129, %add3A_1165 : vector<16xi32>
        %gather3A_1167 = tpu.vector_load_idx %arg6[%add3A_1166] : memref<9216xf32, #tpu.memory_space<vmem>>[vector<16xi32>], vector<16xf32>,
        %mul3A_1168 = arith.mulf %get3A_1133, %gather3A_1167 : vector<16xf32>
        %add3A_1169 = arith.addf %add3A_1113, %mul3A_1168 : vector<16xf32>
        %add3A_1170 = arith.constant 6 : i32
        %add3A_1171 = vector.broadcast %add3A_1170 : i32 to vector<16xi32>
        %add3A_1172 = arith.addi %get3A_1129, %add3A_1171 : vector<16xi32>
        %gather3A_1173 = tpu.vector_load_idx %arg6[%add3A_1172] : memref<9216xf32, #tpu.memory_space<vmem>>[vector<16xi32>], vector<16xf32>,
        %mul3A_1174 = arith.mulf %get3A_1133, %gather3A_1173 : vector<16xf32>
        %add3A_1175 = arith.addf %add3A_1119, %mul3A_1174 : vector<16xf32>
        %add3A_1176 = arith.constant 7 : i32
        %add3A_1177 = vector.broadcast %add3A_1176 : i32 to vector<16xi32>
        %add3A_1178 = arith.addi %get3A_1129, %add3A_1177 : vector<16xi32>
        %gather3A_1179 = tpu.vector_load_idx %arg6[%add3A_1178] : memref<9216xf32, #tpu.memory_space<vmem>>[vector<16xi32>], vector<16xf32>,
        %mul3A_1180 = arith.mulf %get3A_1133, %gather3A_1179 : vector<16xf32>
        %add3A_1181 = arith.addf %add3A_1125, %mul3A_1180 : vector<16xf32>
        %add3A_1182 = arith.constant 13312 : i32
        %add3A_1183 = arith.addi %add3A_1182, %add3A_965 : i32
        %get3A_1184 = arith.index_cast %add3A_1183 : i32 to index
        %get3A_1185 = tpu.vector_load %arg7[%get3A_1184] {strides = array<i32>} : memref<18432xi32, #tpu.memory_space<vmem>>, vector<16xi32>,
        %add3A_1186 = arith.constant 14336 : i32
        %add3A_1187 = arith.addi %add3A_1186, %add3A_965 : i32
        %get3A_1188 = arith.index_cast %add3A_1187 : i32 to index
        %get3A_1189 = tpu.vector_load %arg8[%get3A_1188] {strides = array<i32>} : memref<20480xf32, #tpu.memory_space<vmem>>, vector<16xf32>,
        %add3A_1190 = arith.constant 0 : i32
        %add3A_1191 = vector.broadcast %add3A_1190 : i32 to vector<16xi32>
        %add3A_1192 = arith.addi %get3A_1185, %add3A_1191 : vector<16xi32>
        %gather3A_1193 = tpu.vector_load_idx %arg6[%add3A_1192] : memref<9216xf32, #tpu.memory_space<vmem>>[vector<16xi32>], vector<16xf32>,
        %mul3A_1194 = arith.mulf %get3A_1189, %gather3A_1193 : vector<16xf32>
        %add3A_1195 = arith.addf %add3A_1139, %mul3A_1194 : vector<16xf32>
        %add3A_1196 = arith.constant 1 : i32
        %add3A_1197 = vector.broadcast %add3A_1196 : i32 to vector<16xi32>
        %add3A_1198 = arith.addi %get3A_1185, %add3A_1197 : vector<16xi32>
        %gather3A_1199 = tpu.vector_load_idx %arg6[%add3A_1198] : memref<9216xf32, #tpu.memory_space<vmem>>[vector<16xi32>], vector<16xf32>,
        %mul3A_1200 = arith.mulf %get3A_1189, %gather3A_1199 : vector<16xf32>
        %add3A_1201 = arith.addf %add3A_1145, %mul3A_1200 : vector<16xf32>
        %add3A_1202 = arith.constant 2 : i32
        %add3A_1203 = vector.broadcast %add3A_1202 : i32 to vector<16xi32>
        %add3A_1204 = arith.addi %get3A_1185, %add3A_1203 : vector<16xi32>
        %gather3A_1205 = tpu.vector_load_idx %arg6[%add3A_1204] : memref<9216xf32, #tpu.memory_space<vmem>>[vector<16xi32>], vector<16xf32>,
        %mul3A_1206 = arith.mulf %get3A_1189, %gather3A_1205 : vector<16xf32>
        %add3A_1207 = arith.addf %add3A_1151, %mul3A_1206 : vector<16xf32>
        %add3A_1208 = arith.constant 3 : i32
        %add3A_1209 = vector.broadcast %add3A_1208 : i32 to vector<16xi32>
        %add3A_1210 = arith.addi %get3A_1185, %add3A_1209 : vector<16xi32>
        %gather3A_1211 = tpu.vector_load_idx %arg6[%add3A_1210] : memref<9216xf32, #tpu.memory_space<vmem>>[vector<16xi32>], vector<16xf32>,
        %mul3A_1212 = arith.mulf %get3A_1189, %gather3A_1211 : vector<16xf32>
        %add3A_1213 = arith.addf %add3A_1157, %mul3A_1212 : vector<16xf32>
        %add3A_1214 = arith.constant 4 : i32
        %add3A_1215 = vector.broadcast %add3A_1214 : i32 to vector<16xi32>
        %add3A_1216 = arith.addi %get3A_1185, %add3A_1215 : vector<16xi32>
        %gather3A_1217 = tpu.vector_load_idx %arg6[%add3A_1216] : memref<9216xf32, #tpu.memory_space<vmem>>[vector<16xi32>], vector<16xf32>,
        %mul3A_1218 = arith.mulf %get3A_1189, %gather3A_1217 : vector<16xf32>
        %add3A_1219 = arith.addf %add3A_1163, %mul3A_1218 : vector<16xf32>
        %add3A_1220 = arith.constant 5 : i32
        %add3A_1221 = vector.broadcast %add3A_1220 : i32 to vector<16xi32>
        %add3A_1222 = arith.addi %get3A_1185, %add3A_1221 : vector<16xi32>
        %gather3A_1223 = tpu.vector_load_idx %arg6[%add3A_1222] : memref<9216xf32, #tpu.memory_space<vmem>>[vector<16xi32>], vector<16xf32>,
        %mul3A_1224 = arith.mulf %get3A_1189, %gather3A_1223 : vector<16xf32>
        %add3A_1225 = arith.addf %add3A_1169, %mul3A_1224 : vector<16xf32>
        %add3A_1226 = arith.constant 6 : i32
        %add3A_1227 = vector.broadcast %add3A_1226 : i32 to vector<16xi32>
        %add3A_1228 = arith.addi %get3A_1185, %add3A_1227 : vector<16xi32>
        %gather3A_1229 = tpu.vector_load_idx %arg6[%add3A_1228] : memref<9216xf32, #tpu.memory_space<vmem>>[vector<16xi32>], vector<16xf32>,
        %mul3A_1230 = arith.mulf %get3A_1189, %gather3A_1229 : vector<16xf32>
        %add3A_1231 = arith.addf %add3A_1175, %mul3A_1230 : vector<16xf32>
        %add3A_1232 = arith.constant 7 : i32
        %add3A_1233 = vector.broadcast %add3A_1232 : i32 to vector<16xi32>
        %add3A_1234 = arith.addi %get3A_1185, %add3A_1233 : vector<16xi32>
        %gather3A_1235 = tpu.vector_load_idx %arg6[%add3A_1234] : memref<9216xf32, #tpu.memory_space<vmem>>[vector<16xi32>], vector<16xf32>,
        %mul3A_1236 = arith.mulf %get3A_1189, %gather3A_1235 : vector<16xf32>
        %add3A_1237 = arith.addf %add3A_1181, %mul3A_1236 : vector<16xf32>
        %add3A_1238 = arith.constant 14336 : i32
        %add3A_1239 = arith.addi %add3A_1238, %add3A_965 : i32
        %get3A_1240 = arith.index_cast %add3A_1239 : i32 to index
        %get3A_1241 = tpu.vector_load %arg7[%get3A_1240] {strides = array<i32>} : memref<18432xi32, #tpu.memory_space<vmem>>, vector<16xi32>,
        %add3A_1242 = arith.constant 15360 : i32
        %add3A_1243 = arith.addi %add3A_1242, %add3A_965 : i32
        %get3A_1244 = arith.index_cast %add3A_1243 : i32 to index
        %get3A_1245 = tpu.vector_load %arg8[%get3A_1244] {strides = array<i32>} : memref<20480xf32, #tpu.memory_space<vmem>>, vector<16xf32>,
        %add3A_1246 = arith.constant 0 : i32
        %add3A_1247 = vector.broadcast %add3A_1246 : i32 to vector<16xi32>
        %add3A_1248 = arith.addi %get3A_1241, %add3A_1247 : vector<16xi32>
        %gather3A_1249 = tpu.vector_load_idx %arg6[%add3A_1248] : memref<9216xf32, #tpu.memory_space<vmem>>[vector<16xi32>], vector<16xf32>,
        %mul3A_1250 = arith.mulf %get3A_1245, %gather3A_1249 : vector<16xf32>
        %add3A_1251 = arith.addf %add3A_1195, %mul3A_1250 : vector<16xf32>
        %add3A_1252 = arith.constant 1 : i32
        %add3A_1253 = vector.broadcast %add3A_1252 : i32 to vector<16xi32>
        %add3A_1254 = arith.addi %get3A_1241, %add3A_1253 : vector<16xi32>
        %gather3A_1255 = tpu.vector_load_idx %arg6[%add3A_1254] : memref<9216xf32, #tpu.memory_space<vmem>>[vector<16xi32>], vector<16xf32>,
        %mul3A_1256 = arith.mulf %get3A_1245, %gather3A_1255 : vector<16xf32>
        %add3A_1257 = arith.addf %add3A_1201, %mul3A_1256 : vector<16xf32>
        %add3A_1258 = arith.constant 2 : i32
        %add3A_1259 = vector.broadcast %add3A_1258 : i32 to vector<16xi32>
        %add3A_1260 = arith.addi %get3A_1241, %add3A_1259 : vector<16xi32>
        %gather3A_1261 = tpu.vector_load_idx %arg6[%add3A_1260] : memref<9216xf32, #tpu.memory_space<vmem>>[vector<16xi32>], vector<16xf32>,
        %mul3A_1262 = arith.mulf %get3A_1245, %gather3A_1261 : vector<16xf32>
        %add3A_1263 = arith.addf %add3A_1207, %mul3A_1262 : vector<16xf32>
        %add3A_1264 = arith.constant 3 : i32
        %add3A_1265 = vector.broadcast %add3A_1264 : i32 to vector<16xi32>
        %add3A_1266 = arith.addi %get3A_1241, %add3A_1265 : vector<16xi32>
        %gather3A_1267 = tpu.vector_load_idx %arg6[%add3A_1266] : memref<9216xf32, #tpu.memory_space<vmem>>[vector<16xi32>], vector<16xf32>,
        %mul3A_1268 = arith.mulf %get3A_1245, %gather3A_1267 : vector<16xf32>
        %add3A_1269 = arith.addf %add3A_1213, %mul3A_1268 : vector<16xf32>
        %add3A_1270 = arith.constant 4 : i32
        %add3A_1271 = vector.broadcast %add3A_1270 : i32 to vector<16xi32>
        %add3A_1272 = arith.addi %get3A_1241, %add3A_1271 : vector<16xi32>
        %gather3A_1273 = tpu.vector_load_idx %arg6[%add3A_1272] : memref<9216xf32, #tpu.memory_space<vmem>>[vector<16xi32>], vector<16xf32>,
        %mul3A_1274 = arith.mulf %get3A_1245, %gather3A_1273 : vector<16xf32>
        %add3A_1275 = arith.addf %add3A_1219, %mul3A_1274 : vector<16xf32>
        %add3A_1276 = arith.constant 5 : i32
        %add3A_1277 = vector.broadcast %add3A_1276 : i32 to vector<16xi32>
        %add3A_1278 = arith.addi %get3A_1241, %add3A_1277 : vector<16xi32>
        %gather3A_1279 = tpu.vector_load_idx %arg6[%add3A_1278] : memref<9216xf32, #tpu.memory_space<vmem>>[vector<16xi32>], vector<16xf32>,
        %mul3A_1280 = arith.mulf %get3A_1245, %gather3A_1279 : vector<16xf32>
        %add3A_1281 = arith.addf %add3A_1225, %mul3A_1280 : vector<16xf32>
        %add3A_1282 = arith.constant 6 : i32
        %add3A_1283 = vector.broadcast %add3A_1282 : i32 to vector<16xi32>
        %add3A_1284 = arith.addi %get3A_1241, %add3A_1283 : vector<16xi32>
        %gather3A_1285 = tpu.vector_load_idx %arg6[%add3A_1284] : memref<9216xf32, #tpu.memory_space<vmem>>[vector<16xi32>], vector<16xf32>,
        %mul3A_1286 = arith.mulf %get3A_1245, %gather3A_1285 : vector<16xf32>
        %add3A_1287 = arith.addf %add3A_1231, %mul3A_1286 : vector<16xf32>
        %add3A_1288 = arith.constant 7 : i32
        %add3A_1289 = vector.broadcast %add3A_1288 : i32 to vector<16xi32>
        %add3A_1290 = arith.addi %get3A_1241, %add3A_1289 : vector<16xi32>
        %gather3A_1291 = tpu.vector_load_idx %arg6[%add3A_1290] : memref<9216xf32, #tpu.memory_space<vmem>>[vector<16xi32>], vector<16xf32>,
        %mul3A_1292 = arith.mulf %get3A_1245, %gather3A_1291 : vector<16xf32>
        %add3A_1293 = arith.addf %add3A_1237, %mul3A_1292 : vector<16xf32>
        %add3A_1294 = arith.constant 15360 : i32
        %add3A_1295 = arith.addi %add3A_1294, %add3A_965 : i32
        %get3A_1296 = arith.index_cast %add3A_1295 : i32 to index
        %get3A_1297 = tpu.vector_load %arg7[%get3A_1296] {strides = array<i32>} : memref<18432xi32, #tpu.memory_space<vmem>>, vector<16xi32>,
        %add3A_1298 = arith.constant 16384 : i32
        %add3A_1299 = arith.addi %add3A_1298, %add3A_965 : i32
        %get3A_1300 = arith.index_cast %add3A_1299 : i32 to index
        %get3A_1301 = tpu.vector_load %arg8[%get3A_1300] {strides = array<i32>} : memref<20480xf32, #tpu.memory_space<vmem>>, vector<16xf32>,
        %add3A_1302 = arith.constant 0 : i32
        %add3A_1303 = vector.broadcast %add3A_1302 : i32 to vector<16xi32>
        %add3A_1304 = arith.addi %get3A_1297, %add3A_1303 : vector<16xi32>
        %gather3A_1305 = tpu.vector_load_idx %arg6[%add3A_1304] : memref<9216xf32, #tpu.memory_space<vmem>>[vector<16xi32>], vector<16xf32>,
        %mul3A_1306 = arith.mulf %get3A_1301, %gather3A_1305 : vector<16xf32>
        %add3A_1307 = arith.addf %add3A_1251, %mul3A_1306 : vector<16xf32>
        %add3A_1308 = arith.constant 1 : i32
        %add3A_1309 = vector.broadcast %add3A_1308 : i32 to vector<16xi32>
        %add3A_1310 = arith.addi %get3A_1297, %add3A_1309 : vector<16xi32>
        %gather3A_1311 = tpu.vector_load_idx %arg6[%add3A_1310] : memref<9216xf32, #tpu.memory_space<vmem>>[vector<16xi32>], vector<16xf32>,
        %mul3A_1312 = arith.mulf %get3A_1301, %gather3A_1311 : vector<16xf32>
        %add3A_1313 = arith.addf %add3A_1257, %mul3A_1312 : vector<16xf32>
        %add3A_1314 = arith.constant 2 : i32
        %add3A_1315 = vector.broadcast %add3A_1314 : i32 to vector<16xi32>
        %add3A_1316 = arith.addi %get3A_1297, %add3A_1315 : vector<16xi32>
        %gather3A_1317 = tpu.vector_load_idx %arg6[%add3A_1316] : memref<9216xf32, #tpu.memory_space<vmem>>[vector<16xi32>], vector<16xf32>,
        %mul3A_1318 = arith.mulf %get3A_1301, %gather3A_1317 : vector<16xf32>
        %add3A_1319 = arith.addf %add3A_1263, %mul3A_1318 : vector<16xf32>
        %add3A_1320 = arith.constant 3 : i32
        %add3A_1321 = vector.broadcast %add3A_1320 : i32 to vector<16xi32>
        %add3A_1322 = arith.addi %get3A_1297, %add3A_1321 : vector<16xi32>
        %gather3A_1323 = tpu.vector_load_idx %arg6[%add3A_1322] : memref<9216xf32, #tpu.memory_space<vmem>>[vector<16xi32>], vector<16xf32>,
        %mul3A_1324 = arith.mulf %get3A_1301, %gather3A_1323 : vector<16xf32>
        %add3A_1325 = arith.addf %add3A_1269, %mul3A_1324 : vector<16xf32>
        %add3A_1326 = arith.constant 4 : i32
        %add3A_1327 = vector.broadcast %add3A_1326 : i32 to vector<16xi32>
        %add3A_1328 = arith.addi %get3A_1297, %add3A_1327 : vector<16xi32>
        %gather3A_1329 = tpu.vector_load_idx %arg6[%add3A_1328] : memref<9216xf32, #tpu.memory_space<vmem>>[vector<16xi32>], vector<16xf32>,
        %mul3A_1330 = arith.mulf %get3A_1301, %gather3A_1329 : vector<16xf32>
        %add3A_1331 = arith.addf %add3A_1275, %mul3A_1330 : vector<16xf32>
        %add3A_1332 = arith.constant 5 : i32
        %add3A_1333 = vector.broadcast %add3A_1332 : i32 to vector<16xi32>
        %add3A_1334 = arith.addi %get3A_1297, %add3A_1333 : vector<16xi32>
        %gather3A_1335 = tpu.vector_load_idx %arg6[%add3A_1334] : memref<9216xf32, #tpu.memory_space<vmem>>[vector<16xi32>], vector<16xf32>,
        %mul3A_1336 = arith.mulf %get3A_1301, %gather3A_1335 : vector<16xf32>
        %add3A_1337 = arith.addf %add3A_1281, %mul3A_1336 : vector<16xf32>
        %add3A_1338 = arith.constant 6 : i32
        %add3A_1339 = vector.broadcast %add3A_1338 : i32 to vector<16xi32>
        %add3A_1340 = arith.addi %get3A_1297, %add3A_1339 : vector<16xi32>
        %gather3A_1341 = tpu.vector_load_idx %arg6[%add3A_1340] : memref<9216xf32, #tpu.memory_space<vmem>>[vector<16xi32>], vector<16xf32>,
        %mul3A_1342 = arith.mulf %get3A_1301, %gather3A_1341 : vector<16xf32>
        %add3A_1343 = arith.addf %add3A_1287, %mul3A_1342 : vector<16xf32>
        %add3A_1344 = arith.constant 7 : i32
        %add3A_1345 = vector.broadcast %add3A_1344 : i32 to vector<16xi32>
        %add3A_1346 = arith.addi %get3A_1297, %add3A_1345 : vector<16xi32>
        %gather3A_1347 = tpu.vector_load_idx %arg6[%add3A_1346] : memref<9216xf32, #tpu.memory_space<vmem>>[vector<16xi32>], vector<16xf32>,
        %mul3A_1348 = arith.mulf %get3A_1301, %gather3A_1347 : vector<16xf32>
        %add3A_1349 = arith.addf %add3A_1293, %mul3A_1348 : vector<16xf32>
        %add3A_1350 = arith.constant 16384 : i32
        %add3A_1351 = arith.addi %add3A_1350, %add3A_965 : i32
        %get3A_1352 = arith.index_cast %add3A_1351 : i32 to index
        %get3A_1353 = tpu.vector_load %arg7[%get3A_1352] {strides = array<i32>} : memref<18432xi32, #tpu.memory_space<vmem>>, vector<16xi32>,
        %add3A_1354 = arith.constant 17408 : i32
        %add3A_1355 = arith.addi %add3A_1354, %add3A_965 : i32
        %get3A_1356 = arith.index_cast %add3A_1355 : i32 to index
        %get3A_1357 = tpu.vector_load %arg8[%get3A_1356] {strides = array<i32>} : memref<20480xf32, #tpu.memory_space<vmem>>, vector<16xf32>,
        %add3A_1358 = arith.constant 0 : i32
        %add3A_1359 = vector.broadcast %add3A_1358 : i32 to vector<16xi32>
        %add3A_1360 = arith.addi %get3A_1353, %add3A_1359 : vector<16xi32>
        %gather3A_1361 = tpu.vector_load_idx %arg6[%add3A_1360] : memref<9216xf32, #tpu.memory_space<vmem>>[vector<16xi32>], vector<16xf32>,
        %mul3A_1362 = arith.mulf %get3A_1357, %gather3A_1361 : vector<16xf32>
        %add3A_1363 = arith.addf %add3A_1307, %mul3A_1362 : vector<16xf32>
        %add3A_1364 = arith.constant 1 : i32
        %add3A_1365 = vector.broadcast %add3A_1364 : i32 to vector<16xi32>
        %add3A_1366 = arith.addi %get3A_1353, %add3A_1365 : vector<16xi32>
        %gather3A_1367 = tpu.vector_load_idx %arg6[%add3A_1366] : memref<9216xf32, #tpu.memory_space<vmem>>[vector<16xi32>], vector<16xf32>,
        %mul3A_1368 = arith.mulf %get3A_1357, %gather3A_1367 : vector<16xf32>
        %add3A_1369 = arith.addf %add3A_1313, %mul3A_1368 : vector<16xf32>
        %add3A_1370 = arith.constant 2 : i32
        %add3A_1371 = vector.broadcast %add3A_1370 : i32 to vector<16xi32>
        %add3A_1372 = arith.addi %get3A_1353, %add3A_1371 : vector<16xi32>
        %gather3A_1373 = tpu.vector_load_idx %arg6[%add3A_1372] : memref<9216xf32, #tpu.memory_space<vmem>>[vector<16xi32>], vector<16xf32>,
        %mul3A_1374 = arith.mulf %get3A_1357, %gather3A_1373 : vector<16xf32>
        %add3A_1375 = arith.addf %add3A_1319, %mul3A_1374 : vector<16xf32>
        %add3A_1376 = arith.constant 3 : i32
        %add3A_1377 = vector.broadcast %add3A_1376 : i32 to vector<16xi32>
        %add3A_1378 = arith.addi %get3A_1353, %add3A_1377 : vector<16xi32>
        %gather3A_1379 = tpu.vector_load_idx %arg6[%add3A_1378] : memref<9216xf32, #tpu.memory_space<vmem>>[vector<16xi32>], vector<16xf32>,
        %mul3A_1380 = arith.mulf %get3A_1357, %gather3A_1379 : vector<16xf32>
        %add3A_1381 = arith.addf %add3A_1325, %mul3A_1380 : vector<16xf32>
        %add3A_1382 = arith.constant 4 : i32
        %add3A_1383 = vector.broadcast %add3A_1382 : i32 to vector<16xi32>
        %add3A_1384 = arith.addi %get3A_1353, %add3A_1383 : vector<16xi32>
        %gather3A_1385 = tpu.vector_load_idx %arg6[%add3A_1384] : memref<9216xf32, #tpu.memory_space<vmem>>[vector<16xi32>], vector<16xf32>,
        %mul3A_1386 = arith.mulf %get3A_1357, %gather3A_1385 : vector<16xf32>
        %add3A_1387 = arith.addf %add3A_1331, %mul3A_1386 : vector<16xf32>
        %add3A_1388 = arith.constant 5 : i32
        %add3A_1389 = vector.broadcast %add3A_1388 : i32 to vector<16xi32>
        %add3A_1390 = arith.addi %get3A_1353, %add3A_1389 : vector<16xi32>
        %gather3A_1391 = tpu.vector_load_idx %arg6[%add3A_1390] : memref<9216xf32, #tpu.memory_space<vmem>>[vector<16xi32>], vector<16xf32>,
        %mul3A_1392 = arith.mulf %get3A_1357, %gather3A_1391 : vector<16xf32>
        %add3A_1393 = arith.addf %add3A_1337, %mul3A_1392 : vector<16xf32>
        %add3A_1394 = arith.constant 6 : i32
        %add3A_1395 = vector.broadcast %add3A_1394 : i32 to vector<16xi32>
        %add3A_1396 = arith.addi %get3A_1353, %add3A_1395 : vector<16xi32>
        %gather3A_1397 = tpu.vector_load_idx %arg6[%add3A_1396] : memref<9216xf32, #tpu.memory_space<vmem>>[vector<16xi32>], vector<16xf32>,
        %mul3A_1398 = arith.mulf %get3A_1357, %gather3A_1397 : vector<16xf32>
        %add3A_1399 = arith.addf %add3A_1343, %mul3A_1398 : vector<16xf32>
        %add3A_1400 = arith.constant 7 : i32
        %add3A_1401 = vector.broadcast %add3A_1400 : i32 to vector<16xi32>
        %add3A_1402 = arith.addi %get3A_1353, %add3A_1401 : vector<16xi32>
        %gather3A_1403 = tpu.vector_load_idx %arg6[%add3A_1402] : memref<9216xf32, #tpu.memory_space<vmem>>[vector<16xi32>], vector<16xf32>,
        %mul3A_1404 = arith.mulf %get3A_1357, %gather3A_1403 : vector<16xf32>
        %add3A_1405 = arith.addf %add3A_1349, %mul3A_1404 : vector<16xf32>
        %add3A_1406 = arith.constant 17408 : i32
        %add3A_1407 = arith.addi %add3A_1406, %add3A_965 : i32
        %get3A_1408 = arith.index_cast %add3A_1407 : i32 to index
        %get3A_1409 = tpu.vector_load %arg7[%get3A_1408] {strides = array<i32>} : memref<18432xi32, #tpu.memory_space<vmem>>, vector<16xi32>,
        %add3A_1410 = arith.constant 18432 : i32
        %add3A_1411 = arith.addi %add3A_1410, %add3A_965 : i32
        %get3A_1412 = arith.index_cast %add3A_1411 : i32 to index
        %get3A_1413 = tpu.vector_load %arg8[%get3A_1412] {strides = array<i32>} : memref<20480xf32, #tpu.memory_space<vmem>>, vector<16xf32>,
        %add3A_1414 = arith.constant 0 : i32
        %add3A_1415 = vector.broadcast %add3A_1414 : i32 to vector<16xi32>
        %add3A_1416 = arith.addi %get3A_1409, %add3A_1415 : vector<16xi32>
        %gather3A_1417 = tpu.vector_load_idx %arg6[%add3A_1416] : memref<9216xf32, #tpu.memory_space<vmem>>[vector<16xi32>], vector<16xf32>,
        %mul3A_1418 = arith.mulf %get3A_1413, %gather3A_1417 : vector<16xf32>
        %add3A_1419 = arith.addf %add3A_1363, %mul3A_1418 : vector<16xf32>
        %add3A_1420 = arith.constant 1 : i32
        %add3A_1421 = vector.broadcast %add3A_1420 : i32 to vector<16xi32>
        %add3A_1422 = arith.addi %get3A_1409, %add3A_1421 : vector<16xi32>
        %gather3A_1423 = tpu.vector_load_idx %arg6[%add3A_1422] : memref<9216xf32, #tpu.memory_space<vmem>>[vector<16xi32>], vector<16xf32>,
        %mul3A_1424 = arith.mulf %get3A_1413, %gather3A_1423 : vector<16xf32>
        %add3A_1425 = arith.addf %add3A_1369, %mul3A_1424 : vector<16xf32>
        %add3A_1426 = arith.constant 2 : i32
        %add3A_1427 = vector.broadcast %add3A_1426 : i32 to vector<16xi32>
        %add3A_1428 = arith.addi %get3A_1409, %add3A_1427 : vector<16xi32>
        %gather3A_1429 = tpu.vector_load_idx %arg6[%add3A_1428] : memref<9216xf32, #tpu.memory_space<vmem>>[vector<16xi32>], vector<16xf32>,
        %mul3A_1430 = arith.mulf %get3A_1413, %gather3A_1429 : vector<16xf32>
        %add3A_1431 = arith.addf %add3A_1375, %mul3A_1430 : vector<16xf32>
        %add3A_1432 = arith.constant 3 : i32
        %add3A_1433 = vector.broadcast %add3A_1432 : i32 to vector<16xi32>
        %add3A_1434 = arith.addi %get3A_1409, %add3A_1433 : vector<16xi32>
        %gather3A_1435 = tpu.vector_load_idx %arg6[%add3A_1434] : memref<9216xf32, #tpu.memory_space<vmem>>[vector<16xi32>], vector<16xf32>,
        %mul3A_1436 = arith.mulf %get3A_1413, %gather3A_1435 : vector<16xf32>
        %add3A_1437 = arith.addf %add3A_1381, %mul3A_1436 : vector<16xf32>
        %add3A_1438 = arith.constant 4 : i32
        %add3A_1439 = vector.broadcast %add3A_1438 : i32 to vector<16xi32>
        %add3A_1440 = arith.addi %get3A_1409, %add3A_1439 : vector<16xi32>
        %gather3A_1441 = tpu.vector_load_idx %arg6[%add3A_1440] : memref<9216xf32, #tpu.memory_space<vmem>>[vector<16xi32>], vector<16xf32>,
        %mul3A_1442 = arith.mulf %get3A_1413, %gather3A_1441 : vector<16xf32>
        %add3A_1443 = arith.addf %add3A_1387, %mul3A_1442 : vector<16xf32>
        %add3A_1444 = arith.constant 5 : i32
        %add3A_1445 = vector.broadcast %add3A_1444 : i32 to vector<16xi32>
        %add3A_1446 = arith.addi %get3A_1409, %add3A_1445 : vector<16xi32>
        %gather3A_1447 = tpu.vector_load_idx %arg6[%add3A_1446] : memref<9216xf32, #tpu.memory_space<vmem>>[vector<16xi32>], vector<16xf32>,
        %mul3A_1448 = arith.mulf %get3A_1413, %gather3A_1447 : vector<16xf32>
        %add3A_1449 = arith.addf %add3A_1393, %mul3A_1448 : vector<16xf32>
        %add3A_1450 = arith.constant 6 : i32
        %add3A_1451 = vector.broadcast %add3A_1450 : i32 to vector<16xi32>
        %add3A_1452 = arith.addi %get3A_1409, %add3A_1451 : vector<16xi32>
        %gather3A_1453 = tpu.vector_load_idx %arg6[%add3A_1452] : memref<9216xf32, #tpu.memory_space<vmem>>[vector<16xi32>], vector<16xf32>,
        %mul3A_1454 = arith.mulf %get3A_1413, %gather3A_1453 : vector<16xf32>
        %add3A_1455 = arith.addf %add3A_1399, %mul3A_1454 : vector<16xf32>
        %add3A_1456 = arith.constant 7 : i32
        %add3A_1457 = vector.broadcast %add3A_1456 : i32 to vector<16xi32>
        %add3A_1458 = arith.addi %get3A_1409, %add3A_1457 : vector<16xi32>
        %gather3A_1459 = tpu.vector_load_idx %arg6[%add3A_1458] : memref<9216xf32, #tpu.memory_space<vmem>>[vector<16xi32>], vector<16xf32>,
        %mul3A_1460 = arith.mulf %get3A_1413, %gather3A_1459 : vector<16xf32>
        %add3A_1461 = arith.addf %add3A_1405, %mul3A_1460 : vector<16xf32>
        %add3A_1462 = arith.constant 19456 : i32
        %add3A_1463 = arith.addi %add3A_1462, %add3A_965 : i32
        %get3A_1464 = arith.index_cast %add3A_1463 : i32 to index
        %get3A_1465 = tpu.vector_load %arg8[%get3A_1464] {strides = array<i32>} : memref<20480xf32, #tpu.memory_space<vmem>>, vector<16xf32>,
        %mul3A_1466 = arith.mulf %get3A_1465, %gather3A : vector<16xf32>
        %add3A_1467 = arith.addf %add3A_1419, %mul3A_1466 : vector<16xf32>
        %mul3A_1468 = arith.mulf %get3A_1465, %gather3A_6 : vector<16xf32>
        %add3A_1469 = arith.addf %add3A_1425, %mul3A_1468 : vector<16xf32>
        %mul3A_1470 = arith.mulf %get3A_1465, %gather3A_9 : vector<16xf32>
        %add3A_1471 = arith.addf %add3A_1431, %mul3A_1470 : vector<16xf32>
        %mul3A_1472 = arith.mulf %get3A_1465, %gather3A_12 : vector<16xf32>
        %add3A_1473 = arith.addf %add3A_1437, %mul3A_1472 : vector<16xf32>
        %mul3A_1474 = arith.mulf %get3A_1465, %gather3A_15 : vector<16xf32>
        %add3A_1475 = arith.addf %add3A_1443, %mul3A_1474 : vector<16xf32>
        %mul3A_1476 = arith.mulf %get3A_1465, %gather3A_18 : vector<16xf32>
        %add3A_1477 = arith.addf %add3A_1449, %mul3A_1476 : vector<16xf32>
        %mul3A_1478 = arith.mulf %get3A_1465, %gather3A_21 : vector<16xf32>
        %add3A_1479 = arith.addf %add3A_1455, %mul3A_1478 : vector<16xf32>
        %mul3A_1480 = arith.mulf %get3A_1465, %gather3A_24 : vector<16xf32>
        %add3A_1481 = arith.addf %add3A_1461, %mul3A_1480 : vector<16xf32>
        %add3A_1482 = arith.constant 8192 : i32
        %add3A_1483 = arith.addi %add3A_1482, %add3A_965 : i32
        %swap3A_1484 = arith.index_cast %add3A_1483 : i32 to index
        %swap3A_1485 = tpu.vector_load %arg9[%swap3A_1484] {strides = array<i32>} : memref<16384xf32, #tpu.memory_space<vmem>>, vector<16xf32>,
        tpu.vector_store %arg9[%swap3A_1484], %add3A_1467 {strides = array<i32>} : memref<16384xf32, #tpu.memory_space<vmem>>, vector<16xf32>,
        %add3A_1486 = arith.constant 9216 : i32
        %add3A_1487 = arith.addi %add3A_1486, %add3A_965 : i32
        %swap3A_1488 = arith.index_cast %add3A_1487 : i32 to index
        %swap3A_1489 = tpu.vector_load %arg9[%swap3A_1488] {strides = array<i32>} : memref<16384xf32, #tpu.memory_space<vmem>>, vector<16xf32>,
        tpu.vector_store %arg9[%swap3A_1488], %add3A_1469 {strides = array<i32>} : memref<16384xf32, #tpu.memory_space<vmem>>, vector<16xf32>,
        %add3A_1490 = arith.constant 10240 : i32
        %add3A_1491 = arith.addi %add3A_1490, %add3A_965 : i32
        %swap3A_1492 = arith.index_cast %add3A_1491 : i32 to index
        %swap3A_1493 = tpu.vector_load %arg9[%swap3A_1492] {strides = array<i32>} : memref<16384xf32, #tpu.memory_space<vmem>>, vector<16xf32>,
        tpu.vector_store %arg9[%swap3A_1492], %add3A_1471 {strides = array<i32>} : memref<16384xf32, #tpu.memory_space<vmem>>, vector<16xf32>,
        %add3A_1494 = arith.constant 11264 : i32
        %add3A_1495 = arith.addi %add3A_1494, %add3A_965 : i32
        %swap3A_1496 = arith.index_cast %add3A_1495 : i32 to index
        %swap3A_1497 = tpu.vector_load %arg9[%swap3A_1496] {strides = array<i32>} : memref<16384xf32, #tpu.memory_space<vmem>>, vector<16xf32>,
        tpu.vector_store %arg9[%swap3A_1496], %add3A_1473 {strides = array<i32>} : memref<16384xf32, #tpu.memory_space<vmem>>, vector<16xf32>,
        %add3A_1498 = arith.constant 12288 : i32
        %add3A_1499 = arith.addi %add3A_1498, %add3A_965 : i32
        %swap3A_1500 = arith.index_cast %add3A_1499 : i32 to index
        %swap3A_1501 = tpu.vector_load %arg9[%swap3A_1500] {strides = array<i32>} : memref<16384xf32, #tpu.memory_space<vmem>>, vector<16xf32>,
        tpu.vector_store %arg9[%swap3A_1500], %add3A_1475 {strides = array<i32>} : memref<16384xf32, #tpu.memory_space<vmem>>, vector<16xf32>,
        %add3A_1502 = arith.constant 13312 : i32
        %add3A_1503 = arith.addi %add3A_1502, %add3A_965 : i32
        %swap3A_1504 = arith.index_cast %add3A_1503 : i32 to index
        %swap3A_1505 = tpu.vector_load %arg9[%swap3A_1504] {strides = array<i32>} : memref<16384xf32, #tpu.memory_space<vmem>>, vector<16xf32>,
        tpu.vector_store %arg9[%swap3A_1504], %add3A_1477 {strides = array<i32>} : memref<16384xf32, #tpu.memory_space<vmem>>, vector<16xf32>,
        %add3A_1506 = arith.constant 14336 : i32
        %add3A_1507 = arith.addi %add3A_1506, %add3A_965 : i32
        %swap3A_1508 = arith.index_cast %add3A_1507 : i32 to index
        %swap3A_1509 = tpu.vector_load %arg9[%swap3A_1508] {strides = array<i32>} : memref<16384xf32, #tpu.memory_space<vmem>>, vector<16xf32>,
        tpu.vector_store %arg9[%swap3A_1508], %add3A_1479 {strides = array<i32>} : memref<16384xf32, #tpu.memory_space<vmem>>, vector<16xf32>,
        %add3A_1510 = arith.constant 15360 : i32
        %add3A_1511 = arith.addi %add3A_1510, %add3A_965 : i32
        %swap3A_1512 = arith.index_cast %add3A_1511 : i32 to index
        %swap3A_1513 = tpu.vector_load %arg9[%swap3A_1512] {strides = array<i32>} : memref<16384xf32, #tpu.memory_space<vmem>>, vector<16xf32>,
        tpu.vector_store %arg9[%swap3A_1512], %add3A_1481 {strides = array<i32>} : memref<16384xf32, #tpu.memory_space<vmem>>, vector<16xf32>,
      }
      %scan3A_341 = arith.constant 32 : i32
      %mul3A_342 = arith.constant 8 : i32
      %mul3A_343 = arith.muli %add3A_307, %mul3A_342 : i32
      %add3A_344 = arith.addi %mul3A_2, %mul3A_343 : i32
      %mul3A_345 = arith.constant 128 : i32
      %mul3A_346 = arith.muli %add3A_344, %mul3A_345 : i32
      %add3A_347 = arith.constant 0 : i32
      %add3A_348 = arith.addi %add3A_347, %mul3A_346 : i32
      %dma_start3A_349 = arith.constant 8192 : i32
      %dma_start3A_350 = tpu.memref_slice %arg9[%dma_start3A_349] : memref<16384xf32, #tpu.memory_space<vmem>> -> memref<1024xf32, #tpu.memory_space<vmem>>
      %dma_start3A_351 = tpu.memref_slice %arg5[%add3A_348] : memref<4194304xf32, #tpu.memory_space<hbm>> -> memref<1024xf32, #tpu.memory_space<hbm>>
      %dma_start3A_352 = tpu.memref_slice %arg5[%add3A_348] : memref<4194304xf32, #tpu.memory_space<hbm>> -> memref<1024xf32, #tpu.memory_space<hbm>>
      %dma_start3A_353 = arith.constant 8192 : i32
      %dma_start3A_354 = tpu.memref_slice %arg9[%dma_start3A_353] : memref<16384xf32, #tpu.memory_space<vmem>> -> memref<1024xf32, #tpu.memory_space<vmem>>
      tpu.enqueue_dma source(%dma_start3A_354 : memref<1024xf32, #tpu.memory_space<vmem>>) target(%dma_start3A_352 : memref<1024xf32, #tpu.memory_space<hbm>>) target_semaphore(%arg13 : memref<!tpu.dma_semaphore, #tpu.memory_space<semaphore_mem>>)
      %add3A_355 = arith.constant 524288 : i32
      %add3A_356 = arith.addi %add3A_355, %mul3A_346 : i32
      %dma_start3A_357 = arith.constant 9216 : i32
      %dma_start3A_358 = tpu.memref_slice %arg9[%dma_start3A_357] : memref<16384xf32, #tpu.memory_space<vmem>> -> memref<1024xf32, #tpu.memory_space<vmem>>
      %dma_start3A_359 = tpu.memref_slice %arg5[%add3A_356] : memref<4194304xf32, #tpu.memory_space<hbm>> -> memref<1024xf32, #tpu.memory_space<hbm>>
      %dma_start3A_360 = tpu.memref_slice %arg5[%add3A_356] : memref<4194304xf32, #tpu.memory_space<hbm>> -> memref<1024xf32, #tpu.memory_space<hbm>>
      %dma_start3A_361 = arith.constant 9216 : i32
      %dma_start3A_362 = tpu.memref_slice %arg9[%dma_start3A_361] : memref<16384xf32, #tpu.memory_space<vmem>> -> memref<1024xf32, #tpu.memory_space<vmem>>
      tpu.enqueue_dma source(%dma_start3A_362 : memref<1024xf32, #tpu.memory_space<vmem>>) target(%dma_start3A_360 : memref<1024xf32, #tpu.memory_space<hbm>>) target_semaphore(%arg13 : memref<!tpu.dma_semaphore, #tpu.memory_space<semaphore_mem>>)
      %add3A_363 = arith.constant 1048576 : i32
      %add3A_364 = arith.addi %add3A_363, %mul3A_346 : i32
      %dma_start3A_365 = arith.constant 10240 : i32
      %dma_start3A_366 = tpu.memref_slice %arg9[%dma_start3A_365] : memref<16384xf32, #tpu.memory_space<vmem>> -> memref<1024xf32, #tpu.memory_space<vmem>>
      %dma_start3A_367 = tpu.memref_slice %arg5[%add3A_364] : memref<4194304xf32, #tpu.memory_space<hbm>> -> memref<1024xf32, #tpu.memory_space<hbm>>
      %dma_start3A_368 = tpu.memref_slice %arg5[%add3A_364] : memref<4194304xf32, #tpu.memory_space<hbm>> -> memref<1024xf32, #tpu.memory_space<hbm>>
      %dma_start3A_369 = arith.constant 10240 : i32
      %dma_start3A_370 = tpu.memref_slice %arg9[%dma_start3A_369] : memref<16384xf32, #tpu.memory_space<vmem>> -> memref<1024xf32, #tpu.memory_space<vmem>>
      tpu.enqueue_dma source(%dma_start3A_370 : memref<1024xf32, #tpu.memory_space<vmem>>) target(%dma_start3A_368 : memref<1024xf32, #tpu.memory_space<hbm>>) target_semaphore(%arg13 : memref<!tpu.dma_semaphore, #tpu.memory_space<semaphore_mem>>)
      %add3A_371 = arith.constant 1572864 : i32
      %add3A_372 = arith.addi %add3A_371, %mul3A_346 : i32
      %dma_start3A_373 = arith.constant 11264 : i32
      %dma_start3A_374 = tpu.memref_slice %arg9[%dma_start3A_373] : memref<16384xf32, #tpu.memory_space<vmem>> -> memref<1024xf32, #tpu.memory_space<vmem>>
      %dma_start3A_375 = tpu.memref_slice %arg5[%add3A_372] : memref<4194304xf32, #tpu.memory_space<hbm>> -> memref<1024xf32, #tpu.memory_space<hbm>>
      %dma_start3A_376 = tpu.memref_slice %arg5[%add3A_372] : memref<4194304xf32, #tpu.memory_space<hbm>> -> memref<1024xf32, #tpu.memory_space<hbm>>
      %dma_start3A_377 = arith.constant 11264 : i32
      %dma_start3A_378 = tpu.memref_slice %arg9[%dma_start3A_377] : memref<16384xf32, #tpu.memory_space<vmem>> -> memref<1024xf32, #tpu.memory_space<vmem>>
      tpu.enqueue_dma source(%dma_start3A_378 : memref<1024xf32, #tpu.memory_space<vmem>>) target(%dma_start3A_376 : memref<1024xf32, #tpu.memory_space<hbm>>) target_semaphore(%arg13 : memref<!tpu.dma_semaphore, #tpu.memory_space<semaphore_mem>>)
      %add3A_379 = arith.constant 2097152 : i32
      %add3A_380 = arith.addi %add3A_379, %mul3A_346 : i32
      %dma_start3A_381 = arith.constant 12288 : i32
      %dma_start3A_382 = tpu.memref_slice %arg9[%dma_start3A_381] : memref<16384xf32, #tpu.memory_space<vmem>> -> memref<1024xf32, #tpu.memory_space<vmem>>
      %dma_start3A_383 = tpu.memref_slice %arg5[%add3A_380] : memref<4194304xf32, #tpu.memory_space<hbm>> -> memref<1024xf32, #tpu.memory_space<hbm>>
      %dma_start3A_384 = tpu.memref_slice %arg5[%add3A_380] : memref<4194304xf32, #tpu.memory_space<hbm>> -> memref<1024xf32, #tpu.memory_space<hbm>>
      %dma_start3A_385 = arith.constant 12288 : i32
      %dma_start3A_386 = tpu.memref_slice %arg9[%dma_start3A_385] : memref<16384xf32, #tpu.memory_space<vmem>> -> memref<1024xf32, #tpu.memory_space<vmem>>
      tpu.enqueue_dma source(%dma_start3A_386 : memref<1024xf32, #tpu.memory_space<vmem>>) target(%dma_start3A_384 : memref<1024xf32, #tpu.memory_space<hbm>>) target_semaphore(%arg13 : memref<!tpu.dma_semaphore, #tpu.memory_space<semaphore_mem>>)
      %add3A_387 = arith.constant 2621440 : i32
      %add3A_388 = arith.addi %add3A_387, %mul3A_346 : i32
      %dma_start3A_389 = arith.constant 13312 : i32
      %dma_start3A_390 = tpu.memref_slice %arg9[%dma_start3A_389] : memref<16384xf32, #tpu.memory_space<vmem>> -> memref<1024xf32, #tpu.memory_space<vmem>>
      %dma_start3A_391 = tpu.memref_slice %arg5[%add3A_388] : memref<4194304xf32, #tpu.memory_space<hbm>> -> memref<1024xf32, #tpu.memory_space<hbm>>
      %dma_start3A_392 = tpu.memref_slice %arg5[%add3A_388] : memref<4194304xf32, #tpu.memory_space<hbm>> -> memref<1024xf32, #tpu.memory_space<hbm>>
      %dma_start3A_393 = arith.constant 13312 : i32
      %dma_start3A_394 = tpu.memref_slice %arg9[%dma_start3A_393] : memref<16384xf32, #tpu.memory_space<vmem>> -> memref<1024xf32, #tpu.memory_space<vmem>>
      tpu.enqueue_dma source(%dma_start3A_394 : memref<1024xf32, #tpu.memory_space<vmem>>) target(%dma_start3A_392 : memref<1024xf32, #tpu.memory_space<hbm>>) target_semaphore(%arg13 : memref<!tpu.dma_semaphore, #tpu.memory_space<semaphore_mem>>)
      %add3A_395 = arith.constant 3145728 : i32
      %add3A_396 = arith.addi %add3A_395, %mul3A_346 : i32
      %dma_start3A_397 = arith.constant 14336 : i32
      %dma_start3A_398 = tpu.memref_slice %arg9[%dma_start3A_397] : memref<16384xf32, #tpu.memory_space<vmem>> -> memref<1024xf32, #tpu.memory_space<vmem>>
      %dma_start3A_399 = tpu.memref_slice %arg5[%add3A_396] : memref<4194304xf32, #tpu.memory_space<hbm>> -> memref<1024xf32, #tpu.memory_space<hbm>>
      %dma_start3A_400 = tpu.memref_slice %arg5[%add3A_396] : memref<4194304xf32, #tpu.memory_space<hbm>> -> memref<1024xf32, #tpu.memory_space<hbm>>
      %dma_start3A_401 = arith.constant 14336 : i32
      %dma_start3A_402 = tpu.memref_slice %arg9[%dma_start3A_401] : memref<16384xf32, #tpu.memory_space<vmem>> -> memref<1024xf32, #tpu.memory_space<vmem>>
      tpu.enqueue_dma source(%dma_start3A_402 : memref<1024xf32, #tpu.memory_space<vmem>>) target(%dma_start3A_400 : memref<1024xf32, #tpu.memory_space<hbm>>) target_semaphore(%arg13 : memref<!tpu.dma_semaphore, #tpu.memory_space<semaphore_mem>>)
      %add3A_403 = arith.constant 3670016 : i32
      %add3A_404 = arith.addi %add3A_403, %mul3A_346 : i32
      %dma_start3A_405 = arith.constant 15360 : i32
      %dma_start3A_406 = tpu.memref_slice %arg9[%dma_start3A_405] : memref<16384xf32, #tpu.memory_space<vmem>> -> memref<1024xf32, #tpu.memory_space<vmem>>
      %dma_start3A_407 = tpu.memref_slice %arg5[%add3A_404] : memref<4194304xf32, #tpu.memory_space<hbm>> -> memref<1024xf32, #tpu.memory_space<hbm>>
      %dma_start3A_408 = tpu.memref_slice %arg5[%add3A_404] : memref<4194304xf32, #tpu.memory_space<hbm>> -> memref<1024xf32, #tpu.memory_space<hbm>>
      %dma_start3A_409 = arith.constant 15360 : i32
      %dma_start3A_410 = tpu.memref_slice %arg9[%dma_start3A_409] : memref<16384xf32, #tpu.memory_space<vmem>> -> memref<1024xf32, #tpu.memory_space<vmem>>
      tpu.enqueue_dma source(%dma_start3A_410 : memref<1024xf32, #tpu.memory_space<vmem>>) target(%dma_start3A_408 : memref<1024xf32, #tpu.memory_space<hbm>>) target_semaphore(%arg13 : memref<!tpu.dma_semaphore, #tpu.memory_space<semaphore_mem>>)
    }
    %scan3A_184 = arith.constant 8 : i32
    %dma_wait3A = arith.constant 0 : i32
    %dma_wait3A_185 = tpu.memref_slice %arg9[%dma_wait3A] : memref<16384xf32, #tpu.memory_space<vmem>> -> memref<8192xf32, #tpu.memory_space<vmem>>
    %dma_wait3A_186 = arith.constant 0 : i32
    %dma_wait3A_187 = tpu.memref_slice %arg2[%dma_wait3A_186] : memref<4718592xi32, #tpu.memory_space<hbm>> -> memref<8192xi32, #tpu.memory_space<hbm>>
    %dma_wait3A_188 = arith.constant 0 : i32
    %dma_wait3A_189 = tpu.memref_slice %arg9[%dma_wait3A_188] : memref<16384xf32, #tpu.memory_space<vmem>> -> memref<8192xf32, #tpu.memory_space<vmem>>
    %dma_wait3A_190 = arith.constant 0 : i32
    %dma_wait3A_191 = tpu.memref_slice %arg2[%dma_wait3A_190] : memref<4718592xi32, #tpu.memory_space<hbm>> -> memref<8192xi32, #tpu.memory_space<hbm>>
    tpu.wait_dma2 semaphore(%arg12 : memref<!tpu.dma_semaphore, #tpu.memory_space<semaphore_mem>>) src(%dma_wait3A_191 : memref<8192xi32, #tpu.memory_space<hbm>>) dst(%dma_wait3A_189 : memref<8192xf32, #tpu.memory_space<vmem>>)
    %dma_wait3A_192 = arith.constant 8192 : i32
    %dma_wait3A_193 = tpu.memref_slice %arg9[%dma_wait3A_192] : memref<16384xf32, #tpu.memory_space<vmem>> -> memref<8192xf32, #tpu.memory_space<vmem>>
    %dma_wait3A_194 = arith.constant 0 : i32
    %dma_wait3A_195 = tpu.memref_slice %arg2[%dma_wait3A_194] : memref<4718592xi32, #tpu.memory_space<hbm>> -> memref<8192xi32, #tpu.memory_space<hbm>>
    %dma_wait3A_196 = arith.constant 8192 : i32
    %dma_wait3A_197 = tpu.memref_slice %arg9[%dma_wait3A_196] : memref<16384xf32, #tpu.memory_space<vmem>> -> memref<8192xf32, #tpu.memory_space<vmem>>
    %dma_wait3A_198 = arith.constant 0 : i32
    %dma_wait3A_199 = tpu.memref_slice %arg2[%dma_wait3A_198] : memref<4718592xi32, #tpu.memory_space<hbm>> -> memref<8192xi32, #tpu.memory_space<hbm>>
    tpu.wait_dma2 semaphore(%arg13 : memref<!tpu.dma_semaphore, #tpu.memory_space<semaphore_mem>>) src(%dma_wait3A_199 : memref<8192xi32, #tpu.memory_space<hbm>>) dst(%dma_wait3A_197 : memref<8192xf32, #tpu.memory_space<vmem>>)
    return
  }
}

module attributes {stable_mosaic.version = 14 : i64} {
  func.func @_sortnet_body(%arg0: i32, %arg1: memref<10x256x128xf32, #tpu.memory_space<vmem>>, %arg2: memref<9x256x128xi32, #tpu.memory_space<vmem>>, %arg3: memref<10x256x128xf32, #tpu.memory_space<vmem>>) attributes {dimension_semantics = [#tpu.dimension_semantics<arbitrary>], iteration_bounds = array<i64: 16>, scalar_prefetch = 0 : i64, scratch_operands = 0 : i64, tpu.core_type = #tpu.core_type<tc>, window_params = [{transform_indices = @transform_0, window_bounds = array<i64: 10, 256, 128>}, {transform_indices = @transform_1, window_bounds = array<i64: 9, 256, 128>}, {transform_indices = @transform_2, window_bounds = array<i64: 10, 256, 128>}]} {
    %get3A = arith.constant 0 : index
    %get3A_0 = arith.constant 0 : index
    %get3A_1 = arith.constant 0 : index
    %get3A_2 = vector.load %arg1[%get3A, %get3A_0, %get3A_1] : memref<10x256x128xf32, #tpu.memory_space<vmem>>, vector<1x256x128xf32>
    %get3A_3 = vector.shape_cast %get3A_2 : vector<1x256x128xf32> to vector<256x128xf32>
    %get3A_4 = arith.constant 1 : index
    %get3A_5 = arith.constant 0 : index
    %get3A_6 = arith.constant 0 : index
    %get3A_7 = vector.load %arg1[%get3A_4, %get3A_5, %get3A_6] : memref<10x256x128xf32, #tpu.memory_space<vmem>>, vector<1x256x128xf32>
    %get3A_8 = vector.shape_cast %get3A_7 : vector<1x256x128xf32> to vector<256x128xf32>
    %get3A_9 = arith.constant 2 : index
    %get3A_10 = arith.constant 0 : index
    %get3A_11 = arith.constant 0 : index
    %get3A_12 = vector.load %arg1[%get3A_9, %get3A_10, %get3A_11] : memref<10x256x128xf32, #tpu.memory_space<vmem>>, vector<1x256x128xf32>
    %get3A_13 = vector.shape_cast %get3A_12 : vector<1x256x128xf32> to vector<256x128xf32>
    %get3A_14 = arith.constant 3 : index
    %get3A_15 = arith.constant 0 : index
    %get3A_16 = arith.constant 0 : index
    %get3A_17 = vector.load %arg1[%get3A_14, %get3A_15, %get3A_16] : memref<10x256x128xf32, #tpu.memory_space<vmem>>, vector<1x256x128xf32>
    %get3A_18 = vector.shape_cast %get3A_17 : vector<1x256x128xf32> to vector<256x128xf32>
    %get3A_19 = arith.constant 4 : index
    %get3A_20 = arith.constant 0 : index
    %get3A_21 = arith.constant 0 : index
    %get3A_22 = vector.load %arg1[%get3A_19, %get3A_20, %get3A_21] : memref<10x256x128xf32, #tpu.memory_space<vmem>>, vector<1x256x128xf32>
    %get3A_23 = vector.shape_cast %get3A_22 : vector<1x256x128xf32> to vector<256x128xf32>
    %get3A_24 = arith.constant 5 : index
    %get3A_25 = arith.constant 0 : index
    %get3A_26 = arith.constant 0 : index
    %get3A_27 = vector.load %arg1[%get3A_24, %get3A_25, %get3A_26] : memref<10x256x128xf32, #tpu.memory_space<vmem>>, vector<1x256x128xf32>
    %get3A_28 = vector.shape_cast %get3A_27 : vector<1x256x128xf32> to vector<256x128xf32>
    %get3A_29 = arith.constant 6 : index
    %get3A_30 = arith.constant 0 : index
    %get3A_31 = arith.constant 0 : index
    %get3A_32 = vector.load %arg1[%get3A_29, %get3A_30, %get3A_31] : memref<10x256x128xf32, #tpu.memory_space<vmem>>, vector<1x256x128xf32>
    %get3A_33 = vector.shape_cast %get3A_32 : vector<1x256x128xf32> to vector<256x128xf32>
    %get3A_34 = arith.constant 7 : index
    %get3A_35 = arith.constant 0 : index
    %get3A_36 = arith.constant 0 : index
    %get3A_37 = vector.load %arg1[%get3A_34, %get3A_35, %get3A_36] : memref<10x256x128xf32, #tpu.memory_space<vmem>>, vector<1x256x128xf32>
    %get3A_38 = vector.shape_cast %get3A_37 : vector<1x256x128xf32> to vector<256x128xf32>
    %get3A_39 = arith.constant 8 : index
    %get3A_40 = arith.constant 0 : index
    %get3A_41 = arith.constant 0 : index
    %get3A_42 = vector.load %arg1[%get3A_39, %get3A_40, %get3A_41] : memref<10x256x128xf32, #tpu.memory_space<vmem>>, vector<1x256x128xf32>
    %get3A_43 = vector.shape_cast %get3A_42 : vector<1x256x128xf32> to vector<256x128xf32>
    %get3A_44 = arith.constant 9 : index
    %get3A_45 = arith.constant 0 : index
    %get3A_46 = arith.constant 0 : index
    %get3A_47 = vector.load %arg1[%get3A_44, %get3A_45, %get3A_46] : memref<10x256x128xf32, #tpu.memory_space<vmem>>, vector<1x256x128xf32>
    %get3A_48 = vector.shape_cast %get3A_47 : vector<1x256x128xf32> to vector<256x128xf32>
    %broadcast_in_dim3A = arith.constant 9 : i32
    %broadcast_in_dim3A_49 = vector.broadcast %broadcast_in_dim3A : i32 to vector<256x128xi32>
    %broadcast_in_dim3A_50 = arith.constant 18 : i32
    %broadcast_in_dim3A_51 = vector.broadcast %broadcast_in_dim3A_50 : i32 to vector<256x128xi32>
    %broadcast_in_dim3A_52 = arith.constant 36 : i32
    %broadcast_in_dim3A_53 = vector.broadcast %broadcast_in_dim3A_52 : i32 to vector<256x128xi32>
    %broadcast_in_dim3A_54 = arith.constant 72 : i32
    %broadcast_in_dim3A_55 = vector.broadcast %broadcast_in_dim3A_54 : i32 to vector<256x128xi32>
    %broadcast_in_dim3A_56 = arith.constant 144 : i32
    %broadcast_in_dim3A_57 = vector.broadcast %broadcast_in_dim3A_56 : i32 to vector<256x128xi32>
    %broadcast_in_dim3A_58 = arith.constant 288 : i32
    %broadcast_in_dim3A_59 = vector.broadcast %broadcast_in_dim3A_58 : i32 to vector<256x128xi32>
    %broadcast_in_dim3A_60 = arith.constant 576 : i32
    %broadcast_in_dim3A_61 = vector.broadcast %broadcast_in_dim3A_60 : i32 to vector<256x128xi32>
    %broadcast_in_dim3A_62 = arith.constant 1152 : i32
    %broadcast_in_dim3A_63 = vector.broadcast %broadcast_in_dim3A_62 : i32 to vector<256x128xi32>
    %broadcast_in_dim3A_64 = arith.constant 2304 : i32
    %broadcast_in_dim3A_65 = vector.broadcast %broadcast_in_dim3A_64 : i32 to vector<256x128xi32>
    %broadcast_in_dim3A_66 = arith.constant 4608 : i32
    %broadcast_in_dim3A_67 = vector.broadcast %broadcast_in_dim3A_66 : i32 to vector<256x128xi32>
    %gt3A = arith.cmpf ogt, %get3A_3, %get3A_8 : vector<256x128xf32>
    %eq3A = arith.cmpf oeq, %get3A_3, %get3A_8 : vector<256x128xf32>
    %lt3A = arith.cmpi slt, %broadcast_in_dim3A_49, %broadcast_in_dim3A_51 : vector<256x128xi32>
    %and3A = arith.andi %eq3A, %lt3A : vector<256x128xi1>
    %or3A = arith.ori %gt3A, %and3A : vector<256x128xi1>
    %select_n3A = arith.select %or3A, %get3A_3, %get3A_8 : vector<256x128xi1>, vector<256x128xf32>
    %select_n3A_68 = arith.select %or3A, %get3A_8, %get3A_3 : vector<256x128xi1>, vector<256x128xf32>
    %select_n3A_69 = arith.select %or3A, %broadcast_in_dim3A_49, %broadcast_in_dim3A_51 : vector<256x128xi1>, vector<256x128xi32>
    %select_n3A_70 = arith.select %or3A, %broadcast_in_dim3A_51, %broadcast_in_dim3A_49 : vector<256x128xi1>, vector<256x128xi32>
    %gt3A_71 = arith.cmpf ogt, %get3A_13, %get3A_18 : vector<256x128xf32>
    %eq3A_72 = arith.cmpf oeq, %get3A_13, %get3A_18 : vector<256x128xf32>
    %lt3A_73 = arith.cmpi slt, %broadcast_in_dim3A_53, %broadcast_in_dim3A_55 : vector<256x128xi32>
    %and3A_74 = arith.andi %eq3A_72, %lt3A_73 : vector<256x128xi1>
    %or3A_75 = arith.ori %gt3A_71, %and3A_74 : vector<256x128xi1>
    %select_n3A_76 = arith.select %or3A_75, %get3A_13, %get3A_18 : vector<256x128xi1>, vector<256x128xf32>
    %select_n3A_77 = arith.select %or3A_75, %get3A_18, %get3A_13 : vector<256x128xi1>, vector<256x128xf32>
    %select_n3A_78 = arith.select %or3A_75, %broadcast_in_dim3A_53, %broadcast_in_dim3A_55 : vector<256x128xi1>, vector<256x128xi32>
    %select_n3A_79 = arith.select %or3A_75, %broadcast_in_dim3A_55, %broadcast_in_dim3A_53 : vector<256x128xi1>, vector<256x128xi32>
    %gt3A_80 = arith.cmpf ogt, %select_n3A, %select_n3A_76 : vector<256x128xf32>
    %eq3A_81 = arith.cmpf oeq, %select_n3A, %select_n3A_76 : vector<256x128xf32>
    %lt3A_82 = arith.cmpi slt, %select_n3A_69, %select_n3A_78 : vector<256x128xi32>
    %and3A_83 = arith.andi %eq3A_81, %lt3A_82 : vector<256x128xi1>
    %or3A_84 = arith.ori %gt3A_80, %and3A_83 : vector<256x128xi1>
    %select_n3A_85 = arith.select %or3A_84, %select_n3A, %select_n3A_76 : vector<256x128xi1>, vector<256x128xf32>
    %select_n3A_86 = arith.select %or3A_84, %select_n3A_76, %select_n3A : vector<256x128xi1>, vector<256x128xf32>
    %select_n3A_87 = arith.select %or3A_84, %select_n3A_69, %select_n3A_78 : vector<256x128xi1>, vector<256x128xi32>
    %select_n3A_88 = arith.select %or3A_84, %select_n3A_78, %select_n3A_69 : vector<256x128xi1>, vector<256x128xi32>
    %gt3A_89 = arith.cmpf ogt, %select_n3A_68, %select_n3A_77 : vector<256x128xf32>
    %eq3A_90 = arith.cmpf oeq, %select_n3A_68, %select_n3A_77 : vector<256x128xf32>
    %lt3A_91 = arith.cmpi slt, %select_n3A_70, %select_n3A_79 : vector<256x128xi32>
    %and3A_92 = arith.andi %eq3A_90, %lt3A_91 : vector<256x128xi1>
    %or3A_93 = arith.ori %gt3A_89, %and3A_92 : vector<256x128xi1>
    %select_n3A_94 = arith.select %or3A_93, %select_n3A_68, %select_n3A_77 : vector<256x128xi1>, vector<256x128xf32>
    %select_n3A_95 = arith.select %or3A_93, %select_n3A_77, %select_n3A_68 : vector<256x128xi1>, vector<256x128xf32>
    %select_n3A_96 = arith.select %or3A_93, %select_n3A_70, %select_n3A_79 : vector<256x128xi1>, vector<256x128xi32>
    %select_n3A_97 = arith.select %or3A_93, %select_n3A_79, %select_n3A_70 : vector<256x128xi1>, vector<256x128xi32>
    %gt3A_98 = arith.cmpf ogt, %select_n3A_94, %select_n3A_86 : vector<256x128xf32>
    %eq3A_99 = arith.cmpf oeq, %select_n3A_94, %select_n3A_86 : vector<256x128xf32>
    %lt3A_100 = arith.cmpi slt, %select_n3A_96, %select_n3A_88 : vector<256x128xi32>
    %and3A_101 = arith.andi %eq3A_99, %lt3A_100 : vector<256x128xi1>
    %or3A_102 = arith.ori %gt3A_98, %and3A_101 : vector<256x128xi1>
    %select_n3A_103 = arith.select %or3A_102, %select_n3A_94, %select_n3A_86 : vector<256x128xi1>, vector<256x128xf32>
    %select_n3A_104 = arith.select %or3A_102, %select_n3A_86, %select_n3A_94 : vector<256x128xi1>, vector<256x128xf32>
    %select_n3A_105 = arith.select %or3A_102, %select_n3A_96, %select_n3A_88 : vector<256x128xi1>, vector<256x128xi32>
    %select_n3A_106 = arith.select %or3A_102, %select_n3A_88, %select_n3A_96 : vector<256x128xi1>, vector<256x128xi32>
    %gt3A_107 = arith.cmpf ogt, %get3A_23, %get3A_28 : vector<256x128xf32>
    %eq3A_108 = arith.cmpf oeq, %get3A_23, %get3A_28 : vector<256x128xf32>
    %lt3A_109 = arith.cmpi slt, %broadcast_in_dim3A_57, %broadcast_in_dim3A_59 : vector<256x128xi32>
    %and3A_110 = arith.andi %eq3A_108, %lt3A_109 : vector<256x128xi1>
    %or3A_111 = arith.ori %gt3A_107, %and3A_110 : vector<256x128xi1>
    %select_n3A_112 = arith.select %or3A_111, %get3A_23, %get3A_28 : vector<256x128xi1>, vector<256x128xf32>
    %select_n3A_113 = arith.select %or3A_111, %get3A_28, %get3A_23 : vector<256x128xi1>, vector<256x128xf32>
    %select_n3A_114 = arith.select %or3A_111, %broadcast_in_dim3A_57, %broadcast_in_dim3A_59 : vector<256x128xi1>, vector<256x128xi32>
    %select_n3A_115 = arith.select %or3A_111, %broadcast_in_dim3A_59, %broadcast_in_dim3A_57 : vector<256x128xi1>, vector<256x128xi32>
    %gt3A_116 = arith.cmpf ogt, %get3A_33, %get3A_38 : vector<256x128xf32>
    %eq3A_117 = arith.cmpf oeq, %get3A_33, %get3A_38 : vector<256x128xf32>
    %lt3A_118 = arith.cmpi slt, %broadcast_in_dim3A_61, %broadcast_in_dim3A_63 : vector<256x128xi32>
    %and3A_119 = arith.andi %eq3A_117, %lt3A_118 : vector<256x128xi1>
    %or3A_120 = arith.ori %gt3A_116, %and3A_119 : vector<256x128xi1>
    %select_n3A_121 = arith.select %or3A_120, %get3A_33, %get3A_38 : vector<256x128xi1>, vector<256x128xf32>
    %select_n3A_122 = arith.select %or3A_120, %get3A_38, %get3A_33 : vector<256x128xi1>, vector<256x128xf32>
    %select_n3A_123 = arith.select %or3A_120, %broadcast_in_dim3A_61, %broadcast_in_dim3A_63 : vector<256x128xi1>, vector<256x128xi32>
    %select_n3A_124 = arith.select %or3A_120, %broadcast_in_dim3A_63, %broadcast_in_dim3A_61 : vector<256x128xi1>, vector<256x128xi32>
    %gt3A_125 = arith.cmpf ogt, %select_n3A_112, %select_n3A_121 : vector<256x128xf32>
    %eq3A_126 = arith.cmpf oeq, %select_n3A_112, %select_n3A_121 : vector<256x128xf32>
    %lt3A_127 = arith.cmpi slt, %select_n3A_114, %select_n3A_123 : vector<256x128xi32>
    %and3A_128 = arith.andi %eq3A_126, %lt3A_127 : vector<256x128xi1>
    %or3A_129 = arith.ori %gt3A_125, %and3A_128 : vector<256x128xi1>
    %select_n3A_130 = arith.select %or3A_129, %select_n3A_112, %select_n3A_121 : vector<256x128xi1>, vector<256x128xf32>
    %select_n3A_131 = arith.select %or3A_129, %select_n3A_121, %select_n3A_112 : vector<256x128xi1>, vector<256x128xf32>
    %select_n3A_132 = arith.select %or3A_129, %select_n3A_114, %select_n3A_123 : vector<256x128xi1>, vector<256x128xi32>
    %select_n3A_133 = arith.select %or3A_129, %select_n3A_123, %select_n3A_114 : vector<256x128xi1>, vector<256x128xi32>
    %gt3A_134 = arith.cmpf ogt, %select_n3A_113, %select_n3A_122 : vector<256x128xf32>
    %eq3A_135 = arith.cmpf oeq, %select_n3A_113, %select_n3A_122 : vector<256x128xf32>
    %lt3A_136 = arith.cmpi slt, %select_n3A_115, %select_n3A_124 : vector<256x128xi32>
    %and3A_137 = arith.andi %eq3A_135, %lt3A_136 : vector<256x128xi1>
    %or3A_138 = arith.ori %gt3A_134, %and3A_137 : vector<256x128xi1>
    %select_n3A_139 = arith.select %or3A_138, %select_n3A_113, %select_n3A_122 : vector<256x128xi1>, vector<256x128xf32>
    %select_n3A_140 = arith.select %or3A_138, %select_n3A_122, %select_n3A_113 : vector<256x128xi1>, vector<256x128xf32>
    %select_n3A_141 = arith.select %or3A_138, %select_n3A_115, %select_n3A_124 : vector<256x128xi1>, vector<256x128xi32>
    %select_n3A_142 = arith.select %or3A_138, %select_n3A_124, %select_n3A_115 : vector<256x128xi1>, vector<256x128xi32>
    %gt3A_143 = arith.cmpf ogt, %select_n3A_139, %select_n3A_131 : vector<256x128xf32>
    %eq3A_144 = arith.cmpf oeq, %select_n3A_139, %select_n3A_131 : vector<256x128xf32>
    %lt3A_145 = arith.cmpi slt, %select_n3A_141, %select_n3A_133 : vector<256x128xi32>
    %and3A_146 = arith.andi %eq3A_144, %lt3A_145 : vector<256x128xi1>
    %or3A_147 = arith.ori %gt3A_143, %and3A_146 : vector<256x128xi1>
    %select_n3A_148 = arith.select %or3A_147, %select_n3A_139, %select_n3A_131 : vector<256x128xi1>, vector<256x128xf32>
    %select_n3A_149 = arith.select %or3A_147, %select_n3A_131, %select_n3A_139 : vector<256x128xi1>, vector<256x128xf32>
    %select_n3A_150 = arith.select %or3A_147, %select_n3A_141, %select_n3A_133 : vector<256x128xi1>, vector<256x128xi32>
    %select_n3A_151 = arith.select %or3A_147, %select_n3A_133, %select_n3A_141 : vector<256x128xi1>, vector<256x128xi32>
    %gt3A_152 = arith.cmpf ogt, %select_n3A_85, %select_n3A_130 : vector<256x128xf32>
    %eq3A_153 = arith.cmpf oeq, %select_n3A_85, %select_n3A_130 : vector<256x128xf32>
    %lt3A_154 = arith.cmpi slt, %select_n3A_87, %select_n3A_132 : vector<256x128xi32>
    %and3A_155 = arith.andi %eq3A_153, %lt3A_154 : vector<256x128xi1>
    %or3A_156 = arith.ori %gt3A_152, %and3A_155 : vector<256x128xi1>
    %select_n3A_157 = arith.select %or3A_156, %select_n3A_85, %select_n3A_130 : vector<256x128xi1>, vector<256x128xf32>
    %select_n3A_158 = arith.select %or3A_156, %select_n3A_130, %select_n3A_85 : vector<256x128xi1>, vector<256x128xf32>
    %select_n3A_159 = arith.select %or3A_156, %select_n3A_87, %select_n3A_132 : vector<256x128xi1>, vector<256x128xi32>
    %select_n3A_160 = arith.select %or3A_156, %select_n3A_132, %select_n3A_87 : vector<256x128xi1>, vector<256x128xi32>
    %gt3A_161 = arith.cmpf ogt, %select_n3A_104, %select_n3A_149 : vector<256x128xf32>
    %eq3A_162 = arith.cmpf oeq, %select_n3A_104, %select_n3A_149 : vector<256x128xf32>
    %lt3A_163 = arith.cmpi slt, %select_n3A_106, %select_n3A_151 : vector<256x128xi32>
    %and3A_164 = arith.andi %eq3A_162, %lt3A_163 : vector<256x128xi1>
    %or3A_165 = arith.ori %gt3A_161, %and3A_164 : vector<256x128xi1>
    %select_n3A_166 = arith.select %or3A_165, %select_n3A_104, %select_n3A_149 : vector<256x128xi1>, vector<256x128xf32>
    %select_n3A_167 = arith.select %or3A_165, %select_n3A_149, %select_n3A_104 : vector<256x128xi1>, vector<256x128xf32>
    %select_n3A_168 = arith.select %or3A_165, %select_n3A_106, %select_n3A_151 : vector<256x128xi1>, vector<256x128xi32>
    %select_n3A_169 = arith.select %or3A_165, %select_n3A_151, %select_n3A_106 : vector<256x128xi1>, vector<256x128xi32>
    %gt3A_170 = arith.cmpf ogt, %select_n3A_166, %select_n3A_158 : vector<256x128xf32>
    %eq3A_171 = arith.cmpf oeq, %select_n3A_166, %select_n3A_158 : vector<256x128xf32>
    %lt3A_172 = arith.cmpi slt, %select_n3A_168, %select_n3A_160 : vector<256x128xi32>
    %and3A_173 = arith.andi %eq3A_171, %lt3A_172 : vector<256x128xi1>
    %or3A_174 = arith.ori %gt3A_170, %and3A_173 : vector<256x128xi1>
    %select_n3A_175 = arith.select %or3A_174, %select_n3A_166, %select_n3A_158 : vector<256x128xi1>, vector<256x128xf32>
    %select_n3A_176 = arith.select %or3A_174, %select_n3A_158, %select_n3A_166 : vector<256x128xi1>, vector<256x128xf32>
    %select_n3A_177 = arith.select %or3A_174, %select_n3A_168, %select_n3A_160 : vector<256x128xi1>, vector<256x128xi32>
    %select_n3A_178 = arith.select %or3A_174, %select_n3A_160, %select_n3A_168 : vector<256x128xi1>, vector<256x128xi32>
    %gt3A_179 = arith.cmpf ogt, %select_n3A_103, %select_n3A_148 : vector<256x128xf32>
    %eq3A_180 = arith.cmpf oeq, %select_n3A_103, %select_n3A_148 : vector<256x128xf32>
    %lt3A_181 = arith.cmpi slt, %select_n3A_105, %select_n3A_150 : vector<256x128xi32>
    %and3A_182 = arith.andi %eq3A_180, %lt3A_181 : vector<256x128xi1>
    %or3A_183 = arith.ori %gt3A_179, %and3A_182 : vector<256x128xi1>
    %select_n3A_184 = arith.select %or3A_183, %select_n3A_103, %select_n3A_148 : vector<256x128xi1>, vector<256x128xf32>
    %select_n3A_185 = arith.select %or3A_183, %select_n3A_148, %select_n3A_103 : vector<256x128xi1>, vector<256x128xf32>
    %select_n3A_186 = arith.select %or3A_183, %select_n3A_105, %select_n3A_150 : vector<256x128xi1>, vector<256x128xi32>
    %select_n3A_187 = arith.select %or3A_183, %select_n3A_150, %select_n3A_105 : vector<256x128xi1>, vector<256x128xi32>
    %gt3A_188 = arith.cmpf ogt, %select_n3A_95, %select_n3A_140 : vector<256x128xf32>
    %eq3A_189 = arith.cmpf oeq, %select_n3A_95, %select_n3A_140 : vector<256x128xf32>
    %lt3A_190 = arith.cmpi slt, %select_n3A_97, %select_n3A_142 : vector<256x128xi32>
    %and3A_191 = arith.andi %eq3A_189, %lt3A_190 : vector<256x128xi1>
    %or3A_192 = arith.ori %gt3A_188, %and3A_191 : vector<256x128xi1>
    %select_n3A_193 = arith.select %or3A_192, %select_n3A_95, %select_n3A_140 : vector<256x128xi1>, vector<256x128xf32>
    %select_n3A_194 = arith.select %or3A_192, %select_n3A_140, %select_n3A_95 : vector<256x128xi1>, vector<256x128xf32>
    %select_n3A_195 = arith.select %or3A_192, %select_n3A_97, %select_n3A_142 : vector<256x128xi1>, vector<256x128xi32>
    %select_n3A_196 = arith.select %or3A_192, %select_n3A_142, %select_n3A_97 : vector<256x128xi1>, vector<256x128xi32>
    %gt3A_197 = arith.cmpf ogt, %select_n3A_193, %select_n3A_185 : vector<256x128xf32>
    %eq3A_198 = arith.cmpf oeq, %select_n3A_193, %select_n3A_185 : vector<256x128xf32>
    %lt3A_199 = arith.cmpi slt, %select_n3A_195, %select_n3A_187 : vector<256x128xi32>
    %and3A_200 = arith.andi %eq3A_198, %lt3A_199 : vector<256x128xi1>
    %or3A_201 = arith.ori %gt3A_197, %and3A_200 : vector<256x128xi1>
    %select_n3A_202 = arith.select %or3A_201, %select_n3A_193, %select_n3A_185 : vector<256x128xi1>, vector<256x128xf32>
    %select_n3A_203 = arith.select %or3A_201, %select_n3A_185, %select_n3A_193 : vector<256x128xi1>, vector<256x128xf32>
    %select_n3A_204 = arith.select %or3A_201, %select_n3A_195, %select_n3A_187 : vector<256x128xi1>, vector<256x128xi32>
    %select_n3A_205 = arith.select %or3A_201, %select_n3A_187, %select_n3A_195 : vector<256x128xi1>, vector<256x128xi32>
    %gt3A_206 = arith.cmpf ogt, %select_n3A_184, %select_n3A_175 : vector<256x128xf32>
    %eq3A_207 = arith.cmpf oeq, %select_n3A_184, %select_n3A_175 : vector<256x128xf32>
    %lt3A_208 = arith.cmpi slt, %select_n3A_186, %select_n3A_177 : vector<256x128xi32>
    %and3A_209 = arith.andi %eq3A_207, %lt3A_208 : vector<256x128xi1>
    %or3A_210 = arith.ori %gt3A_206, %and3A_209 : vector<256x128xi1>
    %select_n3A_211 = arith.select %or3A_210, %select_n3A_184, %select_n3A_175 : vector<256x128xi1>, vector<256x128xf32>
    %select_n3A_212 = arith.select %or3A_210, %select_n3A_175, %select_n3A_184 : vector<256x128xi1>, vector<256x128xf32>
    %select_n3A_213 = arith.select %or3A_210, %select_n3A_186, %select_n3A_177 : vector<256x128xi1>, vector<256x128xi32>
    %select_n3A_214 = arith.select %or3A_210, %select_n3A_177, %select_n3A_186 : vector<256x128xi1>, vector<256x128xi32>
    %gt3A_215 = arith.cmpf ogt, %select_n3A_202, %select_n3A_176 : vector<256x128xf32>
    %eq3A_216 = arith.cmpf oeq, %select_n3A_202, %select_n3A_176 : vector<256x128xf32>
    %lt3A_217 = arith.cmpi slt, %select_n3A_204, %select_n3A_178 : vector<256x128xi32>
    %and3A_218 = arith.andi %eq3A_216, %lt3A_217 : vector<256x128xi1>
    %or3A_219 = arith.ori %gt3A_215, %and3A_218 : vector<256x128xi1>
    %select_n3A_220 = arith.select %or3A_219, %select_n3A_202, %select_n3A_176 : vector<256x128xi1>, vector<256x128xf32>
    %select_n3A_221 = arith.select %or3A_219, %select_n3A_176, %select_n3A_202 : vector<256x128xi1>, vector<256x128xf32>
    %select_n3A_222 = arith.select %or3A_219, %select_n3A_204, %select_n3A_178 : vector<256x128xi1>, vector<256x128xi32>
    %select_n3A_223 = arith.select %or3A_219, %select_n3A_178, %select_n3A_204 : vector<256x128xi1>, vector<256x128xi32>
    %gt3A_224 = arith.cmpf ogt, %select_n3A_203, %select_n3A_167 : vector<256x128xf32>
    %eq3A_225 = arith.cmpf oeq, %select_n3A_203, %select_n3A_167 : vector<256x128xf32>
    %lt3A_226 = arith.cmpi slt, %select_n3A_205, %select_n3A_169 : vector<256x128xi32>
    %and3A_227 = arith.andi %eq3A_225, %lt3A_226 : vector<256x128xi1>
    %or3A_228 = arith.ori %gt3A_224, %and3A_227 : vector<256x128xi1>
    %select_n3A_229 = arith.select %or3A_228, %select_n3A_203, %select_n3A_167 : vector<256x128xi1>, vector<256x128xf32>
    %select_n3A_230 = arith.select %or3A_228, %select_n3A_167, %select_n3A_203 : vector<256x128xi1>, vector<256x128xf32>
    %select_n3A_231 = arith.select %or3A_228, %select_n3A_205, %select_n3A_169 : vector<256x128xi1>, vector<256x128xi32>
    %select_n3A_232 = arith.select %or3A_228, %select_n3A_169, %select_n3A_205 : vector<256x128xi1>, vector<256x128xi32>
    %gt3A_233 = arith.cmpf ogt, %get3A_43, %get3A_48 : vector<256x128xf32>
    %eq3A_234 = arith.cmpf oeq, %get3A_43, %get3A_48 : vector<256x128xf32>
    %lt3A_235 = arith.cmpi slt, %broadcast_in_dim3A_65, %broadcast_in_dim3A_67 : vector<256x128xi32>
    %and3A_236 = arith.andi %eq3A_234, %lt3A_235 : vector<256x128xi1>
    %or3A_237 = arith.ori %gt3A_233, %and3A_236 : vector<256x128xi1>
    %select_n3A_238 = arith.select %or3A_237, %get3A_43, %get3A_48 : vector<256x128xi1>, vector<256x128xf32>
    %select_n3A_239 = arith.select %or3A_237, %get3A_48, %get3A_43 : vector<256x128xi1>, vector<256x128xf32>
    %select_n3A_240 = arith.select %or3A_237, %broadcast_in_dim3A_65, %broadcast_in_dim3A_67 : vector<256x128xi1>, vector<256x128xi32>
    %select_n3A_241 = arith.select %or3A_237, %broadcast_in_dim3A_67, %broadcast_in_dim3A_65 : vector<256x128xi1>, vector<256x128xi32>
    %gt3A_242 = arith.cmpf ogt, %select_n3A_157, %select_n3A_238 : vector<256x128xf32>
    %eq3A_243 = arith.cmpf oeq, %select_n3A_157, %select_n3A_238 : vector<256x128xf32>
    %lt3A_244 = arith.cmpi slt, %select_n3A_159, %select_n3A_240 : vector<256x128xi32>
    %and3A_245 = arith.andi %eq3A_243, %lt3A_244 : vector<256x128xi1>
    %or3A_246 = arith.ori %gt3A_242, %and3A_245 : vector<256x128xi1>
    %select_n3A_247 = arith.select %or3A_246, %select_n3A_157, %select_n3A_238 : vector<256x128xi1>, vector<256x128xf32>
    %select_n3A_248 = arith.select %or3A_246, %select_n3A_238, %select_n3A_157 : vector<256x128xi1>, vector<256x128xf32>
    %select_n3A_249 = arith.select %or3A_246, %select_n3A_159, %select_n3A_240 : vector<256x128xi1>, vector<256x128xi32>
    %select_n3A_250 = arith.select %or3A_246, %select_n3A_240, %select_n3A_159 : vector<256x128xi1>, vector<256x128xi32>
    %gt3A_251 = arith.cmpf ogt, %select_n3A_221, %select_n3A_248 : vector<256x128xf32>
    %eq3A_252 = arith.cmpf oeq, %select_n3A_221, %select_n3A_248 : vector<256x128xf32>
    %lt3A_253 = arith.cmpi slt, %select_n3A_223, %select_n3A_250 : vector<256x128xi32>
    %and3A_254 = arith.andi %eq3A_252, %lt3A_253 : vector<256x128xi1>
    %or3A_255 = arith.ori %gt3A_251, %and3A_254 : vector<256x128xi1>
    %select_n3A_256 = arith.select %or3A_255, %select_n3A_221, %select_n3A_248 : vector<256x128xi1>, vector<256x128xf32>
    %select_n3A_257 = arith.select %or3A_255, %select_n3A_248, %select_n3A_221 : vector<256x128xi1>, vector<256x128xf32>
    %select_n3A_258 = arith.select %or3A_255, %select_n3A_223, %select_n3A_250 : vector<256x128xi1>, vector<256x128xi32>
    %select_n3A_259 = arith.select %or3A_255, %select_n3A_250, %select_n3A_223 : vector<256x128xi1>, vector<256x128xi32>
    %gt3A_260 = arith.cmpf ogt, %select_n3A_212, %select_n3A_256 : vector<256x128xf32>
    %eq3A_261 = arith.cmpf oeq, %select_n3A_212, %select_n3A_256 : vector<256x128xf32>
    %lt3A_262 = arith.cmpi slt, %select_n3A_214, %select_n3A_258 : vector<256x128xi32>
    %and3A_263 = arith.andi %eq3A_261, %lt3A_262 : vector<256x128xi1>
    %or3A_264 = arith.ori %gt3A_260, %and3A_263 : vector<256x128xi1>
    %select_n3A_265 = arith.select %or3A_264, %select_n3A_212, %select_n3A_256 : vector<256x128xi1>, vector<256x128xf32>
    %select_n3A_266 = arith.select %or3A_264, %select_n3A_256, %select_n3A_212 : vector<256x128xi1>, vector<256x128xf32>
    %select_n3A_267 = arith.select %or3A_264, %select_n3A_214, %select_n3A_258 : vector<256x128xi1>, vector<256x128xi32>
    %select_n3A_268 = arith.select %or3A_264, %select_n3A_258, %select_n3A_214 : vector<256x128xi1>, vector<256x128xi32>
    %gt3A_269 = arith.cmpf ogt, %select_n3A_230, %select_n3A_257 : vector<256x128xf32>
    %eq3A_270 = arith.cmpf oeq, %select_n3A_230, %select_n3A_257 : vector<256x128xf32>
    %lt3A_271 = arith.cmpi slt, %select_n3A_232, %select_n3A_259 : vector<256x128xi32>
    %and3A_272 = arith.andi %eq3A_270, %lt3A_271 : vector<256x128xi1>
    %or3A_273 = arith.ori %gt3A_269, %and3A_272 : vector<256x128xi1>
    %select_n3A_274 = arith.select %or3A_273, %select_n3A_230, %select_n3A_257 : vector<256x128xi1>, vector<256x128xf32>
    %select_n3A_275 = arith.select %or3A_273, %select_n3A_257, %select_n3A_230 : vector<256x128xi1>, vector<256x128xf32>
    %select_n3A_276 = arith.select %or3A_273, %select_n3A_232, %select_n3A_259 : vector<256x128xi1>, vector<256x128xi32>
    %select_n3A_277 = arith.select %or3A_273, %select_n3A_259, %select_n3A_232 : vector<256x128xi1>, vector<256x128xi32>
    %gt3A_278 = arith.cmpf ogt, %select_n3A_211, %select_n3A_239 : vector<256x128xf32>
    %eq3A_279 = arith.cmpf oeq, %select_n3A_211, %select_n3A_239 : vector<256x128xf32>
    %lt3A_280 = arith.cmpi slt, %select_n3A_213, %select_n3A_241 : vector<256x128xi32>
    %and3A_281 = arith.andi %eq3A_279, %lt3A_280 : vector<256x128xi1>
    %or3A_282 = arith.ori %gt3A_278, %and3A_281 : vector<256x128xi1>
    %select_n3A_283 = arith.select %or3A_282, %select_n3A_211, %select_n3A_239 : vector<256x128xi1>, vector<256x128xf32>
    %select_n3A_284 = arith.select %or3A_282, %select_n3A_239, %select_n3A_211 : vector<256x128xi1>, vector<256x128xf32>
    %select_n3A_285 = arith.select %or3A_282, %select_n3A_213, %select_n3A_241 : vector<256x128xi1>, vector<256x128xi32>
    %select_n3A_286 = arith.select %or3A_282, %select_n3A_241, %select_n3A_213 : vector<256x128xi1>, vector<256x128xi32>
    %gt3A_287 = arith.cmpf ogt, %select_n3A_229, %select_n3A_284 : vector<256x128xf32>
    %eq3A_288 = arith.cmpf oeq, %select_n3A_229, %select_n3A_284 : vector<256x128xf32>
    %lt3A_289 = arith.cmpi slt, %select_n3A_231, %select_n3A_286 : vector<256x128xi32>
    %and3A_290 = arith.andi %eq3A_288, %lt3A_289 : vector<256x128xi1>
    %or3A_291 = arith.ori %gt3A_287, %and3A_290 : vector<256x128xi1>
    %select_n3A_292 = arith.select %or3A_291, %select_n3A_229, %select_n3A_284 : vector<256x128xi1>, vector<256x128xf32>
    %select_n3A_293 = arith.select %or3A_291, %select_n3A_284, %select_n3A_229 : vector<256x128xi1>, vector<256x128xf32>
    %select_n3A_294 = arith.select %or3A_291, %select_n3A_231, %select_n3A_286 : vector<256x128xi1>, vector<256x128xi32>
    %select_n3A_295 = arith.select %or3A_291, %select_n3A_286, %select_n3A_231 : vector<256x128xi1>, vector<256x128xi32>
    %gt3A_296 = arith.cmpf ogt, %select_n3A_220, %select_n3A_292 : vector<256x128xf32>
    %eq3A_297 = arith.cmpf oeq, %select_n3A_220, %select_n3A_292 : vector<256x128xf32>
    %lt3A_298 = arith.cmpi slt, %select_n3A_222, %select_n3A_294 : vector<256x128xi32>
    %and3A_299 = arith.andi %eq3A_297, %lt3A_298 : vector<256x128xi1>
    %or3A_300 = arith.ori %gt3A_296, %and3A_299 : vector<256x128xi1>
    %select_n3A_301 = arith.select %or3A_300, %select_n3A_220, %select_n3A_292 : vector<256x128xi1>, vector<256x128xf32>
    %select_n3A_302 = arith.select %or3A_300, %select_n3A_292, %select_n3A_220 : vector<256x128xi1>, vector<256x128xf32>
    %select_n3A_303 = arith.select %or3A_300, %select_n3A_222, %select_n3A_294 : vector<256x128xi1>, vector<256x128xi32>
    %select_n3A_304 = arith.select %or3A_300, %select_n3A_294, %select_n3A_222 : vector<256x128xi1>, vector<256x128xi32>
    %gt3A_305 = arith.cmpf ogt, %select_n3A_194, %select_n3A_293 : vector<256x128xf32>
    %eq3A_306 = arith.cmpf oeq, %select_n3A_194, %select_n3A_293 : vector<256x128xf32>
    %lt3A_307 = arith.cmpi slt, %select_n3A_196, %select_n3A_295 : vector<256x128xi32>
    %and3A_308 = arith.andi %eq3A_306, %lt3A_307 : vector<256x128xi1>
    %or3A_309 = arith.ori %gt3A_305, %and3A_308 : vector<256x128xi1>
    %select_n3A_310 = arith.select %or3A_309, %select_n3A_194, %select_n3A_293 : vector<256x128xi1>, vector<256x128xf32>
    %select_n3A_311 = arith.select %or3A_309, %select_n3A_293, %select_n3A_194 : vector<256x128xi1>, vector<256x128xf32>
    %select_n3A_312 = arith.select %or3A_309, %select_n3A_196, %select_n3A_295 : vector<256x128xi1>, vector<256x128xi32>
    %gt3A_313 = arith.cmpf ogt, %select_n3A_283, %select_n3A_265 : vector<256x128xf32>
    %eq3A_314 = arith.cmpf oeq, %select_n3A_283, %select_n3A_265 : vector<256x128xf32>
    %lt3A_315 = arith.cmpi slt, %select_n3A_285, %select_n3A_267 : vector<256x128xi32>
    %and3A_316 = arith.andi %eq3A_314, %lt3A_315 : vector<256x128xi1>
    %or3A_317 = arith.ori %gt3A_313, %and3A_316 : vector<256x128xi1>
    %select_n3A_318 = arith.select %or3A_317, %select_n3A_283, %select_n3A_265 : vector<256x128xi1>, vector<256x128xf32>
    %select_n3A_319 = arith.select %or3A_317, %select_n3A_265, %select_n3A_283 : vector<256x128xi1>, vector<256x128xf32>
    %select_n3A_320 = arith.select %or3A_317, %select_n3A_285, %select_n3A_267 : vector<256x128xi1>, vector<256x128xi32>
    %select_n3A_321 = arith.select %or3A_317, %select_n3A_267, %select_n3A_285 : vector<256x128xi1>, vector<256x128xi32>
    %gt3A_322 = arith.cmpf ogt, %select_n3A_301, %select_n3A_266 : vector<256x128xf32>
    %eq3A_323 = arith.cmpf oeq, %select_n3A_301, %select_n3A_266 : vector<256x128xf32>
    %lt3A_324 = arith.cmpi slt, %select_n3A_303, %select_n3A_268 : vector<256x128xi32>
    %and3A_325 = arith.andi %eq3A_323, %lt3A_324 : vector<256x128xi1>
    %or3A_326 = arith.ori %gt3A_322, %and3A_325 : vector<256x128xi1>
    %select_n3A_327 = arith.select %or3A_326, %select_n3A_301, %select_n3A_266 : vector<256x128xi1>, vector<256x128xf32>
    %select_n3A_328 = arith.select %or3A_326, %select_n3A_266, %select_n3A_301 : vector<256x128xi1>, vector<256x128xf32>
    %select_n3A_329 = arith.select %or3A_326, %select_n3A_303, %select_n3A_268 : vector<256x128xi1>, vector<256x128xi32>
    %select_n3A_330 = arith.select %or3A_326, %select_n3A_268, %select_n3A_303 : vector<256x128xi1>, vector<256x128xi32>
    %gt3A_331 = arith.cmpf ogt, %select_n3A_302, %select_n3A_274 : vector<256x128xf32>
    %eq3A_332 = arith.cmpf oeq, %select_n3A_302, %select_n3A_274 : vector<256x128xf32>
    %lt3A_333 = arith.cmpi slt, %select_n3A_304, %select_n3A_276 : vector<256x128xi32>
    %and3A_334 = arith.andi %eq3A_332, %lt3A_333 : vector<256x128xi1>
    %or3A_335 = arith.ori %gt3A_331, %and3A_334 : vector<256x128xi1>
    %select_n3A_336 = arith.select %or3A_335, %select_n3A_302, %select_n3A_274 : vector<256x128xi1>, vector<256x128xf32>
    %select_n3A_337 = arith.select %or3A_335, %select_n3A_274, %select_n3A_302 : vector<256x128xi1>, vector<256x128xf32>
    %select_n3A_338 = arith.select %or3A_335, %select_n3A_304, %select_n3A_276 : vector<256x128xi1>, vector<256x128xi32>
    %select_n3A_339 = arith.select %or3A_335, %select_n3A_276, %select_n3A_304 : vector<256x128xi1>, vector<256x128xi32>
    %gt3A_340 = arith.cmpf ogt, %select_n3A_310, %select_n3A_275 : vector<256x128xf32>
    %eq3A_341 = arith.cmpf oeq, %select_n3A_310, %select_n3A_275 : vector<256x128xf32>
    %lt3A_342 = arith.cmpi slt, %select_n3A_312, %select_n3A_277 : vector<256x128xi32>
    %and3A_343 = arith.andi %eq3A_341, %lt3A_342 : vector<256x128xi1>
    %or3A_344 = arith.ori %gt3A_340, %and3A_343 : vector<256x128xi1>
    %select_n3A_345 = arith.select %or3A_344, %select_n3A_310, %select_n3A_275 : vector<256x128xi1>, vector<256x128xf32>
    %select_n3A_346 = arith.select %or3A_344, %select_n3A_275, %select_n3A_310 : vector<256x128xi1>, vector<256x128xf32>
    %select_n3A_347 = arith.select %or3A_344, %select_n3A_312, %select_n3A_277 : vector<256x128xi1>, vector<256x128xi32>
    %select_n3A_348 = arith.select %or3A_344, %select_n3A_277, %select_n3A_312 : vector<256x128xi1>, vector<256x128xi32>
    %broadcast_in_dim3A_349 = arith.constant 0 : i32
    %broadcast_in_dim3A_350 = vector.broadcast %broadcast_in_dim3A_349 : i32 to vector<256x128xi32>
    %add3A = arith.addi %broadcast_in_dim3A_350, %select_n3A_249 : vector<256x128xi32>
    %sub3A = arith.constant 9 : i32
    %sub3A_351 = vector.broadcast %sub3A : i32 to vector<256x128xi32>
    %sub3A_352 = arith.subi %add3A, %sub3A_351 : vector<256x128xi32>
    %swap3A = arith.constant 0 : index
    %swap3A_353 = arith.constant 0 : index
    %swap3A_354 = arith.constant 0 : index
    %swap3A_355 = vector.load %arg2[%swap3A, %swap3A_353, %swap3A_354] : memref<9x256x128xi32, #tpu.memory_space<vmem>>, vector<1x256x128xi32>
    %swap3A_356 = vector.shape_cast %swap3A_355 : vector<1x256x128xi32> to vector<256x128xi32>
    %swap3A_357 = vector.shape_cast %sub3A_352 : vector<256x128xi32> to vector<1x256x128xi32>
    tpu.vector_store %arg2[%swap3A, %swap3A_353, %swap3A_354], %swap3A_357 {strides = array<i32>} : memref<9x256x128xi32, #tpu.memory_space<vmem>>, vector<1x256x128xi32>,
    %sub3A_358 = arith.subf %select_n3A_247, %select_n3A_318 : vector<256x128xf32>
    %swap3A_359 = arith.constant 0 : index
    %swap3A_360 = arith.constant 0 : index
    %swap3A_361 = arith.constant 0 : index
    %swap3A_362 = vector.load %arg3[%swap3A_359, %swap3A_360, %swap3A_361] : memref<10x256x128xf32, #tpu.memory_space<vmem>>, vector<1x256x128xf32>
    %swap3A_363 = vector.shape_cast %swap3A_362 : vector<1x256x128xf32> to vector<256x128xf32>
    %swap3A_364 = vector.shape_cast %sub3A_358 : vector<256x128xf32> to vector<1x256x128xf32>
    tpu.vector_store %arg3[%swap3A_359, %swap3A_360, %swap3A_361], %swap3A_364 {strides = array<i32>} : memref<10x256x128xf32, #tpu.memory_space<vmem>>, vector<1x256x128xf32>,
    %add3A_365 = arith.addi %add3A, %select_n3A_320 : vector<256x128xi32>
    %sub3A_366 = arith.constant 9 : i32
    %sub3A_367 = vector.broadcast %sub3A_366 : i32 to vector<256x128xi32>
    %sub3A_368 = arith.subi %add3A_365, %sub3A_367 : vector<256x128xi32>
    %swap3A_369 = arith.constant 1 : index
    %swap3A_370 = arith.constant 0 : index
    %swap3A_371 = arith.constant 0 : index
    %swap3A_372 = vector.load %arg2[%swap3A_369, %swap3A_370, %swap3A_371] : memref<9x256x128xi32, #tpu.memory_space<vmem>>, vector<1x256x128xi32>
    %swap3A_373 = vector.shape_cast %swap3A_372 : vector<1x256x128xi32> to vector<256x128xi32>
    %swap3A_374 = vector.shape_cast %sub3A_368 : vector<256x128xi32> to vector<1x256x128xi32>
    tpu.vector_store %arg2[%swap3A_369, %swap3A_370, %swap3A_371], %swap3A_374 {strides = array<i32>} : memref<9x256x128xi32, #tpu.memory_space<vmem>>, vector<1x256x128xi32>,
    %sub3A_375 = arith.subf %select_n3A_318, %select_n3A_319 : vector<256x128xf32>
    %swap3A_376 = arith.constant 1 : index
    %swap3A_377 = arith.constant 0 : index
    %swap3A_378 = arith.constant 0 : index
    %swap3A_379 = vector.load %arg3[%swap3A_376, %swap3A_377, %swap3A_378] : memref<10x256x128xf32, #tpu.memory_space<vmem>>, vector<1x256x128xf32>
    %swap3A_380 = vector.shape_cast %swap3A_379 : vector<1x256x128xf32> to vector<256x128xf32>
    %swap3A_381 = vector.shape_cast %sub3A_375 : vector<256x128xf32> to vector<1x256x128xf32>
    tpu.vector_store %arg3[%swap3A_376, %swap3A_377, %swap3A_378], %swap3A_381 {strides = array<i32>} : memref<10x256x128xf32, #tpu.memory_space<vmem>>, vector<1x256x128xf32>,
    %add3A_382 = arith.addi %add3A_365, %select_n3A_321 : vector<256x128xi32>
    %sub3A_383 = arith.constant 9 : i32
    %sub3A_384 = vector.broadcast %sub3A_383 : i32 to vector<256x128xi32>
    %sub3A_385 = arith.subi %add3A_382, %sub3A_384 : vector<256x128xi32>
    %swap3A_386 = arith.constant 2 : index
    %swap3A_387 = arith.constant 0 : index
    %swap3A_388 = arith.constant 0 : index
    %swap3A_389 = vector.load %arg2[%swap3A_386, %swap3A_387, %swap3A_388] : memref<9x256x128xi32, #tpu.memory_space<vmem>>, vector<1x256x128xi32>
    %swap3A_390 = vector.shape_cast %swap3A_389 : vector<1x256x128xi32> to vector<256x128xi32>
    %swap3A_391 = vector.shape_cast %sub3A_385 : vector<256x128xi32> to vector<1x256x128xi32>
    tpu.vector_store %arg2[%swap3A_386, %swap3A_387, %swap3A_388], %swap3A_391 {strides = array<i32>} : memref<9x256x128xi32, #tpu.memory_space<vmem>>, vector<1x256x128xi32>,
    %sub3A_392 = arith.subf %select_n3A_319, %select_n3A_327 : vector<256x128xf32>
    %swap3A_393 = arith.constant 2 : index
    %swap3A_394 = arith.constant 0 : index
    %swap3A_395 = arith.constant 0 : index
    %swap3A_396 = vector.load %arg3[%swap3A_393, %swap3A_394, %swap3A_395] : memref<10x256x128xf32, #tpu.memory_space<vmem>>, vector<1x256x128xf32>
    %swap3A_397 = vector.shape_cast %swap3A_396 : vector<1x256x128xf32> to vector<256x128xf32>
    %swap3A_398 = vector.shape_cast %sub3A_392 : vector<256x128xf32> to vector<1x256x128xf32>
    tpu.vector_store %arg3[%swap3A_393, %swap3A_394, %swap3A_395], %swap3A_398 {strides = array<i32>} : memref<10x256x128xf32, #tpu.memory_space<vmem>>, vector<1x256x128xf32>,
    %add3A_399 = arith.addi %add3A_382, %select_n3A_329 : vector<256x128xi32>
    %sub3A_400 = arith.constant 9 : i32
    %sub3A_401 = vector.broadcast %sub3A_400 : i32 to vector<256x128xi32>
    %sub3A_402 = arith.subi %add3A_399, %sub3A_401 : vector<256x128xi32>
    %swap3A_403 = arith.constant 3 : index
    %swap3A_404 = arith.constant 0 : index
    %swap3A_405 = arith.constant 0 : index
    %swap3A_406 = vector.load %arg2[%swap3A_403, %swap3A_404, %swap3A_405] : memref<9x256x128xi32, #tpu.memory_space<vmem>>, vector<1x256x128xi32>
    %swap3A_407 = vector.shape_cast %swap3A_406 : vector<1x256x128xi32> to vector<256x128xi32>
    %swap3A_408 = vector.shape_cast %sub3A_402 : vector<256x128xi32> to vector<1x256x128xi32>
    tpu.vector_store %arg2[%swap3A_403, %swap3A_404, %swap3A_405], %swap3A_408 {strides = array<i32>} : memref<9x256x128xi32, #tpu.memory_space<vmem>>, vector<1x256x128xi32>,
    %sub3A_409 = arith.subf %select_n3A_327, %select_n3A_328 : vector<256x128xf32>
    %swap3A_410 = arith.constant 3 : index
    %swap3A_411 = arith.constant 0 : index
    %swap3A_412 = arith.constant 0 : index
    %swap3A_413 = vector.load %arg3[%swap3A_410, %swap3A_411, %swap3A_412] : memref<10x256x128xf32, #tpu.memory_space<vmem>>, vector<1x256x128xf32>
    %swap3A_414 = vector.shape_cast %swap3A_413 : vector<1x256x128xf32> to vector<256x128xf32>
    %swap3A_415 = vector.shape_cast %sub3A_409 : vector<256x128xf32> to vector<1x256x128xf32>
    tpu.vector_store %arg3[%swap3A_410, %swap3A_411, %swap3A_412], %swap3A_415 {strides = array<i32>} : memref<10x256x128xf32, #tpu.memory_space<vmem>>, vector<1x256x128xf32>,
    %add3A_416 = arith.addi %add3A_399, %select_n3A_330 : vector<256x128xi32>
    %sub3A_417 = arith.constant 9 : i32
    %sub3A_418 = vector.broadcast %sub3A_417 : i32 to vector<256x128xi32>
    %sub3A_419 = arith.subi %add3A_416, %sub3A_418 : vector<256x128xi32>
    %swap3A_420 = arith.constant 4 : index
    %swap3A_421 = arith.constant 0 : index
    %swap3A_422 = arith.constant 0 : index
    %swap3A_423 = vector.load %arg2[%swap3A_420, %swap3A_421, %swap3A_422] : memref<9x256x128xi32, #tpu.memory_space<vmem>>, vector<1x256x128xi32>
    %swap3A_424 = vector.shape_cast %swap3A_423 : vector<1x256x128xi32> to vector<256x128xi32>
    %swap3A_425 = vector.shape_cast %sub3A_419 : vector<256x128xi32> to vector<1x256x128xi32>
    tpu.vector_store %arg2[%swap3A_420, %swap3A_421, %swap3A_422], %swap3A_425 {strides = array<i32>} : memref<9x256x128xi32, #tpu.memory_space<vmem>>, vector<1x256x128xi32>,
    %sub3A_426 = arith.subf %select_n3A_328, %select_n3A_336 : vector<256x128xf32>
    %swap3A_427 = arith.constant 4 : index
    %swap3A_428 = arith.constant 0 : index
    %swap3A_429 = arith.constant 0 : index
    %swap3A_430 = vector.load %arg3[%swap3A_427, %swap3A_428, %swap3A_429] : memref<10x256x128xf32, #tpu.memory_space<vmem>>, vector<1x256x128xf32>
    %swap3A_431 = vector.shape_cast %swap3A_430 : vector<1x256x128xf32> to vector<256x128xf32>
    %swap3A_432 = vector.shape_cast %sub3A_426 : vector<256x128xf32> to vector<1x256x128xf32>
    tpu.vector_store %arg3[%swap3A_427, %swap3A_428, %swap3A_429], %swap3A_432 {strides = array<i32>} : memref<10x256x128xf32, #tpu.memory_space<vmem>>, vector<1x256x128xf32>,
    %add3A_433 = arith.addi %add3A_416, %select_n3A_338 : vector<256x128xi32>
    %sub3A_434 = arith.constant 9 : i32
    %sub3A_435 = vector.broadcast %sub3A_434 : i32 to vector<256x128xi32>
    %sub3A_436 = arith.subi %add3A_433, %sub3A_435 : vector<256x128xi32>
    %swap3A_437 = arith.constant 5 : index
    %swap3A_438 = arith.constant 0 : index
    %swap3A_439 = arith.constant 0 : index
    %swap3A_440 = vector.load %arg2[%swap3A_437, %swap3A_438, %swap3A_439] : memref<9x256x128xi32, #tpu.memory_space<vmem>>, vector<1x256x128xi32>
    %swap3A_441 = vector.shape_cast %swap3A_440 : vector<1x256x128xi32> to vector<256x128xi32>
    %swap3A_442 = vector.shape_cast %sub3A_436 : vector<256x128xi32> to vector<1x256x128xi32>
    tpu.vector_store %arg2[%swap3A_437, %swap3A_438, %swap3A_439], %swap3A_442 {strides = array<i32>} : memref<9x256x128xi32, #tpu.memory_space<vmem>>, vector<1x256x128xi32>,
    %sub3A_443 = arith.subf %select_n3A_336, %select_n3A_337 : vector<256x128xf32>
    %swap3A_444 = arith.constant 5 : index
    %swap3A_445 = arith.constant 0 : index
    %swap3A_446 = arith.constant 0 : index
    %swap3A_447 = vector.load %arg3[%swap3A_444, %swap3A_445, %swap3A_446] : memref<10x256x128xf32, #tpu.memory_space<vmem>>, vector<1x256x128xf32>
    %swap3A_448 = vector.shape_cast %swap3A_447 : vector<1x256x128xf32> to vector<256x128xf32>
    %swap3A_449 = vector.shape_cast %sub3A_443 : vector<256x128xf32> to vector<1x256x128xf32>
    tpu.vector_store %arg3[%swap3A_444, %swap3A_445, %swap3A_446], %swap3A_449 {strides = array<i32>} : memref<10x256x128xf32, #tpu.memory_space<vmem>>, vector<1x256x128xf32>,
    %add3A_450 = arith.addi %add3A_433, %select_n3A_339 : vector<256x128xi32>
    %sub3A_451 = arith.constant 9 : i32
    %sub3A_452 = vector.broadcast %sub3A_451 : i32 to vector<256x128xi32>
    %sub3A_453 = arith.subi %add3A_450, %sub3A_452 : vector<256x128xi32>
    %swap3A_454 = arith.constant 6 : index
    %swap3A_455 = arith.constant 0 : index
    %swap3A_456 = arith.constant 0 : index
    %swap3A_457 = vector.load %arg2[%swap3A_454, %swap3A_455, %swap3A_456] : memref<9x256x128xi32, #tpu.memory_space<vmem>>, vector<1x256x128xi32>
    %swap3A_458 = vector.shape_cast %swap3A_457 : vector<1x256x128xi32> to vector<256x128xi32>
    %swap3A_459 = vector.shape_cast %sub3A_453 : vector<256x128xi32> to vector<1x256x128xi32>
    tpu.vector_store %arg2[%swap3A_454, %swap3A_455, %swap3A_456], %swap3A_459 {strides = array<i32>} : memref<9x256x128xi32, #tpu.memory_space<vmem>>, vector<1x256x128xi32>,
    %sub3A_460 = arith.subf %select_n3A_337, %select_n3A_345 : vector<256x128xf32>
    %swap3A_461 = arith.constant 6 : index
    %swap3A_462 = arith.constant 0 : index
    %swap3A_463 = arith.constant 0 : index
    %swap3A_464 = vector.load %arg3[%swap3A_461, %swap3A_462, %swap3A_463] : memref<10x256x128xf32, #tpu.memory_space<vmem>>, vector<1x256x128xf32>
    %swap3A_465 = vector.shape_cast %swap3A_464 : vector<1x256x128xf32> to vector<256x128xf32>
    %swap3A_466 = vector.shape_cast %sub3A_460 : vector<256x128xf32> to vector<1x256x128xf32>
    tpu.vector_store %arg3[%swap3A_461, %swap3A_462, %swap3A_463], %swap3A_466 {strides = array<i32>} : memref<10x256x128xf32, #tpu.memory_space<vmem>>, vector<1x256x128xf32>,
    %add3A_467 = arith.addi %add3A_450, %select_n3A_347 : vector<256x128xi32>
    %sub3A_468 = arith.constant 9 : i32
    %sub3A_469 = vector.broadcast %sub3A_468 : i32 to vector<256x128xi32>
    %sub3A_470 = arith.subi %add3A_467, %sub3A_469 : vector<256x128xi32>
    %swap3A_471 = arith.constant 7 : index
    %swap3A_472 = arith.constant 0 : index
    %swap3A_473 = arith.constant 0 : index
    %swap3A_474 = vector.load %arg2[%swap3A_471, %swap3A_472, %swap3A_473] : memref<9x256x128xi32, #tpu.memory_space<vmem>>, vector<1x256x128xi32>
    %swap3A_475 = vector.shape_cast %swap3A_474 : vector<1x256x128xi32> to vector<256x128xi32>
    %swap3A_476 = vector.shape_cast %sub3A_470 : vector<256x128xi32> to vector<1x256x128xi32>
    tpu.vector_store %arg2[%swap3A_471, %swap3A_472, %swap3A_473], %swap3A_476 {strides = array<i32>} : memref<9x256x128xi32, #tpu.memory_space<vmem>>, vector<1x256x128xi32>,
    %sub3A_477 = arith.subf %select_n3A_345, %select_n3A_346 : vector<256x128xf32>
    %swap3A_478 = arith.constant 7 : index
    %swap3A_479 = arith.constant 0 : index
    %swap3A_480 = arith.constant 0 : index
    %swap3A_481 = vector.load %arg3[%swap3A_478, %swap3A_479, %swap3A_480] : memref<10x256x128xf32, #tpu.memory_space<vmem>>, vector<1x256x128xf32>
    %swap3A_482 = vector.shape_cast %swap3A_481 : vector<1x256x128xf32> to vector<256x128xf32>
    %swap3A_483 = vector.shape_cast %sub3A_477 : vector<256x128xf32> to vector<1x256x128xf32>
    tpu.vector_store %arg3[%swap3A_478, %swap3A_479, %swap3A_480], %swap3A_483 {strides = array<i32>} : memref<10x256x128xf32, #tpu.memory_space<vmem>>, vector<1x256x128xf32>,
    %add3A_484 = arith.addi %add3A_467, %select_n3A_348 : vector<256x128xi32>
    %sub3A_485 = arith.constant 9 : i32
    %sub3A_486 = vector.broadcast %sub3A_485 : i32 to vector<256x128xi32>
    %sub3A_487 = arith.subi %add3A_484, %sub3A_486 : vector<256x128xi32>
    %swap3A_488 = arith.constant 8 : index
    %swap3A_489 = arith.constant 0 : index
    %swap3A_490 = arith.constant 0 : index
    %swap3A_491 = vector.load %arg2[%swap3A_488, %swap3A_489, %swap3A_490] : memref<9x256x128xi32, #tpu.memory_space<vmem>>, vector<1x256x128xi32>
    %swap3A_492 = vector.shape_cast %swap3A_491 : vector<1x256x128xi32> to vector<256x128xi32>
    %swap3A_493 = vector.shape_cast %sub3A_487 : vector<256x128xi32> to vector<1x256x128xi32>
    tpu.vector_store %arg2[%swap3A_488, %swap3A_489, %swap3A_490], %swap3A_493 {strides = array<i32>} : memref<9x256x128xi32, #tpu.memory_space<vmem>>, vector<1x256x128xi32>,
    %sub3A_494 = arith.subf %select_n3A_346, %select_n3A_311 : vector<256x128xf32>
    %swap3A_495 = arith.constant 8 : index
    %swap3A_496 = arith.constant 0 : index
    %swap3A_497 = arith.constant 0 : index
    %swap3A_498 = vector.load %arg3[%swap3A_495, %swap3A_496, %swap3A_497] : memref<10x256x128xf32, #tpu.memory_space<vmem>>, vector<1x256x128xf32>
    %swap3A_499 = vector.shape_cast %swap3A_498 : vector<1x256x128xf32> to vector<256x128xf32>
    %swap3A_500 = vector.shape_cast %sub3A_494 : vector<256x128xf32> to vector<1x256x128xf32>
    tpu.vector_store %arg3[%swap3A_495, %swap3A_496, %swap3A_497], %swap3A_500 {strides = array<i32>} : memref<10x256x128xf32, #tpu.memory_space<vmem>>, vector<1x256x128xf32>,
    %sub3A_501 = arith.constant 0.000000e+00 : f32
    %sub3A_502 = vector.broadcast %sub3A_501 : f32 to vector<256x128xf32>
    %sub3A_503 = arith.subf %select_n3A_311, %sub3A_502 : vector<256x128xf32>
    %swap3A_504 = arith.constant 9 : index
    %swap3A_505 = arith.constant 0 : index
    %swap3A_506 = arith.constant 0 : index
    %swap3A_507 = vector.load %arg3[%swap3A_504, %swap3A_505, %swap3A_506] : memref<10x256x128xf32, #tpu.memory_space<vmem>>, vector<1x256x128xf32>
    %swap3A_508 = vector.shape_cast %swap3A_507 : vector<1x256x128xf32> to vector<256x128xf32>
    %swap3A_509 = vector.shape_cast %sub3A_503 : vector<256x128xf32> to vector<1x256x128xf32>
    tpu.vector_store %arg3[%swap3A_504, %swap3A_505, %swap3A_506], %swap3A_509 {strides = array<i32>} : memref<10x256x128xf32, #tpu.memory_space<vmem>>, vector<1x256x128xf32>,
    return
  }
  func.func @transform_0(%arg0: i32) -> (i32, i32, i32) {
    %c0_i32 = arith.constant 0 : i32
    %c0_i32_0 = arith.constant 0 : i32
    %c0_i32_1 = arith.constant 0 : i32
    return %c0_i32, %arg0, %c0_i32_0 : i32, i32, i32
  }
  func.func @transform_1(%arg0: i32) -> (i32, i32, i32) {
    %c0_i32 = arith.constant 0 : i32
    %c0_i32_0 = arith.constant 0 : i32
    %c0_i32_1 = arith.constant 0 : i32
    return %c0_i32, %arg0, %c0_i32_0 : i32, i32, i32
  }
  func.func @transform_2(%arg0: i32) -> (i32, i32, i32) {
    %c0_i32 = arith.constant 0 : i32
    %c0_i32_0 = arith.constant 0 : i32
    %c0_i32_1 = arith.constant 0 : i32
    return %c0_i32, %arg0, %c0_i32_0 : i32, i32, i32
  }
}

module attributes {stable_mosaic.version = 14 : i64} {
  func.func @_ln_body(%arg0: i32, %arg1: memref<8x512x128xf32, #tpu.memory_space<vmem>>, %arg2: memref<8x128xf32, #tpu.memory_space<vmem>>, %arg3: memref<8x128xf32, #tpu.memory_space<vmem>>, %arg4: memref<1xf32, #tpu.memory_space<vmem>>, %arg5: memref<512x8x128xf32, #tpu.memory_space<vmem>>) attributes {dimension_semantics = [#tpu.dimension_semantics<arbitrary>], iteration_bounds = array<i64: 8>, scalar_prefetch = 0 : i64, scratch_operands = 0 : i64, tpu.core_type = #tpu.core_type<tc>, window_params = [{transform_indices = @transform_0, window_bounds = array<i64: 8, 512, 128>}, {pipeline_mode = #tpu.pipeline_mode<synchronous>, transform_indices = @transform_1, window_bounds = array<i64: 8, 128>}, {pipeline_mode = #tpu.pipeline_mode<synchronous>, transform_indices = @transform_2, window_bounds = array<i64: 8, 128>}, {pipeline_mode = #tpu.pipeline_mode<synchronous>, transform_indices = @transform_3, window_bounds = array<i64: 1>}, {transform_indices = @transform_4, window_bounds = array<i64: 512, 8, 128>}]} {
    %get3A = arith.constant 0 : index
    %get3A_0 = arith.constant 0 : index
    %get3A_1 = arith.constant 0 : index
    %get3A_2 = vector.load %arg1[%get3A, %get3A_0, %get3A_1] : memref<8x512x128xf32, #tpu.memory_space<vmem>>, vector<8x512x128xf32>
    %reduce_sum3A = arith.constant dense<0.000000e+00> : vector<512xf32>
    %reduce_sum3A_3 = vector.multi_reduction <add>, %get3A_2, %reduce_sum3A [0, 2] : vector<8x512x128xf32> to vector<512xf32>
    %broadcast_in_dim3A = vector.shape_cast %reduce_sum3A_3 : vector<512xf32> to vector<1x512x1xf32>
    %div3A = arith.constant 1.024000e+03 : f32
    %div3A_4 = vector.broadcast %div3A : f32 to vector<1x512x1xf32>
    %div3A_5 = arith.divf %broadcast_in_dim3A, %div3A_4 : vector<1x512x1xf32>
    %sub3A = vector.broadcast %div3A_5 : vector<1x512x1xf32> to vector<8x512x128xf32>
    %sub3A_6 = arith.subf %get3A_2, %sub3A : vector<8x512x128xf32>
    %integer_pow3A = arith.mulf %sub3A_6, %sub3A_6 : vector<8x512x128xf32>
    %reduce_sum3A_7 = arith.constant dense<0.000000e+00> : vector<512xf32>
    %reduce_sum3A_8 = vector.multi_reduction <add>, %integer_pow3A, %reduce_sum3A_7 [0, 2] : vector<8x512x128xf32> to vector<512xf32>
    %broadcast_in_dim3A_9 = vector.shape_cast %reduce_sum3A_8 : vector<512xf32> to vector<1x512x1xf32>
    %div3A_10 = arith.constant 1.024000e+03 : f32
    %div3A_11 = vector.broadcast %div3A_10 : f32 to vector<1x512x1xf32>
    %div3A_12 = arith.divf %broadcast_in_dim3A_9, %div3A_11 : vector<1x512x1xf32>
    %sub3A_13 = vector.broadcast %div3A_5 : vector<1x512x1xf32> to vector<8x512x128xf32>
    %sub3A_14 = arith.subf %get3A_2, %sub3A_13 : vector<8x512x128xf32>
    %add3A = arith.constant 9.99999974E-6 : f32
    %add3A_15 = vector.broadcast %add3A : f32 to vector<1x512x1xf32>
    %add3A_16 = arith.addf %div3A_12, %add3A_15 : vector<1x512x1xf32>
    %rsqrt3A = math.rsqrt %add3A_16 : vector<1x512x1xf32>
    %mul3A = vector.broadcast %rsqrt3A : vector<1x512x1xf32> to vector<8x512x128xf32>
    %mul3A_17 = arith.mulf %sub3A_14, %mul3A : vector<8x512x128xf32>
    %get3A_18 = arith.constant 0 : index
    %get3A_19 = arith.constant 0 : index
    %get3A_20 = vector.load %arg2[%get3A_18, %get3A_19] : memref<8x128xf32, #tpu.memory_space<vmem>>, vector<8x128xf32>
    %broadcast_in_dim3A_21 = vector.shape_cast %get3A_20 : vector<8x128xf32> to vector<8x1x128xf32>
    %mul3A_22 = vector.broadcast %broadcast_in_dim3A_21 : vector<8x1x128xf32> to vector<8x512x128xf32>
    %mul3A_23 = arith.mulf %mul3A_17, %mul3A_22 : vector<8x512x128xf32>
    %get3A_24 = arith.constant 0 : index
    %get3A_25 = arith.constant 0 : index
    %get3A_26 = vector.load %arg3[%get3A_24, %get3A_25] : memref<8x128xf32, #tpu.memory_space<vmem>>, vector<8x128xf32>
    %broadcast_in_dim3A_27 = vector.shape_cast %get3A_26 : vector<8x128xf32> to vector<8x1x128xf32>
    %add3A_28 = vector.broadcast %broadcast_in_dim3A_27 : vector<8x1x128xf32> to vector<8x512x128xf32>
    %add3A_29 = arith.addf %mul3A_23, %add3A_28 : vector<8x512x128xf32>
    %get3A_30 = arith.constant 0 : index
    %get3A_31 = vector.load %arg4[%get3A_30] : memref<1xf32, #tpu.memory_space<vmem>>, vector<1xf32>
    %get3A_32 = vector.extract %get3A_31[0] : f32 from vector<1xf32>
    %ge3A = arith.constant 0.000000e+00 : f32
    %ge3A_33 = vector.broadcast %ge3A : f32 to vector<8x512x128xf32>
    %ge3A_34 = arith.cmpf oge, %add3A_29, %ge3A_33 : vector<8x512x128xf32>
    %mul3A_35 = vector.broadcast %get3A_32 : f32 to vector<8x512x128xf32>
    %mul3A_36 = arith.mulf %mul3A_35, %add3A_29 : vector<8x512x128xf32>
    %select_n3A = arith.select %ge3A_34, %add3A_29, %mul3A_36 : vector<8x512x128xi1>, vector<8x512x128xf32>
    %transpose3A = tpu.transpose %select_n3A, [1, 0, 2] : vector<8x512x128xf32> -> vector<512x8x128xf32>
    %swap3A = arith.constant 0 : index
    %swap3A_37 = arith.constant 0 : index
    %swap3A_38 = arith.constant 0 : index
    %swap3A_39 = vector.load %arg5[%swap3A, %swap3A_37, %swap3A_38] : memref<512x8x128xf32, #tpu.memory_space<vmem>>, vector<512x8x128xf32>
    tpu.vector_store %arg5[%swap3A, %swap3A_37, %swap3A_38], %transpose3A {strides = array<i32>} : memref<512x8x128xf32, #tpu.memory_space<vmem>>, vector<512x8x128xf32>,
    return
  }
  func.func @transform_0(%arg0: i32) -> (i32, i32, i32) {
    %c0_i32 = arith.constant 0 : i32
    %c0_i32_0 = arith.constant 0 : i32
    %c0_i32_1 = arith.constant 0 : i32
    return %c0_i32, %arg0, %c0_i32_0 : i32, i32, i32
  }
  func.func @transform_1(%arg0: i32) -> (i32, i32) {
    %c0_i32 = arith.constant 0 : i32
    %c0_i32_0 = arith.constant 0 : i32
    %c0_i32_1 = arith.constant 0 : i32
    return %c0_i32, %c0_i32_0 : i32, i32
  }
  func.func @transform_2(%arg0: i32) -> (i32, i32) {
    %c0_i32 = arith.constant 0 : i32
    %c0_i32_0 = arith.constant 0 : i32
    %c0_i32_1 = arith.constant 0 : i32
    return %c0_i32, %c0_i32_0 : i32, i32
  }
  func.func @transform_3(%arg0: i32) -> i32 {
    %c0_i32 = arith.constant 0 : i32
    %c0_i32_0 = arith.constant 0 : i32
    return %c0_i32 : i32
  }
  func.func @transform_4(%arg0: i32) -> (i32, i32, i32) {
    %c0_i32 = arith.constant 0 : i32
    %c0_i32_0 = arith.constant 0 : i32
    %c0_i32_1 = arith.constant 0 : i32
    return %arg0, %c0_i32, %c0_i32_0 : i32, i32, i32
  }
}

</mosaic_0001>

<sc_bundles>
// kernel: kernel.5.cloned.1.call-start
scs
__scs_entry_jumppad:
0x0: {  	(pc) =	sbr.rel $0x88, $3  }
0x1: {  	(tag) =	ssettag $0x0;
	lr =	simm.s32 $0x1  }
0x2: {  	[smem:$0x3F9C] =	sst lr;
	_ =	strace $0xD0000000  }
0x3: {  	_ = 	snop  }
0x4: {  	_ = 	snop  }
0x5: {  	_ = 	snop  }
0x6: {  	_ = 	snop  }
0x7: {  	_ = 	snop  }
__scs_overlays_trampoline_lowered:
0x8: {  	[smem:$0x3FAB] =	sst s0  }
0x9: {  	[smem:$0x3FAC] =	sst s1  }
0xa: {  	[smem:$0x3FAD] =	sst s2  }
0xb: {  	[smem:$0x3FAE] =	sst s3  }
0xc: {  	[smem:$0x3FAF] =	sst s4  }
0xd: {  	[smem:$0x3FB0] =	sst s5  }
0xe: {  	[smem:$0x3FB1] =	sst s6  }
0xf: {  	[smem:$0x3FB2] =	sst s7  }
0x10: {  	[smem:$0x3FB3] =	sst s8  }
0x11: {  	[smem:$0x3FB4] =	sst s9;
	s0 =	simm.s32 @!p0 $0x0  }
0x12: {  	s1 =	sld [smem:$0x3F9A];
	s0 =	simm.s32 @p0 $0x1  }
0x13: {  	[smem:$0x3FB5] =	sst s0;
	s0 =	simm.s32 @!p1 $0x0  }
0x14: {  	s2 =	sld [smem:$0x3F99];
	s0 =	simm.s32 @p1 $0x1  }
0x15: {  	[smem:$0x3FB6] =	sst s0;
	s0 =	simm.s32 @!p2 $0x0  }
0x16: {  	s3 =	sld [smem:$0x3FDB];
	s0 =	simm.s32 @p2 $0x1  }
0x17: {  	s4 =	simm.s32 $0x1BF5;
	[smem:$0x3FB8] =	sst s0  }
0x18: {  	s0 =	sld [smem:$0x3F9B];
	_ =	swait.ge [sflag:s4], $0x0  }
0x19: {  	s7 =	sld [smem:$0x3F9C]  }
0x1a: {  	s8 =	sadd.s32 $0xFFFFE003, lr  }
0x1b: {  	s9 =	sadd.s32 $0xFFFFFEF7, lr;
	s5 =	simm.s32 $0xFFFFFFFF;
	p2 =	slt.u32 s8, $0xFFFFF086  }
0x1c: {  	p1 =	slt.u32 s9, $0xF7A;
	s5 =	simm.s32 @!p2 $0x0  }
0x1d: {  	s5 =	simm.s32 @p1 $0x1;
	p0 =	seq.s32 s7, s2  }
0x1e: {  	s7 =	smul.u32 @!p0 $0xF7A, s2;
	p2 =	seq.s32 @!p0 s5, $0x0  }
0x1f: {  	s9 =	smul.u32 $0xF7A, s1;
	s8 =	simm.s32 @!p0 $0x1BF5;
	p2 =	por !p2, p0  }
0x20: {  	[sflag:s8] =	ssyncset.s32 @!p0 $0xFFFFF086;
	s6 =	sadd.s32 @!p0 s3, s7;
	s7 =	simm.s32 @!p0 $0x108  }
0x21: {  	s3 =	sadd.s32 s3, s9;
	s6 =	sadd.s32 @!p0 $0x88, s6;
	s7 =	simm.s32 @p2 $0x1082  }
0x22: {  	[simem:s7], [sflag:s8] =	dma.local @!p0 [hbm:s6], $0xF7A  }
0x23: {  	s9 =	sor.u32 $0xD0000000, s2;
	s6 =	simm.s32 $0x108;
	_ =	swait.ge @!p0 [sflag:s8], $0x0  }
0x24: {  	s3 =	sadd.s32 $0x88, s3;
	s6 =	simm.s32 @!p1 $0x1082;
	[sflag:s4] =	ssyncset.s32 $0xFFFFF086  }
0x25: {  	[simem:s6], [sflag:s4] =	dma.local [hbm:s3], $0xF7A  }
0x26: {  	[smem:$0x3F9C] =	sst s1;
	(tag) =	ssettag s2;
	_ =	strace s9  }
0x27: {  	s1 =	sld [smem:$0x3FAC]  }
0x28: {  	s2 =	sld [smem:$0x3FAD]  }
0x29: {  	s4 =	sld [smem:$0x3FAF]  }
0x2a: {  	p0 =	seq.s32 s5, $0x0;
	s5 =	sld [smem:$0x3FB0]  }
0x2b: {  	s6 =	sld [smem:$0x3FB1]  }
0x2c: {  	s7 =	sld [smem:$0x3FB2]  }
0x2d: {  	s3 =	simm.s32 $0x108;
	s8 =	sld [smem:$0x3FB3]  }
0x2e: {  	s3 =	simm.s32 @!p0 $0x1082;
	s9 =	sld [smem:$0x3FB4]  }
0x2f: {  	lr =	sadd.s32 s0, s3;
	s0 =	sld [smem:$0x3FAB]  }
0x30: {  	s3 =	sld [smem:$0x3FAE]  }
0x31: {  	[smem:$0x3FB7] =	sst s10  }
0x32: {  	s10 =	sld [smem:$0x3FB5];
	_ =	sdelay $0x3  }
0x33: {  	p0 =	seq.s32 s10, $0x1;
	s10 =	sld [smem:$0x3FB7];
	_ =	sdelay $0x3  }
0x34: {  	[smem:$0x3FB7] =	sst s10  }
0x35: {  	s10 =	sld [smem:$0x3FB6];
	_ =	sdelay $0x3  }
0x36: {  	p1 =	seq.s32 s10, $0x1;
	s10 =	sld [smem:$0x3FB7];
	_ =	sdelay $0x3  }
0x37: {  	[smem:$0x3FB7] =	sst s10  }
0x38: {  	s10 =	sld [smem:$0x3FB8]  }
0x39: {  	_ = 	snop;
	(pc) =	sbr.ind lr, $3  }
0x3a: {  	_ = 	snop  }
0x3b: {  	_ = 	snop  }
0x3c: {  	p2 =	seq.s32 s10, $0x1;
	s10 =	sld [smem:$0x3FB7]  }
0x3d: {  	_ =	shalt  }
0x3e: {  	_ =	shalt  }
0x3f: {  	_ =	shalt  }
0x40: {  	_ =	shalt  }
0x41: {  	_ =	shalt  }
0x42: {  	_ =	shalt  }
0x43: {  	_ =	shalt  }
0x44: {  	_ =	shalt  }
0x45: {  	_ =	shalt  }
0x46: {  	_ =	shalt  }
0x47: {  	_ =	shalt  }
0x48: {  	_ =	shalt  }
0x49: {  	_ =	shalt  }
0x4a: {  	_ =	shalt  }
0x4b: {  	_ =	shalt  }
0x4c: {  	_ =	shalt  }
0x4d: {  	_ =	shalt  }
0x4e: {  	_ =	shalt  }
0x4f: {  	_ =	shalt  }
0x50: {  	_ =	shalt  }
0x51: {  	_ =	shalt  }
0x52: {  	_ =	shalt  }
0x53: {  	_ =	shalt  }
0x54: {  	_ =	shalt  }
0x55: {  	_ =	shalt  }
0x56: {  	_ =	shalt  }
0x57: {  	_ =	shalt  }
0x58: {  	_ =	shalt  }
0x59: {  	_ =	shalt  }
0x5a: {  	_ =	shalt  }
0x5b: {  	_ =	shalt  }
0x5c: {  	_ =	shalt  }
0x5d: {  	_ =	shalt  }
0x5e: {  	_ =	shalt  }
0x5f: {  	_ =	shalt  }
0x60: {  	_ =	shalt  }
0x61: {  	_ =	shalt  }
0x62: {  	_ =	shalt  }
0x63: {  	_ =	shalt  }
0x64: {  	_ =	shalt  }
0x65: {  	_ =	shalt  }
0x66: {  	_ =	shalt  }
0x67: {  	_ =	shalt  }
0x68: {  	_ =	shalt  }
0x69: {  	_ =	shalt  }
0x6a: {  	_ =	shalt  }
0x6b: {  	_ =	shalt  }
0x6c: {  	_ =	shalt  }
0x6d: {  	_ =	shalt  }
0x6e: {  	_ =	shalt  }
0x6f: {  	_ =	shalt  }
0x70: {  	_ =	shalt  }
0x71: {  	_ =	shalt  }
0x72: {  	_ =	shalt  }
0x73: {  	_ =	shalt  }
0x74: {  	_ =	shalt  }
0x75: {  	_ =	shalt  }
0x76: {  	_ =	shalt  }
0x77: {  	_ =	shalt  }
0x78: {  	_ =	shalt  }
0x79: {  	_ =	shalt  }
0x7a: {  	_ =	shalt  }
0x7b: {  	_ =	shalt  }
0x7c: {  	_ =	shalt  }
0x7d: {  	_ =	shalt  }
0x7e: {  	_ =	shalt  }
0x7f: {  	_ =	shalt  }
0x80: {  	_ =	shalt  }
0x81: {  	_ =	shalt  }
0x82: {  	_ =	shalt  }
0x83: {  	_ =	shalt  }
0x84: {  	_ =	shalt  }
0x85: {  	_ =	shalt  }
0x86: {  	_ =	shalt  }
0x87: {  	_ =	shalt  }
.Lfunc_end0:
.L_simem_size_0:
called_computation_lowered:
.L_overlay_start_0:
0x88: {  	s2 =	sld [smem:$0x3FD9]  }
0x89: {  	s3 =	sld [smem:$0x3FFE];
	_ =	sdelay $0x1  }
0x8a: {  	s1 =	srdreg.scid  }
0x8b: {  	s0 =	sand.u32 $0x1, s1  }
0x8c: {  	s17 =	sshll.u32 s0, $0xA;
	s2 =	sadd.s32 s3, s2  }
0x8d: {  	s2 =	sadd.s32 s2, s17  }
0x8e: {  	[smem:$0x3FC3] =	sst s2  }
0x8f: {  	_ = 	snop  }
0x90: {  	s2 =	sld [smem:$0x3FD0];
	(tm) =	ssettm $0x1  }
0x91: {  	s18 =	sld [smem:$0x3FFB];
	_ =	sdelay $0x3  }
0x92: {  	_ =	strace s18  }
0x93: {  	s3 =	sld [smem:$0x3FFC];
	_ =	sdelay $0x3  }
0x94: {  	_ =	strace s3  }
0x95: {  	s3 =	sld [smem:$0x3FFD];
	_ =	sdelay $0x3  }
0x96: {  	_ =	strace s3  }
0x97: {  	_ =	strace $0x8FFFFFFF  }
0x98: {  	s19 =	sld [smem:$0x3FDB];
	_ =	sdelay $0x1  }
0x99: {  	s4 =	simm.s32 $_scs_section_size  }
0x9a: {  	s5 =	simm.s32 $_size__tile_overlayer_lowered;
	s6 =	simm.s32 $_tile_overlayer_lowered  }
0x9b: {  	s22 =	simm.s32 $0x1BFF;
	s21 =	sshll.u32 s6, $0x1;
	s3 =	sadd.s32 s4, s19  }
0x9c: {  	s7 =	simm.s32 $0x0;
	s20 =	sshll.u32 s5, $0x1;
	s5 =	sadd.s32 s21, s3  }
0x9d: {  	[timem:s7], [sflag:s22] =	dma.local [hbm:s5], s20  }
0x9e: {  	_ =	swait.ge [sflag:s22], s20  }
0x9f: {  	s4 =	ssub.s32 $0x0, s20;
	[sflag:s22] =	ssyncset.done $0x0  }
0xa0: {  	[sflag:s22] =	ssyncadd.s32 s4;
	_ =	sdelay $0x1  }
0xa1: {  	s23 =	simm.s32 $0x1B8B  }
0xa2: {  	_ =	swait.ge [sflag:s23], $0x1  }
0xa3: {  	[sflag:s23] =	ssyncset.done $0x0  }
0xa4: {  	s25 =	simm.s32 $0x1B8E;
	s24 =	sld [smem:$0x3FFE];
	[sflag:s23] =	ssyncadd.s32 $0xFFFFFFFF  }
0xa5: {  	s26 =	simm.s32 $execute0_lowered;
	[smem:$0x3FD2] =	sst s25  }
0xa6: {  	s5 =	sshll.u32 s26, $0x1;
	_ =	strace $0x80000046;
	[dreg:$0x1] =	wrdreg $0xFFFFFFFF  }
0xa7: {  	s28 =	simm.s32 $_size_execute0_lowered;
	s3 =	sadd.s32 s3, s5;
	[dreg:$0x0] =	wrdreg $0x0  }
0xa8: {  	s5 =	sshll.u32 s28, $0x1;
	[dreg:$0x2] =	wrdreg s3  }
0xa9: {  	[dreg:$0x3] =	wrdreg s5  }
0xaa: {  	[dreg:$0x4] =	wrdreg $0xC0  }
0xab: {  	_ =	task [dreg:s7], $0x5FFFF  }
0xac: {  	[dreg:$0x1] =	wrdreg $0xFFFFFFFF  }
0xad: {  	[dreg:$0x0] =	wrdreg $0x60  }
0xae: {  	[dreg:$0x2] =	wrdreg s24  }
0xaf: {  	[dreg:$0x3] =	wrdreg s2  }
0xb0: {  	[dreg:$0x4] =	wrdreg $0x9  }
0xb1: {  	_ =	task.clear_ibuf [dreg:s7], $0x5FFFF;
	_ =	strace $0x90000046  }
0xb2: {  	s29 =	simm.s32 $0x9;
	_ =	strace $0x80000048  }
0xb3: {  	_ =	swait.ge [sflag:s29], $0x1  }
0xb4: {  	[sflag:s29] =	ssyncadd.s32 $0xFFFFFFFF  }
0xb5: {  	_ =	strace $0x90000048  }
0xb6: {  	_ =	sfence  }
0xb7: {  	s30 =	sld [smem:$0x0];
	_ =	sdelay $0x2  }
0xb8: {  	s31 =	sshll.u32 s1, $0xD;
	s1 =	sshrl.u32 s1, $0x2  }
0xb9: {  	s3 =	sand.u32 $0x4000, s31;
	s1 =	sadd.s32 s1, s30  }
0xba: {  	s0 =	sor.u32 s3, s0;
	s1 =	sshll.u32 s1, $0x11  }
0xbb: {  	s0 =	sor.u32 s1, s0  }
0xbc: {  	s0 =	sadd.s32 $0x8F2B, s0  }
0xbd: {  	[sflag:s0] =	ssyncadd.remote.s32 $0x1  }
0xbe: {  	_ =	sfence.sel $0xFFFF  }
0xbf: {  	[dreg:$0x0] =	wrdreg $0xFFFFFFFF;
	(pc) =	sbr.abs _section_cstart, $3  }
0xc0: {  	[dreg:$0x1] =	wrdreg $0xFFFFFFFF  }
0xc1: {  	_ =	task.clear_ibuf [dreg:s7], $0x2FFFF;
	_ =	strace $0x9FFFFFFF  }
0xc2: {  	(tm) =	ssettm $0x7FFFFFFF  }
0xc3: {  	_ =	shalt  }
tec
execute0_lowered:
.L_overlay_start_1:
0x0: {  	(tag) =	ssettag $0x1  }
0x1: {  	s0 =	rddreg [dreg:$0x0]  }
0x2: {  	s1 =	rddreg [dreg:$0x1];
	s3 =	simm.s32 $0x0;
	s2 =	srdreg.scid  }
0x3: {  	s5 =	stileid.u32;
	[smem:$0x7FF] =	sst s3;
	s2 =	sand.u32 $0x1, s2  }
0x4: {  	s4 =	sadd.s32 $0xA1000, s0;
	s7 =	sshll.u32 s5, $0x1;
	s5 =	sadd.s32 $0x1000, s0  }
0x5: {  	s0 =	sadd.s32 $0x131000, s0;
	s6 =	ssub.s32 $0x2, s2;
	s2 =	sor.u32 s2, s7  }
0x6: {  	_ =	strace $0x80000047;
	s8 =	sshrl.u32 s6, $0x1;
	s20 =	sshll.u32 s2, $0xB  }
0x7: {  	[dreg:$0x3] =	wrdreg s0;
	s0 =	ssub.s32 s6, s8;
	s21 =	sadd.s32 s4, s20  }
0x8: {  	s22 =	sor.u32 $0x10000, s20;
	s6 =	sadd.s32 s5, s20;
	[dreg:$0x4] =	wrdreg s21  }
0x9: {  	s24 =	sor.u32 $0x20000, s20;
	s23 =	sadd.s32 s4, s22;
	[dreg:$0xc] =	wrdreg s6  }
0xa: {  	s9 =	sor.u32 $0x30000, s20;
	s10 =	sadd.s32 s4, s24;
	[dreg:$0x5] =	wrdreg s23  }
0xb: {  	s26 =	sor.u32 $0x40000, s20;
	s25 =	sadd.s32 s4, s9;
	[dreg:$0x6] =	wrdreg s10  }
0xc: {  	s29 =	sor.u32 $0x50000, s20;
	s11 =	sadd.s32 s4, s26;
	[dreg:$0x7] =	wrdreg s25  }
0xd: {  	s12 =	sor.u32 $0x60000, s20;
	s13 =	sadd.s32 s4, s29;
	[dreg:$0x8] =	wrdreg s11  }
0xe: {  	s16 =	sor.u32 $0x70000, s20;
	s15 =	sadd.s32 s4, s12;
	[dreg:$0x9] =	wrdreg s13  }
0xf: {  	s14 =	sadd.s32 s4, s16;
	[dreg:$0xa] =	wrdreg s15  }
0x10: {  	s7 =	sshll.u32 s2, $0xE;
	s2 =	sadd.s32 s5, s22;
	[dreg:$0xb] =	wrdreg s14  }
0x11: {  	s18 =	sadd.s32 s5, s24;
	[dreg:$0xd] =	wrdreg s2  }
0x12: {  	s19 =	sadd.s32 s5, s9;
	[dreg:$0xe] =	wrdreg s18  }
0x13: {  	s17 =	sor.u32 $0x80000, s20;
	s20 =	sadd.s32 s5, s26;
	[dreg:$0xf] =	wrdreg s19  }
0x14: {  	s21 =	sadd.s32 s5, s29;
	[dreg:$0x10] =	wrdreg s20  }
0x15: {  	s28 =	simm.s32 $0x5000;
	s22 =	sadd.s32 s5, s12;
	[dreg:$0x11] =	wrdreg s21  }
0x16: {  	s30 =	simm.s32 $0x5400;
	s24 =	sadd.s32 s4, s17;
	[dreg:$0x12] =	wrdreg s22  }
0x17: {  	s31 =	simm.s32 $0x5800;
	s0 =	smax.u32 s0, $0x1;
	[dreg:$0x14] =	wrdreg s24  }
0x18: {  	s8 =	simm.s32 $0xF800;
	s26 =	sadd.s32 $0x90000, s6;
	[dreg:$0x16] =	wrdreg s0  }
0x19: {  	s29 =	sor.u32 $0x800, s7;
	s6 =	simm.s32 $0xF400;
	[dreg:$0x17] =	wrdreg s26  }
0x1a: {  	s23 =	sadd.s32 s5, s16;
	s25 =	sadd.s32 s5, s17;
	[dreg:$0x18] =	wrdreg s29  }
0x1b: {  	v0 =	vimm.s32 $0x23EE;
	v1 =	vimm.s32 $0x23EF;
	s24 =	simm.s32 $0x4800;
	s18 =	simm.s32 $0x1;
	s26 =	simm.s32 $0x2  }
0x1c: {  	v2 =	vimm.s32 $0x23F0;
	v3 =	vimm.s32 $0x23F1;
	v4 =	vimm.s32 $0x23F2;
	s0 =	simm.s32 $0xEC00;
	s2 =	simm.s32 $0xF000;
	[dreg:$0x13] =	wrdreg s23  }
0x1d: {  	v5 =	vimm.s32 $0x23F3;
	v6 =	vimm.s32 $0x23F4;
	v7 =	vimm.s32 $0x23F5;
	s11 =	simm.s32 $0x0;
	[dreg:$0x15] =	wrdreg s25;
	s25 =	simm.s32 $0x4C00  }
.LBB2_1:
0x1e: {  	[dreg:$0x19] =	wrdreg s11  }
0x1f: {  	s9 =	rddreg [dreg:$0x3];
	s14 =	simm.s32 $0x5  }
0x20: {  	[tilespmem:s3], [sflag:$0x5] =	stream.linear.gather [hbm4b:s9+s3], $0x2400, $0x38;
	[tilespmem:$0xFC00] =	vst v63  }
0x21: {  	_ =	swait.ge [sflag:s14], $0x2400  }
0x22: {  	[sflag:s14] =	ssyncset.done $0x0  }
0x23: {  	[sflag:s14] =	ssyncadd.s32 $0xFFFFDC00  }
0x24: {  	v8 =	vld.idx.msk [tilespmem:v0+s3+$0x0], $0xffff  }
0x25: {  	v9 =	vld.idx.msk [tilespmem:v1+s3+$0x0], $0xffff  }
0x26: {  	v10 =	vld.idx.msk [tilespmem:v2+s3+$0x0], $0xffff  }
0x27: {  	v11 =	vld.idx.msk [tilespmem:v3+s3+$0x0], $0xffff  }
0x28: {  	v12 =	vld.idx.msk [tilespmem:v4+s3+$0x0], $0xffff  }
0x29: {  	v13 =	vld.idx.msk [tilespmem:v5+s3+$0x0], $0xffff  }
0x2a: {  	s10 =	simm.s32 $0x2400;
	s15 =	rddreg [dreg:$0x4];
	v14 =	vld.idx.msk [tilespmem:v6+s3+$0x0], $0xffff  }
0x2b: {  	v15 =	vld.idx.msk [tilespmem:v7+s3+$0x0], $0xffff;
	[tilespmem:s10], [sflag:$0x1] =	stream.linear.gather [hbm4b:s15+s3], $0x400, $0x38  }
0x2c: {  	s17 =	simm.s32 $0x2800;
	s16 =	rddreg [dreg:$0x5]  }
0x2d: {  	[tilespmem:s17], [sflag:$0x1] =	stream.linear.gather [hbm4b:s16+s3], $0x400, $0x38;
	[tilespmem:$0xFC00] =	vst v63  }
0x2e: {  	s20 =	simm.s32 $0x2C00;
	s19 =	rddreg [dreg:$0x6]  }
0x2f: {  	[tilespmem:s20], [sflag:$0x1] =	stream.linear.gather [hbm4b:s19+s3], $0x400, $0x38;
	[tilespmem:$0xFC00] =	vst v63  }
0x30: {  	s22 =	simm.s32 $0x3000;
	s21 =	rddreg [dreg:$0x7]  }
0x31: {  	[tilespmem:s22], [sflag:$0x1] =	stream.linear.gather [hbm4b:s21+s3], $0x400, $0x38;
	[tilespmem:$0xFC00] =	vst v63  }
0x32: {  	s29 =	simm.s32 $0x3400;
	s23 =	rddreg [dreg:$0x8]  }
0x33: {  	[tilespmem:s29], [sflag:$0x1] =	stream.linear.gather [hbm4b:s23+s3], $0x400, $0x38;
	[tilespmem:$0xFC00] =	vst v63  }
0x34: {  	s11 =	simm.s32 $0x3800;
	s10 =	rddreg [dreg:$0x9]  }
0x35: {  	[tilespmem:s11], [sflag:$0x1] =	stream.linear.gather [hbm4b:s10+s3], $0x400, $0x38;
	[tilespmem:$0xFC00] =	vst v63  }
0x36: {  	s13 =	simm.s32 $0x3C00;
	s12 =	rddreg [dreg:$0xa]  }
0x37: {  	[tilespmem:s13], [sflag:$0x1] =	stream.linear.gather [hbm4b:s12+s3], $0x400, $0x38;
	[tilespmem:$0xFC00] =	vst v63  }
0x38: {  	s14 =	rddreg [dreg:$0xb];
	s15 =	simm.s32 $0x4000  }
0x39: {  	[tilespmem:s15], [sflag:$0x1] =	stream.linear.gather [hbm4b:s14+s3], $0x400, $0x38;
	[tilespmem:$0xFC00] =	vst v63  }
0x3a: {  	s16 =	rddreg [dreg:$0x14];
	s17 =	simm.s32 $0x4400  }
0x3b: {  	[tilespmem:s17], [sflag:$0x1] =	stream.linear.gather [hbm4b:s16+s3], $0x400, $0x38;
	[tilespmem:$0xFC00] =	vst v63  }
0x3c: {  	s19 =	rddreg [dreg:$0xc];
	s20 =	simm.s32 $0x6C00  }
0x3d: {  	[tilespmem:s20], [sflag:$0x1] =	stream.linear.gather [hbm4b:s19+s3], $0x400, $0x38;
	[tilespmem:$0xFC00] =	vst v63  }
0x3e: {  	s21 =	rddreg [dreg:$0xd];
	s22 =	simm.s32 $0x7000  }
0x3f: {  	[tilespmem:s22], [sflag:$0x1] =	stream.linear.gather [hbm4b:s21+s3], $0x400, $0x38;
	[tilespmem:$0xFC00] =	vst v63  }
0x40: {  	s23 =	rddreg [dreg:$0xe];
	s29 =	simm.s32 $0x7400  }
0x41: {  	[tilespmem:s29], [sflag:$0x1] =	stream.linear.gather [hbm4b:s23+s3], $0x400, $0x38;
	[tilespmem:$0xFC00] =	vst v63  }
0x42: {  	s10 =	rddreg [dreg:$0xf];
	s11 =	simm.s32 $0x7800  }
0x43: {  	[tilespmem:s11], [sflag:$0x1] =	stream.linear.gather [hbm4b:s10+s3], $0x400, $0x38;
	[tilespmem:$0xFC00] =	vst v63  }
0x44: {  	s12 =	rddreg [dreg:$0x10];
	s13 =	simm.s32 $0x7C00  }
0x45: {  	[tilespmem:s13], [sflag:$0x1] =	stream.linear.gather [hbm4b:s12+s3], $0x400, $0x38;
	[tilespmem:$0xFC00] =	vst v63  }
0x46: {  	s14 =	rddreg [dreg:$0x11];
	s15 =	simm.s32 $0x8000  }
0x47: {  	[tilespmem:s15], [sflag:$0x1] =	stream.linear.gather [hbm4b:s14+s3], $0x400, $0x38;
	[tilespmem:$0xFC00] =	vst v63  }
0x48: {  	s16 =	rddreg [dreg:$0x12];
	s17 =	simm.s32 $0x8400  }
0x49: {  	[tilespmem:s17], [sflag:$0x1] =	stream.linear.gather [hbm4b:s16+s3], $0x400, $0x38;
	[tilespmem:$0xFC00] =	vst v63  }
0x4a: {  	s19 =	rddreg [dreg:$0x13];
	s20 =	simm.s32 $0x8800  }
0x4b: {  	[tilespmem:s20], [sflag:$0x1] =	stream.linear.gather [hbm4b:s19+s3], $0x400, $0x38;
	[tilespmem:$0xFC00] =	vst v63  }
0x4c: {  	s21 =	rddreg [dreg:$0x15];
	s22 =	simm.s32 $0x8C00  }
0x4d: {  	[tilespmem:s22], [sflag:$0x1] =	stream.linear.gather [hbm4b:s21+s3], $0x400, $0x38;
	[tilespmem:$0xFC00] =	vst v63  }
0x4e: {  	s9 =	simm.s32 $0x0;
	s23 =	rddreg [dreg:$0x17];
	s29 =	simm.s32 $0x9000  }
0x4f: {  	[tilespmem:s29], [sflag:$0x1] =	stream.linear.gather [hbm4b:s23+s3], $0x400, $0x38;
	[tilespmem:$0xFC00] =	vst v63  }
.LBB2_2:
0x50: {  	s20 =	sshll.u32 s9, $0xB  }
0x51: {  	s10 =	sadd.s32 s7, s20  }
0x52: {  	s21 =	sshrl.u32 s10, $0x3  }
0x53: {  	s10 =	sor.u32 $0x80, s21  }
0x54: {  	s11 =	sadd.s32 s4, s10  }
0x55: {  	[tilespmem:s24], [sflag:$0x2] =	stream.linear.gather [hbm4b:s11+s3], $0x400, $0x38;
	[tilespmem:$0xFC00] =	vst v63  }
0x56: {  	s11 =	sor.u32 $0x10080, s21  }
0x57: {  	s12 =	sadd.s32 s4, s11  }
0x58: {  	[tilespmem:s25], [sflag:$0x2] =	stream.linear.gather [hbm4b:s12+s3], $0x400, $0x38;
	[tilespmem:$0xFC00] =	vst v63  }
0x59: {  	s12 =	sor.u32 $0x20080, s21  }
0x5a: {  	s13 =	sadd.s32 s4, s12  }
0x5b: {  	[tilespmem:s28], [sflag:$0x2] =	stream.linear.gather [hbm4b:s13+s3], $0x400, $0x38;
	[tilespmem:$0xFC00] =	vst v63  }
0x5c: {  	s13 =	sor.u32 $0x30080, s21  }
0x5d: {  	s14 =	sadd.s32 s4, s13  }
0x5e: {  	[tilespmem:s30], [sflag:$0x2] =	stream.linear.gather [hbm4b:s14+s3], $0x400, $0x38;
	[tilespmem:$0xFC00] =	vst v63  }
0x5f: {  	s14 =	sor.u32 $0x40080, s21  }
0x60: {  	s15 =	sadd.s32 s4, s14  }
0x61: {  	[tilespmem:s31], [sflag:$0x2] =	stream.linear.gather [hbm4b:s15+s3], $0x400, $0x38;
	[tilespmem:$0xFC00] =	vst v63  }
0x62: {  	s15 =	sor.u32 $0x50080, s21  }
0x63: {  	s16 =	simm.s32 $0x5C00;
	s17 =	sadd.s32 s4, s15  }
0x64: {  	[tilespmem:s16], [sflag:$0x2] =	stream.linear.gather [hbm4b:s17+s3], $0x400, $0x38;
	[tilespmem:$0xFC00] =	vst v63  }
0x65: {  	s17 =	sor.u32 $0x60080, s21  }
0x66: {  	s22 =	simm.s32 $0x6000;
	s19 =	sadd.s32 s4, s17  }
0x67: {  	[tilespmem:s22], [sflag:$0x2] =	stream.linear.gather [hbm4b:s19+s3], $0x400, $0x38;
	[tilespmem:$0xFC00] =	vst v63  }
0x68: {  	s19 =	sor.u32 $0x70080, s21  }
0x69: {  	s23 =	simm.s32 $0x6400;
	s22 =	sadd.s32 s4, s19  }
0x6a: {  	[tilespmem:s23], [sflag:$0x2] =	stream.linear.gather [hbm4b:s22+s3], $0x400, $0x38;
	[tilespmem:$0xFC00] =	vst v63  }
0x6b: {  	s22 =	sor.u32 $0x80080, s21  }
0x6c: {  	s29 =	simm.s32 $0x6800;
	s23 =	sadd.s32 s4, s22  }
0x6d: {  	[tilespmem:s29], [sflag:$0x2] =	stream.linear.gather [hbm4b:s23+s3], $0x400, $0x38;
	[tilespmem:$0xFC00] =	vst v63  }
0x6e: {  	s16 =	sadd.s32 s5, s10;
	s29 =	simm.s32 $0x9400  }
0x6f: {  	[tilespmem:s29], [sflag:$0x2] =	stream.linear.gather [hbm4b:s16+s3], $0x400, $0x38;
	[tilespmem:$0xFC00] =	vst v63  }
0x70: {  	s16 =	sadd.s32 s5, s11;
	s29 =	simm.s32 $0x9800  }
0x71: {  	[tilespmem:s29], [sflag:$0x2] =	stream.linear.gather [hbm4b:s16+s3], $0x400, $0x38;
	[tilespmem:$0xFC00] =	vst v63  }
0x72: {  	s16 =	sadd.s32 s5, s12;
	s29 =	simm.s32 $0x9C00  }
0x73: {  	[tilespmem:s29], [sflag:$0x2] =	stream.linear.gather [hbm4b:s16+s3], $0x400, $0x38;
	[tilespmem:$0xFC00] =	vst v63  }
0x74: {  	s16 =	sadd.s32 s5, s13;
	s29 =	simm.s32 $0xA000  }
0x75: {  	[tilespmem:s29], [sflag:$0x2] =	stream.linear.gather [hbm4b:s16+s3], $0x400, $0x38;
	[tilespmem:$0xFC00] =	vst v63  }
0x76: {  	s16 =	sadd.s32 s5, s14;
	s29 =	simm.s32 $0xA400  }
0x77: {  	[tilespmem:s29], [sflag:$0x2] =	stream.linear.gather [hbm4b:s16+s3], $0x400, $0x38;
	[tilespmem:$0xFC00] =	vst v63  }
0x78: {  	s16 =	sadd.s32 s5, s15;
	s29 =	simm.s32 $0xA800  }
0x79: {  	[tilespmem:s29], [sflag:$0x2] =	stream.linear.gather [hbm4b:s16+s3], $0x400, $0x38;
	[tilespmem:$0xFC00] =	vst v63  }
0x7a: {  	s16 =	sadd.s32 s5, s17;
	s29 =	simm.s32 $0xAC00  }
0x7b: {  	[tilespmem:s29], [sflag:$0x2] =	stream.linear.gather [hbm4b:s16+s3], $0x400, $0x38;
	[tilespmem:$0xFC00] =	vst v63  }
0x7c: {  	s16 =	sadd.s32 s5, s19;
	s29 =	simm.s32 $0xB000  }
0x7d: {  	[tilespmem:s29], [sflag:$0x2] =	stream.linear.gather [hbm4b:s16+s3], $0x400, $0x38;
	[tilespmem:$0xFC00] =	vst v63  }
0x7e: {  	s21 =	sor.u32 $0x90080, s21;
	s22 =	sadd.s32 s5, s22;
	s23 =	simm.s32 $0xB400  }
0x7f: {  	[tilespmem:s23], [sflag:$0x2] =	stream.linear.gather [hbm4b:s22+s3], $0x400, $0x38;
	[tilespmem:$0xFC00] =	vst v63  }
0x80: {  	s21 =	sadd.s32 s5, s21;
	s29 =	simm.s32 $0xB800  }
0x81: {  	[tilespmem:s29], [sflag:$0x2] =	stream.linear.gather [hbm4b:s21+s3], $0x400, $0x38;
	[tilespmem:$0xFC00] =	vst v63  }
0x82: {  	_ =	swait.ge [sflag:s18], $0x2400  }
0x83: {  	[sflag:s18] =	ssyncset.done $0x0  }
0x84: {  	[sflag:s18] =	ssyncadd.s32 $0xFFFFDC00  }
0x85: {  	_ =	swait.ge [sflag:s18], $0x2800  }
0x86: {  	p0 =	seq.s32 s9, $0x0;
	[sflag:s18] =	ssyncset.done $0x0  }
0x87: {  	s21 =	simm.s32 @!p0 $0x3;
	[sflag:s18] =	ssyncadd.s32 $0xFFFFD800  }
0x88: {  	_ =	swait.ge @!p0 [sflag:s21], $0x2000  }
0x89: {  	[sflag:s21] =	ssyncset.done @!p0 $0x0  }
0x8a: {  	s22 =	simm.s32 $0x0;
	[sflag:s21] =	ssyncadd.s32 @!p0 $0xFFFFE000;
	s21 =	simm.s32 $0x0  }
.LBB2_3:
0x8b: {  	s23 =	sshra.s32 s22, $0x2  }
0x8c: {  	v16 =	vld [tilespmem:s23+$0x2400]  }
0x8d: {  	v19 =	vld [tilespmem:s23+$0x6C00]  }
0x8e: {  	v25 =	vld [tilespmem:s23+$0x2800]  }
0x8f: {  	v28 =	vld [tilespmem:s23+$0x7000]  }
0x90: {  	v33 =	vld [tilespmem:s23+$0x2C00]  }
0x91: {  	v43 =	vld [tilespmem:s23+$0x3000]  }
0x92: {  	v37 =	vld [tilespmem:s23+$0x7400]  }
0x93: {  	v46 =	vld [tilespmem:s23+$0x7800]  }
0x94: {  	v51 =	vld [tilespmem:s23+$0x3400]  }
0x95: {  	v54 =	vld [tilespmem:s23+$0x7C00];
	v17 =	vadd.s32 $0x1, v16  }
0x96: {  	v18 =	vadd.s32 $0x2, v16;
	v21 =	vld.idx.msk [tilespmem:v16+s3+$0x0], $0xffff  }
0x97: {  	v20 =	vadd.s32 $0x3, v16;
	v30 =	vld.idx.msk [tilespmem:v25+s3+$0x0], $0xffff  }
0x98: {  	v22 =	vadd.s32 $0x4, v16;
	v39 =	vld.idx.msk [tilespmem:v33+s3+$0x0], $0xffff  }
0x99: {  	v23 =	vadd.s32 $0x5, v16;
	v48 =	vld.idx.msk [tilespmem:v43+s3+$0x0], $0xffff  }
0x9a: {  	v24 =	vadd.s32 $0x6, v16;
	v17 =	vld.idx.msk [tilespmem:v17+s3+$0x0], $0xffff  }
0x9b: {  	v26 =	vadd.s32 $0x1, v25;
	v18 =	vld.idx.msk [tilespmem:v18+s3+$0x0], $0xffff  }
0x9c: {  	v27 =	vadd.s32 $0x2, v25;
	v20 =	vld.idx.msk [tilespmem:v20+s3+$0x0], $0xffff  }
0x9d: {  	v29 =	vadd.s32 $0x3, v25;
	v22 =	vld.idx.msk [tilespmem:v22+s3+$0x0], $0xffff  }
0x9e: {  	v31 =	vadd.s32 $0x4, v25;
	v23 =	vld.idx.msk [tilespmem:v23+s3+$0x0], $0xffff  }
0x9f: {  	v32 =	vadd.s32 $0x5, v25;
	v24 =	vld.idx.msk [tilespmem:v24+s3+$0x0], $0xffff  }
0xa0: {  	v34 =	vadd.s32 $0x6, v25;
	v26 =	vld.idx.msk [tilespmem:v26+s3+$0x0], $0xffff  }
0xa1: {  	v35 =	vadd.s32 $0x1, v33;
	v27 =	vld.idx.msk [tilespmem:v27+s3+$0x0], $0xffff  }
0xa2: {  	v36 =	vadd.s32 $0x2, v33;
	v29 =	vld.idx.msk [tilespmem:v29+s3+$0x0], $0xffff  }
0xa3: {  	v38 =	vadd.s32 $0x3, v33;
	v31 =	vld.idx.msk [tilespmem:v31+s3+$0x0], $0xffff  }
0xa4: {  	v40 =	vadd.s32 $0x4, v33;
	v32 =	vld.idx.msk [tilespmem:v32+s3+$0x0], $0xffff  }
0xa5: {  	v41 =	vadd.s32 $0x5, v33;
	v34 =	vld.idx.msk [tilespmem:v34+s3+$0x0], $0xffff  }
0xa6: {  	v42 =	vadd.s32 $0x6, v33;
	v35 =	vld.idx.msk [tilespmem:v35+s3+$0x0], $0xffff  }
0xa7: {  	v44 =	vadd.s32 $0x1, v43;
	v36 =	vld.idx.msk [tilespmem:v36+s3+$0x0], $0xffff  }
0xa8: {  	v45 =	vadd.s32 $0x2, v43;
	v38 =	vld.idx.msk [tilespmem:v38+s3+$0x0], $0xffff  }
0xa9: {  	v47 =	vadd.s32 $0x3, v43;
	v40 =	vld.idx.msk [tilespmem:v40+s3+$0x0], $0xffff  }
0xaa: {  	v49 =	vadd.s32 $0x4, v43;
	v41 =	vld.idx.msk [tilespmem:v41+s3+$0x0], $0xffff  }
0xab: {  	v50 =	vadd.s32 $0x5, v43;
	v42 =	vld.idx.msk [tilespmem:v42+s3+$0x0], $0xffff  }
0xac: {  	v52 =	vadd.s32 $0x6, v43;
	v44 =	vld.idx.msk [tilespmem:v44+s3+$0x0], $0xffff  }
0xad: {  	v16 =	vadd.s32 $0x7, v16;
	v45 =	vld.idx.msk [tilespmem:v45+s3+$0x0], $0xffff  }
0xae: {  	v25 =	vadd.s32 $0x7, v25;
	v47 =	vld.idx.msk [tilespmem:v47+s3+$0x0], $0xffff  }
0xaf: {  	v33 =	vadd.s32 $0x7, v33;
	v49 =	vld.idx.msk [tilespmem:v49+s3+$0x0], $0xffff  }
0xb0: {  	v43 =	vadd.s32 $0x7, v43;
	v50 =	vld.idx.msk [tilespmem:v50+s3+$0x0], $0xffff  }
0xb1: {  	v52 =	vld.idx.msk [tilespmem:v52+s3+$0x0], $0xffff  }
0xb2: {  	v53 =	vadd.s32 $0x1, v51;
	v16 =	vld.idx.msk [tilespmem:v16+s3+$0x0], $0xffff  }
0xb3: {  	v25 =	vld.idx.msk [tilespmem:v25+s3+$0x0], $0xffff;
	v21 =	vmul.f32 v21, v19;
	v62 =	vmul.f32 v30, v28  }
0xb4: {  	v56 =	vadd.s32 $0x4, v51;
	v33 =	vld.idx.msk [tilespmem:v33+s3+$0x0], $0xffff;
	v17 =	vmul.f32 v17, v19;
	v18 =	vmul.f32 v18, v19  }
0xb5: {  	v55 =	vadd.s32 $0x3, v51;
	v30 =	vld.idx.msk [tilespmem:v43+s3+$0x0], $0xffff;
	v20 =	vmul.f32 v20, v19;
	v26 =	vmul.f32 v26, v28  }
0xb6: {  	v43 =	vadd.s32 $0x2, v51;
	v22 =	vmul.f32 v22, v19;
	v63 =	vmul.f32 v29, v28;
	v29 =	vld.idx.msk [tilespmem:v51+s3+$0x0], $0xffff  }
0xb7: {  	v24 =	vmul.f32 v24, v19;
	v34 =	vmul.f32 v34, v28;
	v17 =	vadd.f32 v26, v17;
	v26 =	vld.idx.msk [tilespmem:v53+s3+$0x0], $0xffff  }
0xb8: {  	v60 =	vadd.s32 $0x5, v51;
	v23 =	vmul.f32 v23, v19;
	v27 =	vmul.f32 v27, v28;
	v53 =	vld [tilespmem:s23+$0x3800]  }
0xb9: {  	v61 =	vmul.f32 v31, v28;
	v32 =	vmul.f32 v32, v28;
	v24 =	vadd.f32 v34, v24;
	v34 =	vld.idx.msk [tilespmem:v56+s3+$0x0], $0xffff  }
0xba: {  	v58 =	vmul.f32 v36, v37;
	v18 =	vadd.f32 v27, v18;
	v56 =	vmul.f32 v42, v37;
	v42 =	vld [tilespmem:s23+$0x3C00]  }
0xbb: {  	v16 =	vmul.f32 v16, v19;
	v19 =	vadd.f32 v62, v21;
	v62 =	vadd.s32 $0x6, v51;
	v43 =	vld.idx.msk [tilespmem:v43+s3+$0x0], $0xffff  }
0xbc: {  	v20 =	vadd.f32 v63, v20;
	v51 =	vadd.s32 $0x7, v51;
	v63 =	vmul.f32 v25, v28;
	v28 =	vld.idx.msk [tilespmem:v55+s3+$0x0], $0xffff  }
0xbd: {  	v39 =	vmul.f32 v39, v37;
	v57 =	vmul.f32 v35, v37;
	v21 =	vadd.f32 v61, v22;
	v22 =	vld.idx.msk [tilespmem:v60+s3+$0x0], $0xffff  }
0xbe: {  	v33 =	vmul.f32 v33, v37;
	v18 =	vadd.f32 v58, v18;
	v58 =	vmul.f32 v48, v46;
	v48 =	vld [tilespmem:s23+$0x4000]  }
0xbf: {  	v16 =	vadd.f32 v63, v16;
	v19 =	vadd.f32 v39, v19;
	v39 =	vld [tilespmem:s23+$0x8000];
	v31 =	vadd.s32 $0x1, v53  }
0xc0: {  	v59 =	vmul.f32 v38, v37;
	v23 =	vadd.f32 v32, v23;
	v61 =	vadd.s32 $0x2, v53;
	v27 =	vld.idx.msk [tilespmem:v62+s3+$0x0], $0xffff  }
0xc1: {  	v30 =	vmul.f32 v30, v46;
	v63 =	vadd.s32 $0x3, v53;
	v16 =	vadd.f32 v33, v16;
	v36 =	vld.idx.msk [tilespmem:v51+s3+$0x0], $0xffff  }
0xc2: {  	v60 =	vmul.f32 v40, v37;
	v17 =	vadd.f32 v57, v17;
	v55 =	vadd.s32 $0x4, v53;
	v32 =	vld.idx.msk [tilespmem:v53+s3+$0x0], $0xffff  }
0xc3: {  	v20 =	vadd.f32 v59, v20;
	v57 =	vadd.s32 $0x5, v53;
	v16 =	vadd.f32 v30, v16;
	v30 =	vld.idx.msk [tilespmem:v42+s3+$0x0], $0xffff  }
0xc4: {  	v21 =	vadd.f32 v60, v21;
	v60 =	vmul.f32 v44, v46;
	v59 =	vadd.s32 $0x6, v53;
	v31 =	vld.idx.msk [tilespmem:v31+s3+$0x0], $0xffff  }
0xc5: {  	v49 =	vmul.f32 v49, v46;
	v24 =	vadd.f32 v56, v24;
	v19 =	vadd.f32 v58, v19;
	v38 =	vld.idx.msk [tilespmem:v61+s3+$0x0], $0xffff  }
0xc6: {  	v17 =	vadd.f32 v60, v17;
	v56 =	vadd.s32 $0x2, v42;
	v62 =	vmul.f32 v41, v37;
	v37 =	vld.idx.msk [tilespmem:v63+s3+$0x0], $0xffff  }
0xc7: {  	v21 =	vadd.f32 v49, v21;
	v26 =	vmul.f32 v26, v54;
	v51 =	vmul.f32 v50, v46;
	v35 =	vld.idx.msk [tilespmem:v55+s3+$0x0], $0xffff  }
0xc8: {  	v58 =	vadd.s32 $0x3, v42;
	v60 =	vmul.f32 v43, v54;
	v50 =	vmul.f32 v34, v54;
	v41 =	vld.idx.msk [tilespmem:v57+s3+$0x0], $0xffff  }
0xc9: {  	v17 =	vadd.f32 v26, v17;
	v23 =	vadd.f32 v62, v23;
	v61 =	vadd.s32 $0x7, v53;
	v40 =	vld.idx.msk [tilespmem:v59+s3+$0x0], $0xffff  }
0xca: {  	v62 =	vmul.f32 v45, v46;
	v53 =	vadd.s32 $0x1, v42;
	v57 =	vmul.f32 v29, v54;
	v29 =	vld [tilespmem:s23+$0x8400]  }
0xcb: {  	v63 =	vmul.f32 v47, v46;
	v23 =	vadd.f32 v51, v23;
	v59 =	vadd.s32 $0x4, v42;
	v51 =	vld.idx.msk [tilespmem:v56+s3+$0x0], $0xffff  }
0xcc: {  	v18 =	vadd.f32 v62, v18;
	v62 =	vmul.f32 v28, v54;
	v56 =	vadd.s32 $0x1, v48;
	v28 =	vld.idx.msk [tilespmem:v48+s3+$0x0], $0xffff  }
0xcd: {  	v55 =	vmul.f32 v52, v46;
	v46 =	vadd.s32 $0x7, v48;
	v52 =	vmul.f32 v27, v54;
	v27 =	vld.idx.msk [tilespmem:v58+s3+$0x0], $0xffff  }
0xce: {  	v21 =	vadd.f32 v50, v21;
	v20 =	vadd.f32 v63, v20;
	v63 =	vadd.s32 $0x6, v42;
	v33 =	vld.idx.msk [tilespmem:v61+s3+$0x0], $0xffff  }
0xcf: {  	v22 =	vmul.f32 v22, v54;
	v24 =	vadd.f32 v55, v24;
	v19 =	vadd.f32 v57, v19;
	v43 =	vld.idx.msk [tilespmem:v53+s3+$0x0], $0xffff  }
0xd0: {  	v20 =	vadd.f32 v62, v20;
	v62 =	vadd.s32 $0x5, v48;
	v53 =	vmul.f32 v36, v54;
	v54 =	vld.idx.msk [tilespmem:v59+s3+$0x0], $0xffff  }
0xd1: {  	v18 =	vadd.f32 v60, v18;
	v22 =	vadd.f32 v22, v23;
	v26 =	vld.idx.msk [tilespmem:v56+s3+$0x0], $0xffff  }
0xd2: {  	v32 =	vmul.f32 v32, v39;
	v61 =	vadd.s32 $0x5, v42;
	v37 =	vmul.f32 v37, v39;
	v56 =	vld.idx.msk [tilespmem:v46+s3+$0x0], $0xffff  }
0xd3: {  	v60 =	vadd.s32 $0x3, v48;
	v55 =	vadd.f32 v52, v24;
	v42 =	vadd.s32 $0x7, v42;
	v25 =	vld.idx.msk [tilespmem:v63+s3+$0x0], $0xffff  }
0xd4: {  	v19 =	vadd.f32 v32, v19;
	v27 =	vmul.f32 v27, v29;
	v20 =	vadd.f32 v37, v20;
	v37 =	vld [tilespmem:s23+$0x4400]  }
0xd5: {  	v57 =	vmul.f32 v31, v39;
	v59 =	vadd.s32 $0x2, v48;
	v50 =	vmul.f32 v51, v29;
	v51 =	vld.idx.msk [tilespmem:v62+s3+$0x0], $0xffff  }
0xd6: {  	v58 =	vmul.f32 v38, v39;
	v35 =	vmul.f32 v35, v39;
	v20 =	vadd.f32 v27, v20;
	v27 =	vld [tilespmem:s23+$0x8C00]  }
0xd7: {  	v41 =	vmul.f32 v41, v39;
	v40 =	vmul.f32 v40, v39;
	v63 =	vadd.s32 $0x6, v48;
	v24 =	vld.idx.msk [tilespmem:v61+s3+$0x0], $0xffff  }
0xd8: {  	v16 =	vadd.f32 v53, v16;
	v17 =	vadd.f32 v57, v17;
	v32 =	vld.idx.msk [tilespmem:v42+s3+$0x0], $0xffff;
	v61 =	vadd.s32 $0x4, v48  }
0xd9: {  	v30 =	vmul.f32 v30, v29;
	v18 =	vadd.f32 v58, v18;
	v21 =	vadd.f32 v35, v21;
	v42 =	vld [tilespmem:s23+$0x8800]  }
0xda: {  	v22 =	vadd.f32 v41, v22;
	v23 =	vadd.f32 v40, v55;
	v38 =	vld.idx.msk [tilespmem:v59+s3+$0x0], $0xffff;
	v52 =	vadd.s32 $0x1, v37  }
0xdb: {  	v19 =	vadd.f32 v30, v19;
	v33 =	vmul.f32 v33, v39;
	v48 =	vld.idx.msk [tilespmem:v60+s3+$0x0], $0xffff;
	v55 =	vadd.s32 $0x2, v37  }
0xdc: {  	v47 =	vmul.f32 v43, v29;
	v53 =	vmul.f32 v54, v29;
	v54 =	vld.idx.msk [tilespmem:v63+s3+$0x0], $0xffff;
	v57 =	vadd.s32 $0x3, v37  }
0xdd: {  	v18 =	vadd.f32 v50, v18;
	v16 =	vadd.f32 v33, v16;
	v58 =	vadd.s32 $0x4, v37;
	v49 =	vld.idx.msk [tilespmem:v61+s3+$0x0], $0xffff  }
0xde: {  	v17 =	vadd.f32 v47, v17;
	v21 =	vadd.f32 v53, v21;
	v59 =	vmul.f32 v25, v29;
	v61 =	vld.idx.msk [tilespmem:v37+s3+$0x0], $0xffff  }
0xdf: {  	v63 =	vadd.s32 $0x5, v37;
	v24 =	vmul.f32 v24, v29;
	v60 =	vmul.f32 v32, v29;
	v62 =	vld.idx.msk [tilespmem:v52+s3+$0x0], $0xffff  }
0xe0: {  	v23 =	vadd.f32 v59, v23;
	v28 =	vmul.f32 v28, v42;
	v26 =	vmul.f32 v26, v42;
	v44 =	vld.idx.msk [tilespmem:v55+s3+$0x0], $0xffff  }
0xe1: {  	v43 =	vmul.f32 v38, v42;
	v45 =	vmul.f32 v48, v42;
	v22 =	vadd.f32 v24, v22;
	v46 =	vld.idx.msk [tilespmem:v57+s3+$0x0], $0xffff  }
0xe2: {  	s29 =	sand.u32 $0x3E0, s21;
	v50 =	vmul.f32 v51, v42;
	v16 =	vadd.f32 v60, v16;
	v19 =	vadd.f32 v28, v19;
	v48 =	vld.idx.msk [tilespmem:v58+s3+$0x0], $0xffff  }
0xe3: {  	v51 =	vadd.s32 $0x7, v37;
	v17 =	vadd.f32 v26, v17;
	v18 =	vadd.f32 v43, v18;
	v52 =	vld [tilespmem:s29+$0x9000]  }
0xe4: {  	v53 =	vmul.f32 v54, v42;
	v34 =	vld.idx.msk [tilespmem:v63+s3+$0x0], $0xffff;
	v47 =	vmul.f32 v49, v42;
	v49 =	vadd.s32 $0x6, v37  }
0xe5: {  	v31 =	vmul.f32 v56, v42;
	v20 =	vadd.f32 v45, v20;
	v22 =	vadd.f32 v50, v22  }
0xe6: {  	v23 =	vadd.f32 v53, v23;
	v54 =	vmul.f32 v61, v27;
	v55 =	vmul.f32 v62, v27  }
0xe7: {  	v16 =	vadd.f32 v31, v16;
	v56 =	vmul.f32 v44, v27;
	v57 =	vmul.f32 v46, v27  }
0xe8: {  	v60 =	vld.idx.msk [tilespmem:v51+s3+$0x0], $0xffff;
	v21 =	vadd.f32 v47, v21;
	v59 =	vmul.f32 v48, v27;
	v61 =	vmul.f32 v52, v8  }
0xe9: {  	v19 =	vadd.f32 v54, v19;
	v62 =	vmul.f32 v34, v27;
	v63 =	vmul.f32 v52, v9;
	v58 =	vld.idx.msk [tilespmem:v49+s3+$0x0], $0xffff  }
0xea: {  	v33 =	vmul.f32 v52, v10;
	v34 =	vmul.f32 v52, v11;
	v17 =	vadd.f32 v55, v17  }
0xeb: {  	v36 =	vmul.f32 v52, v12;
	v18 =	vadd.f32 v56, v18;
	v19 =	vadd.f32 v61, v19  }
0xec: {  	v35 =	vld [tilespmem:s23+$0x2410];
	v39 =	vmul.f32 v52, v13;
	v20 =	vadd.f32 v57, v20;
	v17 =	vadd.f32 v63, v17  }
0xed: {  	v21 =	vadd.f32 v59, v21;
	v38 =	vmul.f32 v60, v27;
	v18 =	vadd.f32 v33, v18;
	[tilespmem:s23+$0xBC00] =	vst v19  }
0xee: {  	v22 =	vadd.f32 v62, v22;
	v20 =	vadd.f32 v34, v20;
	[tilespmem:s23+$0xC000] =	vst v17;
	v26 =	vmul.f32 v58, v27  }
0xef: {  	v28 =	vld [tilespmem:s23+$0x7010];
	v42 =	vmul.f32 v52, v15;
	v21 =	vadd.f32 v36, v21;
	v16 =	vadd.f32 v38, v16;
	[tilespmem:s23+$0xC400] =	vst v18  }
0xf0: {  	v37 =	vld [tilespmem:s23+$0x7410];
	v40 =	vmul.f32 v52, v14;
	v41 =	vadd.f32 v39, v22;
	[tilespmem:s23+$0xC800] =	vst v20;
	v17 =	vadd.f32 v26, v23  }
0xf1: {  	v43 =	vadd.s32 $0x1, v35;
	v48 =	vld [tilespmem:s23+$0x2810];
	[tilespmem:s23+$0xCC00] =	vst v21;
	v16 =	vadd.f32 v42, v16  }
0xf2: {  	v44 =	vadd.s32 $0x3, v35;
	v55 =	vld [tilespmem:s23+$0x2C10];
	[tilespmem:s23+$0xD000] =	vst v41;
	v17 =	vadd.f32 v40, v17  }
0xf3: {  	v45 =	vadd.s32 $0x4, v35;
	v63 =	vld [tilespmem:s23+$0x3010];
	[tilespmem:s23+$0xD800] =	vst v16  }
0xf4: {  	v46 =	vadd.s32 $0x5, v35;
	v16 =	vld [tilespmem:s23+$0x6C10];
	[tilespmem:s23+$0xD400] =	vst v17  }
0xf5: {  	v47 =	vadd.s32 $0x6, v35;
	v19 =	vld.idx.msk [tilespmem:v35+s3+$0x0], $0xffff  }
0xf6: {  	v49 =	vadd.s32 $0x7, v35;
	v20 =	vld.idx.msk [tilespmem:v43+s3+$0x0], $0xffff  }
0xf7: {  	v18 =	vld.idx.msk [tilespmem:v44+s3+$0x0], $0xffff  }
0xf8: {  	v50 =	vadd.s32 $0x1, v48;
	v21 =	vld.idx.msk [tilespmem:v45+s3+$0x0], $0xffff  }
0xf9: {  	v51 =	vadd.s32 $0x2, v48;
	v22 =	vld.idx.msk [tilespmem:v46+s3+$0x0], $0xffff  }
0xfa: {  	v52 =	vadd.s32 $0x3, v48;
	v23 =	vld.idx.msk [tilespmem:v47+s3+$0x0], $0xffff  }
0xfb: {  	v53 =	vadd.s32 $0x4, v48;
	v25 =	vld.idx.msk [tilespmem:v49+s3+$0x0], $0xffff  }
0xfc: {  	v54 =	vadd.s32 $0x5, v48;
	v30 =	vld.idx.msk [tilespmem:v48+s3+$0x0], $0xffff  }
0xfd: {  	v56 =	vadd.s32 $0x6, v48;
	v26 =	vld.idx.msk [tilespmem:v50+s3+$0x0], $0xffff  }
0xfe: {  	v24 =	vadd.s32 $0x7, v48;
	v27 =	vld.idx.msk [tilespmem:v51+s3+$0x0], $0xffff  }
0xff: {  	v29 =	vld.idx.msk [tilespmem:v52+s3+$0x0], $0xffff  }
0x100: {  	v57 =	vadd.s32 $0x1, v55;
	v31 =	vld.idx.msk [tilespmem:v53+s3+$0x0], $0xffff  }
0x101: {  	v58 =	vadd.s32 $0x2, v55;
	v32 =	vld.idx.msk [tilespmem:v54+s3+$0x0], $0xffff  }
0x102: {  	v59 =	vadd.s32 $0x3, v55;
	v34 =	vld.idx.msk [tilespmem:v56+s3+$0x0], $0xffff  }
0x103: {  	v60 =	vadd.s32 $0x4, v55;
	v24 =	vld.idx.msk [tilespmem:v24+s3+$0x0], $0xffff  }
0x104: {  	v61 =	vadd.s32 $0x5, v55;
	v39 =	vld.idx.msk [tilespmem:v55+s3+$0x0], $0xffff  }
0x105: {  	v62 =	vadd.s32 $0x6, v55;
	v17 =	vadd.s32 $0x2, v35;
	v35 =	vld.idx.msk [tilespmem:v57+s3+$0x0], $0xffff  }
0x106: {  	v33 =	vadd.s32 $0x7, v55;
	v36 =	vld.idx.msk [tilespmem:v58+s3+$0x0], $0xffff  }
0x107: {  	v38 =	vld.idx.msk [tilespmem:v59+s3+$0x0], $0xffff  }
0x108: {  	v40 =	vld.idx.msk [tilespmem:v60+s3+$0x0], $0xffff  }
0x109: {  	v41 =	vld.idx.msk [tilespmem:v61+s3+$0x0], $0xffff  }
0x10a: {  	v42 =	vld.idx.msk [tilespmem:v62+s3+$0x0], $0xffff  }
0x10b: {  	v33 =	vld.idx.msk [tilespmem:v33+s3+$0x0], $0xffff  }
0x10c: {  	v46 =	vld [tilespmem:s23+$0x7810]  }
0x10d: {  	v55 =	vadd.s32 $0x1, v63;
	v48 =	vld.idx.msk [tilespmem:v63+s3+$0x0], $0xffff  }
0x10e: {  	v56 =	vadd.s32 $0x2, v63;
	v51 =	vld [tilespmem:s23+$0x3410]  }
0x10f: {  	v57 =	vadd.s32 $0x3, v63;
	v54 =	vld [tilespmem:s23+$0x7C10]  }
0x110: {  	v58 =	vadd.s32 $0x4, v63;
	v53 =	vld [tilespmem:s23+$0x3810]  }
0x111: {  	v59 =	vadd.s32 $0x5, v63;
	v17 =	vld.idx.msk [tilespmem:v17+s3+$0x0], $0xffff  }
0x112: {  	v43 =	vadd.s32 $0x7, v63;
	v44 =	vld.idx.msk [tilespmem:v55+s3+$0x0], $0xffff  }
0x113: {  	v60 =	vadd.s32 $0x6, v63;
	v45 =	vld.idx.msk [tilespmem:v56+s3+$0x0], $0xffff;
	v19 =	vmul.f32 v19, v16  }
0x114: {  	v47 =	vld.idx.msk [tilespmem:v57+s3+$0x0], $0xffff;
	v20 =	vmul.f32 v20, v16;
	v18 =	vmul.f32 v18, v16  }
0x115: {  	v49 =	vld.idx.msk [tilespmem:v58+s3+$0x0], $0xffff;
	v21 =	vmul.f32 v21, v16;
	v22 =	vmul.f32 v22, v16  }
0x116: {  	v50 =	vld.idx.msk [tilespmem:v59+s3+$0x0], $0xffff;
	v61 =	vadd.s32 $0x1, v51;
	v23 =	vmul.f32 v23, v16;
	v62 =	vmul.f32 v30, v28  }
0x117: {  	v30 =	vld.idx.msk [tilespmem:v43+s3+$0x0], $0xffff;
	v43 =	vadd.s32 $0x2, v51;
	v26 =	vmul.f32 v26, v28;
	v27 =	vmul.f32 v27, v28  }
0x118: {  	v52 =	vld.idx.msk [tilespmem:v60+s3+$0x0], $0xffff;
	v55 =	vadd.s32 $0x3, v51;
	v63 =	vmul.f32 v29, v28;
	v32 =	vmul.f32 v32, v28  }
0x119: {  	v60 =	vadd.s32 $0x4, v51;
	v39 =	vmul.f32 v39, v37;
	v19 =	vadd.f32 v62, v19;
	v29 =	vld.idx.msk [tilespmem:v51+s3+$0x0], $0xffff  }
0x11a: {  	v34 =	vmul.f32 v34, v28;
	v24 =	vmul.f32 v24, v28;
	v22 =	vadd.f32 v32, v22;
	v32 =	vld.idx.msk [tilespmem:v53+s3+$0x0], $0xffff  }
0x11b: {  	v57 =	vmul.f32 v36, v37;
	v58 =	vadd.s32 $0x1, v53;
	v19 =	vadd.f32 v39, v19;
	v39 =	vld [tilespmem:s23+$0x8010]  }
0x11c: {  	v59 =	vmul.f32 v38, v37;
	v56 =	vadd.s32 $0x5, v53;
	v20 =	vadd.f32 v26, v20;
	v26 =	vld.idx.msk [tilespmem:v61+s3+$0x0], $0xffff  }
0x11d: {  	v18 =	vadd.f32 v63, v18;
	v62 =	vmul.f32 v31, v28;
	v63 =	vadd.s32 $0x6, v51;
	v43 =	vld.idx.msk [tilespmem:v43+s3+$0x0], $0xffff  }
0x11e: {  	v33 =	vmul.f32 v33, v37;
	v23 =	vadd.f32 v34, v23;
	v17 =	vmul.f32 v17, v16;
	v28 =	vld.idx.msk [tilespmem:v55+s3+$0x0], $0xffff  }
0x11f: {  	v16 =	vmul.f32 v25, v16;
	v21 =	vadd.f32 v62, v21;
	v61 =	vadd.s32 $0x5, v51;
	v34 =	vld.idx.msk [tilespmem:v60+s3+$0x0], $0xffff  }
0x120: {  	v62 =	vmul.f32 v41, v37;
	v18 =	vadd.f32 v59, v18;
	v51 =	vadd.s32 $0x7, v51;
	v31 =	vld.idx.msk [tilespmem:v58+s3+$0x0], $0xffff  }
0x121: {  	v55 =	vmul.f32 v35, v37;
	v60 =	vmul.f32 v40, v37;
	v35 =	vadd.s32 $0x4, v53;
	v41 =	vld.idx.msk [tilespmem:v56+s3+$0x0], $0xffff  }
0x122: {  	v58 =	vadd.s32 $0x6, v53;
	v59 =	vmul.f32 v44, v46;
	v17 =	vadd.f32 v27, v17;
	v27 =	vld.idx.msk [tilespmem:v63+s3+$0x0], $0xffff  }
0x123: {  	v20 =	vadd.f32 v55, v20;
	v63 =	vadd.s32 $0x3, v53;
	v55 =	vmul.f32 v42, v37;
	v42 =	vld [tilespmem:s23+$0x3C10]  }
0x124: {  	v30 =	vmul.f32 v30, v46;
	v16 =	vadd.f32 v24, v16;
	v22 =	vadd.f32 v62, v22;
	v24 =	vld.idx.msk [tilespmem:v61+s3+$0x0], $0xffff  }
0x125: {  	v62 =	vmul.f32 v47, v46;
	v21 =	vadd.f32 v60, v21;
	v60 =	vadd.s32 $0x7, v53;
	v36 =	vld.idx.msk [tilespmem:v51+s3+$0x0], $0xffff  }
0x126: {  	v17 =	vadd.f32 v57, v17;
	v16 =	vadd.f32 v33, v16;
	v61 =	vadd.s32 $0x2, v53;
	v35 =	vld.idx.msk [tilespmem:v35+s3+$0x0], $0xffff  }
0x127: {  	v57 =	vmul.f32 v48, v46;
	v18 =	vadd.f32 v62, v18;
	v23 =	vadd.f32 v55, v23;
	v40 =	vld.idx.msk [tilespmem:v58+s3+$0x0], $0xffff  }
0x128: {  	v37 =	vld.idx.msk [tilespmem:v63+s3+$0x0], $0xffff;
	v63 =	vmul.f32 v49, v46;
	v49 =	vmul.f32 v50, v46;
	v50 =	vadd.s32 $0x1, v42  }
0x129: {  	v20 =	vadd.f32 v59, v20;
	v32 =	vmul.f32 v32, v39;
	v53 =	vmul.f32 v29, v54;
	v29 =	vld [tilespmem:s23+$0x8410]  }
0x12a: {  	v19 =	vadd.f32 v57, v19;
	v51 =	vmul.f32 v52, v46;
	v33 =	vld.idx.msk [tilespmem:v60+s3+$0x0], $0xffff;
	v52 =	vadd.s32 $0x2, v42  }
0x12b: {  	v16 =	vadd.f32 v30, v16;
	v26 =	vmul.f32 v26, v54;
	v55 =	vadd.s32 $0x3, v42;
	v38 =	vld.idx.msk [tilespmem:v61+s3+$0x0], $0xffff  }
0x12c: {  	v57 =	vmul.f32 v43, v54;
	v56 =	vadd.s32 $0x4, v42;
	v61 =	vmul.f32 v45, v46;
	v30 =	vld.idx.msk [tilespmem:v42+s3+$0x0], $0xffff  }
0x12d: {  	v59 =	vmul.f32 v28, v54;
	v62 =	vmul.f32 v34, v54;
	v58 =	vadd.s32 $0x5, v42;
	v43 =	vld.idx.msk [tilespmem:v50+s3+$0x0], $0xffff  }
0x12e: {  	v23 =	vadd.f32 v51, v23;
	v60 =	vadd.s32 $0x6, v42;
	v17 =	vadd.f32 v61, v17;
	v61 =	vld [tilespmem:s23+$0x4010]  }
0x12f: {  	v41 =	vmul.f32 v41, v39;
	v19 =	vadd.f32 v53, v19;
	v21 =	vadd.f32 v63, v21;
	v63 =	vld.idx.msk [tilespmem:v52+s3+$0x0], $0xffff  }
0x130: {  	v20 =	vadd.f32 v26, v20;
	v44 =	vmul.f32 v27, v54;
	v42 =	vadd.s32 $0x7, v42;
	v27 =	vld.idx.msk [tilespmem:v55+s3+$0x0], $0xffff  }
0x131: {  	v18 =	vadd.f32 v59, v18;
	v51 =	vmul.f32 v31, v39;
	v46 =	vmul.f32 v36, v54;
	v36 =	vld.idx.msk [tilespmem:v56+s3+$0x0], $0xffff  }
0x132: {  	v22 =	vadd.f32 v49, v22;
	v23 =	vadd.f32 v44, v23;
	v49 =	vld.idx.msk [tilespmem:v58+s3+$0x0], $0xffff;
	v37 =	vmul.f32 v37, v39  }
0x133: {  	v19 =	vadd.f32 v32, v19;
	v20 =	vadd.f32 v51, v20;
	v24 =	vmul.f32 v24, v54;
	v25 =	vld.idx.msk [tilespmem:v60+s3+$0x0], $0xffff  }
0x134: {  	v35 =	vmul.f32 v35, v39;
	v40 =	vmul.f32 v40, v39;
	v18 =	vadd.f32 v37, v18;
	v37 =	vld [tilespmem:s23+$0x4410]  }
0x135: {  	v21 =	vadd.f32 v62, v21;
	v22 =	vadd.f32 v24, v22;
	v32 =	vld.idx.msk [tilespmem:v42+s3+$0x0], $0xffff;
	v50 =	vadd.s32 $0x1, v61  }
0x136: {  	v16 =	vadd.f32 v46, v16;
	v42 =	vld [tilespmem:s23+$0x8810];
	v53 =	vadd.s32 $0x2, v61;
	v27 =	vmul.f32 v27, v29  }
0x137: {  	v33 =	vmul.f32 v33, v39;
	v54 =	vadd.s32 $0x3, v61;
	v60 =	vmul.f32 v43, v29;
	v43 =	vld [tilespmem:s23+$0x9010]  }
0x138: {  	v23 =	vadd.f32 v40, v23;
	v56 =	vadd.s32 $0x4, v61;
	v18 =	vadd.f32 v27, v18;
	v27 =	vld [tilespmem:s23+$0x8C10]  }
0x139: {  	v21 =	vadd.f32 v35, v21;
	v17 =	vadd.f32 v57, v17;
	v57 =	vadd.s32 $0x5, v61;
	v55 =	vld.idx.msk [tilespmem:v61+s3+$0x0], $0xffff  }
0x13a: {  	v22 =	vadd.f32 v41, v22;
	v52 =	vmul.f32 v38, v39;
	v58 =	vadd.s32 $0x6, v61;
	v26 =	vld.idx.msk [tilespmem:v50+s3+$0x0], $0xffff  }
0x13b: {  	v16 =	vadd.f32 v33, v16;
	v30 =	vmul.f32 v30, v29;
	v59 =	vadd.s32 $0x7, v61;
	v38 =	vld.idx.msk [tilespmem:v53+s3+$0x0], $0xffff  }
0x13c: {  	v17 =	vadd.f32 v52, v17;
	v63 =	vmul.f32 v63, v29;
	v46 =	vmul.f32 v36, v29;
	v61 =	vld.idx.msk [tilespmem:v54+s3+$0x0], $0xffff  }
0x13d: {  	v19 =	vadd.f32 v30, v19;
	v24 =	vmul.f32 v49, v29;
	v52 =	vmul.f32 v25, v29;
	v62 =	vld.idx.msk [tilespmem:v56+s3+$0x0], $0xffff  }
0x13e: {  	v20 =	vadd.f32 v60, v20;
	v44 =	vadd.s32 $0x1, v37;
	v48 =	vadd.s32 $0x2, v37;
	v33 =	vld.idx.msk [tilespmem:v57+s3+$0x0], $0xffff  }
0x13f: {  	v17 =	vadd.f32 v63, v17;
	v21 =	vadd.f32 v46, v21;
	v51 =	vadd.s32 $0x4, v37;
	v47 =	vld.idx.msk [tilespmem:v58+s3+$0x0], $0xffff  }
0x140: {  	v22 =	vadd.f32 v24, v22;
	v23 =	vadd.f32 v52, v23;
	v49 =	vld.idx.msk [tilespmem:v59+s3+$0x0], $0xffff;
	v50 =	vadd.s32 $0x3, v37  }
0x141: {  	v63 =	vadd.s32 $0x6, v37;
	v53 =	vmul.f32 v32, v29;
	v54 =	vld.idx.msk [tilespmem:v37+s3+$0x0], $0xffff;
	v52 =	vmul.f32 v43, v8  }
0x142: {  	v56 =	vadd.s32 $0x5, v37;
	v28 =	vmul.f32 v55, v42;
	v26 =	vmul.f32 v26, v42  }
0x143: {  	v41 =	vadd.s32 $0x7, v37;
	v58 =	vld.idx.msk [tilespmem:v48+s3+$0x0], $0xffff;
	v57 =	vmul.f32 v38, v42;
	v59 =	vmul.f32 v61, v42  }
0x144: {  	v16 =	vadd.f32 v53, v16;
	v55 =	vld.idx.msk [tilespmem:v44+s3+$0x0], $0xffff;
	v61 =	vmul.f32 v62, v42;
	v40 =	vmul.f32 v33, v42  }
0x145: {  	v19 =	vadd.f32 v28, v19;
	v60 =	vld.idx.msk [tilespmem:v50+s3+$0x0], $0xffff;
	v44 =	vmul.f32 v47, v42;
	v31 =	vmul.f32 v49, v42  }
0x146: {  	v62 =	vld.idx.msk [tilespmem:v51+s3+$0x0], $0xffff;
	v45 =	vmul.f32 v54, v27;
	v20 =	vadd.f32 v26, v20;
	v17 =	vadd.f32 v57, v17  }
0x147: {  	v34 =	vld.idx.msk [tilespmem:v56+s3+$0x0], $0xffff;
	v54 =	vmul.f32 v43, v9;
	v18 =	vadd.f32 v59, v18;
	v21 =	vadd.f32 v61, v21  }
0x148: {  	v49 =	vld.idx.msk [tilespmem:v63+s3+$0x0], $0xffff;
	v56 =	vmul.f32 v43, v11;
	v22 =	vadd.f32 v40, v22;
	v23 =	vadd.f32 v44, v23  }
0x149: {  	v51 =	vld.idx.msk [tilespmem:v41+s3+$0x0], $0xffff;
	v47 =	vmul.f32 v58, v27;
	v19 =	vadd.f32 v45, v19;
	v58 =	vmul.f32 v43, v12  }
0x14a: {  	v16 =	vadd.f32 v31, v16;
	v46 =	vmul.f32 v55, v27;
	v55 =	vmul.f32 v43, v10  }
0x14b: {  	v17 =	vadd.f32 v47, v17;
	v19 =	vadd.f32 v52, v19;
	v48 =	vmul.f32 v60, v27  }
0x14c: {  	v20 =	vadd.f32 v46, v20;
	v50 =	vmul.f32 v62, v27;
	v53 =	vmul.f32 v34, v27  }
0x14d: {  	v57 =	vmul.f32 v49, v27;
	v17 =	vadd.f32 v55, v17;
	v18 =	vadd.f32 v48, v18  }
0x14e: {  	v59 =	vmul.f32 v51, v27;
	[tilespmem:s23+$0xBC10] =	vst v19;
	v21 =	vadd.f32 v50, v21;
	v20 =	vadd.f32 v54, v20  }
0x14f: {  	v60 =	vmul.f32 v43, v13;
	v22 =	vadd.f32 v53, v22;
	[tilespmem:s23+$0xC410] =	vst v17;
	v18 =	vadd.f32 v56, v18  }
0x150: {  	p1 =	sne.s32 s22, $0xF80;
	v61 =	vmul.f32 v43, v14;
	v23 =	vadd.f32 v57, v23;
	[tilespmem:s23+$0xC010] =	vst v20;
	v19 =	vadd.f32 v58, v21  }
.Ltmp0:
0x151: {  	v62 =	vmul.f32 v43, v15;
	v16 =	vadd.f32 v59, v16;
	v17 =	vadd.f32 v60, v22;
	[tilespmem:s23+$0xC810] =	vst v18;
	(pc) =	sbr.rel @p1 .LBB2_3-.Ltmp0, $4  }
0x152: {  	v63 =	vadd.f32 v61, v23;
	[tilespmem:s23+$0xCC10] =	vst v19  }
0x153: {  	v16 =	vadd.f32 v62, v16;
	[tilespmem:s23+$0xD010] =	vst v17  }
0x154: {  	[tilespmem:s23+$0xD410] =	vst v63  }
0x155: {  	s21 =	sadd.s32 $0x20, s21;
	s22 =	sadd.s32 $0x80, s22;
	[tilespmem:s23+$0xD810] =	vst v16  }
0x156: {  	s21 =	sor.u32 s7, s20  }
0x157: {  	s21 =	sshrl.u32 s21, $0x3  }
0x158: {  	s16 =	simm.s32 $0xBC00;
	s22 =	sadd.s32 s1, s21;
	s23 =	sor.u32 $0x10000, s21  }
0x159: {  	[hbm4b:s22+s3] =	stream.linear.scatter [tilespmem:s16], [sflag:$0x3], $0x400, $0x38;
	[tilespmem:$0xFC00] =	vst v63  }
0x15a: {  	s29 =	simm.s32 $0xC000;
	s22 =	sadd.s32 s1, s23;
	s23 =	sor.u32 $0x20000, s21  }
0x15b: {  	[hbm4b:s22+s3] =	stream.linear.scatter [tilespmem:s29], [sflag:$0x3], $0x400, $0x38;
	[tilespmem:$0xFC00] =	vst v63  }
0x15c: {  	s22 =	sadd.s32 s1, s23;
	s29 =	simm.s32 $0xC400;
	s23 =	sor.u32 $0x30000, s21  }
0x15d: {  	[hbm4b:s22+s3] =	stream.linear.scatter [tilespmem:s29], [sflag:$0x3], $0x400, $0x38;
	[tilespmem:$0xFC00] =	vst v63  }
0x15e: {  	s22 =	sadd.s32 s1, s23;
	s29 =	simm.s32 $0xC800;
	s23 =	sor.u32 $0x40000, s21  }
0x15f: {  	[hbm4b:s22+s3] =	stream.linear.scatter [tilespmem:s29], [sflag:$0x3], $0x400, $0x38;
	[tilespmem:$0xFC00] =	vst v63  }
0x160: {  	s22 =	sadd.s32 s1, s23;
	s29 =	simm.s32 $0xCC00;
	s23 =	sor.u32 $0x50000, s21  }
0x161: {  	[hbm4b:s22+s3] =	stream.linear.scatter [tilespmem:s29], [sflag:$0x3], $0x400, $0x38;
	[tilespmem:$0xFC00] =	vst v63  }
0x162: {  	p1 =	seq.s32 s9, $0x7;
	s22 =	sadd.s32 s1, s23;
	s29 =	simm.s32 $0xD000  }
0x163: {  	[hbm4b:s22+s3] =	stream.linear.scatter [tilespmem:s29], [sflag:$0x3], $0x400, $0x38;
	[tilespmem:$0xFC00] =	vst v63  }
.Ltmp1:
0x164: {  	s16 =	sor.u32 $0x60000, s21;
	(pc) =	sbr.rel @p1 .LBB2_6-.Ltmp1, $4  }
0x165: {  	s21 =	sor.u32 $0x70000, s21;
	s23 =	simm.s32 $0xD400;
	s22 =	sadd.s32 s1, s16  }
0x166: {  	[hbm4b:s22+s3] =	stream.linear.scatter [tilespmem:s23], [sflag:$0x3], $0x400, $0x38;
	[tilespmem:$0xFC00] =	vst v63  }
0x167: {  	s21 =	sadd.s32 s1, s21;
	s29 =	simm.s32 $0xD800  }
0x168: {  	[hbm4b:s21+s3] =	stream.linear.scatter [tilespmem:s29], [sflag:$0x3], $0x400, $0x38;
	[tilespmem:$0xFC00] =	vst v63  }
0x169: {  	s16 =	rddreg [dreg:$0x18]  }
0x16a: {  	s20 =	sadd.s32 s20, s16  }
0x16b: {  	s20 =	sshrl.u32 s20, $0x3  }
0x16c: {  	s24 =	simm.s32 $0x2400;
	s21 =	sadd.s32 s4, s20  }
0x16d: {  	[tilespmem:s24], [sflag:$0x1] =	stream.linear.gather [hbm4b:s21+s3], $0x400, $0x38;
	[tilespmem:$0xFC00] =	vst v63  }
0x16e: {  	s21 =	sadd.s32 $0x10000, s20  }
0x16f: {  	s25 =	simm.s32 $0x2800;
	s22 =	sadd.s32 s4, s21  }
0x170: {  	[tilespmem:s25], [sflag:$0x1] =	stream.linear.gather [hbm4b:s22+s3], $0x400, $0x38;
	[tilespmem:$0xFC00] =	vst v63  }
0x171: {  	s22 =	sor.u32 $0x20000, s20  }
0x172: {  	s29 =	simm.s32 $0x2C00;
	s23 =	sadd.s32 s4, s22  }
0x173: {  	[tilespmem:s29], [sflag:$0x1] =	stream.linear.gather [hbm4b:s23+s3], $0x400, $0x38;
	[tilespmem:$0xFC00] =	vst v63  }
0x174: {  	s23 =	sadd.s32 $0x30000, s20  }
0x175: {  	s24 =	simm.s32 $0x3000;
	s29 =	sadd.s32 s4, s23  }
0x176: {  	[tilespmem:s24], [sflag:$0x1] =	stream.linear.gather [hbm4b:s29+s3], $0x400, $0x38;
	[tilespmem:$0xFC00] =	vst v63  }
0x177: {  	s29 =	sor.u32 $0x40000, s20  }
0x178: {  	s25 =	simm.s32 $0x3400;
	s24 =	sadd.s32 s4, s29  }
0x179: {  	[tilespmem:s25], [sflag:$0x1] =	stream.linear.gather [hbm4b:s24+s3], $0x400, $0x38;
	[tilespmem:$0xFC00] =	vst v63  }
0x17a: {  	s24 =	sadd.s32 $0x50000, s20  }
0x17b: {  	s16 =	simm.s32 $0x3800;
	s25 =	sadd.s32 s4, s24  }
0x17c: {  	[tilespmem:s16], [sflag:$0x1] =	stream.linear.gather [hbm4b:s25+s3], $0x400, $0x38;
	[tilespmem:$0xFC00] =	vst v63  }
0x17d: {  	s25 =	sor.u32 $0x60000, s20  }
0x17e: {  	s16 =	simm.s32 $0x3C00;
	s28 =	sadd.s32 s4, s25  }
0x17f: {  	[tilespmem:s16], [sflag:$0x1] =	stream.linear.gather [hbm4b:s28+s3], $0x400, $0x38;
	[tilespmem:$0xFC00] =	vst v63  }
0x180: {  	s28 =	sadd.s32 $0x70000, s20  }
0x181: {  	s30 =	simm.s32 $0x4000;
	s16 =	sadd.s32 s4, s28  }
0x182: {  	[tilespmem:s30], [sflag:$0x1] =	stream.linear.gather [hbm4b:s16+s3], $0x400, $0x38;
	[tilespmem:$0xFC00] =	vst v63  }
0x183: {  	s16 =	sor.u32 $0x80000, s20  }
0x184: {  	s31 =	simm.s32 $0x4400;
	s30 =	sadd.s32 s4, s16  }
0x185: {  	[tilespmem:s31], [sflag:$0x1] =	stream.linear.gather [hbm4b:s30+s3], $0x400, $0x38;
	[tilespmem:$0xFC00] =	vst v63  }
0x186: {  	s20 =	sadd.s32 s5, s20;
	s30 =	simm.s32 $0x6C00  }
0x187: {  	[tilespmem:s30], [sflag:$0x1] =	stream.linear.gather [hbm4b:s20+s3], $0x400, $0x38;
	[tilespmem:$0xFC00] =	vst v63  }
0x188: {  	s21 =	sadd.s32 s5, s21;
	s30 =	simm.s32 $0x7000  }
0x189: {  	[tilespmem:s30], [sflag:$0x1] =	stream.linear.gather [hbm4b:s21+s3], $0x400, $0x38;
	[tilespmem:$0xFC00] =	vst v63  }
0x18a: {  	s21 =	sadd.s32 s5, s22;
	s22 =	simm.s32 $0x7400  }
0x18b: {  	[tilespmem:s22], [sflag:$0x1] =	stream.linear.gather [hbm4b:s21+s3], $0x400, $0x38;
	[tilespmem:$0xFC00] =	vst v63  }
0x18c: {  	s22 =	sadd.s32 s5, s23;
	s23 =	simm.s32 $0x7800  }
0x18d: {  	[tilespmem:s23], [sflag:$0x1] =	stream.linear.gather [hbm4b:s22+s3], $0x400, $0x38;
	[tilespmem:$0xFC00] =	vst v63  }
0x18e: {  	s23 =	sadd.s32 s5, s29;
	s29 =	simm.s32 $0x7C00  }
0x18f: {  	[tilespmem:s29], [sflag:$0x1] =	stream.linear.gather [hbm4b:s23+s3], $0x400, $0x38;
	[tilespmem:$0xFC00] =	vst v63  }
0x190: {  	s16 =	sadd.s32 s5, s16;
	s23 =	sadd.s32 s5, s24;
	s29 =	simm.s32 $0x8000  }
0x191: {  	[tilespmem:s29], [sflag:$0x1] =	stream.linear.gather [hbm4b:s23+s3], $0x400, $0x38;
	[tilespmem:$0xFC00] =	vst v63  }
0x192: {  	s31 =	simm.s32 $0x5800;
	s23 =	sadd.s32 s5, s25;
	s29 =	simm.s32 $0x8400  }
0x193: {  	[tilespmem:s29], [sflag:$0x1] =	stream.linear.gather [hbm4b:s23+s3], $0x400, $0x38;
	[tilespmem:$0xFC00] =	vst v63  }
0x194: {  	s30 =	simm.s32 $0x5400;
	s23 =	sadd.s32 s5, s28;
	s29 =	simm.s32 $0x8800  }
0x195: {  	[tilespmem:s29], [sflag:$0x1] =	stream.linear.gather [hbm4b:s23+s3], $0x400, $0x38;
	[tilespmem:$0xFC00] =	vst v63  }
0x196: {  	s22 =	simm.s32 $0x8C00;
	s24 =	simm.s32 $0x4800;
	s25 =	simm.s32 $0x4C00  }
0x197: {  	[tilespmem:s22], [sflag:$0x1] =	stream.linear.gather [hbm4b:s16+s3], $0x400, $0x38;
	[tilespmem:$0xFC00] =	vst v63  }
0x198: {  	s28 =	simm.s32 $0x5000;
	s23 =	sadd.s32 $0x90000, s20;
	s29 =	simm.s32 $0x9000  }
0x199: {  	[tilespmem:s29], [sflag:$0x1] =	stream.linear.gather [hbm4b:s23+s3], $0x400, $0x38;
	[tilespmem:$0xFC00] =	vst v63  }
.LBB2_6:
0x19a: {  	_ =	swait.ge [sflag:s26], $0x2400  }
0x19b: {  	[sflag:s26] =	ssyncset.done $0x0  }
0x19c: {  	[sflag:s26] =	ssyncadd.s32 $0xFFFFDC00  }
0x19d: {  	_ =	swait.ge [sflag:s26], $0x2800  }
0x19e: {  	[sflag:s26] =	ssyncset.done $0x0  }
0x19f: {  	s16 =	simm.s32 @!p0 $0x4;
	[sflag:s26] =	ssyncadd.s32 $0xFFFFD800  }
0x1a0: {  	_ =	swait.ge @!p0 [sflag:s16], $0x2000  }
0x1a1: {  	[sflag:s16] =	ssyncset.done @!p0 $0x0  }
0x1a2: {  	s20 =	simm.s32 $0x0;
	s21 =	simm.s32 $0x0;
	[sflag:s16] =	ssyncadd.s32 @!p0 $0xFFFFE000  }
.LBB2_7:
0x1a3: {  	s22 =	sshra.s32 s21, $0x2  }
0x1a4: {  	v16 =	vld [tilespmem:s22+$0x4800]  }
0x1a5: {  	v19 =	vld [tilespmem:s22+$0x9400]  }
0x1a6: {  	v25 =	vld [tilespmem:s22+$0x4C00]  }
0x1a7: {  	v33 =	vld [tilespmem:s22+$0x5000]  }
0x1a8: {  	v43 =	vld [tilespmem:s22+$0x5400]  }
0x1a9: {  	v28 =	vld [tilespmem:s22+$0x9800]  }
0x1aa: {  	v37 =	vld [tilespmem:s22+$0x9C00]  }
0x1ab: {  	v46 =	vld [tilespmem:s22+$0xA000]  }
0x1ac: {  	v51 =	vld [tilespmem:s22+$0x5800];
	v17 =	vadd.s32 $0x1, v16  }
0x1ad: {  	v18 =	vadd.s32 $0x2, v16;
	v21 =	vld.idx.msk [tilespmem:v16+s3+$0x0], $0xffff  }
0x1ae: {  	v20 =	vadd.s32 $0x3, v16;
	v30 =	vld.idx.msk [tilespmem:v25+s3+$0x0], $0xffff  }
0x1af: {  	v22 =	vadd.s32 $0x4, v16;
	v39 =	vld.idx.msk [tilespmem:v33+s3+$0x0], $0xffff  }
0x1b0: {  	v23 =	vadd.s32 $0x5, v16;
	v48 =	vld.idx.msk [tilespmem:v43+s3+$0x0], $0xffff  }
0x1b1: {  	v24 =	vadd.s32 $0x6, v16;
	v17 =	vld.idx.msk [tilespmem:v17+s3+$0x0], $0xffff  }
0x1b2: {  	v26 =	vadd.s32 $0x1, v25;
	v18 =	vld.idx.msk [tilespmem:v18+s3+$0x0], $0xffff  }
0x1b3: {  	v27 =	vadd.s32 $0x2, v25;
	v20 =	vld.idx.msk [tilespmem:v20+s3+$0x0], $0xffff  }
0x1b4: {  	v29 =	vadd.s32 $0x3, v25;
	v22 =	vld.idx.msk [tilespmem:v22+s3+$0x0], $0xffff  }
0x1b5: {  	v31 =	vadd.s32 $0x4, v25;
	v23 =	vld.idx.msk [tilespmem:v23+s3+$0x0], $0xffff  }
0x1b6: {  	v32 =	vadd.s32 $0x5, v25;
	v24 =	vld.idx.msk [tilespmem:v24+s3+$0x0], $0xffff  }
0x1b7: {  	v34 =	vadd.s32 $0x6, v25;
	v26 =	vld.idx.msk [tilespmem:v26+s3+$0x0], $0xffff  }
0x1b8: {  	v35 =	vadd.s32 $0x1, v33;
	v27 =	vld.idx.msk [tilespmem:v27+s3+$0x0], $0xffff  }
0x1b9: {  	v36 =	vadd.s32 $0x2, v33;
	v29 =	vld.idx.msk [tilespmem:v29+s3+$0x0], $0xffff  }
0x1ba: {  	v38 =	vadd.s32 $0x3, v33;
	v31 =	vld.idx.msk [tilespmem:v31+s3+$0x0], $0xffff  }
0x1bb: {  	v40 =	vadd.s32 $0x4, v33;
	v32 =	vld.idx.msk [tilespmem:v32+s3+$0x0], $0xffff  }
0x1bc: {  	v41 =	vadd.s32 $0x5, v33;
	v34 =	vld.idx.msk [tilespmem:v34+s3+$0x0], $0xffff  }
0x1bd: {  	v42 =	vadd.s32 $0x6, v33;
	v35 =	vld.idx.msk [tilespmem:v35+s3+$0x0], $0xffff  }
0x1be: {  	v44 =	vadd.s32 $0x1, v43;
	v36 =	vld.idx.msk [tilespmem:v36+s3+$0x0], $0xffff  }
0x1bf: {  	v45 =	vadd.s32 $0x2, v43;
	v38 =	vld.idx.msk [tilespmem:v38+s3+$0x0], $0xffff  }
0x1c0: {  	v47 =	vadd.s32 $0x3, v43;
	v40 =	vld.idx.msk [tilespmem:v40+s3+$0x0], $0xffff  }
0x1c1: {  	v49 =	vadd.s32 $0x4, v43;
	v41 =	vld.idx.msk [tilespmem:v41+s3+$0x0], $0xffff  }
0x1c2: {  	v50 =	vadd.s32 $0x5, v43;
	v42 =	vld.idx.msk [tilespmem:v42+s3+$0x0], $0xffff  }
0x1c3: {  	v16 =	vadd.s32 $0x7, v16;
	v44 =	vld.idx.msk [tilespmem:v44+s3+$0x0], $0xffff  }
0x1c4: {  	v25 =	vadd.s32 $0x7, v25;
	v45 =	vld.idx.msk [tilespmem:v45+s3+$0x0], $0xffff  }
0x1c5: {  	v33 =	vadd.s32 $0x7, v33;
	v47 =	vld.idx.msk [tilespmem:v47+s3+$0x0], $0xffff  }
0x1c6: {  	v54 =	vadd.s32 $0x3, v51;
	v49 =	vld.idx.msk [tilespmem:v49+s3+$0x0], $0xffff  }
0x1c7: {  	v52 =	vadd.s32 $0x6, v43;
	v43 =	vadd.s32 $0x7, v43;
	v50 =	vld.idx.msk [tilespmem:v50+s3+$0x0], $0xffff  }
0x1c8: {  	v16 =	vld.idx.msk [tilespmem:v16+s3+$0x0], $0xffff  }
0x1c9: {  	v53 =	vadd.s32 $0x1, v51;
	v25 =	vld.idx.msk [tilespmem:v25+s3+$0x0], $0xffff;
	v21 =	vmul.f32 v21, v19;
	v30 =	vmul.f32 v30, v28  }
0x1ca: {  	v55 =	vadd.s32 $0x4, v51;
	v33 =	vld.idx.msk [tilespmem:v33+s3+$0x0], $0xffff;
	v57 =	vmul.f32 v39, v37;
	v17 =	vmul.f32 v17, v19  }
0x1cb: {  	v61 =	vadd.s32 $0x5, v51;
	v39 =	vld.idx.msk [tilespmem:v54+s3+$0x0], $0xffff;
	v18 =	vmul.f32 v18, v19;
	v20 =	vmul.f32 v20, v19  }
0x1cc: {  	v22 =	vmul.f32 v22, v19;
	v21 =	vadd.f32 v30, v21;
	v30 =	vld.idx.msk [tilespmem:v43+s3+$0x0], $0xffff;
	v27 =	vmul.f32 v27, v28  }
0x1cd: {  	v59 =	vadd.s32 $0x2, v51;
	v23 =	vmul.f32 v23, v19;
	v60 =	vmul.f32 v31, v28;
	v31 =	vld.idx.msk [tilespmem:v51+s3+$0x0], $0xffff  }
0x1ce: {  	v24 =	vmul.f32 v24, v19;
	v34 =	vmul.f32 v34, v28;
	v18 =	vadd.f32 v27, v18;
	v27 =	vld.idx.msk [tilespmem:v53+s3+$0x0], $0xffff  }
0x1cf: {  	v63 =	vadd.s32 $0x6, v51;
	v26 =	vmul.f32 v26, v28;
	v29 =	vmul.f32 v29, v28;
	v53 =	vld [tilespmem:s22+$0x5C00]  }
0x1d0: {  	v62 =	vmul.f32 v32, v28;
	v35 =	vmul.f32 v35, v37;
	v24 =	vadd.f32 v34, v24;
	v34 =	vld.idx.msk [tilespmem:v55+s3+$0x0], $0xffff  }
0x1d1: {  	v58 =	vmul.f32 v36, v37;
	v54 =	vmul.f32 v42, v37;
	v17 =	vadd.f32 v26, v17;
	v26 =	vld.idx.msk [tilespmem:v61+s3+$0x0], $0xffff  }
0x1d2: {  	v56 =	vadd.s32 $0x7, v51;
	v44 =	vmul.f32 v44, v46;
	v16 =	vmul.f32 v16, v19;
	v19 =	vld.idx.msk [tilespmem:v52+s3+$0x0], $0xffff  }
0x1d3: {  	v51 =	vmul.f32 v49, v46;
	v20 =	vadd.f32 v29, v20;
	v22 =	vadd.f32 v60, v22;
	v52 =	vld [tilespmem:s22+$0xA400]  }
0x1d4: {  	v23 =	vadd.f32 v62, v23;
	v29 =	vld.idx.msk [tilespmem:v63+s3+$0x0], $0xffff;
	v61 =	vmul.f32 v40, v37;
	v62 =	vmul.f32 v41, v37  }
0x1d5: {  	v21 =	vadd.f32 v57, v21;
	v25 =	vmul.f32 v25, v28;
	v28 =	vld.idx.msk [tilespmem:v59+s3+$0x0], $0xffff;
	v59 =	vmul.f32 v38, v37  }
0x1d6: {  	v41 =	vld [tilespmem:s22+$0xA800];
	v57 =	vmul.f32 v33, v37;
	v22 =	vadd.f32 v61, v22;
	v60 =	vadd.s32 $0x1, v53  }
0x1d7: {  	v38 =	vld.idx.msk [tilespmem:v56+s3+$0x0], $0xffff;
	v20 =	vadd.f32 v59, v20;
	v59 =	vmul.f32 v48, v46;
	v63 =	vadd.s32 $0x2, v53  }
0x1d8: {  	v37 =	vld [tilespmem:s22+$0x6000];
	v22 =	vadd.f32 v51, v22;
	v55 =	vadd.s32 $0x3, v53;
	v48 =	vmul.f32 v34, v52  }
0x1d9: {  	v17 =	vadd.f32 v35, v17;
	v18 =	vadd.f32 v58, v18;
	v56 =	vadd.s32 $0x4, v53;
	v35 =	vld.idx.msk [tilespmem:v53+s3+$0x0], $0xffff  }
0x1da: {  	v23 =	vadd.f32 v62, v23;
	v58 =	vadd.s32 $0x5, v53;
	v22 =	vadd.f32 v48, v22;
	v48 =	vld [tilespmem:s22+$0x6800]  }
0x1db: {  	v61 =	vmul.f32 v45, v46;
	v16 =	vadd.f32 v25, v16;
	v62 =	vadd.s32 $0x7, v53;
	v32 =	vld.idx.msk [tilespmem:v60+s3+$0x0], $0xffff  }
0x1dc: {  	v24 =	vadd.f32 v54, v24;
	v17 =	vadd.f32 v44, v17;
	v40 =	vld.idx.msk [tilespmem:v63+s3+$0x0], $0xffff  }
0x1dd: {  	v18 =	vadd.f32 v61, v18;
	v16 =	vadd.f32 v57, v16;
	v42 =	vld.idx.msk [tilespmem:v55+s3+$0x0], $0xffff  }
0x1de: {  	v21 =	vadd.f32 v59, v21;
	v19 =	vmul.f32 v19, v46;
	v54 =	vadd.s32 $0x1, v37;
	v36 =	vld.idx.msk [tilespmem:v56+s3+$0x0], $0xffff  }
0x1df: {  	v57 =	vadd.s32 $0x2, v37;
	v59 =	vadd.s32 $0x3, v37;
	v49 =	vadd.s32 $0x6, v37;
	v33 =	vld.idx.msk [tilespmem:v58+s3+$0x0], $0xffff  }
0x1e0: {  	v51 =	vmul.f32 v29, v52;
	v19 =	vadd.f32 v19, v24;
	v56 =	vmul.f32 v31, v52;
	v31 =	vld.idx.msk [tilespmem:v62+s3+$0x0], $0xffff  }
0x1e1: {  	v60 =	vadd.s32 $0x6, v53;
	v63 =	vmul.f32 v47, v46;
	v58 =	vmul.f32 v27, v52;
	v27 =	vld [tilespmem:s22+$0xAC00]  }
0x1e2: {  	v61 =	vadd.s32 $0x4, v37;
	v53 =	vmul.f32 v50, v46;
	v55 =	vmul.f32 v30, v46;
	v47 =	vld [tilespmem:s22+$0x6400]  }
0x1e3: {  	v62 =	vmul.f32 v39, v52;
	v19 =	vadd.f32 v51, v19;
	v39 =	vld.idx.msk [tilespmem:v54+s3+$0x0], $0xffff;
	v20 =	vadd.f32 v63, v20  }
0x1e4: {  	v50 =	vmul.f32 v26, v52;
	v26 =	vld.idx.msk [tilespmem:v57+s3+$0x0], $0xffff;
	v23 =	vadd.f32 v53, v23;
	v16 =	vadd.f32 v55, v16  }
0x1e5: {  	v25 =	vld.idx.msk [tilespmem:v49+s3+$0x0], $0xffff;
	v21 =	vadd.f32 v56, v21;
	v17 =	vadd.f32 v58, v17;
	v63 =	vadd.s32 $0x5, v37  }
0x1e6: {  	v54 =	vmul.f32 v35, v41;
	v44 =	vadd.s32 $0x6, v48;
	v20 =	vadd.f32 v62, v20;
	v30 =	vld.idx.msk [tilespmem:v60+s3+$0x0], $0xffff  }
0x1e7: {  	v23 =	vadd.f32 v50, v23;
	v60 =	vmul.f32 v28, v52;
	v28 =	vld.idx.msk [tilespmem:v37+s3+$0x0], $0xffff;
	v37 =	vadd.s32 $0x7, v37  }
0x1e8: {  	v53 =	vld.idx.msk [tilespmem:v59+s3+$0x0], $0xffff;
	v52 =	vmul.f32 v38, v52;
	v32 =	vmul.f32 v32, v41;
	v21 =	vadd.f32 v54, v21  }
0x1e9: {  	v35 =	vld.idx.msk [tilespmem:v61+s3+$0x0], $0xffff;
	v56 =	vadd.s32 $0x1, v47;
	v57 =	vmul.f32 v40, v41;
	v58 =	vmul.f32 v42, v41  }
0x1ea: {  	v59 =	vadd.s32 $0x2, v47;
	v36 =	vmul.f32 v36, v41;
	v33 =	vmul.f32 v33, v41;
	v42 =	vld [tilespmem:s22+$0xB000]  }
0x1eb: {  	v62 =	vadd.s32 $0x4, v47;
	v31 =	vmul.f32 v31, v41;
	v49 =	vadd.s32 $0x6, v47;
	v55 =	vld.idx.msk [tilespmem:v63+s3+$0x0], $0xffff  }
0x1ec: {  	v50 =	vadd.s32 $0x7, v47;
	v54 =	vadd.s32 $0x1, v48;
	v39 =	vmul.f32 v39, v27;
	v61 =	vld.idx.msk [tilespmem:v47+s3+$0x0], $0xffff  }
0x1ed: {  	v26 =	vmul.f32 v26, v27;
	v25 =	vmul.f32 v25, v27;
	v18 =	vadd.f32 v60, v18;
	v37 =	vld.idx.msk [tilespmem:v37+s3+$0x0], $0xffff  }
0x1ee: {  	v16 =	vadd.f32 v52, v16;
	v17 =	vadd.f32 v32, v17;
	v60 =	vadd.s32 $0x3, v47;
	v29 =	vld.idx.msk [tilespmem:v56+s3+$0x0], $0xffff  }
0x1ef: {  	v20 =	vadd.f32 v58, v20;
	v22 =	vadd.f32 v36, v22;
	v63 =	vadd.s32 $0x5, v47;
	v40 =	vld.idx.msk [tilespmem:v59+s3+$0x0], $0xffff  }
0x1f0: {  	v23 =	vadd.f32 v33, v23;
	v53 =	vmul.f32 v53, v27;
	v58 =	vadd.s32 $0x3, v48;
	v52 =	vld.idx.msk [tilespmem:v62+s3+$0x0], $0xffff  }
0x1f1: {  	v35 =	vmul.f32 v35, v27;
	v18 =	vadd.f32 v57, v18;
	v16 =	vadd.f32 v31, v16;
	v57 =	vld.idx.msk [tilespmem:v50+s3+$0x0], $0xffff  }
0x1f2: {  	v47 =	vadd.s32 $0x7, v48;
	v17 =	vadd.f32 v39, v17;
	v20 =	vadd.f32 v53, v20;
	v59 =	vld.idx.msk [tilespmem:v48+s3+$0x0], $0xffff  }
0x1f3: {  	v30 =	vmul.f32 v30, v41;
	v28 =	vmul.f32 v28, v27;
	v56 =	vadd.s32 $0x2, v48;
	v51 =	vld.idx.msk [tilespmem:v60+s3+$0x0], $0xffff  }
0x1f4: {  	v22 =	vadd.f32 v35, v22;
	v18 =	vadd.f32 v26, v18;
	v33 =	vld.idx.msk [tilespmem:v63+s3+$0x0], $0xffff;
	v24 =	vmul.f32 v55, v27  }
0x1f5: {  	s16 =	sand.u32 $0x3E0, s20;
	v19 =	vadd.f32 v30, v19;
	v21 =	vadd.f32 v28, v21;
	v55 =	vld.idx.msk [tilespmem:v49+s3+$0x0], $0xffff;
	v60 =	vadd.s32 $0x4, v48  }
0x1f6: {  	v30 =	vld [tilespmem:s16+$0xB800];
	v32 =	vmul.f32 v61, v42;
	v61 =	vadd.s32 $0x5, v48;
	v23 =	vadd.f32 v24, v23  }
0x1f7: {  	v24 =	vld [tilespmem:s16+$0xB400];
	v19 =	vadd.f32 v25, v19;
	v27 =	vmul.f32 v37, v27;
	v29 =	vmul.f32 v29, v42  }
0x1f8: {  	v53 =	vld.idx.msk [tilespmem:v44+s3+$0x0], $0xffff;
	v62 =	vmul.f32 v40, v42;
	v21 =	vadd.f32 v32, v21;
	v40 =	vmul.f32 v52, v42  }
0x1f9: {  	v34 =	vld.idx.msk [tilespmem:v54+s3+$0x0], $0xffff;
	v26 =	vmul.f32 v57, v42;
	v16 =	vadd.f32 v27, v16;
	v39 =	vmul.f32 v51, v42  }
0x1fa: {  	v63 =	vld.idx.msk [tilespmem:v56+s3+$0x0], $0xffff;
	v17 =	vadd.f32 v29, v17;
	v45 =	vmul.f32 v33, v42;
	v48 =	vmul.f32 v55, v42  }
0x1fb: {  	v43 =	vld.idx.msk [tilespmem:v58+s3+$0x0], $0xffff;
	v18 =	vadd.f32 v62, v18;
	v51 =	vmul.f32 v30, v8;
	v57 =	vmul.f32 v30, v9  }
0x1fc: {  	v46 =	vld.idx.msk [tilespmem:v60+s3+$0x0], $0xffff;
	v22 =	vadd.f32 v40, v22;
	v58 =	vmul.f32 v30, v10;
	v35 =	vmul.f32 v59, v24  }
0x1fd: {  	v60 =	vmul.f32 v30, v11;
	v32 =	vmul.f32 v30, v13;
	v49 =	vld.idx.msk [tilespmem:v61+s3+$0x0], $0xffff;
	v20 =	vadd.f32 v39, v20  }
0x1fe: {  	v23 =	vadd.f32 v45, v23;
	v50 =	vmul.f32 v34, v24;
	v21 =	vadd.f32 v35, v21  }
0x1ff: {  	v55 =	vld.idx.msk [tilespmem:v47+s3+$0x0], $0xffff;
	v19 =	vadd.f32 v48, v19;
	v16 =	vadd.f32 v26, v16;
	v52 =	vmul.f32 v63, v24  }
0x200: {  	v28 =	vmul.f32 v43, v24;
	v17 =	vadd.f32 v50, v17;
	v21 =	vadd.f32 v51, v21  }
0x201: {  	v62 =	vmul.f32 v53, v24;
	v54 =	vmul.f32 v46, v24;
	v18 =	vadd.f32 v52, v18  }
0x202: {  	v20 =	vadd.f32 v28, v20;
	v56 =	vmul.f32 v49, v24;
	v17 =	vadd.f32 v57, v17;
	[tilespmem:s16+$0xDC00] =	vst v21  }
0x203: {  	v63 =	vmul.f32 v30, v12;
	v22 =	vadd.f32 v54, v22;
	v18 =	vadd.f32 v58, v18;
	v61 =	vld [tilespmem:s22+$0x4810]  }
0x204: {  	v24 =	vmul.f32 v55, v24;
	v20 =	vadd.f32 v60, v20;
	v59 =	vadd.f32 v56, v23;
	[tilespmem:s22+$0xE000] =	vst v17;
	v42 =	vld [tilespmem:s22+$0x4C10]  }
0x205: {  	v34 =	vmul.f32 v30, v14;
	v17 =	vadd.f32 v62, v19;
	v33 =	vadd.f32 v63, v22;
	[tilespmem:s22+$0xE400] =	vst v18  }
0x206: {  	v36 =	vmul.f32 v30, v15;
	v16 =	vadd.f32 v24, v16;
	[tilespmem:s22+$0xE800] =	vst v20;
	v35 =	vadd.f32 v32, v59  }
0x207: {  	v28 =	vld [tilespmem:s22+$0x9810];
	v17 =	vadd.f32 v34, v17;
	[tilespmem:s22+$0xEC00] =	vst v33  }
0x208: {  	v48 =	vld [tilespmem:s22+$0x5010];
	v16 =	vadd.f32 v36, v16;
	[tilespmem:s22+$0xF000] =	vst v35;
	v37 =	vadd.s32 $0x1, v61  }
0x209: {  	v56 =	vld [tilespmem:s22+$0x5410];
	[tilespmem:s22+$0xF400] =	vst v17;
	v17 =	vadd.s32 $0x2, v61  }
0x20a: {  	[tilespmem:s22+$0xF800] =	vst v16;
	v16 =	vld [tilespmem:s22+$0x9410];
	v38 =	vadd.s32 $0x3, v61  }
0x20b: {  	v39 =	vadd.s32 $0x4, v61;
	v20 =	vld.idx.msk [tilespmem:v61+s3+$0x0], $0xffff  }
0x20c: {  	v40 =	vadd.s32 $0x5, v61;
	v30 =	vld.idx.msk [tilespmem:v42+s3+$0x0], $0xffff  }
0x20d: {  	v41 =	vadd.s32 $0x6, v61;
	v19 =	vld.idx.msk [tilespmem:v37+s3+$0x0], $0xffff  }
0x20e: {  	v25 =	vadd.s32 $0x7, v61;
	v17 =	vld.idx.msk [tilespmem:v17+s3+$0x0], $0xffff  }
0x20f: {  	v43 =	vadd.s32 $0x1, v42;
	v18 =	vld.idx.msk [tilespmem:v38+s3+$0x0], $0xffff  }
0x210: {  	v44 =	vadd.s32 $0x2, v42;
	v21 =	vld.idx.msk [tilespmem:v39+s3+$0x0], $0xffff  }
0x211: {  	v45 =	vadd.s32 $0x3, v42;
	v22 =	vld.idx.msk [tilespmem:v40+s3+$0x0], $0xffff  }
0x212: {  	v46 =	vadd.s32 $0x4, v42;
	v23 =	vld.idx.msk [tilespmem:v41+s3+$0x0], $0xffff  }
0x213: {  	v47 =	vadd.s32 $0x5, v42;
	v25 =	vld.idx.msk [tilespmem:v25+s3+$0x0], $0xffff  }
0x214: {  	v49 =	vadd.s32 $0x6, v42;
	v26 =	vld.idx.msk [tilespmem:v43+s3+$0x0], $0xffff  }
0x215: {  	v24 =	vadd.s32 $0x7, v42;
	v27 =	vld.idx.msk [tilespmem:v44+s3+$0x0], $0xffff  }
0x216: {  	v29 =	vld.idx.msk [tilespmem:v45+s3+$0x0], $0xffff  }
0x217: {  	v31 =	vld.idx.msk [tilespmem:v46+s3+$0x0], $0xffff  }
0x218: {  	v50 =	vadd.s32 $0x1, v48;
	v32 =	vld.idx.msk [tilespmem:v47+s3+$0x0], $0xffff  }
0x219: {  	v51 =	vadd.s32 $0x2, v48;
	v34 =	vld.idx.msk [tilespmem:v49+s3+$0x0], $0xffff  }
0x21a: {  	v52 =	vadd.s32 $0x3, v48;
	v24 =	vld.idx.msk [tilespmem:v24+s3+$0x0], $0xffff  }
0x21b: {  	v53 =	vadd.s32 $0x4, v48;
	v37 =	vld [tilespmem:s22+$0x9C10]  }
0x21c: {  	v54 =	vadd.s32 $0x5, v48;
	v39 =	vld.idx.msk [tilespmem:v48+s3+$0x0], $0xffff  }
0x21d: {  	v55 =	vadd.s32 $0x6, v48;
	v35 =	vld.idx.msk [tilespmem:v50+s3+$0x0], $0xffff  }
0x21e: {  	v33 =	vadd.s32 $0x7, v48;
	v36 =	vld.idx.msk [tilespmem:v51+s3+$0x0], $0xffff  }
0x21f: {  	v38 =	vld.idx.msk [tilespmem:v52+s3+$0x0], $0xffff  }
0x220: {  	v40 =	vld.idx.msk [tilespmem:v53+s3+$0x0], $0xffff  }
0x221: {  	v41 =	vld.idx.msk [tilespmem:v54+s3+$0x0], $0xffff  }
0x222: {  	v57 =	vadd.s32 $0x1, v56;
	v42 =	vld.idx.msk [tilespmem:v55+s3+$0x0], $0xffff  }
0x223: {  	v58 =	vadd.s32 $0x2, v56;
	v33 =	vld.idx.msk [tilespmem:v33+s3+$0x0], $0xffff  }
0x224: {  	v59 =	vadd.s32 $0x3, v56;
	v46 =	vld [tilespmem:s22+$0xA010]  }
0x225: {  	v48 =	vld.idx.msk [tilespmem:v56+s3+$0x0], $0xffff  }
0x226: {  	v60 =	vadd.s32 $0x4, v56;
	v51 =	vld [tilespmem:s22+$0x5810]  }
0x227: {  	v62 =	vadd.s32 $0x6, v56;
	v44 =	vld.idx.msk [tilespmem:v57+s3+$0x0], $0xffff  }
0x228: {  	v45 =	vld.idx.msk [tilespmem:v58+s3+$0x0], $0xffff;
	v43 =	vadd.s32 $0x7, v56;
	v20 =	vmul.f32 v20, v16  }
0x229: {  	v47 =	vld.idx.msk [tilespmem:v59+s3+$0x0], $0xffff;
	v59 =	vmul.f32 v30, v28;
	v19 =	vmul.f32 v19, v16  }
0x22a: {  	v61 =	vadd.s32 $0x5, v56;
	v53 =	vld [tilespmem:s22+$0x5C10];
	v17 =	vmul.f32 v17, v16;
	v18 =	vmul.f32 v18, v16  }
0x22b: {  	v49 =	vld.idx.msk [tilespmem:v60+s3+$0x0], $0xffff;
	v21 =	vmul.f32 v21, v16;
	v22 =	vmul.f32 v22, v16  }
0x22c: {  	v52 =	vld.idx.msk [tilespmem:v62+s3+$0x0], $0xffff;
	v63 =	vadd.s32 $0x1, v51;
	v23 =	vmul.f32 v23, v16;
	v16 =	vmul.f32 v25, v16  }
0x22d: {  	v30 =	vld.idx.msk [tilespmem:v43+s3+$0x0], $0xffff;
	v43 =	vadd.s32 $0x2, v51;
	v26 =	vmul.f32 v26, v28;
	v27 =	vmul.f32 v27, v28  }
0x22e: {  	v54 =	vld [tilespmem:s22+$0xA410];
	v55 =	vadd.s32 $0x3, v51;
	v20 =	vadd.f32 v59, v20;
	v39 =	vmul.f32 v39, v37  }
0x22f: {  	v50 =	vld.idx.msk [tilespmem:v61+s3+$0x0], $0xffff;
	v60 =	vmul.f32 v29, v28;
	v56 =	vadd.s32 $0x4, v51;
	v62 =	vmul.f32 v31, v28  }
0x230: {  	v32 =	vmul.f32 v32, v28;
	v34 =	vmul.f32 v34, v28;
	v20 =	vadd.f32 v39, v20;
	v39 =	vld [tilespmem:s22+$0xA810]  }
0x231: {  	v61 =	vadd.s32 $0x5, v51;
	v24 =	vmul.f32 v24, v28;
	v57 =	vmul.f32 v36, v37;
	v29 =	vld.idx.msk [tilespmem:v51+s3+$0x0], $0xffff  }
0x232: {  	v58 =	vadd.s32 $0x1, v53;
	v19 =	vadd.f32 v26, v19;
	v22 =	vadd.f32 v32, v22;
	v32 =	vld.idx.msk [tilespmem:v53+s3+$0x0], $0xffff  }
0x233: {  	v18 =	vadd.f32 v60, v18;
	v21 =	vadd.f32 v62, v21;
	v60 =	vmul.f32 v40, v37;
	v26 =	vld.idx.msk [tilespmem:v63+s3+$0x0], $0xffff  }
0x234: {  	v59 =	vmul.f32 v38, v37;
	v33 =	vmul.f32 v33, v37;
	v17 =	vadd.f32 v27, v17;
	v43 =	vld.idx.msk [tilespmem:v43+s3+$0x0], $0xffff  }
0x235: {  	v23 =	vadd.f32 v34, v23;
	v21 =	vadd.f32 v60, v21;
	v60 =	vadd.s32 $0x7, v53;
	v28 =	vld.idx.msk [tilespmem:v55+s3+$0x0], $0xffff  }
0x236: {  	v16 =	vadd.f32 v24, v16;
	v62 =	vmul.f32 v41, v37;
	v63 =	vadd.s32 $0x6, v51;
	v34 =	vld.idx.msk [tilespmem:v56+s3+$0x0], $0xffff  }
0x237: {  	v17 =	vadd.f32 v57, v17;
	v51 =	vadd.s32 $0x7, v51;
	v55 =	vmul.f32 v35, v37;
	v24 =	vld.idx.msk [tilespmem:v61+s3+$0x0], $0xffff  }
0x238: {  	v18 =	vadd.f32 v59, v18;
	v22 =	vadd.f32 v62, v22;
	v61 =	vadd.s32 $0x2, v53;
	v31 =	vld.idx.msk [tilespmem:v58+s3+$0x0], $0xffff  }
0x239: {  	v35 =	vadd.s32 $0x4, v53;
	v19 =	vadd.f32 v55, v19;
	v55 =	vmul.f32 v42, v37;
	v42 =	vld [tilespmem:s22+$0x6010]  }
0x23a: {  	v57 =	vmul.f32 v48, v46;
	v16 =	vadd.f32 v33, v16;
	v56 =	vadd.s32 $0x5, v53;
	v33 =	vld.idx.msk [tilespmem:v60+s3+$0x0], $0xffff  }
0x23b: {  	v62 =	vmul.f32 v47, v46;
	v58 =	vadd.s32 $0x6, v53;
	v30 =	vmul.f32 v30, v46;
	v27 =	vld.idx.msk [tilespmem:v63+s3+$0x0], $0xffff  }
0x23c: {  	v20 =	vadd.f32 v57, v20;
	v36 =	vld.idx.msk [tilespmem:v51+s3+$0x0], $0xffff  }
0x23d: {  	v59 =	vmul.f32 v44, v46;
	v18 =	vadd.f32 v62, v18;
	v16 =	vadd.f32 v30, v16;
	v38 =	vld.idx.msk [tilespmem:v61+s3+$0x0], $0xffff  }
0x23e: {  	v32 =	vmul.f32 v32, v39;
	v23 =	vadd.f32 v55, v23;
	v63 =	vadd.s32 $0x3, v53;
	v35 =	vld.idx.msk [tilespmem:v35+s3+$0x0], $0xffff  }
0x23f: {  	v19 =	vadd.f32 v59, v19;
	v61 =	vmul.f32 v45, v46;
	v41 =	vld.idx.msk [tilespmem:v56+s3+$0x0], $0xffff;
	v51 =	vmul.f32 v52, v46  }
0x240: {  	v40 =	vld.idx.msk [tilespmem:v58+s3+$0x0], $0xffff;
	v53 =	vmul.f32 v29, v54;
	v26 =	vmul.f32 v26, v54;
	v52 =	vadd.s32 $0x2, v42  }
0x241: {  	v29 =	vld [tilespmem:s22+$0xAC10];
	v57 =	vmul.f32 v43, v54;
	v59 =	vmul.f32 v28, v54;
	v55 =	vadd.s32 $0x3, v42  }
0x242: {  	v62 =	vmul.f32 v34, v54;
	v17 =	vadd.f32 v61, v17;
	v56 =	vadd.s32 $0x4, v42;
	v61 =	vld [tilespmem:s22+$0x6410]  }
0x243: {  	v23 =	vadd.f32 v51, v23;
	v58 =	vadd.s32 $0x5, v42;
	v37 =	vld.idx.msk [tilespmem:v63+s3+$0x0], $0xffff;
	v63 =	vmul.f32 v49, v46  }
0x244: {  	v20 =	vadd.f32 v53, v20;
	v19 =	vadd.f32 v26, v19;
	v60 =	vadd.s32 $0x6, v42;
	v30 =	vld.idx.msk [tilespmem:v42+s3+$0x0], $0xffff  }
0x245: {  	v49 =	vmul.f32 v50, v46;
	v50 =	vadd.s32 $0x1, v42;
	v21 =	vadd.f32 v63, v21;
	v63 =	vld.idx.msk [tilespmem:v52+s3+$0x0], $0xffff  }
0x246: {  	v18 =	vadd.f32 v59, v18;
	v42 =	vadd.s32 $0x7, v42;
	v44 =	vmul.f32 v27, v54;
	v27 =	vld.idx.msk [tilespmem:v55+s3+$0x0], $0xffff  }
0x247: {  	v51 =	vmul.f32 v31, v39;
	v17 =	vadd.f32 v57, v17;
	v46 =	vmul.f32 v36, v54;
	v36 =	vld.idx.msk [tilespmem:v56+s3+$0x0], $0xffff  }
0x248: {  	v24 =	vmul.f32 v24, v54;
	v20 =	vadd.f32 v32, v20;
	v22 =	vadd.f32 v49, v22;
	v49 =	vld.idx.msk [tilespmem:v58+s3+$0x0], $0xffff  }
0x249: {  	v19 =	vadd.f32 v51, v19;
	v33 =	vmul.f32 v33, v39;
	v35 =	vmul.f32 v35, v39;
	v25 =	vld.idx.msk [tilespmem:v60+s3+$0x0], $0xffff  }
0x24a: {  	v41 =	vmul.f32 v41, v39;
	v40 =	vmul.f32 v40, v39;
	v53 =	vadd.s32 $0x2, v61;
	v43 =	vld.idx.msk [tilespmem:v50+s3+$0x0], $0xffff  }
0x24b: {  	v23 =	vadd.f32 v44, v23;
	v16 =	vadd.f32 v46, v16;
	v54 =	vadd.s32 $0x3, v61;
	v32 =	vld.idx.msk [tilespmem:v42+s3+$0x0], $0xffff  }
0x24c: {  	v52 =	vmul.f32 v38, v39;
	v56 =	vadd.s32 $0x4, v61;
	v37 =	vmul.f32 v37, v39;
	v42 =	vld [tilespmem:s22+$0xB010]  }
0x24d: {  	v57 =	vadd.s32 $0x5, v61;
	v21 =	vadd.f32 v62, v21;
	v22 =	vadd.f32 v24, v22;
	v55 =	vld.idx.msk [tilespmem:v61+s3+$0x0], $0xffff  }
0x24e: {  	v58 =	vadd.s32 $0x6, v61;
	v17 =	vadd.f32 v52, v17;
	v18 =	vadd.f32 v37, v18;
	v37 =	vld [tilespmem:s22+$0x6810]  }
0x24f: {  	v59 =	vadd.s32 $0x7, v61;
	v23 =	vadd.f32 v40, v23;
	v16 =	vadd.f32 v33, v16;
	v38 =	vld.idx.msk [tilespmem:v53+s3+$0x0], $0xffff  }
0x250: {  	v50 =	vadd.s32 $0x1, v61;
	v30 =	vmul.f32 v30, v29;
	v21 =	vadd.f32 v35, v21;
	v61 =	vld.idx.msk [tilespmem:v54+s3+$0x0], $0xffff  }
0x251: {  	v22 =	vadd.f32 v41, v22;
	v62 =	vld.idx.msk [tilespmem:v56+s3+$0x0], $0xffff;
	v63 =	vmul.f32 v63, v29;
	v27 =	vmul.f32 v27, v29  }
0x252: {  	v20 =	vadd.f32 v30, v20;
	v33 =	vld.idx.msk [tilespmem:v57+s3+$0x0], $0xffff;
	v46 =	vmul.f32 v36, v29;
	v24 =	vmul.f32 v49, v29  }
0x253: {  	v47 =	vld.idx.msk [tilespmem:v58+s3+$0x0], $0xffff;
	v52 =	vmul.f32 v25, v29;
	v17 =	vadd.f32 v63, v17;
	v18 =	vadd.f32 v27, v18  }
0x254: {  	v49 =	vld.idx.msk [tilespmem:v59+s3+$0x0], $0xffff;
	v21 =	vadd.f32 v46, v21;
	v22 =	vadd.f32 v24, v22;
	v44 =	vadd.s32 $0x1, v37  }
0x255: {  	v27 =	vld [tilespmem:s22+$0xB410];
	v23 =	vadd.f32 v52, v23;
	v60 =	vmul.f32 v43, v29;
	v48 =	vadd.s32 $0x2, v37  }
0x256: {  	v26 =	vld.idx.msk [tilespmem:v50+s3+$0x0], $0xffff;
	v53 =	vmul.f32 v32, v29;
	v28 =	vmul.f32 v55, v42;
	v50 =	vadd.s32 $0x3, v37  }
0x257: {  	v43 =	vld [tilespmem:s22+$0xB810];
	v19 =	vadd.f32 v60, v19;
	v51 =	vadd.s32 $0x4, v37;
	v56 =	vadd.s32 $0x5, v37  }
0x258: {  	v16 =	vadd.f32 v53, v16;
	v57 =	vmul.f32 v38, v42;
	v63 =	vadd.s32 $0x6, v37;
	v54 =	vld.idx.msk [tilespmem:v37+s3+$0x0], $0xffff  }
0x259: {  	v20 =	vadd.f32 v28, v20;
	v59 =	vmul.f32 v61, v42;
	v61 =	vmul.f32 v62, v42;
	v55 =	vld.idx.msk [tilespmem:v44+s3+$0x0], $0xffff  }
0x25a: {  	v40 =	vmul.f32 v33, v42;
	v41 =	vadd.s32 $0x7, v37;
	v17 =	vadd.f32 v57, v17;
	v58 =	vld.idx.msk [tilespmem:v48+s3+$0x0], $0xffff  }
0x25b: {  	v31 =	vmul.f32 v49, v42;
	v18 =	vadd.f32 v59, v18;
	v21 =	vadd.f32 v61, v21;
	v60 =	vld.idx.msk [tilespmem:v50+s3+$0x0], $0xffff  }
0x25c: {  	v22 =	vadd.f32 v40, v22;
	v26 =	vmul.f32 v26, v42;
	v52 =	vmul.f32 v43, v8;
	v62 =	vld.idx.msk [tilespmem:v51+s3+$0x0], $0xffff  }
0x25d: {  	v16 =	vadd.f32 v31, v16;
	v61 =	vmul.f32 v43, v14;
	v44 =	vmul.f32 v47, v42;
	v49 =	vld.idx.msk [tilespmem:v63+s3+$0x0], $0xffff  }
0x25e: {  	v19 =	vadd.f32 v26, v19;
	v34 =	vld.idx.msk [tilespmem:v56+s3+$0x0], $0xffff;
	v56 =	vmul.f32 v43, v11;
	v45 =	vmul.f32 v54, v27  }
0x25f: {  	v51 =	vld.idx.msk [tilespmem:v41+s3+$0x0], $0xffff;
	v23 =	vadd.f32 v44, v23;
	v54 =	vmul.f32 v43, v9;
	v46 =	vmul.f32 v55, v27  }
0x260: {  	v47 =	vmul.f32 v58, v27;
	v20 =	vadd.f32 v45, v20;
	v48 =	vmul.f32 v60, v27  }
0x261: {  	v50 =	vmul.f32 v62, v27;
	v55 =	vmul.f32 v43, v10;
	v19 =	vadd.f32 v46, v19  }
0x262: {  	v57 =	vmul.f32 v49, v27;
	v17 =	vadd.f32 v47, v17;
	v20 =	vadd.f32 v52, v20  }
0x263: {  	v58 =	vmul.f32 v43, v12;
	v18 =	vadd.f32 v48, v18;
	v19 =	vadd.f32 v54, v19  }
0x264: {  	v59 =	vmul.f32 v51, v27;
	v21 =	vadd.f32 v50, v21;
	v17 =	vadd.f32 v55, v17;
	[tilespmem:s22+$0xDC10] =	vst v20  }
0x265: {  	v53 =	vmul.f32 v34, v27;
	v23 =	vadd.f32 v57, v23;
	v18 =	vadd.f32 v56, v18;
	[tilespmem:s22+$0xE010] =	vst v19  }
0x266: {  	p0 =	sne.s32 s21, $0xF80;
	v62 =	vmul.f32 v43, v15;
	v16 =	vadd.f32 v59, v16;
	v20 =	vadd.f32 v58, v21;
	[tilespmem:s22+$0xE410] =	vst v17  }
.Ltmp2:
0x267: {  	v60 =	vmul.f32 v43, v13;
	v22 =	vadd.f32 v53, v22;
	v63 =	vadd.f32 v61, v23;
	[tilespmem:s22+$0xE810] =	vst v18;
	(pc) =	sbr.rel @p0 .LBB2_7-.Ltmp2, $4  }
0x268: {  	v16 =	vadd.f32 v62, v16;
	[tilespmem:s22+$0xEC10] =	vst v20  }
0x269: {  	v17 =	vadd.f32 v60, v22;
	[tilespmem:s22+$0xF410] =	vst v63  }
0x26a: {  	[tilespmem:s22+$0xF810] =	vst v16  }
0x26b: {  	s20 =	sadd.s32 $0x20, s20;
	s21 =	sadd.s32 $0x80, s21;
	[tilespmem:s22+$0xF010] =	vst v17  }
0x26c: {  	s10 =	sadd.s32 s1, s10;
	s16 =	simm.s32 $0xDC00  }
0x26d: {  	[hbm4b:s10+s3] =	stream.linear.scatter [tilespmem:s16], [sflag:$0x4], $0x400, $0x38;
	[tilespmem:$0xFC00] =	vst v63  }
0x26e: {  	s23 =	sadd.s32 s1, s11;
	s29 =	simm.s32 $0xE000  }
0x26f: {  	[hbm4b:s23+s3] =	stream.linear.scatter [tilespmem:s29], [sflag:$0x4], $0x400, $0x38;
	[tilespmem:$0xFC00] =	vst v63  }
0x270: {  	s11 =	sadd.s32 s1, s12;
	s12 =	simm.s32 $0xE400  }
0x271: {  	[hbm4b:s11+s3] =	stream.linear.scatter [tilespmem:s12], [sflag:$0x4], $0x400, $0x38;
	[tilespmem:$0xFC00] =	vst v63  }
0x272: {  	s20 =	simm.s32 $0xE800;
	s16 =	sadd.s32 s1, s13  }
0x273: {  	[hbm4b:s16+s3] =	stream.linear.scatter [tilespmem:s20], [sflag:$0x4], $0x400, $0x38;
	[tilespmem:$0xFC00] =	vst v63  }
0x274: {  	s21 =	sadd.s32 s1, s14;
	s9 =	sadd.s32 $0x1, s9  }
0x275: {  	[hbm4b:s21+s3] =	stream.linear.scatter [tilespmem:s0], [sflag:$0x4], $0x400, $0x38;
	[tilespmem:$0xFC00] =	vst v63  }
0x276: {  	s22 =	sadd.s32 s1, s15;
	p0 =	sne.s32 s9, $0x8  }
0x277: {  	[hbm4b:s22+s3] =	stream.linear.scatter [tilespmem:s2], [sflag:$0x4], $0x400, $0x38;
	[tilespmem:$0xFC00] =	vst v63  }
.Ltmp3:
0x278: {  	_ = 	snop;
	(pc) =	sbr.rel @p0 .LBB2_2-.Ltmp3, $4  }
0x279: {  	s23 =	sadd.s32 s1, s17  }
0x27a: {  	[hbm4b:s23+s3] =	stream.linear.scatter [tilespmem:s6], [sflag:$0x4], $0x400, $0x38;
	[tilespmem:$0xFC00] =	vst v63  }
0x27b: {  	s29 =	sadd.s32 s1, s19  }
0x27c: {  	[hbm4b:s29+s3] =	stream.linear.scatter [tilespmem:s8], [sflag:$0x4], $0x400, $0x38;
	[tilespmem:$0xFC00] =	vst v63  }
0x27d: {  	s9 =	simm.s32 $0x3  }
0x27e: {  	_ =	swait.ge [sflag:s9], $0x2000  }
0x27f: {  	[sflag:s9] =	ssyncset.done $0x0  }
0x280: {  	s10 =	simm.s32 $0x4;
	[sflag:s9] =	ssyncadd.s32 $0xFFFFE000  }
0x281: {  	_ =	swait.ge [sflag:s10], $0x2000  }
0x282: {  	s11 =	rddreg [dreg:$0x19]  }
0x283: {  	s29 =	rddreg [dreg:$0x16];
	s11 =	sadd.s32 $0x1, s11  }
0x284: {  	p0 =	sne.s32 s11, s29  }
.Ltmp4:
0x285: {  	_ = 	snop;
	(pc) =	sbr.rel @p0 .LBB2_1-.Ltmp4, $3  }
0x286: {  	_ =	sdelay $0x1  }
0x287: {  	[sflag:s10] =	ssyncset.done $0x0  }
0x288: {  	[sflag:s10] =	ssyncadd.s32 $0xFFFFE000  }
0x289: {  	_ =	sfence.sel $0x180000  }
0x28a: {  	[bflag:$0x0] =	sbarrier.arrive $0xFFFF  }
0x28b: {  	_ =	strace $0x90000047  }
0x28c: {  	s0 =	stileid.u32;
	[bflag:$0x2] =	sbarrier.arrive $0xFFFF  }
0x28d: {  	p0 =	sne.s32 s0, $0x0;
	s0 =	rddreg [dreg:$0x2]  }
0x28e: {  	s0 =	sadd.s32 @!p0 $0x100000, s0  }
0x28f: {  	[sflag:s0] =	ssyncadd.tile.s32 @!p0 $0x1;
	_ =	shalt  }
.Lfunc_end2:
_tile_overlayer_lowered:
.L_overlay_start_2:
0x290: {  	(tag) =	ssettag $0x2  }
0x291: {  	s0 =	rddreg [dreg:$0x0];
	s2 =	stileid.u32  }
0x292: {  	s1 =	rddreg [dreg:$0x1];
	p0 =	sne.s32 s2, $0x0  }
0x293: {  	s3 =	rddreg [dreg:$0x2];
	[bflag:$0x3] =	sbarrier.arrive $0xFFFF;
	s2 =	simm.s32 @!p0 $0x1C05  }
0x294: {  	[timem:s3], [sflag:s2] =	dma.local @!p0 [hbm:s0], s1  }
0x295: {  	s0 =	simm.s32 @!p0 $0x5  }
0x296: {  	_ =	swait.ge @!p0 [sflag:s0], s1  }
0x297: {  	s1 =	ssub.s32 @!p0 $0x0, s1;
	[sflag:s0] =	ssyncset.done @!p0 $0x0  }
0x298: {  	[sflag:s0] =	ssyncadd.s32 @!p0 s1  }
0x299: {  	[bflag:$0x3] =	sbarrier.arrive $0xFFFF  }
0x29a: {  	_ =	shalt  }

</sc_bundles>
